<compile_context>
chip_gen: v7x
topology: tpu7x:2x2x1
jax: 0.10.2.dev20260603
libtpu: 0.0.44.dev20260713+nightly
codegen_flags: <defaults>
</compile_context>

<pallas_src>
import functools

import jax
import jax.numpy as jnp
from jax import lax
from jax.experimental import pallas as pl
from jax.experimental.pallas import tpu as pltpu
from jax.experimental.pallas import tpu_sc as plsc

F32 = jnp.float32

_NCORES = 2
_NSUB = 16
_NTILES = _NCORES * _NSUB
_SLABS = 256
_SPT = _SLABS // _NTILES
_SLAB_WORDS = 32 * 8 * 128


def _compute_slab(ibuf, obuf):
    def row_body(r, carry):
        @plsc.parallel_loop(0, 32, unroll=4, carry=jnp.full((16,), -jnp.inf, F32))
        def _mx(j, m):
            for v in range(8):
                m = jnp.maximum(m, ibuf[pl.ds((j * 8 + r) * 128 + v * 16, 16)])
            return m

        sv = jnp.broadcast_to(jnp.max(_mx), (16,))

        @plsc.parallel_loop(0, 32, unroll=4)
        def _wr(j):
            for v in range(8):
                val = ibuf[pl.ds((j * 8 + r) * 128 + v * 16, 16)]
                obuf[pl.ds((j * 8 + r) * 128 + v * 16, 16)] = jnp.where(val == sv, 1.0, 0.0)

        return carry

    lax.fori_loop(0, 8, row_body, 0)


def _sc_body(x_ref, o_ref):
    c = lax.axis_index("c")
    s = lax.axis_index("s")
    t = c * _NSUB + s
    base_sl = t * _SPT

    def scoped(ib0, ib1, ob0, ob1, si0, si1, so0, so1):
        ibs, obs = [ib0, ib1], [ob0, ob1]
        sis, sos = [si0, si1], [so0, so1]

        def cp_in(k, start):
            cp = pltpu.make_async_copy(x_ref.at[base_sl + k], ibs[k % 2], sis[k % 2])
            cp.start() if start else cp.wait()

        def cp_out(k, start):
            cp = pltpu.make_async_copy(obs[k % 2], o_ref.at[base_sl + k], sos[k % 2])
            cp.start() if start else cp.wait()

        cp_in(0, True)
        for k in range(_SPT):
            if k + 1 < _SPT:
                cp_in(k + 1, True)
            cp_in(k, False)
            if k >= 2:
                cp_out(k - 2, False)
            _compute_slab(ibs[k % 2], obs[k % 2])
            cp_out(k, True)
        cp_out(_SPT - 2, False)
        cp_out(_SPT - 1, False)

    pl.run_scoped(
        scoped,
        pltpu.VMEM((_SLAB_WORDS,), F32),
        pltpu.VMEM((_SLAB_WORDS,), F32),
        pltpu.VMEM((_SLAB_WORDS,), F32),
        pltpu.VMEM((_SLAB_WORDS,), F32),
        pltpu.SemaphoreType.DMA,
        pltpu.SemaphoreType.DMA,
        pltpu.SemaphoreType.DMA,
        pltpu.SemaphoreType.DMA,
    )


_sc_call = pl.kernel(
    _sc_body,
    out_type=jax.ShapeDtypeStruct((_SLABS, _SLAB_WORDS), F32),
    mesh=plsc.VectorSubcoreMesh(core_axis_name="c", subcore_axis_name="s"),
    compiler_params=pltpu.CompilerParams(needs_layout_passes=False),
)


def kernel(x):
    b, n, ch = x.shape
    xt = jnp.transpose(x, (0, 2, 1))
    x5 = xt.reshape(b, ch // 8, 8, n // 128, 128)
    x5 = jnp.transpose(x5, (0, 1, 3, 2, 4))
    x5 = x5.reshape(_SLABS, _SLAB_WORDS)
    o5 = _sc_call(x5)
    ot = jnp.transpose(
        o5.reshape(b, ch // 8, n // 128, 8, 128), (0, 1, 3, 2, 4)
    ).reshape(b, ch, n)
    return jnp.transpose(ot, (0, 2, 1))

# --- scband reference (transcript-rebuilt; emitter-appended) ---
"""Pipeline reference for scband-argmax-ste-layer-30374008717972 (READ-ONLY COPY).

The authoritative reference and input builder live on the scoring server;
editing this copy changes nothing except your own understanding.
"""

import jax, jax.numpy as jnp
import numpy as np

def setup_inputs(seed: int = 0) -> dict:
    key = jax.random.key(seed)
    x = jax.random.normal(key, (64, 4096, 32), dtype=jnp.float32)
    return {"x": x}

def reference(x):
    # top_val = tile(reduce_max(x, axis=1, keepdims=True), [1, N, 1]) -> broadcasting handles the tile
    top_val = jnp.max(x, axis=1, keepdims=True)
    result = jnp.where(x == top_val, 1.0, 0.0).astype(jnp.float32)
    return result

if __name__ == "__main__":
    import jax
    _d = setup_inputs()
    print(jax.jit(kernel)(*tuple(_d.values())))

</pallas_src>

<mosaic_0001>
#map = affine_map<(d0, d1) -> (0, 0)>
module attributes {stable_mosaic.version = 14 : i64} {
  func.func @_sc_body(%arg0: i32, %arg1: i32, %arg2: memref<256x32768xf32, #tpu.memory_space<hbm>>, %arg3: memref<256x32768xf32, #tpu.memory_space<hbm>>) attributes {dimension_semantics = [#tpu.dimension_semantics<core_parallel>, #tpu.dimension_semantics<subcore_parallel>], iteration_bounds = array<i64: 2, 16>, scalar_prefetch = 0 : i64, scratch_operands = 0 : i64, tpu.core_type = #tpu.core_type<sc_vector_subcore>, window_params = [{transform_indices = #map}, {transform_indices = #map}]} {
    %mul3A = arith.constant 16 : i32
    %mul3A_0 = arith.muli %arg0, %mul3A : i32
    %add3A = arith.addi %mul3A_0, %arg1 : i32
    %mul3A_1 = arith.constant 8 : i32
    %mul3A_2 = arith.muli %add3A, %mul3A_1 : i32
    "tpu.region"() ({
      %run_scoped3A = memref.alloca() : memref<32768xf32, #tpu.memory_space<vmem>>
      %run_scoped3A_3 = memref.alloca() : memref<32768xf32, #tpu.memory_space<vmem>>
      %run_scoped3A_4 = memref.alloca() : memref<32768xf32, #tpu.memory_space<vmem>>
      %run_scoped3A_5 = memref.alloca() : memref<32768xf32, #tpu.memory_space<vmem>>
      %run_scoped3A_6 = tpu.sem_alloc : memref<!tpu.dma_semaphore, #tpu.memory_space<semaphore_mem>>
      %run_scoped3A_7 = tpu.sem_alloc : memref<!tpu.dma_semaphore, #tpu.memory_space<semaphore_mem>>
      %run_scoped3A_8 = tpu.sem_alloc : memref<!tpu.dma_semaphore, #tpu.memory_space<semaphore_mem>>
      %run_scoped3A_9 = tpu.sem_alloc : memref<!tpu.dma_semaphore, #tpu.memory_space<semaphore_mem>>
      %add3A_10 = arith.constant 0 : i32
      %add3A_11 = arith.addi %mul3A_2, %add3A_10 : i32
      %dma_start3A = arith.constant 0 : i32
      %dma_start3A_12 = tpu.memref_slice %arg2[%add3A_11, %dma_start3A] : memref<256x32768xf32, #tpu.memory_space<hbm>> -> memref<1x32768xf32, #tpu.memory_space<hbm>>
      %dma_start3A_13 = tpu.memref_squeeze %dma_start3A_12 : memref<1x32768xf32, #tpu.memory_space<hbm>> -> memref<32768xf32, #tpu.memory_space<hbm>>
      %dma_start3A_14 = arith.constant 0 : i32
      %dma_start3A_15 = tpu.memref_slice %arg2[%add3A_11, %dma_start3A_14] : memref<256x32768xf32, #tpu.memory_space<hbm>> -> memref<1x32768xf32, #tpu.memory_space<hbm>>
      %dma_start3A_16 = tpu.memref_squeeze %dma_start3A_15 : memref<1x32768xf32, #tpu.memory_space<hbm>> -> memref<32768xf32, #tpu.memory_space<hbm>>
      tpu.enqueue_dma source(%dma_start3A_16 : memref<32768xf32, #tpu.memory_space<hbm>>) target(%run_scoped3A : memref<32768xf32, #tpu.memory_space<vmem>>) target_semaphore(%run_scoped3A_6 : memref<!tpu.dma_semaphore, #tpu.memory_space<semaphore_mem>>)
      %add3A_17 = arith.constant 1 : i32
      %add3A_18 = arith.addi %mul3A_2, %add3A_17 : i32
      %dma_start3A_19 = arith.constant 0 : i32
      %dma_start3A_20 = tpu.memref_slice %arg2[%add3A_18, %dma_start3A_19] : memref<256x32768xf32, #tpu.memory_space<hbm>> -> memref<1x32768xf32, #tpu.memory_space<hbm>>
      %dma_start3A_21 = tpu.memref_squeeze %dma_start3A_20 : memref<1x32768xf32, #tpu.memory_space<hbm>> -> memref<32768xf32, #tpu.memory_space<hbm>>
      %dma_start3A_22 = arith.constant 0 : i32
      %dma_start3A_23 = tpu.memref_slice %arg2[%add3A_18, %dma_start3A_22] : memref<256x32768xf32, #tpu.memory_space<hbm>> -> memref<1x32768xf32, #tpu.memory_space<hbm>>
      %dma_start3A_24 = tpu.memref_squeeze %dma_start3A_23 : memref<1x32768xf32, #tpu.memory_space<hbm>> -> memref<32768xf32, #tpu.memory_space<hbm>>
      tpu.enqueue_dma source(%dma_start3A_24 : memref<32768xf32, #tpu.memory_space<hbm>>) target(%run_scoped3A_3 : memref<32768xf32, #tpu.memory_space<vmem>>) target_semaphore(%run_scoped3A_7 : memref<!tpu.dma_semaphore, #tpu.memory_space<semaphore_mem>>)
      %add3A_25 = arith.constant 0 : i32
      %add3A_26 = arith.addi %mul3A_2, %add3A_25 : i32
      %dma_wait3A = arith.constant 0 : i32
      %dma_wait3A_27 = tpu.memref_slice %arg2[%add3A_26, %dma_wait3A] : memref<256x32768xf32, #tpu.memory_space<hbm>> -> memref<1x32768xf32, #tpu.memory_space<hbm>>
      %dma_wait3A_28 = tpu.memref_squeeze %dma_wait3A_27 : memref<1x32768xf32, #tpu.memory_space<hbm>> -> memref<32768xf32, #tpu.memory_space<hbm>>
      %dma_wait3A_29 = arith.constant 0 : i32
      %dma_wait3A_30 = tpu.memref_slice %arg2[%add3A_26, %dma_wait3A_29] : memref<256x32768xf32, #tpu.memory_space<hbm>> -> memref<1x32768xf32, #tpu.memory_space<hbm>>
      %dma_wait3A_31 = tpu.memref_squeeze %dma_wait3A_30 : memref<1x32768xf32, #tpu.memory_space<hbm>> -> memref<32768xf32, #tpu.memory_space<hbm>>
      tpu.wait_dma2 semaphore(%run_scoped3A_6 : memref<!tpu.dma_semaphore, #tpu.memory_space<semaphore_mem>>) src(%dma_wait3A_31 : memref<32768xf32, #tpu.memory_space<hbm>>) dst(%run_scoped3A : memref<32768xf32, #tpu.memory_space<vmem>>)
      %scan3A = arith.constant 0 : i32
      %scan3A_32 = arith.constant 0 : i32
      %scan3A_33 = arith.constant 8 : i32
      %scan3A_34 = arith.addi %scan3A_32, %scan3A_33 : i32
      %scan3A_35 = arith.constant 1 : i32
      scf.for %scan3A_311 = %scan3A_32 to %scan3A_34 step %scan3A_35  : i32 {
        %broadcast_in_dim3A = arith.constant 0xFF800000 : f32
        %broadcast_in_dim3A_312 = vector.broadcast %broadcast_in_dim3A : f32 to vector<16xf32>
        %parallel_loop3A = arith.constant 0 : i32
        %parallel_loop3A_313 = arith.constant 32 : i32
        %parallel_loop3A_314 = arith.constant 1 : i32
        %parallel_loop3A_315 = scf.for %parallel_loop3A_323 = %parallel_loop3A to %parallel_loop3A_313 step %parallel_loop3A_314 iter_args(%parallel_loop3A_324 = %broadcast_in_dim3A_312) -> (vector<16xf32>)  : i32 {
          %parallel_loop3A_325 = arith.constant 8 : i32
          %parallel_loop3A_326 = arith.muli %parallel_loop3A_323, %parallel_loop3A_325 : i32
          %parallel_loop3A_327 = arith.addi %parallel_loop3A_326, %scan3A_311 : i32
          %parallel_loop3A_328 = arith.constant 128 : i32
          %parallel_loop3A_329 = arith.muli %parallel_loop3A_327, %parallel_loop3A_328 : i32
          %parallel_loop3A_330 = arith.constant 0 : i32
          %parallel_loop3A_331 = arith.addi %parallel_loop3A_329, %parallel_loop3A_330 : i32
          %parallel_loop3A_332 = arith.index_cast %parallel_loop3A_331 : i32 to index
          %parallel_loop3A_333 = tpu.vector_load %run_scoped3A[%parallel_loop3A_332] {strides = array<i32>} : memref<32768xf32, #tpu.memory_space<vmem>>, vector<16xf32>,
          %parallel_loop3A_334 = arith.maximumf %parallel_loop3A_324, %parallel_loop3A_333 : vector<16xf32>
          %parallel_loop3A_335 = arith.constant 8 : i32
          %parallel_loop3A_336 = arith.muli %parallel_loop3A_323, %parallel_loop3A_335 : i32
          %parallel_loop3A_337 = arith.addi %parallel_loop3A_336, %scan3A_311 : i32
          %parallel_loop3A_338 = arith.constant 128 : i32
          %parallel_loop3A_339 = arith.muli %parallel_loop3A_337, %parallel_loop3A_338 : i32
          %parallel_loop3A_340 = arith.constant 16 : i32
          %parallel_loop3A_341 = arith.addi %parallel_loop3A_339, %parallel_loop3A_340 : i32
          %parallel_loop3A_342 = arith.index_cast %parallel_loop3A_341 : i32 to index
          %parallel_loop3A_343 = tpu.vector_load %run_scoped3A[%parallel_loop3A_342] {strides = array<i32>} : memref<32768xf32, #tpu.memory_space<vmem>>, vector<16xf32>,
          %parallel_loop3A_344 = arith.maximumf %parallel_loop3A_334, %parallel_loop3A_343 : vector<16xf32>
          %parallel_loop3A_345 = arith.constant 8 : i32
          %parallel_loop3A_346 = arith.muli %parallel_loop3A_323, %parallel_loop3A_345 : i32
          %parallel_loop3A_347 = arith.addi %parallel_loop3A_346, %scan3A_311 : i32
          %parallel_loop3A_348 = arith.constant 128 : i32
          %parallel_loop3A_349 = arith.muli %parallel_loop3A_347, %parallel_loop3A_348 : i32
          %parallel_loop3A_350 = arith.constant 32 : i32
          %parallel_loop3A_351 = arith.addi %parallel_loop3A_349, %parallel_loop3A_350 : i32
          %parallel_loop3A_352 = arith.index_cast %parallel_loop3A_351 : i32 to index
          %parallel_loop3A_353 = tpu.vector_load %run_scoped3A[%parallel_loop3A_352] {strides = array<i32>} : memref<32768xf32, #tpu.memory_space<vmem>>, vector<16xf32>,
          %parallel_loop3A_354 = arith.maximumf %parallel_loop3A_344, %parallel_loop3A_353 : vector<16xf32>
          %parallel_loop3A_355 = arith.constant 8 : i32
          %parallel_loop3A_356 = arith.muli %parallel_loop3A_323, %parallel_loop3A_355 : i32
          %parallel_loop3A_357 = arith.addi %parallel_loop3A_356, %scan3A_311 : i32
          %parallel_loop3A_358 = arith.constant 128 : i32
          %parallel_loop3A_359 = arith.muli %parallel_loop3A_357, %parallel_loop3A_358 : i32
          %parallel_loop3A_360 = arith.constant 48 : i32
          %parallel_loop3A_361 = arith.addi %parallel_loop3A_359, %parallel_loop3A_360 : i32
          %parallel_loop3A_362 = arith.index_cast %parallel_loop3A_361 : i32 to index
          %parallel_loop3A_363 = tpu.vector_load %run_scoped3A[%parallel_loop3A_362] {strides = array<i32>} : memref<32768xf32, #tpu.memory_space<vmem>>, vector<16xf32>,
          %parallel_loop3A_364 = arith.maximumf %parallel_loop3A_354, %parallel_loop3A_363 : vector<16xf32>
          %parallel_loop3A_365 = arith.constant 8 : i32
          %parallel_loop3A_366 = arith.muli %parallel_loop3A_323, %parallel_loop3A_365 : i32
          %parallel_loop3A_367 = arith.addi %parallel_loop3A_366, %scan3A_311 : i32
          %parallel_loop3A_368 = arith.constant 128 : i32
          %parallel_loop3A_369 = arith.muli %parallel_loop3A_367, %parallel_loop3A_368 : i32
          %parallel_loop3A_370 = arith.constant 64 : i32
          %parallel_loop3A_371 = arith.addi %parallel_loop3A_369, %parallel_loop3A_370 : i32
          %parallel_loop3A_372 = arith.index_cast %parallel_loop3A_371 : i32 to index
          %parallel_loop3A_373 = tpu.vector_load %run_scoped3A[%parallel_loop3A_372] {strides = array<i32>} : memref<32768xf32, #tpu.memory_space<vmem>>, vector<16xf32>,
          %parallel_loop3A_374 = arith.maximumf %parallel_loop3A_364, %parallel_loop3A_373 : vector<16xf32>
          %parallel_loop3A_375 = arith.constant 8 : i32
          %parallel_loop3A_376 = arith.muli %parallel_loop3A_323, %parallel_loop3A_375 : i32
          %parallel_loop3A_377 = arith.addi %parallel_loop3A_376, %scan3A_311 : i32
          %parallel_loop3A_378 = arith.constant 128 : i32
          %parallel_loop3A_379 = arith.muli %parallel_loop3A_377, %parallel_loop3A_378 : i32
          %parallel_loop3A_380 = arith.constant 80 : i32
          %parallel_loop3A_381 = arith.addi %parallel_loop3A_379, %parallel_loop3A_380 : i32
          %parallel_loop3A_382 = arith.index_cast %parallel_loop3A_381 : i32 to index
          %parallel_loop3A_383 = tpu.vector_load %run_scoped3A[%parallel_loop3A_382] {strides = array<i32>} : memref<32768xf32, #tpu.memory_space<vmem>>, vector<16xf32>,
          %parallel_loop3A_384 = arith.maximumf %parallel_loop3A_374, %parallel_loop3A_383 : vector<16xf32>
          %parallel_loop3A_385 = arith.constant 8 : i32
          %parallel_loop3A_386 = arith.muli %parallel_loop3A_323, %parallel_loop3A_385 : i32
          %parallel_loop3A_387 = arith.addi %parallel_loop3A_386, %scan3A_311 : i32
          %parallel_loop3A_388 = arith.constant 128 : i32
          %parallel_loop3A_389 = arith.muli %parallel_loop3A_387, %parallel_loop3A_388 : i32
          %parallel_loop3A_390 = arith.constant 96 : i32
          %parallel_loop3A_391 = arith.addi %parallel_loop3A_389, %parallel_loop3A_390 : i32
          %parallel_loop3A_392 = arith.index_cast %parallel_loop3A_391 : i32 to index
          %parallel_loop3A_393 = tpu.vector_load %run_scoped3A[%parallel_loop3A_392] {strides = array<i32>} : memref<32768xf32, #tpu.memory_space<vmem>>, vector<16xf32>,
          %parallel_loop3A_394 = arith.maximumf %parallel_loop3A_384, %parallel_loop3A_393 : vector<16xf32>
          %parallel_loop3A_395 = arith.constant 8 : i32
          %parallel_loop3A_396 = arith.muli %parallel_loop3A_323, %parallel_loop3A_395 : i32
          %parallel_loop3A_397 = arith.addi %parallel_loop3A_396, %scan3A_311 : i32
          %parallel_loop3A_398 = arith.constant 128 : i32
          %parallel_loop3A_399 = arith.muli %parallel_loop3A_397, %parallel_loop3A_398 : i32
          %parallel_loop3A_400 = arith.constant 112 : i32
          %parallel_loop3A_401 = arith.addi %parallel_loop3A_399, %parallel_loop3A_400 : i32
          %parallel_loop3A_402 = arith.index_cast %parallel_loop3A_401 : i32 to index
          %parallel_loop3A_403 = tpu.vector_load %run_scoped3A[%parallel_loop3A_402] {strides = array<i32>} : memref<32768xf32, #tpu.memory_space<vmem>>, vector<16xf32>,
          %parallel_loop3A_404 = arith.maximumf %parallel_loop3A_394, %parallel_loop3A_403 : vector<16xf32>
          scf.yield %parallel_loop3A_404 : vector<16xf32>
        } {sc.loop_unroll_factor = 4 : i64, sc.parallel_access}
        %reduce_max3A = arith.constant true
        %reduce_max3A_316 = vector.broadcast %reduce_max3A : i1 to vector<16xi1>
        %reduce_max3A_317 = tpu.scan <max>, %parallel_loop3A_315 masked %reduce_max3A_316 : vector<16xf32>, vector<16xi1> -> vector<16xf32>
        %reduce_max3A_318 = vector.extract %reduce_max3A_317[15] : f32 from vector<16xf32>
        %broadcast_in_dim3A_319 = vector.broadcast %reduce_max3A_318 : f32 to vector<16xf32>
        %parallel_loop3A_320 = arith.constant 0 : i32
        %parallel_loop3A_321 = arith.constant 32 : i32
        %parallel_loop3A_322 = arith.constant 1 : i32
        scf.for %parallel_loop3A_323 = %parallel_loop3A_320 to %parallel_loop3A_321 step %parallel_loop3A_322  : i32 {
          %parallel_loop3A_324 = arith.constant 8 : i32
          %parallel_loop3A_325 = arith.muli %parallel_loop3A_323, %parallel_loop3A_324 : i32
          %parallel_loop3A_326 = arith.addi %parallel_loop3A_325, %scan3A_311 : i32
          %parallel_loop3A_327 = arith.constant 128 : i32
          %parallel_loop3A_328 = arith.muli %parallel_loop3A_326, %parallel_loop3A_327 : i32
          %parallel_loop3A_329 = arith.constant 0 : i32
          %parallel_loop3A_330 = arith.addi %parallel_loop3A_328, %parallel_loop3A_329 : i32
          %parallel_loop3A_331 = arith.index_cast %parallel_loop3A_330 : i32 to index
          %parallel_loop3A_332 = tpu.vector_load %run_scoped3A[%parallel_loop3A_331] {strides = array<i32>} : memref<32768xf32, #tpu.memory_space<vmem>>, vector<16xf32>,
          %parallel_loop3A_333 = arith.cmpf oeq, %parallel_loop3A_332, %broadcast_in_dim3A_319 : vector<16xf32>
          %parallel_loop3A_334 = arith.constant 1.000000e+00 : f32
          %parallel_loop3A_335 = arith.constant 0.000000e+00 : f32
          %parallel_loop3A_336 = vector.broadcast %parallel_loop3A_334 : f32 to vector<16xf32>
          %parallel_loop3A_337 = vector.broadcast %parallel_loop3A_335 : f32 to vector<16xf32>
          %parallel_loop3A_338 = arith.select %parallel_loop3A_333, %parallel_loop3A_336, %parallel_loop3A_337 : vector<16xi1>, vector<16xf32>
          %parallel_loop3A_339 = arith.constant 8 : i32
          %parallel_loop3A_340 = arith.muli %parallel_loop3A_323, %parallel_loop3A_339 : i32
          %parallel_loop3A_341 = arith.addi %parallel_loop3A_340, %scan3A_311 : i32
          %parallel_loop3A_342 = arith.constant 128 : i32
          %parallel_loop3A_343 = arith.muli %parallel_loop3A_341, %parallel_loop3A_342 : i32
          %parallel_loop3A_344 = arith.constant 0 : i32
          %parallel_loop3A_345 = arith.addi %parallel_loop3A_343, %parallel_loop3A_344 : i32
          %parallel_loop3A_346 = arith.index_cast %parallel_loop3A_345 : i32 to index
          %parallel_loop3A_347 = tpu.vector_load %run_scoped3A_4[%parallel_loop3A_346] {strides = array<i32>} : memref<32768xf32, #tpu.memory_space<vmem>>, vector<16xf32>,
          tpu.vector_store %run_scoped3A_4[%parallel_loop3A_346], %parallel_loop3A_338 {strides = array<i32>} : memref<32768xf32, #tpu.memory_space<vmem>>, vector<16xf32>,
          %parallel_loop3A_348 = arith.constant 8 : i32
          %parallel_loop3A_349 = arith.muli %parallel_loop3A_323, %parallel_loop3A_348 : i32
          %parallel_loop3A_350 = arith.addi %parallel_loop3A_349, %scan3A_311 : i32
          %parallel_loop3A_351 = arith.constant 128 : i32
          %parallel_loop3A_352 = arith.muli %parallel_loop3A_350, %parallel_loop3A_351 : i32
          %parallel_loop3A_353 = arith.constant 16 : i32
          %parallel_loop3A_354 = arith.addi %parallel_loop3A_352, %parallel_loop3A_353 : i32
          %parallel_loop3A_355 = arith.index_cast %parallel_loop3A_354 : i32 to index
          %parallel_loop3A_356 = tpu.vector_load %run_scoped3A[%parallel_loop3A_355] {strides = array<i32>} : memref<32768xf32, #tpu.memory_space<vmem>>, vector<16xf32>,
          %parallel_loop3A_357 = arith.cmpf oeq, %parallel_loop3A_356, %broadcast_in_dim3A_319 : vector<16xf32>
          %parallel_loop3A_358 = arith.constant 1.000000e+00 : f32
          %parallel_loop3A_359 = arith.constant 0.000000e+00 : f32
          %parallel_loop3A_360 = vector.broadcast %parallel_loop3A_358 : f32 to vector<16xf32>
          %parallel_loop3A_361 = vector.broadcast %parallel_loop3A_359 : f32 to vector<16xf32>
          %parallel_loop3A_362 = arith.select %parallel_loop3A_357, %parallel_loop3A_360, %parallel_loop3A_361 : vector<16xi1>, vector<16xf32>
          %parallel_loop3A_363 = arith.constant 8 : i32
          %parallel_loop3A_364 = arith.muli %parallel_loop3A_323, %parallel_loop3A_363 : i32
          %parallel_loop3A_365 = arith.addi %parallel_loop3A_364, %scan3A_311 : i32
          %parallel_loop3A_366 = arith.constant 128 : i32
          %parallel_loop3A_367 = arith.muli %parallel_loop3A_365, %parallel_loop3A_366 : i32
          %parallel_loop3A_368 = arith.constant 16 : i32
          %parallel_loop3A_369 = arith.addi %parallel_loop3A_367, %parallel_loop3A_368 : i32
          %parallel_loop3A_370 = arith.index_cast %parallel_loop3A_369 : i32 to index
          %parallel_loop3A_371 = tpu.vector_load %run_scoped3A_4[%parallel_loop3A_370] {strides = array<i32>} : memref<32768xf32, #tpu.memory_space<vmem>>, vector<16xf32>,
          tpu.vector_store %run_scoped3A_4[%parallel_loop3A_370], %parallel_loop3A_362 {strides = array<i32>} : memref<32768xf32, #tpu.memory_space<vmem>>, vector<16xf32>,
          %parallel_loop3A_372 = arith.constant 8 : i32
          %parallel_loop3A_373 = arith.muli %parallel_loop3A_323, %parallel_loop3A_372 : i32
          %parallel_loop3A_374 = arith.addi %parallel_loop3A_373, %scan3A_311 : i32
          %parallel_loop3A_375 = arith.constant 128 : i32
          %parallel_loop3A_376 = arith.muli %parallel_loop3A_374, %parallel_loop3A_375 : i32
          %parallel_loop3A_377 = arith.constant 32 : i32
          %parallel_loop3A_378 = arith.addi %parallel_loop3A_376, %parallel_loop3A_377 : i32
          %parallel_loop3A_379 = arith.index_cast %parallel_loop3A_378 : i32 to index
          %parallel_loop3A_380 = tpu.vector_load %run_scoped3A[%parallel_loop3A_379] {strides = array<i32>} : memref<32768xf32, #tpu.memory_space<vmem>>, vector<16xf32>,
          %parallel_loop3A_381 = arith.cmpf oeq, %parallel_loop3A_380, %broadcast_in_dim3A_319 : vector<16xf32>
          %parallel_loop3A_382 = arith.constant 1.000000e+00 : f32
          %parallel_loop3A_383 = arith.constant 0.000000e+00 : f32
          %parallel_loop3A_384 = vector.broadcast %parallel_loop3A_382 : f32 to vector<16xf32>
          %parallel_loop3A_385 = vector.broadcast %parallel_loop3A_383 : f32 to vector<16xf32>
          %parallel_loop3A_386 = arith.select %parallel_loop3A_381, %parallel_loop3A_384, %parallel_loop3A_385 : vector<16xi1>, vector<16xf32>
          %parallel_loop3A_387 = arith.constant 8 : i32
          %parallel_loop3A_388 = arith.muli %parallel_loop3A_323, %parallel_loop3A_387 : i32
          %parallel_loop3A_389 = arith.addi %parallel_loop3A_388, %scan3A_311 : i32
          %parallel_loop3A_390 = arith.constant 128 : i32
          %parallel_loop3A_391 = arith.muli %parallel_loop3A_389, %parallel_loop3A_390 : i32
          %parallel_loop3A_392 = arith.constant 32 : i32
          %parallel_loop3A_393 = arith.addi %parallel_loop3A_391, %parallel_loop3A_392 : i32
          %parallel_loop3A_394 = arith.index_cast %parallel_loop3A_393 : i32 to index
          %parallel_loop3A_395 = tpu.vector_load %run_scoped3A_4[%parallel_loop3A_394] {strides = array<i32>} : memref<32768xf32, #tpu.memory_space<vmem>>, vector<16xf32>,
          tpu.vector_store %run_scoped3A_4[%parallel_loop3A_394], %parallel_loop3A_386 {strides = array<i32>} : memref<32768xf32, #tpu.memory_space<vmem>>, vector<16xf32>,
          %parallel_loop3A_396 = arith.constant 8 : i32
          %parallel_loop3A_397 = arith.muli %parallel_loop3A_323, %parallel_loop3A_396 : i32
          %parallel_loop3A_398 = arith.addi %parallel_loop3A_397, %scan3A_311 : i32
          %parallel_loop3A_399 = arith.constant 128 : i32
          %parallel_loop3A_400 = arith.muli %parallel_loop3A_398, %parallel_loop3A_399 : i32
          %parallel_loop3A_401 = arith.constant 48 : i32
          %parallel_loop3A_402 = arith.addi %parallel_loop3A_400, %parallel_loop3A_401 : i32
          %parallel_loop3A_403 = arith.index_cast %parallel_loop3A_402 : i32 to index
          %parallel_loop3A_404 = tpu.vector_load %run_scoped3A[%parallel_loop3A_403] {strides = array<i32>} : memref<32768xf32, #tpu.memory_space<vmem>>, vector<16xf32>,
          %parallel_loop3A_405 = arith.cmpf oeq, %parallel_loop3A_404, %broadcast_in_dim3A_319 : vector<16xf32>
          %parallel_loop3A_406 = arith.constant 1.000000e+00 : f32
          %parallel_loop3A_407 = arith.constant 0.000000e+00 : f32
          %parallel_loop3A_408 = vector.broadcast %parallel_loop3A_406 : f32 to vector<16xf32>
          %parallel_loop3A_409 = vector.broadcast %parallel_loop3A_407 : f32 to vector<16xf32>
          %parallel_loop3A_410 = arith.select %parallel_loop3A_405, %parallel_loop3A_408, %parallel_loop3A_409 : vector<16xi1>, vector<16xf32>
          %parallel_loop3A_411 = arith.constant 8 : i32
          %parallel_loop3A_412 = arith.muli %parallel_loop3A_323, %parallel_loop3A_411 : i32
          %parallel_loop3A_413 = arith.addi %parallel_loop3A_412, %scan3A_311 : i32
          %parallel_loop3A_414 = arith.constant 128 : i32
          %parallel_loop3A_415 = arith.muli %parallel_loop3A_413, %parallel_loop3A_414 : i32
          %parallel_loop3A_416 = arith.constant 48 : i32
          %parallel_loop3A_417 = arith.addi %parallel_loop3A_415, %parallel_loop3A_416 : i32
          %parallel_loop3A_418 = arith.index_cast %parallel_loop3A_417 : i32 to index
          %parallel_loop3A_419 = tpu.vector_load %run_scoped3A_4[%parallel_loop3A_418] {strides = array<i32>} : memref<32768xf32, #tpu.memory_space<vmem>>, vector<16xf32>,
          tpu.vector_store %run_scoped3A_4[%parallel_loop3A_418], %parallel_loop3A_410 {strides = array<i32>} : memref<32768xf32, #tpu.memory_space<vmem>>, vector<16xf32>,
          %parallel_loop3A_420 = arith.constant 8 : i32
          %parallel_loop3A_421 = arith.muli %parallel_loop3A_323, %parallel_loop3A_420 : i32
          %parallel_loop3A_422 = arith.addi %parallel_loop3A_421, %scan3A_311 : i32
          %parallel_loop3A_423 = arith.constant 128 : i32
          %parallel_loop3A_424 = arith.muli %parallel_loop3A_422, %parallel_loop3A_423 : i32
          %parallel_loop3A_425 = arith.constant 64 : i32
          %parallel_loop3A_426 = arith.addi %parallel_loop3A_424, %parallel_loop3A_425 : i32
          %parallel_loop3A_427 = arith.index_cast %parallel_loop3A_426 : i32 to index
          %parallel_loop3A_428 = tpu.vector_load %run_scoped3A[%parallel_loop3A_427] {strides = array<i32>} : memref<32768xf32, #tpu.memory_space<vmem>>, vector<16xf32>,
          %parallel_loop3A_429 = arith.cmpf oeq, %parallel_loop3A_428, %broadcast_in_dim3A_319 : vector<16xf32>
          %parallel_loop3A_430 = arith.constant 1.000000e+00 : f32
          %parallel_loop3A_431 = arith.constant 0.000000e+00 : f32
          %parallel_loop3A_432 = vector.broadcast %parallel_loop3A_430 : f32 to vector<16xf32>
          %parallel_loop3A_433 = vector.broadcast %parallel_loop3A_431 : f32 to vector<16xf32>
          %parallel_loop3A_434 = arith.select %parallel_loop3A_429, %parallel_loop3A_432, %parallel_loop3A_433 : vector<16xi1>, vector<16xf32>
          %parallel_loop3A_435 = arith.constant 8 : i32
          %parallel_loop3A_436 = arith.muli %parallel_loop3A_323, %parallel_loop3A_435 : i32
          %parallel_loop3A_437 = arith.addi %parallel_loop3A_436, %scan3A_311 : i32
          %parallel_loop3A_438 = arith.constant 128 : i32
          %parallel_loop3A_439 = arith.muli %parallel_loop3A_437, %parallel_loop3A_438 : i32
          %parallel_loop3A_440 = arith.constant 64 : i32
          %parallel_loop3A_441 = arith.addi %parallel_loop3A_439, %parallel_loop3A_440 : i32
          %parallel_loop3A_442 = arith.index_cast %parallel_loop3A_441 : i32 to index
          %parallel_loop3A_443 = tpu.vector_load %run_scoped3A_4[%parallel_loop3A_442] {strides = array<i32>} : memref<32768xf32, #tpu.memory_space<vmem>>, vector<16xf32>,
          tpu.vector_store %run_scoped3A_4[%parallel_loop3A_442], %parallel_loop3A_434 {strides = array<i32>} : memref<32768xf32, #tpu.memory_space<vmem>>, vector<16xf32>,
          %parallel_loop3A_444 = arith.constant 8 : i32
          %parallel_loop3A_445 = arith.muli %parallel_loop3A_323, %parallel_loop3A_444 : i32
          %parallel_loop3A_446 = arith.addi %parallel_loop3A_445, %scan3A_311 : i32
          %parallel_loop3A_447 = arith.constant 128 : i32
          %parallel_loop3A_448 = arith.muli %parallel_loop3A_446, %parallel_loop3A_447 : i32
          %parallel_loop3A_449 = arith.constant 80 : i32
          %parallel_loop3A_450 = arith.addi %parallel_loop3A_448, %parallel_loop3A_449 : i32
          %parallel_loop3A_451 = arith.index_cast %parallel_loop3A_450 : i32 to index
          %parallel_loop3A_452 = tpu.vector_load %run_scoped3A[%parallel_loop3A_451] {strides = array<i32>} : memref<32768xf32, #tpu.memory_space<vmem>>, vector<16xf32>,
          %parallel_loop3A_453 = arith.cmpf oeq, %parallel_loop3A_452, %broadcast_in_dim3A_319 : vector<16xf32>
          %parallel_loop3A_454 = arith.constant 1.000000e+00 : f32
          %parallel_loop3A_455 = arith.constant 0.000000e+00 : f32
          %parallel_loop3A_456 = vector.broadcast %parallel_loop3A_454 : f32 to vector<16xf32>
          %parallel_loop3A_457 = vector.broadcast %parallel_loop3A_455 : f32 to vector<16xf32>
          %parallel_loop3A_458 = arith.select %parallel_loop3A_453, %parallel_loop3A_456, %parallel_loop3A_457 : vector<16xi1>, vector<16xf32>
          %parallel_loop3A_459 = arith.constant 8 : i32
          %parallel_loop3A_460 = arith.muli %parallel_loop3A_323, %parallel_loop3A_459 : i32
          %parallel_loop3A_461 = arith.addi %parallel_loop3A_460, %scan3A_311 : i32
          %parallel_loop3A_462 = arith.constant 128 : i32
          %parallel_loop3A_463 = arith.muli %parallel_loop3A_461, %parallel_loop3A_462 : i32
          %parallel_loop3A_464 = arith.constant 80 : i32
          %parallel_loop3A_465 = arith.addi %parallel_loop3A_463, %parallel_loop3A_464 : i32
          %parallel_loop3A_466 = arith.index_cast %parallel_loop3A_465 : i32 to index
          %parallel_loop3A_467 = tpu.vector_load %run_scoped3A_4[%parallel_loop3A_466] {strides = array<i32>} : memref<32768xf32, #tpu.memory_space<vmem>>, vector<16xf32>,
          tpu.vector_store %run_scoped3A_4[%parallel_loop3A_466], %parallel_loop3A_458 {strides = array<i32>} : memref<32768xf32, #tpu.memory_space<vmem>>, vector<16xf32>,
          %parallel_loop3A_468 = arith.constant 8 : i32
          %parallel_loop3A_469 = arith.muli %parallel_loop3A_323, %parallel_loop3A_468 : i32
          %parallel_loop3A_470 = arith.addi %parallel_loop3A_469, %scan3A_311 : i32
          %parallel_loop3A_471 = arith.constant 128 : i32
          %parallel_loop3A_472 = arith.muli %parallel_loop3A_470, %parallel_loop3A_471 : i32
          %parallel_loop3A_473 = arith.constant 96 : i32
          %parallel_loop3A_474 = arith.addi %parallel_loop3A_472, %parallel_loop3A_473 : i32
          %parallel_loop3A_475 = arith.index_cast %parallel_loop3A_474 : i32 to index
          %parallel_loop3A_476 = tpu.vector_load %run_scoped3A[%parallel_loop3A_475] {strides = array<i32>} : memref<32768xf32, #tpu.memory_space<vmem>>, vector<16xf32>,
          %parallel_loop3A_477 = arith.cmpf oeq, %parallel_loop3A_476, %broadcast_in_dim3A_319 : vector<16xf32>
          %parallel_loop3A_478 = arith.constant 1.000000e+00 : f32
          %parallel_loop3A_479 = arith.constant 0.000000e+00 : f32
          %parallel_loop3A_480 = vector.broadcast %parallel_loop3A_478 : f32 to vector<16xf32>
          %parallel_loop3A_481 = vector.broadcast %parallel_loop3A_479 : f32 to vector<16xf32>
          %parallel_loop3A_482 = arith.select %parallel_loop3A_477, %parallel_loop3A_480, %parallel_loop3A_481 : vector<16xi1>, vector<16xf32>
          %parallel_loop3A_483 = arith.constant 8 : i32
          %parallel_loop3A_484 = arith.muli %parallel_loop3A_323, %parallel_loop3A_483 : i32
          %parallel_loop3A_485 = arith.addi %parallel_loop3A_484, %scan3A_311 : i32
          %parallel_loop3A_486 = arith.constant 128 : i32
          %parallel_loop3A_487 = arith.muli %parallel_loop3A_485, %parallel_loop3A_486 : i32
          %parallel_loop3A_488 = arith.constant 96 : i32
          %parallel_loop3A_489 = arith.addi %parallel_loop3A_487, %parallel_loop3A_488 : i32
          %parallel_loop3A_490 = arith.index_cast %parallel_loop3A_489 : i32 to index
          %parallel_loop3A_491 = tpu.vector_load %run_scoped3A_4[%parallel_loop3A_490] {strides = array<i32>} : memref<32768xf32, #tpu.memory_space<vmem>>, vector<16xf32>,
          tpu.vector_store %run_scoped3A_4[%parallel_loop3A_490], %parallel_loop3A_482 {strides = array<i32>} : memref<32768xf32, #tpu.memory_space<vmem>>, vector<16xf32>,
          %parallel_loop3A_492 = arith.constant 8 : i32
          %parallel_loop3A_493 = arith.muli %parallel_loop3A_323, %parallel_loop3A_492 : i32
          %parallel_loop3A_494 = arith.addi %parallel_loop3A_493, %scan3A_311 : i32
          %parallel_loop3A_495 = arith.constant 128 : i32
          %parallel_loop3A_496 = arith.muli %parallel_loop3A_494, %parallel_loop3A_495 : i32
          %parallel_loop3A_497 = arith.constant 112 : i32
          %parallel_loop3A_498 = arith.addi %parallel_loop3A_496, %parallel_loop3A_497 : i32
          %parallel_loop3A_499 = arith.index_cast %parallel_loop3A_498 : i32 to index
          %parallel_loop3A_500 = tpu.vector_load %run_scoped3A[%parallel_loop3A_499] {strides = array<i32>} : memref<32768xf32, #tpu.memory_space<vmem>>, vector<16xf32>,
          %parallel_loop3A_501 = arith.cmpf oeq, %parallel_loop3A_500, %broadcast_in_dim3A_319 : vector<16xf32>
          %parallel_loop3A_502 = arith.constant 1.000000e+00 : f32
          %parallel_loop3A_503 = arith.constant 0.000000e+00 : f32
          %parallel_loop3A_504 = vector.broadcast %parallel_loop3A_502 : f32 to vector<16xf32>
          %parallel_loop3A_505 = vector.broadcast %parallel_loop3A_503 : f32 to vector<16xf32>
          %parallel_loop3A_506 = arith.select %parallel_loop3A_501, %parallel_loop3A_504, %parallel_loop3A_505 : vector<16xi1>, vector<16xf32>
          %parallel_loop3A_507 = arith.constant 8 : i32
          %parallel_loop3A_508 = arith.muli %parallel_loop3A_323, %parallel_loop3A_507 : i32
          %parallel_loop3A_509 = arith.addi %parallel_loop3A_508, %scan3A_311 : i32
          %parallel_loop3A_510 = arith.constant 128 : i32
          %parallel_loop3A_511 = arith.muli %parallel_loop3A_509, %parallel_loop3A_510 : i32
          %parallel_loop3A_512 = arith.constant 112 : i32
          %parallel_loop3A_513 = arith.addi %parallel_loop3A_511, %parallel_loop3A_512 : i32
          %parallel_loop3A_514 = arith.index_cast %parallel_loop3A_513 : i32 to index
          %parallel_loop3A_515 = tpu.vector_load %run_scoped3A_4[%parallel_loop3A_514] {strides = array<i32>} : memref<32768xf32, #tpu.memory_space<vmem>>, vector<16xf32>,
          tpu.vector_store %run_scoped3A_4[%parallel_loop3A_514], %parallel_loop3A_506 {strides = array<i32>} : memref<32768xf32, #tpu.memory_space<vmem>>, vector<16xf32>,
        } {sc.loop_unroll_factor = 4 : i64, sc.parallel_access}
      }
      %scan3A_36 = arith.constant 8 : i32
      %add3A_37 = arith.constant 0 : i32
      %add3A_38 = arith.addi %mul3A_2, %add3A_37 : i32
      %dma_start3A_39 = arith.constant 0 : i32
      %dma_start3A_40 = tpu.memref_slice %arg3[%add3A_38, %dma_start3A_39] : memref<256x32768xf32, #tpu.memory_space<hbm>> -> memref<1x32768xf32, #tpu.memory_space<hbm>>
      %dma_start3A_41 = tpu.memref_squeeze %dma_start3A_40 : memref<1x32768xf32, #tpu.memory_space<hbm>> -> memref<32768xf32, #tpu.memory_space<hbm>>
      %dma_start3A_42 = arith.constant 0 : i32
      %dma_start3A_43 = tpu.memref_slice %arg3[%add3A_38, %dma_start3A_42] : memref<256x32768xf32, #tpu.memory_space<hbm>> -> memref<1x32768xf32, #tpu.memory_space<hbm>>
      %dma_start3A_44 = tpu.memref_squeeze %dma_start3A_43 : memref<1x32768xf32, #tpu.memory_space<hbm>> -> memref<32768xf32, #tpu.memory_space<hbm>>
      tpu.enqueue_dma source(%run_scoped3A_4 : memref<32768xf32, #tpu.memory_space<vmem>>) target(%dma_start3A_44 : memref<32768xf32, #tpu.memory_space<hbm>>) target_semaphore(%run_scoped3A_8 : memref<!tpu.dma_semaphore, #tpu.memory_space<semaphore_mem>>)
      %add3A_45 = arith.constant 2 : i32
      %add3A_46 = arith.addi %mul3A_2, %add3A_45 : i32
      %dma_start3A_47 = arith.constant 0 : i32
      %dma_start3A_48 = tpu.memref_slice %arg2[%add3A_46, %dma_start3A_47] : memref<256x32768xf32, #tpu.memory_space<hbm>> -> memref<1x32768xf32, #tpu.memory_space<hbm>>
      %dma_start3A_49 = tpu.memref_squeeze %dma_start3A_48 : memref<1x32768xf32, #tpu.memory_space<hbm>> -> memref<32768xf32, #tpu.memory_space<hbm>>
      %dma_start3A_50 = arith.constant 0 : i32
      %dma_start3A_51 = tpu.memref_slice %arg2[%add3A_46, %dma_start3A_50] : memref<256x32768xf32, #tpu.memory_space<hbm>> -> memref<1x32768xf32, #tpu.memory_space<hbm>>
      %dma_start3A_52 = tpu.memref_squeeze %dma_start3A_51 : memref<1x32768xf32, #tpu.memory_space<hbm>> -> memref<32768xf32, #tpu.memory_space<hbm>>
      tpu.enqueue_dma source(%dma_start3A_52 : memref<32768xf32, #tpu.memory_space<hbm>>) target(%run_scoped3A : memref<32768xf32, #tpu.memory_space<vmem>>) target_semaphore(%run_scoped3A_6 : memref<!tpu.dma_semaphore, #tpu.memory_space<semaphore_mem>>)
      %add3A_53 = arith.constant 1 : i32
      %add3A_54 = arith.addi %mul3A_2, %add3A_53 : i32
      %dma_wait3A_55 = arith.constant 0 : i32
      %dma_wait3A_56 = tpu.memref_slice %arg2[%add3A_54, %dma_wait3A_55] : memref<256x32768xf32, #tpu.memory_space<hbm>> -> memref<1x32768xf32, #tpu.memory_space<hbm>>
      %dma_wait3A_57 = tpu.memref_squeeze %dma_wait3A_56 : memref<1x32768xf32, #tpu.memory_space<hbm>> -> memref<32768xf32, #tpu.memory_space<hbm>>
      %dma_wait3A_58 = arith.constant 0 : i32
      %dma_wait3A_59 = tpu.memref_slice %arg2[%add3A_54, %dma_wait3A_58] : memref<256x32768xf32, #tpu.memory_space<hbm>> -> memref<1x32768xf32, #tpu.memory_space<hbm>>
      %dma_wait3A_60 = tpu.memref_squeeze %dma_wait3A_59 : memref<1x32768xf32, #tpu.memory_space<hbm>> -> memref<32768xf32, #tpu.memory_space<hbm>>
      tpu.wait_dma2 semaphore(%run_scoped3A_7 : memref<!tpu.dma_semaphore, #tpu.memory_space<semaphore_mem>>) src(%dma_wait3A_60 : memref<32768xf32, #tpu.memory_space<hbm>>) dst(%run_scoped3A_3 : memref<32768xf32, #tpu.memory_space<vmem>>)
      %scan3A_61 = arith.constant 0 : i32
      %scan3A_62 = arith.constant 0 : i32
      %scan3A_63 = arith.constant 8 : i32
      %scan3A_64 = arith.addi %scan3A_62, %scan3A_63 : i32
      %scan3A_65 = arith.constant 1 : i32
      scf.for %scan3A_311 = %scan3A_62 to %scan3A_64 step %scan3A_65  : i32 {
        %broadcast_in_dim3A = arith.constant 0xFF800000 : f32
        %broadcast_in_dim3A_312 = vector.broadcast %broadcast_in_dim3A : f32 to vector<16xf32>
        %parallel_loop3A = arith.constant 0 : i32
        %parallel_loop3A_313 = arith.constant 32 : i32
        %parallel_loop3A_314 = arith.constant 1 : i32
        %parallel_loop3A_315 = scf.for %parallel_loop3A_323 = %parallel_loop3A to %parallel_loop3A_313 step %parallel_loop3A_314 iter_args(%parallel_loop3A_324 = %broadcast_in_dim3A_312) -> (vector<16xf32>)  : i32 {
          %parallel_loop3A_325 = arith.constant 8 : i32
          %parallel_loop3A_326 = arith.muli %parallel_loop3A_323, %parallel_loop3A_325 : i32
          %parallel_loop3A_327 = arith.addi %parallel_loop3A_326, %scan3A_311 : i32
          %parallel_loop3A_328 = arith.constant 128 : i32
          %parallel_loop3A_329 = arith.muli %parallel_loop3A_327, %parallel_loop3A_328 : i32
          %parallel_loop3A_330 = arith.constant 0 : i32
          %parallel_loop3A_331 = arith.addi %parallel_loop3A_329, %parallel_loop3A_330 : i32
          %parallel_loop3A_332 = arith.index_cast %parallel_loop3A_331 : i32 to index
          %parallel_loop3A_333 = tpu.vector_load %run_scoped3A_3[%parallel_loop3A_332] {strides = array<i32>} : memref<32768xf32, #tpu.memory_space<vmem>>, vector<16xf32>,
          %parallel_loop3A_334 = arith.maximumf %parallel_loop3A_324, %parallel_loop3A_333 : vector<16xf32>
          %parallel_loop3A_335 = arith.constant 8 : i32
          %parallel_loop3A_336 = arith.muli %parallel_loop3A_323, %parallel_loop3A_335 : i32
          %parallel_loop3A_337 = arith.addi %parallel_loop3A_336, %scan3A_311 : i32
          %parallel_loop3A_338 = arith.constant 128 : i32
          %parallel_loop3A_339 = arith.muli %parallel_loop3A_337, %parallel_loop3A_338 : i32
          %parallel_loop3A_340 = arith.constant 16 : i32
          %parallel_loop3A_341 = arith.addi %parallel_loop3A_339, %parallel_loop3A_340 : i32
          %parallel_loop3A_342 = arith.index_cast %parallel_loop3A_341 : i32 to index
          %parallel_loop3A_343 = tpu.vector_load %run_scoped3A_3[%parallel_loop3A_342] {strides = array<i32>} : memref<32768xf32, #tpu.memory_space<vmem>>, vector<16xf32>,
          %parallel_loop3A_344 = arith.maximumf %parallel_loop3A_334, %parallel_loop3A_343 : vector<16xf32>
          %parallel_loop3A_345 = arith.constant 8 : i32
          %parallel_loop3A_346 = arith.muli %parallel_loop3A_323, %parallel_loop3A_345 : i32
          %parallel_loop3A_347 = arith.addi %parallel_loop3A_346, %scan3A_311 : i32
          %parallel_loop3A_348 = arith.constant 128 : i32
          %parallel_loop3A_349 = arith.muli %parallel_loop3A_347, %parallel_loop3A_348 : i32
          %parallel_loop3A_350 = arith.constant 32 : i32
          %parallel_loop3A_351 = arith.addi %parallel_loop3A_349, %parallel_loop3A_350 : i32
          %parallel_loop3A_352 = arith.index_cast %parallel_loop3A_351 : i32 to index
          %parallel_loop3A_353 = tpu.vector_load %run_scoped3A_3[%parallel_loop3A_352] {strides = array<i32>} : memref<32768xf32, #tpu.memory_space<vmem>>, vector<16xf32>,
          %parallel_loop3A_354 = arith.maximumf %parallel_loop3A_344, %parallel_loop3A_353 : vector<16xf32>
          %parallel_loop3A_355 = arith.constant 8 : i32
          %parallel_loop3A_356 = arith.muli %parallel_loop3A_323, %parallel_loop3A_355 : i32
          %parallel_loop3A_357 = arith.addi %parallel_loop3A_356, %scan3A_311 : i32
          %parallel_loop3A_358 = arith.constant 128 : i32
          %parallel_loop3A_359 = arith.muli %parallel_loop3A_357, %parallel_loop3A_358 : i32
          %parallel_loop3A_360 = arith.constant 48 : i32
          %parallel_loop3A_361 = arith.addi %parallel_loop3A_359, %parallel_loop3A_360 : i32
          %parallel_loop3A_362 = arith.index_cast %parallel_loop3A_361 : i32 to index
          %parallel_loop3A_363 = tpu.vector_load %run_scoped3A_3[%parallel_loop3A_362] {strides = array<i32>} : memref<32768xf32, #tpu.memory_space<vmem>>, vector<16xf32>,
          %parallel_loop3A_364 = arith.maximumf %parallel_loop3A_354, %parallel_loop3A_363 : vector<16xf32>
          %parallel_loop3A_365 = arith.constant 8 : i32
          %parallel_loop3A_366 = arith.muli %parallel_loop3A_323, %parallel_loop3A_365 : i32
          %parallel_loop3A_367 = arith.addi %parallel_loop3A_366, %scan3A_311 : i32
          %parallel_loop3A_368 = arith.constant 128 : i32
          %parallel_loop3A_369 = arith.muli %parallel_loop3A_367, %parallel_loop3A_368 : i32
          %parallel_loop3A_370 = arith.constant 64 : i32
          %parallel_loop3A_371 = arith.addi %parallel_loop3A_369, %parallel_loop3A_370 : i32
          %parallel_loop3A_372 = arith.index_cast %parallel_loop3A_371 : i32 to index
          %parallel_loop3A_373 = tpu.vector_load %run_scoped3A_3[%parallel_loop3A_372] {strides = array<i32>} : memref<32768xf32, #tpu.memory_space<vmem>>, vector<16xf32>,
          %parallel_loop3A_374 = arith.maximumf %parallel_loop3A_364, %parallel_loop3A_373 : vector<16xf32>
          %parallel_loop3A_375 = arith.constant 8 : i32
          %parallel_loop3A_376 = arith.muli %parallel_loop3A_323, %parallel_loop3A_375 : i32
          %parallel_loop3A_377 = arith.addi %parallel_loop3A_376, %scan3A_311 : i32
          %parallel_loop3A_378 = arith.constant 128 : i32
          %parallel_loop3A_379 = arith.muli %parallel_loop3A_377, %parallel_loop3A_378 : i32
          %parallel_loop3A_380 = arith.constant 80 : i32
          %parallel_loop3A_381 = arith.addi %parallel_loop3A_379, %parallel_loop3A_380 : i32
          %parallel_loop3A_382 = arith.index_cast %parallel_loop3A_381 : i32 to index
          %parallel_loop3A_383 = tpu.vector_load %run_scoped3A_3[%parallel_loop3A_382] {strides = array<i32>} : memref<32768xf32, #tpu.memory_space<vmem>>, vector<16xf32>,
          %parallel_loop3A_384 = arith.maximumf %parallel_loop3A_374, %parallel_loop3A_383 : vector<16xf32>
          %parallel_loop3A_385 = arith.constant 8 : i32
          %parallel_loop3A_386 = arith.muli %parallel_loop3A_323, %parallel_loop3A_385 : i32
          %parallel_loop3A_387 = arith.addi %parallel_loop3A_386, %scan3A_311 : i32
          %parallel_loop3A_388 = arith.constant 128 : i32
          %parallel_loop3A_389 = arith.muli %parallel_loop3A_387, %parallel_loop3A_388 : i32
          %parallel_loop3A_390 = arith.constant 96 : i32
          %parallel_loop3A_391 = arith.addi %parallel_loop3A_389, %parallel_loop3A_390 : i32
          %parallel_loop3A_392 = arith.index_cast %parallel_loop3A_391 : i32 to index
          %parallel_loop3A_393 = tpu.vector_load %run_scoped3A_3[%parallel_loop3A_392] {strides = array<i32>} : memref<32768xf32, #tpu.memory_space<vmem>>, vector<16xf32>,
          %parallel_loop3A_394 = arith.maximumf %parallel_loop3A_384, %parallel_loop3A_393 : vector<16xf32>
          %parallel_loop3A_395 = arith.constant 8 : i32
          %parallel_loop3A_396 = arith.muli %parallel_loop3A_323, %parallel_loop3A_395 : i32
          %parallel_loop3A_397 = arith.addi %parallel_loop3A_396, %scan3A_311 : i32
          %parallel_loop3A_398 = arith.constant 128 : i32
          %parallel_loop3A_399 = arith.muli %parallel_loop3A_397, %parallel_loop3A_398 : i32
          %parallel_loop3A_400 = arith.constant 112 : i32
          %parallel_loop3A_401 = arith.addi %parallel_loop3A_399, %parallel_loop3A_400 : i32
          %parallel_loop3A_402 = arith.index_cast %parallel_loop3A_401 : i32 to index
          %parallel_loop3A_403 = tpu.vector_load %run_scoped3A_3[%parallel_loop3A_402] {strides = array<i32>} : memref<32768xf32, #tpu.memory_space<vmem>>, vector<16xf32>,
          %parallel_loop3A_404 = arith.maximumf %parallel_loop3A_394, %parallel_loop3A_403 : vector<16xf32>
          scf.yield %parallel_loop3A_404 : vector<16xf32>
        } {sc.loop_unroll_factor = 4 : i64, sc.parallel_access}
        %reduce_max3A = arith.constant true
        %reduce_max3A_316 = vector.broadcast %reduce_max3A : i1 to vector<16xi1>
        %reduce_max3A_317 = tpu.scan <max>, %parallel_loop3A_315 masked %reduce_max3A_316 : vector<16xf32>, vector<16xi1> -> vector<16xf32>
        %reduce_max3A_318 = vector.extract %reduce_max3A_317[15] : f32 from vector<16xf32>
        %broadcast_in_dim3A_319 = vector.broadcast %reduce_max3A_318 : f32 to vector<16xf32>
        %parallel_loop3A_320 = arith.constant 0 : i32
        %parallel_loop3A_321 = arith.constant 32 : i32
        %parallel_loop3A_322 = arith.constant 1 : i32
        scf.for %parallel_loop3A_323 = %parallel_loop3A_320 to %parallel_loop3A_321 step %parallel_loop3A_322  : i32 {
          %parallel_loop3A_324 = arith.constant 8 : i32
          %parallel_loop3A_325 = arith.muli %parallel_loop3A_323, %parallel_loop3A_324 : i32
          %parallel_loop3A_326 = arith.addi %parallel_loop3A_325, %scan3A_311 : i32
          %parallel_loop3A_327 = arith.constant 128 : i32
          %parallel_loop3A_328 = arith.muli %parallel_loop3A_326, %parallel_loop3A_327 : i32
          %parallel_loop3A_329 = arith.constant 0 : i32
          %parallel_loop3A_330 = arith.addi %parallel_loop3A_328, %parallel_loop3A_329 : i32
          %parallel_loop3A_331 = arith.index_cast %parallel_loop3A_330 : i32 to index
          %parallel_loop3A_332 = tpu.vector_load %run_scoped3A_3[%parallel_loop3A_331] {strides = array<i32>} : memref<32768xf32, #tpu.memory_space<vmem>>, vector<16xf32>,
          %parallel_loop3A_333 = arith.cmpf oeq, %parallel_loop3A_332, %broadcast_in_dim3A_319 : vector<16xf32>
          %parallel_loop3A_334 = arith.constant 1.000000e+00 : f32
          %parallel_loop3A_335 = arith.constant 0.000000e+00 : f32
          %parallel_loop3A_336 = vector.broadcast %parallel_loop3A_334 : f32 to vector<16xf32>
          %parallel_loop3A_337 = vector.broadcast %parallel_loop3A_335 : f32 to vector<16xf32>
          %parallel_loop3A_338 = arith.select %parallel_loop3A_333, %parallel_loop3A_336, %parallel_loop3A_337 : vector<16xi1>, vector<16xf32>
          %parallel_loop3A_339 = arith.constant 8 : i32
          %parallel_loop3A_340 = arith.muli %parallel_loop3A_323, %parallel_loop3A_339 : i32
          %parallel_loop3A_341 = arith.addi %parallel_loop3A_340, %scan3A_311 : i32
          %parallel_loop3A_342 = arith.constant 128 : i32
          %parallel_loop3A_343 = arith.muli %parallel_loop3A_341, %parallel_loop3A_342 : i32
          %parallel_loop3A_344 = arith.constant 0 : i32
          %parallel_loop3A_345 = arith.addi %parallel_loop3A_343, %parallel_loop3A_344 : i32
          %parallel_loop3A_346 = arith.index_cast %parallel_loop3A_345 : i32 to index
          %parallel_loop3A_347 = tpu.vector_load %run_scoped3A_5[%parallel_loop3A_346] {strides = array<i32>} : memref<32768xf32, #tpu.memory_space<vmem>>, vector<16xf32>,
          tpu.vector_store %run_scoped3A_5[%parallel_loop3A_346], %parallel_loop3A_338 {strides = array<i32>} : memref<32768xf32, #tpu.memory_space<vmem>>, vector<16xf32>,
          %parallel_loop3A_348 = arith.constant 8 : i32
          %parallel_loop3A_349 = arith.muli %parallel_loop3A_323, %parallel_loop3A_348 : i32
          %parallel_loop3A_350 = arith.addi %parallel_loop3A_349, %scan3A_311 : i32
          %parallel_loop3A_351 = arith.constant 128 : i32
          %parallel_loop3A_352 = arith.muli %parallel_loop3A_350, %parallel_loop3A_351 : i32
          %parallel_loop3A_353 = arith.constant 16 : i32
          %parallel_loop3A_354 = arith.addi %parallel_loop3A_352, %parallel_loop3A_353 : i32
          %parallel_loop3A_355 = arith.index_cast %parallel_loop3A_354 : i32 to index
          %parallel_loop3A_356 = tpu.vector_load %run_scoped3A_3[%parallel_loop3A_355] {strides = array<i32>} : memref<32768xf32, #tpu.memory_space<vmem>>, vector<16xf32>,
          %parallel_loop3A_357 = arith.cmpf oeq, %parallel_loop3A_356, %broadcast_in_dim3A_319 : vector<16xf32>
          %parallel_loop3A_358 = arith.constant 1.000000e+00 : f32
          %parallel_loop3A_359 = arith.constant 0.000000e+00 : f32
          %parallel_loop3A_360 = vector.broadcast %parallel_loop3A_358 : f32 to vector<16xf32>
          %parallel_loop3A_361 = vector.broadcast %parallel_loop3A_359 : f32 to vector<16xf32>
          %parallel_loop3A_362 = arith.select %parallel_loop3A_357, %parallel_loop3A_360, %parallel_loop3A_361 : vector<16xi1>, vector<16xf32>
          %parallel_loop3A_363 = arith.constant 8 : i32
          %parallel_loop3A_364 = arith.muli %parallel_loop3A_323, %parallel_loop3A_363 : i32
          %parallel_loop3A_365 = arith.addi %parallel_loop3A_364, %scan3A_311 : i32
          %parallel_loop3A_366 = arith.constant 128 : i32
          %parallel_loop3A_367 = arith.muli %parallel_loop3A_365, %parallel_loop3A_366 : i32
          %parallel_loop3A_368 = arith.constant 16 : i32
          %parallel_loop3A_369 = arith.addi %parallel_loop3A_367, %parallel_loop3A_368 : i32
          %parallel_loop3A_370 = arith.index_cast %parallel_loop3A_369 : i32 to index
          %parallel_loop3A_371 = tpu.vector_load %run_scoped3A_5[%parallel_loop3A_370] {strides = array<i32>} : memref<32768xf32, #tpu.memory_space<vmem>>, vector<16xf32>,
          tpu.vector_store %run_scoped3A_5[%parallel_loop3A_370], %parallel_loop3A_362 {strides = array<i32>} : memref<32768xf32, #tpu.memory_space<vmem>>, vector<16xf32>,
          %parallel_loop3A_372 = arith.constant 8 : i32
          %parallel_loop3A_373 = arith.muli %parallel_loop3A_323, %parallel_loop3A_372 : i32
          %parallel_loop3A_374 = arith.addi %parallel_loop3A_373, %scan3A_311 : i32
          %parallel_loop3A_375 = arith.constant 128 : i32
          %parallel_loop3A_376 = arith.muli %parallel_loop3A_374, %parallel_loop3A_375 : i32
          %parallel_loop3A_377 = arith.constant 32 : i32
          %parallel_loop3A_378 = arith.addi %parallel_loop3A_376, %parallel_loop3A_377 : i32
          %parallel_loop3A_379 = arith.index_cast %parallel_loop3A_378 : i32 to index
          %parallel_loop3A_380 = tpu.vector_load %run_scoped3A_3[%parallel_loop3A_379] {strides = array<i32>} : memref<32768xf32, #tpu.memory_space<vmem>>, vector<16xf32>,
          %parallel_loop3A_381 = arith.cmpf oeq, %parallel_loop3A_380, %broadcast_in_dim3A_319 : vector<16xf32>
          %parallel_loop3A_382 = arith.constant 1.000000e+00 : f32
          %parallel_loop3A_383 = arith.constant 0.000000e+00 : f32
          %parallel_loop3A_384 = vector.broadcast %parallel_loop3A_382 : f32 to vector<16xf32>
          %parallel_loop3A_385 = vector.broadcast %parallel_loop3A_383 : f32 to vector<16xf32>
          %parallel_loop3A_386 = arith.select %parallel_loop3A_381, %parallel_loop3A_384, %parallel_loop3A_385 : vector<16xi1>, vector<16xf32>
          %parallel_loop3A_387 = arith.constant 8 : i32
          %parallel_loop3A_388 = arith.muli %parallel_loop3A_323, %parallel_loop3A_387 : i32
          %parallel_loop3A_389 = arith.addi %parallel_loop3A_388, %scan3A_311 : i32
          %parallel_loop3A_390 = arith.constant 128 : i32
          %parallel_loop3A_391 = arith.muli %parallel_loop3A_389, %parallel_loop3A_390 : i32
          %parallel_loop3A_392 = arith.constant 32 : i32
          %parallel_loop3A_393 = arith.addi %parallel_loop3A_391, %parallel_loop3A_392 : i32
          %parallel_loop3A_394 = arith.index_cast %parallel_loop3A_393 : i32 to index
          %parallel_loop3A_395 = tpu.vector_load %run_scoped3A_5[%parallel_loop3A_394] {strides = array<i32>} : memref<32768xf32, #tpu.memory_space<vmem>>, vector<16xf32>,
          tpu.vector_store %run_scoped3A_5[%parallel_loop3A_394], %parallel_loop3A_386 {strides = array<i32>} : memref<32768xf32, #tpu.memory_space<vmem>>, vector<16xf32>,
          %parallel_loop3A_396 = arith.constant 8 : i32
          %parallel_loop3A_397 = arith.muli %parallel_loop3A_323, %parallel_loop3A_396 : i32
          %parallel_loop3A_398 = arith.addi %parallel_loop3A_397, %scan3A_311 : i32
          %parallel_loop3A_399 = arith.constant 128 : i32
          %parallel_loop3A_400 = arith.muli %parallel_loop3A_398, %parallel_loop3A_399 : i32
          %parallel_loop3A_401 = arith.constant 48 : i32
          %parallel_loop3A_402 = arith.addi %parallel_loop3A_400, %parallel_loop3A_401 : i32
          %parallel_loop3A_403 = arith.index_cast %parallel_loop3A_402 : i32 to index
          %parallel_loop3A_404 = tpu.vector_load %run_scoped3A_3[%parallel_loop3A_403] {strides = array<i32>} : memref<32768xf32, #tpu.memory_space<vmem>>, vector<16xf32>,
          %parallel_loop3A_405 = arith.cmpf oeq, %parallel_loop3A_404, %broadcast_in_dim3A_319 : vector<16xf32>
          %parallel_loop3A_406 = arith.constant 1.000000e+00 : f32
          %parallel_loop3A_407 = arith.constant 0.000000e+00 : f32
          %parallel_loop3A_408 = vector.broadcast %parallel_loop3A_406 : f32 to vector<16xf32>
          %parallel_loop3A_409 = vector.broadcast %parallel_loop3A_407 : f32 to vector<16xf32>
          %parallel_loop3A_410 = arith.select %parallel_loop3A_405, %parallel_loop3A_408, %parallel_loop3A_409 : vector<16xi1>, vector<16xf32>
          %parallel_loop3A_411 = arith.constant 8 : i32
          %parallel_loop3A_412 = arith.muli %parallel_loop3A_323, %parallel_loop3A_411 : i32
          %parallel_loop3A_413 = arith.addi %parallel_loop3A_412, %scan3A_311 : i32
          %parallel_loop3A_414 = arith.constant 128 : i32
          %parallel_loop3A_415 = arith.muli %parallel_loop3A_413, %parallel_loop3A_414 : i32
          %parallel_loop3A_416 = arith.constant 48 : i32
          %parallel_loop3A_417 = arith.addi %parallel_loop3A_415, %parallel_loop3A_416 : i32
          %parallel_loop3A_418 = arith.index_cast %parallel_loop3A_417 : i32 to index
          %parallel_loop3A_419 = tpu.vector_load %run_scoped3A_5[%parallel_loop3A_418] {strides = array<i32>} : memref<32768xf32, #tpu.memory_space<vmem>>, vector<16xf32>,
          tpu.vector_store %run_scoped3A_5[%parallel_loop3A_418], %parallel_loop3A_410 {strides = array<i32>} : memref<32768xf32, #tpu.memory_space<vmem>>, vector<16xf32>,
          %parallel_loop3A_420 = arith.constant 8 : i32
          %parallel_loop3A_421 = arith.muli %parallel_loop3A_323, %parallel_loop3A_420 : i32
          %parallel_loop3A_422 = arith.addi %parallel_loop3A_421, %scan3A_311 : i32
          %parallel_loop3A_423 = arith.constant 128 : i32
          %parallel_loop3A_424 = arith.muli %parallel_loop3A_422, %parallel_loop3A_423 : i32
          %parallel_loop3A_425 = arith.constant 64 : i32
          %parallel_loop3A_426 = arith.addi %parallel_loop3A_424, %parallel_loop3A_425 : i32
          %parallel_loop3A_427 = arith.index_cast %parallel_loop3A_426 : i32 to index
          %parallel_loop3A_428 = tpu.vector_load %run_scoped3A_3[%parallel_loop3A_427] {strides = array<i32>} : memref<32768xf32, #tpu.memory_space<vmem>>, vector<16xf32>,
          %parallel_loop3A_429 = arith.cmpf oeq, %parallel_loop3A_428, %broadcast_in_dim3A_319 : vector<16xf32>
          %parallel_loop3A_430 = arith.constant 1.000000e+00 : f32
          %parallel_loop3A_431 = arith.constant 0.000000e+00 : f32
          %parallel_loop3A_432 = vector.broadcast %parallel_loop3A_430 : f32 to vector<16xf32>
          %parallel_loop3A_433 = vector.broadcast %parallel_loop3A_431 : f32 to vector<16xf32>
          %parallel_loop3A_434 = arith.select %parallel_loop3A_429, %parallel_loop3A_432, %parallel_loop3A_433 : vector<16xi1>, vector<16xf32>
          %parallel_loop3A_435 = arith.constant 8 : i32
          %parallel_loop3A_436 = arith.muli %parallel_loop3A_323, %parallel_loop3A_435 : i32
          %parallel_loop3A_437 = arith.addi %parallel_loop3A_436, %scan3A_311 : i32
          %parallel_loop3A_438 = arith.constant 128 : i32
          %parallel_loop3A_439 = arith.muli %parallel_loop3A_437, %parallel_loop3A_438 : i32
          %parallel_loop3A_440 = arith.constant 64 : i32
          %parallel_loop3A_441 = arith.addi %parallel_loop3A_439, %parallel_loop3A_440 : i32
          %parallel_loop3A_442 = arith.index_cast %parallel_loop3A_441 : i32 to index
          %parallel_loop3A_443 = tpu.vector_load %run_scoped3A_5[%parallel_loop3A_442] {strides = array<i32>} : memref<32768xf32, #tpu.memory_space<vmem>>, vector<16xf32>,
          tpu.vector_store %run_scoped3A_5[%parallel_loop3A_442], %parallel_loop3A_434 {strides = array<i32>} : memref<32768xf32, #tpu.memory_space<vmem>>, vector<16xf32>,
          %parallel_loop3A_444 = arith.constant 8 : i32
          %parallel_loop3A_445 = arith.muli %parallel_loop3A_323, %parallel_loop3A_444 : i32
          %parallel_loop3A_446 = arith.addi %parallel_loop3A_445, %scan3A_311 : i32
          %parallel_loop3A_447 = arith.constant 128 : i32
          %parallel_loop3A_448 = arith.muli %parallel_loop3A_446, %parallel_loop3A_447 : i32
          %parallel_loop3A_449 = arith.constant 80 : i32
          %parallel_loop3A_450 = arith.addi %parallel_loop3A_448, %parallel_loop3A_449 : i32
          %parallel_loop3A_451 = arith.index_cast %parallel_loop3A_450 : i32 to index
          %parallel_loop3A_452 = tpu.vector_load %run_scoped3A_3[%parallel_loop3A_451] {strides = array<i32>} : memref<32768xf32, #tpu.memory_space<vmem>>, vector<16xf32>,
          %parallel_loop3A_453 = arith.cmpf oeq, %parallel_loop3A_452, %broadcast_in_dim3A_319 : vector<16xf32>
          %parallel_loop3A_454 = arith.constant 1.000000e+00 : f32
          %parallel_loop3A_455 = arith.constant 0.000000e+00 : f32
          %parallel_loop3A_456 = vector.broadcast %parallel_loop3A_454 : f32 to vector<16xf32>
          %parallel_loop3A_457 = vector.broadcast %parallel_loop3A_455 : f32 to vector<16xf32>
          %parallel_loop3A_458 = arith.select %parallel_loop3A_453, %parallel_loop3A_456, %parallel_loop3A_457 : vector<16xi1>, vector<16xf32>
          %parallel_loop3A_459 = arith.constant 8 : i32
          %parallel_loop3A_460 = arith.muli %parallel_loop3A_323, %parallel_loop3A_459 : i32
          %parallel_loop3A_461 = arith.addi %parallel_loop3A_460, %scan3A_311 : i32
          %parallel_loop3A_462 = arith.constant 128 : i32
          %parallel_loop3A_463 = arith.muli %parallel_loop3A_461, %parallel_loop3A_462 : i32
          %parallel_loop3A_464 = arith.constant 80 : i32
          %parallel_loop3A_465 = arith.addi %parallel_loop3A_463, %parallel_loop3A_464 : i32
          %parallel_loop3A_466 = arith.index_cast %parallel_loop3A_465 : i32 to index
          %parallel_loop3A_467 = tpu.vector_load %run_scoped3A_5[%parallel_loop3A_466] {strides = array<i32>} : memref<32768xf32, #tpu.memory_space<vmem>>, vector<16xf32>,
          tpu.vector_store %run_scoped3A_5[%parallel_loop3A_466], %parallel_loop3A_458 {strides = array<i32>} : memref<32768xf32, #tpu.memory_space<vmem>>, vector<16xf32>,
          %parallel_loop3A_468 = arith.constant 8 : i32
          %parallel_loop3A_469 = arith.muli %parallel_loop3A_323, %parallel_loop3A_468 : i32
          %parallel_loop3A_470 = arith.addi %parallel_loop3A_469, %scan3A_311 : i32
          %parallel_loop3A_471 = arith.constant 128 : i32
          %parallel_loop3A_472 = arith.muli %parallel_loop3A_470, %parallel_loop3A_471 : i32
          %parallel_loop3A_473 = arith.constant 96 : i32
          %parallel_loop3A_474 = arith.addi %parallel_loop3A_472, %parallel_loop3A_473 : i32
          %parallel_loop3A_475 = arith.index_cast %parallel_loop3A_474 : i32 to index
          %parallel_loop3A_476 = tpu.vector_load %run_scoped3A_3[%parallel_loop3A_475] {strides = array<i32>} : memref<32768xf32, #tpu.memory_space<vmem>>, vector<16xf32>,
          %parallel_loop3A_477 = arith.cmpf oeq, %parallel_loop3A_476, %broadcast_in_dim3A_319 : vector<16xf32>
          %parallel_loop3A_478 = arith.constant 1.000000e+00 : f32
          %parallel_loop3A_479 = arith.constant 0.000000e+00 : f32
          %parallel_loop3A_480 = vector.broadcast %parallel_loop3A_478 : f32 to vector<16xf32>
          %parallel_loop3A_481 = vector.broadcast %parallel_loop3A_479 : f32 to vector<16xf32>
          %parallel_loop3A_482 = arith.select %parallel_loop3A_477, %parallel_loop3A_480, %parallel_loop3A_481 : vector<16xi1>, vector<16xf32>
          %parallel_loop3A_483 = arith.constant 8 : i32
          %parallel_loop3A_484 = arith.muli %parallel_loop3A_323, %parallel_loop3A_483 : i32
          %parallel_loop3A_485 = arith.addi %parallel_loop3A_484, %scan3A_311 : i32
          %parallel_loop3A_486 = arith.constant 128 : i32
          %parallel_loop3A_487 = arith.muli %parallel_loop3A_485, %parallel_loop3A_486 : i32
          %parallel_loop3A_488 = arith.constant 96 : i32
          %parallel_loop3A_489 = arith.addi %parallel_loop3A_487, %parallel_loop3A_488 : i32
          %parallel_loop3A_490 = arith.index_cast %parallel_loop3A_489 : i32 to index
          %parallel_loop3A_491 = tpu.vector_load %run_scoped3A_5[%parallel_loop3A_490] {strides = array<i32>} : memref<32768xf32, #tpu.memory_space<vmem>>, vector<16xf32>,
          tpu.vector_store %run_scoped3A_5[%parallel_loop3A_490], %parallel_loop3A_482 {strides = array<i32>} : memref<32768xf32, #tpu.memory_space<vmem>>, vector<16xf32>,
          %parallel_loop3A_492 = arith.constant 8 : i32
          %parallel_loop3A_493 = arith.muli %parallel_loop3A_323, %parallel_loop3A_492 : i32
          %parallel_loop3A_494 = arith.addi %parallel_loop3A_493, %scan3A_311 : i32
          %parallel_loop3A_495 = arith.constant 128 : i32
          %parallel_loop3A_496 = arith.muli %parallel_loop3A_494, %parallel_loop3A_495 : i32
          %parallel_loop3A_497 = arith.constant 112 : i32
          %parallel_loop3A_498 = arith.addi %parallel_loop3A_496, %parallel_loop3A_497 : i32
          %parallel_loop3A_499 = arith.index_cast %parallel_loop3A_498 : i32 to index
          %parallel_loop3A_500 = tpu.vector_load %run_scoped3A_3[%parallel_loop3A_499] {strides = array<i32>} : memref<32768xf32, #tpu.memory_space<vmem>>, vector<16xf32>,
          %parallel_loop3A_501 = arith.cmpf oeq, %parallel_loop3A_500, %broadcast_in_dim3A_319 : vector<16xf32>
          %parallel_loop3A_502 = arith.constant 1.000000e+00 : f32
          %parallel_loop3A_503 = arith.constant 0.000000e+00 : f32
          %parallel_loop3A_504 = vector.broadcast %parallel_loop3A_502 : f32 to vector<16xf32>
          %parallel_loop3A_505 = vector.broadcast %parallel_loop3A_503 : f32 to vector<16xf32>
          %parallel_loop3A_506 = arith.select %parallel_loop3A_501, %parallel_loop3A_504, %parallel_loop3A_505 : vector<16xi1>, vector<16xf32>
          %parallel_loop3A_507 = arith.constant 8 : i32
          %parallel_loop3A_508 = arith.muli %parallel_loop3A_323, %parallel_loop3A_507 : i32
          %parallel_loop3A_509 = arith.addi %parallel_loop3A_508, %scan3A_311 : i32
          %parallel_loop3A_510 = arith.constant 128 : i32
          %parallel_loop3A_511 = arith.muli %parallel_loop3A_509, %parallel_loop3A_510 : i32
          %parallel_loop3A_512 = arith.constant 112 : i32
          %parallel_loop3A_513 = arith.addi %parallel_loop3A_511, %parallel_loop3A_512 : i32
          %parallel_loop3A_514 = arith.index_cast %parallel_loop3A_513 : i32 to index
          %parallel_loop3A_515 = tpu.vector_load %run_scoped3A_5[%parallel_loop3A_514] {strides = array<i32>} : memref<32768xf32, #tpu.memory_space<vmem>>, vector<16xf32>,
          tpu.vector_store %run_scoped3A_5[%parallel_loop3A_514], %parallel_loop3A_506 {strides = array<i32>} : memref<32768xf32, #tpu.memory_space<vmem>>, vector<16xf32>,
        } {sc.loop_unroll_factor = 4 : i64, sc.parallel_access}
      }
      %scan3A_66 = arith.constant 8 : i32
      %add3A_67 = arith.constant 1 : i32
      %add3A_68 = arith.addi %mul3A_2, %add3A_67 : i32
      %dma_start3A_69 = arith.constant 0 : i32
      %dma_start3A_70 = tpu.memref_slice %arg3[%add3A_68, %dma_start3A_69] : memref<256x32768xf32, #tpu.memory_space<hbm>> -> memref<1x32768xf32, #tpu.memory_space<hbm>>
      %dma_start3A_71 = tpu.memref_squeeze %dma_start3A_70 : memref<1x32768xf32, #tpu.memory_space<hbm>> -> memref<32768xf32, #tpu.memory_space<hbm>>
      %dma_start3A_72 = arith.constant 0 : i32
      %dma_start3A_73 = tpu.memref_slice %arg3[%add3A_68, %dma_start3A_72] : memref<256x32768xf32, #tpu.memory_space<hbm>> -> memref<1x32768xf32, #tpu.memory_space<hbm>>
      %dma_start3A_74 = tpu.memref_squeeze %dma_start3A_73 : memref<1x32768xf32, #tpu.memory_space<hbm>> -> memref<32768xf32, #tpu.memory_space<hbm>>
      tpu.enqueue_dma source(%run_scoped3A_5 : memref<32768xf32, #tpu.memory_space<vmem>>) target(%dma_start3A_74 : memref<32768xf32, #tpu.memory_space<hbm>>) target_semaphore(%run_scoped3A_9 : memref<!tpu.dma_semaphore, #tpu.memory_space<semaphore_mem>>)
      %add3A_75 = arith.constant 3 : i32
      %add3A_76 = arith.addi %mul3A_2, %add3A_75 : i32
      %dma_start3A_77 = arith.constant 0 : i32
      %dma_start3A_78 = tpu.memref_slice %arg2[%add3A_76, %dma_start3A_77] : memref<256x32768xf32, #tpu.memory_space<hbm>> -> memref<1x32768xf32, #tpu.memory_space<hbm>>
      %dma_start3A_79 = tpu.memref_squeeze %dma_start3A_78 : memref<1x32768xf32, #tpu.memory_space<hbm>> -> memref<32768xf32, #tpu.memory_space<hbm>>
      %dma_start3A_80 = arith.constant 0 : i32
      %dma_start3A_81 = tpu.memref_slice %arg2[%add3A_76, %dma_start3A_80] : memref<256x32768xf32, #tpu.memory_space<hbm>> -> memref<1x32768xf32, #tpu.memory_space<hbm>>
      %dma_start3A_82 = tpu.memref_squeeze %dma_start3A_81 : memref<1x32768xf32, #tpu.memory_space<hbm>> -> memref<32768xf32, #tpu.memory_space<hbm>>
      tpu.enqueue_dma source(%dma_start3A_82 : memref<32768xf32, #tpu.memory_space<hbm>>) target(%run_scoped3A_3 : memref<32768xf32, #tpu.memory_space<vmem>>) target_semaphore(%run_scoped3A_7 : memref<!tpu.dma_semaphore, #tpu.memory_space<semaphore_mem>>)
      %add3A_83 = arith.constant 2 : i32
      %add3A_84 = arith.addi %mul3A_2, %add3A_83 : i32
      %dma_wait3A_85 = arith.constant 0 : i32
      %dma_wait3A_86 = tpu.memref_slice %arg2[%add3A_84, %dma_wait3A_85] : memref<256x32768xf32, #tpu.memory_space<hbm>> -> memref<1x32768xf32, #tpu.memory_space<hbm>>
      %dma_wait3A_87 = tpu.memref_squeeze %dma_wait3A_86 : memref<1x32768xf32, #tpu.memory_space<hbm>> -> memref<32768xf32, #tpu.memory_space<hbm>>
      %dma_wait3A_88 = arith.constant 0 : i32
      %dma_wait3A_89 = tpu.memref_slice %arg2[%add3A_84, %dma_wait3A_88] : memref<256x32768xf32, #tpu.memory_space<hbm>> -> memref<1x32768xf32, #tpu.memory_space<hbm>>
      %dma_wait3A_90 = tpu.memref_squeeze %dma_wait3A_89 : memref<1x32768xf32, #tpu.memory_space<hbm>> -> memref<32768xf32, #tpu.memory_space<hbm>>
      tpu.wait_dma2 semaphore(%run_scoped3A_6 : memref<!tpu.dma_semaphore, #tpu.memory_space<semaphore_mem>>) src(%dma_wait3A_90 : memref<32768xf32, #tpu.memory_space<hbm>>) dst(%run_scoped3A : memref<32768xf32, #tpu.memory_space<vmem>>)
      %add3A_91 = arith.constant 0 : i32
      %add3A_92 = arith.addi %mul3A_2, %add3A_91 : i32
      %dma_wait3A_93 = arith.constant 0 : i32
      %dma_wait3A_94 = tpu.memref_slice %arg3[%add3A_92, %dma_wait3A_93] : memref<256x32768xf32, #tpu.memory_space<hbm>> -> memref<1x32768xf32, #tpu.memory_space<hbm>>
      %dma_wait3A_95 = tpu.memref_squeeze %dma_wait3A_94 : memref<1x32768xf32, #tpu.memory_space<hbm>> -> memref<32768xf32, #tpu.memory_space<hbm>>
      %dma_wait3A_96 = arith.constant 0 : i32
      %dma_wait3A_97 = tpu.memref_slice %arg3[%add3A_92, %dma_wait3A_96] : memref<256x32768xf32, #tpu.memory_space<hbm>> -> memref<1x32768xf32, #tpu.memory_space<hbm>>
      %dma_wait3A_98 = tpu.memref_squeeze %dma_wait3A_97 : memref<1x32768xf32, #tpu.memory_space<hbm>> -> memref<32768xf32, #tpu.memory_space<hbm>>
      tpu.wait_dma2 semaphore(%run_scoped3A_8 : memref<!tpu.dma_semaphore, #tpu.memory_space<semaphore_mem>>) src(%run_scoped3A_4 : memref<32768xf32, #tpu.memory_space<vmem>>) dst(%dma_wait3A_98 : memref<32768xf32, #tpu.memory_space<hbm>>)
      %scan3A_99 = arith.constant 0 : i32
      %scan3A_100 = arith.constant 0 : i32
      %scan3A_101 = arith.constant 8 : i32
      %scan3A_102 = arith.addi %scan3A_100, %scan3A_101 : i32
      %scan3A_103 = arith.constant 1 : i32
      scf.for %scan3A_311 = %scan3A_100 to %scan3A_102 step %scan3A_103  : i32 {
        %broadcast_in_dim3A = arith.constant 0xFF800000 : f32
        %broadcast_in_dim3A_312 = vector.broadcast %broadcast_in_dim3A : f32 to vector<16xf32>
        %parallel_loop3A = arith.constant 0 : i32
        %parallel_loop3A_313 = arith.constant 32 : i32
        %parallel_loop3A_314 = arith.constant 1 : i32
        %parallel_loop3A_315 = scf.for %parallel_loop3A_323 = %parallel_loop3A to %parallel_loop3A_313 step %parallel_loop3A_314 iter_args(%parallel_loop3A_324 = %broadcast_in_dim3A_312) -> (vector<16xf32>)  : i32 {
          %parallel_loop3A_325 = arith.constant 8 : i32
          %parallel_loop3A_326 = arith.muli %parallel_loop3A_323, %parallel_loop3A_325 : i32
          %parallel_loop3A_327 = arith.addi %parallel_loop3A_326, %scan3A_311 : i32
          %parallel_loop3A_328 = arith.constant 128 : i32
          %parallel_loop3A_329 = arith.muli %parallel_loop3A_327, %parallel_loop3A_328 : i32
          %parallel_loop3A_330 = arith.constant 0 : i32
          %parallel_loop3A_331 = arith.addi %parallel_loop3A_329, %parallel_loop3A_330 : i32
          %parallel_loop3A_332 = arith.index_cast %parallel_loop3A_331 : i32 to index
          %parallel_loop3A_333 = tpu.vector_load %run_scoped3A[%parallel_loop3A_332] {strides = array<i32>} : memref<32768xf32, #tpu.memory_space<vmem>>, vector<16xf32>,
          %parallel_loop3A_334 = arith.maximumf %parallel_loop3A_324, %parallel_loop3A_333 : vector<16xf32>
          %parallel_loop3A_335 = arith.constant 8 : i32
          %parallel_loop3A_336 = arith.muli %parallel_loop3A_323, %parallel_loop3A_335 : i32
          %parallel_loop3A_337 = arith.addi %parallel_loop3A_336, %scan3A_311 : i32
          %parallel_loop3A_338 = arith.constant 128 : i32
          %parallel_loop3A_339 = arith.muli %parallel_loop3A_337, %parallel_loop3A_338 : i32
          %parallel_loop3A_340 = arith.constant 16 : i32
          %parallel_loop3A_341 = arith.addi %parallel_loop3A_339, %parallel_loop3A_340 : i32
          %parallel_loop3A_342 = arith.index_cast %parallel_loop3A_341 : i32 to index
          %parallel_loop3A_343 = tpu.vector_load %run_scoped3A[%parallel_loop3A_342] {strides = array<i32>} : memref<32768xf32, #tpu.memory_space<vmem>>, vector<16xf32>,
          %parallel_loop3A_344 = arith.maximumf %parallel_loop3A_334, %parallel_loop3A_343 : vector<16xf32>
          %parallel_loop3A_345 = arith.constant 8 : i32
          %parallel_loop3A_346 = arith.muli %parallel_loop3A_323, %parallel_loop3A_345 : i32
          %parallel_loop3A_347 = arith.addi %parallel_loop3A_346, %scan3A_311 : i32
          %parallel_loop3A_348 = arith.constant 128 : i32
          %parallel_loop3A_349 = arith.muli %parallel_loop3A_347, %parallel_loop3A_348 : i32
          %parallel_loop3A_350 = arith.constant 32 : i32
          %parallel_loop3A_351 = arith.addi %parallel_loop3A_349, %parallel_loop3A_350 : i32
          %parallel_loop3A_352 = arith.index_cast %parallel_loop3A_351 : i32 to index
          %parallel_loop3A_353 = tpu.vector_load %run_scoped3A[%parallel_loop3A_352] {strides = array<i32>} : memref<32768xf32, #tpu.memory_space<vmem>>, vector<16xf32>,
          %parallel_loop3A_354 = arith.maximumf %parallel_loop3A_344, %parallel_loop3A_353 : vector<16xf32>
          %parallel_loop3A_355 = arith.constant 8 : i32
          %parallel_loop3A_356 = arith.muli %parallel_loop3A_323, %parallel_loop3A_355 : i32
          %parallel_loop3A_357 = arith.addi %parallel_loop3A_356, %scan3A_311 : i32
          %parallel_loop3A_358 = arith.constant 128 : i32
          %parallel_loop3A_359 = arith.muli %parallel_loop3A_357, %parallel_loop3A_358 : i32
          %parallel_loop3A_360 = arith.constant 48 : i32
          %parallel_loop3A_361 = arith.addi %parallel_loop3A_359, %parallel_loop3A_360 : i32
          %parallel_loop3A_362 = arith.index_cast %parallel_loop3A_361 : i32 to index
          %parallel_loop3A_363 = tpu.vector_load %run_scoped3A[%parallel_loop3A_362] {strides = array<i32>} : memref<32768xf32, #tpu.memory_space<vmem>>, vector<16xf32>,
          %parallel_loop3A_364 = arith.maximumf %parallel_loop3A_354, %parallel_loop3A_363 : vector<16xf32>
          %parallel_loop3A_365 = arith.constant 8 : i32
          %parallel_loop3A_366 = arith.muli %parallel_loop3A_323, %parallel_loop3A_365 : i32
          %parallel_loop3A_367 = arith.addi %parallel_loop3A_366, %scan3A_311 : i32
          %parallel_loop3A_368 = arith.constant 128 : i32
          %parallel_loop3A_369 = arith.muli %parallel_loop3A_367, %parallel_loop3A_368 : i32
          %parallel_loop3A_370 = arith.constant 64 : i32
          %parallel_loop3A_371 = arith.addi %parallel_loop3A_369, %parallel_loop3A_370 : i32
          %parallel_loop3A_372 = arith.index_cast %parallel_loop3A_371 : i32 to index
          %parallel_loop3A_373 = tpu.vector_load %run_scoped3A[%parallel_loop3A_372] {strides = array<i32>} : memref<32768xf32, #tpu.memory_space<vmem>>, vector<16xf32>,
          %parallel_loop3A_374 = arith.maximumf %parallel_loop3A_364, %parallel_loop3A_373 : vector<16xf32>
          %parallel_loop3A_375 = arith.constant 8 : i32
          %parallel_loop3A_376 = arith.muli %parallel_loop3A_323, %parallel_loop3A_375 : i32
          %parallel_loop3A_377 = arith.addi %parallel_loop3A_376, %scan3A_311 : i32
          %parallel_loop3A_378 = arith.constant 128 : i32
          %parallel_loop3A_379 = arith.muli %parallel_loop3A_377, %parallel_loop3A_378 : i32
          %parallel_loop3A_380 = arith.constant 80 : i32
          %parallel_loop3A_381 = arith.addi %parallel_loop3A_379, %parallel_loop3A_380 : i32
          %parallel_loop3A_382 = arith.index_cast %parallel_loop3A_381 : i32 to index
          %parallel_loop3A_383 = tpu.vector_load %run_scoped3A[%parallel_loop3A_382] {strides = array<i32>} : memref<32768xf32, #tpu.memory_space<vmem>>, vector<16xf32>,
          %parallel_loop3A_384 = arith.maximumf %parallel_loop3A_374, %parallel_loop3A_383 : vector<16xf32>
          %parallel_loop3A_385 = arith.constant 8 : i32
          %parallel_loop3A_386 = arith.muli %parallel_loop3A_323, %parallel_loop3A_385 : i32
          %parallel_loop3A_387 = arith.addi %parallel_loop3A_386, %scan3A_311 : i32
          %parallel_loop3A_388 = arith.constant 128 : i32
          %parallel_loop3A_389 = arith.muli %parallel_loop3A_387, %parallel_loop3A_388 : i32
          %parallel_loop3A_390 = arith.constant 96 : i32
          %parallel_loop3A_391 = arith.addi %parallel_loop3A_389, %parallel_loop3A_390 : i32
          %parallel_loop3A_392 = arith.index_cast %parallel_loop3A_391 : i32 to index
          %parallel_loop3A_393 = tpu.vector_load %run_scoped3A[%parallel_loop3A_392] {strides = array<i32>} : memref<32768xf32, #tpu.memory_space<vmem>>, vector<16xf32>,
          %parallel_loop3A_394 = arith.maximumf %parallel_loop3A_384, %parallel_loop3A_393 : vector<16xf32>
          %parallel_loop3A_395 = arith.constant 8 : i32
          %parallel_loop3A_396 = arith.muli %parallel_loop3A_323, %parallel_loop3A_395 : i32
          %parallel_loop3A_397 = arith.addi %parallel_loop3A_396, %scan3A_311 : i32
          %parallel_loop3A_398 = arith.constant 128 : i32
          %parallel_loop3A_399 = arith.muli %parallel_loop3A_397, %parallel_loop3A_398 : i32
          %parallel_loop3A_400 = arith.constant 112 : i32
          %parallel_loop3A_401 = arith.addi %parallel_loop3A_399, %parallel_loop3A_400 : i32
          %parallel_loop3A_402 = arith.index_cast %parallel_loop3A_401 : i32 to index
          %parallel_loop3A_403 = tpu.vector_load %run_scoped3A[%parallel_loop3A_402] {strides = array<i32>} : memref<32768xf32, #tpu.memory_space<vmem>>, vector<16xf32>,
          %parallel_loop3A_404 = arith.maximumf %parallel_loop3A_394, %parallel_loop3A_403 : vector<16xf32>
          scf.yield %parallel_loop3A_404 : vector<16xf32>
        } {sc.loop_unroll_factor = 4 : i64, sc.parallel_access}
        %reduce_max3A = arith.constant true
        %reduce_max3A_316 = vector.broadcast %reduce_max3A : i1 to vector<16xi1>
        %reduce_max3A_317 = tpu.scan <max>, %parallel_loop3A_315 masked %reduce_max3A_316 : vector<16xf32>, vector<16xi1> -> vector<16xf32>
        %reduce_max3A_318 = vector.extract %reduce_max3A_317[15] : f32 from vector<16xf32>
        %broadcast_in_dim3A_319 = vector.broadcast %reduce_max3A_318 : f32 to vector<16xf32>
        %parallel_loop3A_320 = arith.constant 0 : i32
        %parallel_loop3A_321 = arith.constant 32 : i32
        %parallel_loop3A_322 = arith.constant 1 : i32
        scf.for %parallel_loop3A_323 = %parallel_loop3A_320 to %parallel_loop3A_321 step %parallel_loop3A_322  : i32 {
          %parallel_loop3A_324 = arith.constant 8 : i32
          %parallel_loop3A_325 = arith.muli %parallel_loop3A_323, %parallel_loop3A_324 : i32
          %parallel_loop3A_326 = arith.addi %parallel_loop3A_325, %scan3A_311 : i32
          %parallel_loop3A_327 = arith.constant 128 : i32
          %parallel_loop3A_328 = arith.muli %parallel_loop3A_326, %parallel_loop3A_327 : i32
          %parallel_loop3A_329 = arith.constant 0 : i32
          %parallel_loop3A_330 = arith.addi %parallel_loop3A_328, %parallel_loop3A_329 : i32
          %parallel_loop3A_331 = arith.index_cast %parallel_loop3A_330 : i32 to index
          %parallel_loop3A_332 = tpu.vector_load %run_scoped3A[%parallel_loop3A_331] {strides = array<i32>} : memref<32768xf32, #tpu.memory_space<vmem>>, vector<16xf32>,
          %parallel_loop3A_333 = arith.cmpf oeq, %parallel_loop3A_332, %broadcast_in_dim3A_319 : vector<16xf32>
          %parallel_loop3A_334 = arith.constant 1.000000e+00 : f32
          %parallel_loop3A_335 = arith.constant 0.000000e+00 : f32
          %parallel_loop3A_336 = vector.broadcast %parallel_loop3A_334 : f32 to vector<16xf32>
          %parallel_loop3A_337 = vector.broadcast %parallel_loop3A_335 : f32 to vector<16xf32>
          %parallel_loop3A_338 = arith.select %parallel_loop3A_333, %parallel_loop3A_336, %parallel_loop3A_337 : vector<16xi1>, vector<16xf32>
          %parallel_loop3A_339 = arith.constant 8 : i32
          %parallel_loop3A_340 = arith.muli %parallel_loop3A_323, %parallel_loop3A_339 : i32
          %parallel_loop3A_341 = arith.addi %parallel_loop3A_340, %scan3A_311 : i32
          %parallel_loop3A_342 = arith.constant 128 : i32
          %parallel_loop3A_343 = arith.muli %parallel_loop3A_341, %parallel_loop3A_342 : i32
          %parallel_loop3A_344 = arith.constant 0 : i32
          %parallel_loop3A_345 = arith.addi %parallel_loop3A_343, %parallel_loop3A_344 : i32
          %parallel_loop3A_346 = arith.index_cast %parallel_loop3A_345 : i32 to index
          %parallel_loop3A_347 = tpu.vector_load %run_scoped3A_4[%parallel_loop3A_346] {strides = array<i32>} : memref<32768xf32, #tpu.memory_space<vmem>>, vector<16xf32>,
          tpu.vector_store %run_scoped3A_4[%parallel_loop3A_346], %parallel_loop3A_338 {strides = array<i32>} : memref<32768xf32, #tpu.memory_space<vmem>>, vector<16xf32>,
          %parallel_loop3A_348 = arith.constant 8 : i32
          %parallel_loop3A_349 = arith.muli %parallel_loop3A_323, %parallel_loop3A_348 : i32
          %parallel_loop3A_350 = arith.addi %parallel_loop3A_349, %scan3A_311 : i32
          %parallel_loop3A_351 = arith.constant 128 : i32
          %parallel_loop3A_352 = arith.muli %parallel_loop3A_350, %parallel_loop3A_351 : i32
          %parallel_loop3A_353 = arith.constant 16 : i32
          %parallel_loop3A_354 = arith.addi %parallel_loop3A_352, %parallel_loop3A_353 : i32
          %parallel_loop3A_355 = arith.index_cast %parallel_loop3A_354 : i32 to index
          %parallel_loop3A_356 = tpu.vector_load %run_scoped3A[%parallel_loop3A_355] {strides = array<i32>} : memref<32768xf32, #tpu.memory_space<vmem>>, vector<16xf32>,
          %parallel_loop3A_357 = arith.cmpf oeq, %parallel_loop3A_356, %broadcast_in_dim3A_319 : vector<16xf32>
          %parallel_loop3A_358 = arith.constant 1.000000e+00 : f32
          %parallel_loop3A_359 = arith.constant 0.000000e+00 : f32
          %parallel_loop3A_360 = vector.broadcast %parallel_loop3A_358 : f32 to vector<16xf32>
          %parallel_loop3A_361 = vector.broadcast %parallel_loop3A_359 : f32 to vector<16xf32>
          %parallel_loop3A_362 = arith.select %parallel_loop3A_357, %parallel_loop3A_360, %parallel_loop3A_361 : vector<16xi1>, vector<16xf32>
          %parallel_loop3A_363 = arith.constant 8 : i32
          %parallel_loop3A_364 = arith.muli %parallel_loop3A_323, %parallel_loop3A_363 : i32
          %parallel_loop3A_365 = arith.addi %parallel_loop3A_364, %scan3A_311 : i32
          %parallel_loop3A_366 = arith.constant 128 : i32
          %parallel_loop3A_367 = arith.muli %parallel_loop3A_365, %parallel_loop3A_366 : i32
          %parallel_loop3A_368 = arith.constant 16 : i32
          %parallel_loop3A_369 = arith.addi %parallel_loop3A_367, %parallel_loop3A_368 : i32
          %parallel_loop3A_370 = arith.index_cast %parallel_loop3A_369 : i32 to index
          %parallel_loop3A_371 = tpu.vector_load %run_scoped3A_4[%parallel_loop3A_370] {strides = array<i32>} : memref<32768xf32, #tpu.memory_space<vmem>>, vector<16xf32>,
          tpu.vector_store %run_scoped3A_4[%parallel_loop3A_370], %parallel_loop3A_362 {strides = array<i32>} : memref<32768xf32, #tpu.memory_space<vmem>>, vector<16xf32>,
          %parallel_loop3A_372 = arith.constant 8 : i32
          %parallel_loop3A_373 = arith.muli %parallel_loop3A_323, %parallel_loop3A_372 : i32
          %parallel_loop3A_374 = arith.addi %parallel_loop3A_373, %scan3A_311 : i32
          %parallel_loop3A_375 = arith.constant 128 : i32
          %parallel_loop3A_376 = arith.muli %parallel_loop3A_374, %parallel_loop3A_375 : i32
          %parallel_loop3A_377 = arith.constant 32 : i32
          %parallel_loop3A_378 = arith.addi %parallel_loop3A_376, %parallel_loop3A_377 : i32
          %parallel_loop3A_379 = arith.index_cast %parallel_loop3A_378 : i32 to index
          %parallel_loop3A_380 = tpu.vector_load %run_scoped3A[%parallel_loop3A_379] {strides = array<i32>} : memref<32768xf32, #tpu.memory_space<vmem>>, vector<16xf32>,
          %parallel_loop3A_381 = arith.cmpf oeq, %parallel_loop3A_380, %broadcast_in_dim3A_319 : vector<16xf32>
          %parallel_loop3A_382 = arith.constant 1.000000e+00 : f32
          %parallel_loop3A_383 = arith.constant 0.000000e+00 : f32
          %parallel_loop3A_384 = vector.broadcast %parallel_loop3A_382 : f32 to vector<16xf32>
          %parallel_loop3A_385 = vector.broadcast %parallel_loop3A_383 : f32 to vector<16xf32>
          %parallel_loop3A_386 = arith.select %parallel_loop3A_381, %parallel_loop3A_384, %parallel_loop3A_385 : vector<16xi1>, vector<16xf32>
          %parallel_loop3A_387 = arith.constant 8 : i32
          %parallel_loop3A_388 = arith.muli %parallel_loop3A_323, %parallel_loop3A_387 : i32
          %parallel_loop3A_389 = arith.addi %parallel_loop3A_388, %scan3A_311 : i32
          %parallel_loop3A_390 = arith.constant 128 : i32
          %parallel_loop3A_391 = arith.muli %parallel_loop3A_389, %parallel_loop3A_390 : i32
          %parallel_loop3A_392 = arith.constant 32 : i32
          %parallel_loop3A_393 = arith.addi %parallel_loop3A_391, %parallel_loop3A_392 : i32
          %parallel_loop3A_394 = arith.index_cast %parallel_loop3A_393 : i32 to index
          %parallel_loop3A_395 = tpu.vector_load %run_scoped3A_4[%parallel_loop3A_394] {strides = array<i32>} : memref<32768xf32, #tpu.memory_space<vmem>>, vector<16xf32>,
          tpu.vector_store %run_scoped3A_4[%parallel_loop3A_394], %parallel_loop3A_386 {strides = array<i32>} : memref<32768xf32, #tpu.memory_space<vmem>>, vector<16xf32>,
          %parallel_loop3A_396 = arith.constant 8 : i32
          %parallel_loop3A_397 = arith.muli %parallel_loop3A_323, %parallel_loop3A_396 : i32
          %parallel_loop3A_398 = arith.addi %parallel_loop3A_397, %scan3A_311 : i32
          %parallel_loop3A_399 = arith.constant 128 : i32
          %parallel_loop3A_400 = arith.muli %parallel_loop3A_398, %parallel_loop3A_399 : i32
          %parallel_loop3A_401 = arith.constant 48 : i32
          %parallel_loop3A_402 = arith.addi %parallel_loop3A_400, %parallel_loop3A_401 : i32
          %parallel_loop3A_403 = arith.index_cast %parallel_loop3A_402 : i32 to index
          %parallel_loop3A_404 = tpu.vector_load %run_scoped3A[%parallel_loop3A_403] {strides = array<i32>} : memref<32768xf32, #tpu.memory_space<vmem>>, vector<16xf32>,
          %parallel_loop3A_405 = arith.cmpf oeq, %parallel_loop3A_404, %broadcast_in_dim3A_319 : vector<16xf32>
          %parallel_loop3A_406 = arith.constant 1.000000e+00 : f32
          %parallel_loop3A_407 = arith.constant 0.000000e+00 : f32
          %parallel_loop3A_408 = vector.broadcast %parallel_loop3A_406 : f32 to vector<16xf32>
          %parallel_loop3A_409 = vector.broadcast %parallel_loop3A_407 : f32 to vector<16xf32>
          %parallel_loop3A_410 = arith.select %parallel_loop3A_405, %parallel_loop3A_408, %parallel_loop3A_409 : vector<16xi1>, vector<16xf32>
          %parallel_loop3A_411 = arith.constant 8 : i32
          %parallel_loop3A_412 = arith.muli %parallel_loop3A_323, %parallel_loop3A_411 : i32
          %parallel_loop3A_413 = arith.addi %parallel_loop3A_412, %scan3A_311 : i32
          %parallel_loop3A_414 = arith.constant 128 : i32
          %parallel_loop3A_415 = arith.muli %parallel_loop3A_413, %parallel_loop3A_414 : i32
          %parallel_loop3A_416 = arith.constant 48 : i32
          %parallel_loop3A_417 = arith.addi %parallel_loop3A_415, %parallel_loop3A_416 : i32
          %parallel_loop3A_418 = arith.index_cast %parallel_loop3A_417 : i32 to index
          %parallel_loop3A_419 = tpu.vector_load %run_scoped3A_4[%parallel_loop3A_418] {strides = array<i32>} : memref<32768xf32, #tpu.memory_space<vmem>>, vector<16xf32>,
          tpu.vector_store %run_scoped3A_4[%parallel_loop3A_418], %parallel_loop3A_410 {strides = array<i32>} : memref<32768xf32, #tpu.memory_space<vmem>>, vector<16xf32>,
          %parallel_loop3A_420 = arith.constant 8 : i32
          %parallel_loop3A_421 = arith.muli %parallel_loop3A_323, %parallel_loop3A_420 : i32
          %parallel_loop3A_422 = arith.addi %parallel_loop3A_421, %scan3A_311 : i32
          %parallel_loop3A_423 = arith.constant 128 : i32
          %parallel_loop3A_424 = arith.muli %parallel_loop3A_422, %parallel_loop3A_423 : i32
          %parallel_loop3A_425 = arith.constant 64 : i32
          %parallel_loop3A_426 = arith.addi %parallel_loop3A_424, %parallel_loop3A_425 : i32
          %parallel_loop3A_427 = arith.index_cast %parallel_loop3A_426 : i32 to index
          %parallel_loop3A_428 = tpu.vector_load %run_scoped3A[%parallel_loop3A_427] {strides = array<i32>} : memref<32768xf32, #tpu.memory_space<vmem>>, vector<16xf32>,
          %parallel_loop3A_429 = arith.cmpf oeq, %parallel_loop3A_428, %broadcast_in_dim3A_319 : vector<16xf32>
          %parallel_loop3A_430 = arith.constant 1.000000e+00 : f32
          %parallel_loop3A_431 = arith.constant 0.000000e+00 : f32
          %parallel_loop3A_432 = vector.broadcast %parallel_loop3A_430 : f32 to vector<16xf32>
          %parallel_loop3A_433 = vector.broadcast %parallel_loop3A_431 : f32 to vector<16xf32>
          %parallel_loop3A_434 = arith.select %parallel_loop3A_429, %parallel_loop3A_432, %parallel_loop3A_433 : vector<16xi1>, vector<16xf32>
          %parallel_loop3A_435 = arith.constant 8 : i32
          %parallel_loop3A_436 = arith.muli %parallel_loop3A_323, %parallel_loop3A_435 : i32
          %parallel_loop3A_437 = arith.addi %parallel_loop3A_436, %scan3A_311 : i32
          %parallel_loop3A_438 = arith.constant 128 : i32
          %parallel_loop3A_439 = arith.muli %parallel_loop3A_437, %parallel_loop3A_438 : i32
          %parallel_loop3A_440 = arith.constant 64 : i32
          %parallel_loop3A_441 = arith.addi %parallel_loop3A_439, %parallel_loop3A_440 : i32
          %parallel_loop3A_442 = arith.index_cast %parallel_loop3A_441 : i32 to index
          %parallel_loop3A_443 = tpu.vector_load %run_scoped3A_4[%parallel_loop3A_442] {strides = array<i32>} : memref<32768xf32, #tpu.memory_space<vmem>>, vector<16xf32>,
          tpu.vector_store %run_scoped3A_4[%parallel_loop3A_442], %parallel_loop3A_434 {strides = array<i32>} : memref<32768xf32, #tpu.memory_space<vmem>>, vector<16xf32>,
          %parallel_loop3A_444 = arith.constant 8 : i32
          %parallel_loop3A_445 = arith.muli %parallel_loop3A_323, %parallel_loop3A_444 : i32
          %parallel_loop3A_446 = arith.addi %parallel_loop3A_445, %scan3A_311 : i32
          %parallel_loop3A_447 = arith.constant 128 : i32
          %parallel_loop3A_448 = arith.muli %parallel_loop3A_446, %parallel_loop3A_447 : i32
          %parallel_loop3A_449 = arith.constant 80 : i32
          %parallel_loop3A_450 = arith.addi %parallel_loop3A_448, %parallel_loop3A_449 : i32
          %parallel_loop3A_451 = arith.index_cast %parallel_loop3A_450 : i32 to index
          %parallel_loop3A_452 = tpu.vector_load %run_scoped3A[%parallel_loop3A_451] {strides = array<i32>} : memref<32768xf32, #tpu.memory_space<vmem>>, vector<16xf32>,
          %parallel_loop3A_453 = arith.cmpf oeq, %parallel_loop3A_452, %broadcast_in_dim3A_319 : vector<16xf32>
          %parallel_loop3A_454 = arith.constant 1.000000e+00 : f32
          %parallel_loop3A_455 = arith.constant 0.000000e+00 : f32
          %parallel_loop3A_456 = vector.broadcast %parallel_loop3A_454 : f32 to vector<16xf32>
          %parallel_loop3A_457 = vector.broadcast %parallel_loop3A_455 : f32 to vector<16xf32>
          %parallel_loop3A_458 = arith.select %parallel_loop3A_453, %parallel_loop3A_456, %parallel_loop3A_457 : vector<16xi1>, vector<16xf32>
          %parallel_loop3A_459 = arith.constant 8 : i32
          %parallel_loop3A_460 = arith.muli %parallel_loop3A_323, %parallel_loop3A_459 : i32
          %parallel_loop3A_461 = arith.addi %parallel_loop3A_460, %scan3A_311 : i32
          %parallel_loop3A_462 = arith.constant 128 : i32
          %parallel_loop3A_463 = arith.muli %parallel_loop3A_461, %parallel_loop3A_462 : i32
          %parallel_loop3A_464 = arith.constant 80 : i32
          %parallel_loop3A_465 = arith.addi %parallel_loop3A_463, %parallel_loop3A_464 : i32
          %parallel_loop3A_466 = arith.index_cast %parallel_loop3A_465 : i32 to index
          %parallel_loop3A_467 = tpu.vector_load %run_scoped3A_4[%parallel_loop3A_466] {strides = array<i32>} : memref<32768xf32, #tpu.memory_space<vmem>>, vector<16xf32>,
          tpu.vector_store %run_scoped3A_4[%parallel_loop3A_466], %parallel_loop3A_458 {strides = array<i32>} : memref<32768xf32, #tpu.memory_space<vmem>>, vector<16xf32>,
          %parallel_loop3A_468 = arith.constant 8 : i32
          %parallel_loop3A_469 = arith.muli %parallel_loop3A_323, %parallel_loop3A_468 : i32
          %parallel_loop3A_470 = arith.addi %parallel_loop3A_469, %scan3A_311 : i32
          %parallel_loop3A_471 = arith.constant 128 : i32
          %parallel_loop3A_472 = arith.muli %parallel_loop3A_470, %parallel_loop3A_471 : i32
          %parallel_loop3A_473 = arith.constant 96 : i32
          %parallel_loop3A_474 = arith.addi %parallel_loop3A_472, %parallel_loop3A_473 : i32
          %parallel_loop3A_475 = arith.index_cast %parallel_loop3A_474 : i32 to index
          %parallel_loop3A_476 = tpu.vector_load %run_scoped3A[%parallel_loop3A_475] {strides = array<i32>} : memref<32768xf32, #tpu.memory_space<vmem>>, vector<16xf32>,
          %parallel_loop3A_477 = arith.cmpf oeq, %parallel_loop3A_476, %broadcast_in_dim3A_319 : vector<16xf32>
          %parallel_loop3A_478 = arith.constant 1.000000e+00 : f32
          %parallel_loop3A_479 = arith.constant 0.000000e+00 : f32
          %parallel_loop3A_480 = vector.broadcast %parallel_loop3A_478 : f32 to vector<16xf32>
          %parallel_loop3A_481 = vector.broadcast %parallel_loop3A_479 : f32 to vector<16xf32>
          %parallel_loop3A_482 = arith.select %parallel_loop3A_477, %parallel_loop3A_480, %parallel_loop3A_481 : vector<16xi1>, vector<16xf32>
          %parallel_loop3A_483 = arith.constant 8 : i32
          %parallel_loop3A_484 = arith.muli %parallel_loop3A_323, %parallel_loop3A_483 : i32
          %parallel_loop3A_485 = arith.addi %parallel_loop3A_484, %scan3A_311 : i32
          %parallel_loop3A_486 = arith.constant 128 : i32
          %parallel_loop3A_487 = arith.muli %parallel_loop3A_485, %parallel_loop3A_486 : i32
          %parallel_loop3A_488 = arith.constant 96 : i32
          %parallel_loop3A_489 = arith.addi %parallel_loop3A_487, %parallel_loop3A_488 : i32
          %parallel_loop3A_490 = arith.index_cast %parallel_loop3A_489 : i32 to index
          %parallel_loop3A_491 = tpu.vector_load %run_scoped3A_4[%parallel_loop3A_490] {strides = array<i32>} : memref<32768xf32, #tpu.memory_space<vmem>>, vector<16xf32>,
          tpu.vector_store %run_scoped3A_4[%parallel_loop3A_490], %parallel_loop3A_482 {strides = array<i32>} : memref<32768xf32, #tpu.memory_space<vmem>>, vector<16xf32>,
          %parallel_loop3A_492 = arith.constant 8 : i32
          %parallel_loop3A_493 = arith.muli %parallel_loop3A_323, %parallel_loop3A_492 : i32
          %parallel_loop3A_494 = arith.addi %parallel_loop3A_493, %scan3A_311 : i32
          %parallel_loop3A_495 = arith.constant 128 : i32
          %parallel_loop3A_496 = arith.muli %parallel_loop3A_494, %parallel_loop3A_495 : i32
          %parallel_loop3A_497 = arith.constant 112 : i32
          %parallel_loop3A_498 = arith.addi %parallel_loop3A_496, %parallel_loop3A_497 : i32
          %parallel_loop3A_499 = arith.index_cast %parallel_loop3A_498 : i32 to index
          %parallel_loop3A_500 = tpu.vector_load %run_scoped3A[%parallel_loop3A_499] {strides = array<i32>} : memref<32768xf32, #tpu.memory_space<vmem>>, vector<16xf32>,
          %parallel_loop3A_501 = arith.cmpf oeq, %parallel_loop3A_500, %broadcast_in_dim3A_319 : vector<16xf32>
          %parallel_loop3A_502 = arith.constant 1.000000e+00 : f32
          %parallel_loop3A_503 = arith.constant 0.000000e+00 : f32
          %parallel_loop3A_504 = vector.broadcast %parallel_loop3A_502 : f32 to vector<16xf32>
          %parallel_loop3A_505 = vector.broadcast %parallel_loop3A_503 : f32 to vector<16xf32>
          %parallel_loop3A_506 = arith.select %parallel_loop3A_501, %parallel_loop3A_504, %parallel_loop3A_505 : vector<16xi1>, vector<16xf32>
          %parallel_loop3A_507 = arith.constant 8 : i32
          %parallel_loop3A_508 = arith.muli %parallel_loop3A_323, %parallel_loop3A_507 : i32
          %parallel_loop3A_509 = arith.addi %parallel_loop3A_508, %scan3A_311 : i32
          %parallel_loop3A_510 = arith.constant 128 : i32
          %parallel_loop3A_511 = arith.muli %parallel_loop3A_509, %parallel_loop3A_510 : i32
          %parallel_loop3A_512 = arith.constant 112 : i32
          %parallel_loop3A_513 = arith.addi %parallel_loop3A_511, %parallel_loop3A_512 : i32
          %parallel_loop3A_514 = arith.index_cast %parallel_loop3A_513 : i32 to index
          %parallel_loop3A_515 = tpu.vector_load %run_scoped3A_4[%parallel_loop3A_514] {strides = array<i32>} : memref<32768xf32, #tpu.memory_space<vmem>>, vector<16xf32>,
          tpu.vector_store %run_scoped3A_4[%parallel_loop3A_514], %parallel_loop3A_506 {strides = array<i32>} : memref<32768xf32, #tpu.memory_space<vmem>>, vector<16xf32>,
        } {sc.loop_unroll_factor = 4 : i64, sc.parallel_access}
      }
      %scan3A_104 = arith.constant 8 : i32
      %add3A_105 = arith.constant 2 : i32
      %add3A_106 = arith.addi %mul3A_2, %add3A_105 : i32
      %dma_start3A_107 = arith.constant 0 : i32
      %dma_start3A_108 = tpu.memref_slice %arg3[%add3A_106, %dma_start3A_107] : memref<256x32768xf32, #tpu.memory_space<hbm>> -> memref<1x32768xf32, #tpu.memory_space<hbm>>
      %dma_start3A_109 = tpu.memref_squeeze %dma_start3A_108 : memref<1x32768xf32, #tpu.memory_space<hbm>> -> memref<32768xf32, #tpu.memory_space<hbm>>
      %dma_start3A_110 = arith.constant 0 : i32
      %dma_start3A_111 = tpu.memref_slice %arg3[%add3A_106, %dma_start3A_110] : memref<256x32768xf32, #tpu.memory_space<hbm>> -> memref<1x32768xf32, #tpu.memory_space<hbm>>
      %dma_start3A_112 = tpu.memref_squeeze %dma_start3A_111 : memref<1x32768xf32, #tpu.memory_space<hbm>> -> memref<32768xf32, #tpu.memory_space<hbm>>
      tpu.enqueue_dma source(%run_scoped3A_4 : memref<32768xf32, #tpu.memory_space<vmem>>) target(%dma_start3A_112 : memref<32768xf32, #tpu.memory_space<hbm>>) target_semaphore(%run_scoped3A_8 : memref<!tpu.dma_semaphore, #tpu.memory_space<semaphore_mem>>)
      %add3A_113 = arith.constant 4 : i32
      %add3A_114 = arith.addi %mul3A_2, %add3A_113 : i32
      %dma_start3A_115 = arith.constant 0 : i32
      %dma_start3A_116 = tpu.memref_slice %arg2[%add3A_114, %dma_start3A_115] : memref<256x32768xf32, #tpu.memory_space<hbm>> -> memref<1x32768xf32, #tpu.memory_space<hbm>>
      %dma_start3A_117 = tpu.memref_squeeze %dma_start3A_116 : memref<1x32768xf32, #tpu.memory_space<hbm>> -> memref<32768xf32, #tpu.memory_space<hbm>>
      %dma_start3A_118 = arith.constant 0 : i32
      %dma_start3A_119 = tpu.memref_slice %arg2[%add3A_114, %dma_start3A_118] : memref<256x32768xf32, #tpu.memory_space<hbm>> -> memref<1x32768xf32, #tpu.memory_space<hbm>>
      %dma_start3A_120 = tpu.memref_squeeze %dma_start3A_119 : memref<1x32768xf32, #tpu.memory_space<hbm>> -> memref<32768xf32, #tpu.memory_space<hbm>>
      tpu.enqueue_dma source(%dma_start3A_120 : memref<32768xf32, #tpu.memory_space<hbm>>) target(%run_scoped3A : memref<32768xf32, #tpu.memory_space<vmem>>) target_semaphore(%run_scoped3A_6 : memref<!tpu.dma_semaphore, #tpu.memory_space<semaphore_mem>>)
      %add3A_121 = arith.constant 3 : i32
      %add3A_122 = arith.addi %mul3A_2, %add3A_121 : i32
      %dma_wait3A_123 = arith.constant 0 : i32
      %dma_wait3A_124 = tpu.memref_slice %arg2[%add3A_122, %dma_wait3A_123] : memref<256x32768xf32, #tpu.memory_space<hbm>> -> memref<1x32768xf32, #tpu.memory_space<hbm>>
      %dma_wait3A_125 = tpu.memref_squeeze %dma_wait3A_124 : memref<1x32768xf32, #tpu.memory_space<hbm>> -> memref<32768xf32, #tpu.memory_space<hbm>>
      %dma_wait3A_126 = arith.constant 0 : i32
      %dma_wait3A_127 = tpu.memref_slice %arg2[%add3A_122, %dma_wait3A_126] : memref<256x32768xf32, #tpu.memory_space<hbm>> -> memref<1x32768xf32, #tpu.memory_space<hbm>>
      %dma_wait3A_128 = tpu.memref_squeeze %dma_wait3A_127 : memref<1x32768xf32, #tpu.memory_space<hbm>> -> memref<32768xf32, #tpu.memory_space<hbm>>
      tpu.wait_dma2 semaphore(%run_scoped3A_7 : memref<!tpu.dma_semaphore, #tpu.memory_space<semaphore_mem>>) src(%dma_wait3A_128 : memref<32768xf32, #tpu.memory_space<hbm>>) dst(%run_scoped3A_3 : memref<32768xf32, #tpu.memory_space<vmem>>)
      %add3A_129 = arith.constant 1 : i32
      %add3A_130 = arith.addi %mul3A_2, %add3A_129 : i32
      %dma_wait3A_131 = arith.constant 0 : i32
      %dma_wait3A_132 = tpu.memref_slice %arg3[%add3A_130, %dma_wait3A_131] : memref<256x32768xf32, #tpu.memory_space<hbm>> -> memref<1x32768xf32, #tpu.memory_space<hbm>>
      %dma_wait3A_133 = tpu.memref_squeeze %dma_wait3A_132 : memref<1x32768xf32, #tpu.memory_space<hbm>> -> memref<32768xf32, #tpu.memory_space<hbm>>
      %dma_wait3A_134 = arith.constant 0 : i32
      %dma_wait3A_135 = tpu.memref_slice %arg3[%add3A_130, %dma_wait3A_134] : memref<256x32768xf32, #tpu.memory_space<hbm>> -> memref<1x32768xf32, #tpu.memory_space<hbm>>
      %dma_wait3A_136 = tpu.memref_squeeze %dma_wait3A_135 : memref<1x32768xf32, #tpu.memory_space<hbm>> -> memref<32768xf32, #tpu.memory_space<hbm>>
      tpu.wait_dma2 semaphore(%run_scoped3A_9 : memref<!tpu.dma_semaphore, #tpu.memory_space<semaphore_mem>>) src(%run_scoped3A_5 : memref<32768xf32, #tpu.memory_space<vmem>>) dst(%dma_wait3A_136 : memref<32768xf32, #tpu.memory_space<hbm>>)
      %scan3A_137 = arith.constant 0 : i32
      %scan3A_138 = arith.constant 0 : i32
      %scan3A_139 = arith.constant 8 : i32
      %scan3A_140 = arith.addi %scan3A_138, %scan3A_139 : i32
      %scan3A_141 = arith.constant 1 : i32
      scf.for %scan3A_311 = %scan3A_138 to %scan3A_140 step %scan3A_141  : i32 {
        %broadcast_in_dim3A = arith.constant 0xFF800000 : f32
        %broadcast_in_dim3A_312 = vector.broadcast %broadcast_in_dim3A : f32 to vector<16xf32>
        %parallel_loop3A = arith.constant 0 : i32
        %parallel_loop3A_313 = arith.constant 32 : i32
        %parallel_loop3A_314 = arith.constant 1 : i32
        %parallel_loop3A_315 = scf.for %parallel_loop3A_323 = %parallel_loop3A to %parallel_loop3A_313 step %parallel_loop3A_314 iter_args(%parallel_loop3A_324 = %broadcast_in_dim3A_312) -> (vector<16xf32>)  : i32 {
          %parallel_loop3A_325 = arith.constant 8 : i32
          %parallel_loop3A_326 = arith.muli %parallel_loop3A_323, %parallel_loop3A_325 : i32
          %parallel_loop3A_327 = arith.addi %parallel_loop3A_326, %scan3A_311 : i32
          %parallel_loop3A_328 = arith.constant 128 : i32
          %parallel_loop3A_329 = arith.muli %parallel_loop3A_327, %parallel_loop3A_328 : i32
          %parallel_loop3A_330 = arith.constant 0 : i32
          %parallel_loop3A_331 = arith.addi %parallel_loop3A_329, %parallel_loop3A_330 : i32
          %parallel_loop3A_332 = arith.index_cast %parallel_loop3A_331 : i32 to index
          %parallel_loop3A_333 = tpu.vector_load %run_scoped3A_3[%parallel_loop3A_332] {strides = array<i32>} : memref<32768xf32, #tpu.memory_space<vmem>>, vector<16xf32>,
          %parallel_loop3A_334 = arith.maximumf %parallel_loop3A_324, %parallel_loop3A_333 : vector<16xf32>
          %parallel_loop3A_335 = arith.constant 8 : i32
          %parallel_loop3A_336 = arith.muli %parallel_loop3A_323, %parallel_loop3A_335 : i32
          %parallel_loop3A_337 = arith.addi %parallel_loop3A_336, %scan3A_311 : i32
          %parallel_loop3A_338 = arith.constant 128 : i32
          %parallel_loop3A_339 = arith.muli %parallel_loop3A_337, %parallel_loop3A_338 : i32
          %parallel_loop3A_340 = arith.constant 16 : i32
          %parallel_loop3A_341 = arith.addi %parallel_loop3A_339, %parallel_loop3A_340 : i32
          %parallel_loop3A_342 = arith.index_cast %parallel_loop3A_341 : i32 to index
          %parallel_loop3A_343 = tpu.vector_load %run_scoped3A_3[%parallel_loop3A_342] {strides = array<i32>} : memref<32768xf32, #tpu.memory_space<vmem>>, vector<16xf32>,
          %parallel_loop3A_344 = arith.maximumf %parallel_loop3A_334, %parallel_loop3A_343 : vector<16xf32>
          %parallel_loop3A_345 = arith.constant 8 : i32
          %parallel_loop3A_346 = arith.muli %parallel_loop3A_323, %parallel_loop3A_345 : i32
          %parallel_loop3A_347 = arith.addi %parallel_loop3A_346, %scan3A_311 : i32
          %parallel_loop3A_348 = arith.constant 128 : i32
          %parallel_loop3A_349 = arith.muli %parallel_loop3A_347, %parallel_loop3A_348 : i32
          %parallel_loop3A_350 = arith.constant 32 : i32
          %parallel_loop3A_351 = arith.addi %parallel_loop3A_349, %parallel_loop3A_350 : i32
          %parallel_loop3A_352 = arith.index_cast %parallel_loop3A_351 : i32 to index
          %parallel_loop3A_353 = tpu.vector_load %run_scoped3A_3[%parallel_loop3A_352] {strides = array<i32>} : memref<32768xf32, #tpu.memory_space<vmem>>, vector<16xf32>,
          %parallel_loop3A_354 = arith.maximumf %parallel_loop3A_344, %parallel_loop3A_353 : vector<16xf32>
          %parallel_loop3A_355 = arith.constant 8 : i32
          %parallel_loop3A_356 = arith.muli %parallel_loop3A_323, %parallel_loop3A_355 : i32
          %parallel_loop3A_357 = arith.addi %parallel_loop3A_356, %scan3A_311 : i32
          %parallel_loop3A_358 = arith.constant 128 : i32
          %parallel_loop3A_359 = arith.muli %parallel_loop3A_357, %parallel_loop3A_358 : i32
          %parallel_loop3A_360 = arith.constant 48 : i32
          %parallel_loop3A_361 = arith.addi %parallel_loop3A_359, %parallel_loop3A_360 : i32
          %parallel_loop3A_362 = arith.index_cast %parallel_loop3A_361 : i32 to index
          %parallel_loop3A_363 = tpu.vector_load %run_scoped3A_3[%parallel_loop3A_362] {strides = array<i32>} : memref<32768xf32, #tpu.memory_space<vmem>>, vector<16xf32>,
          %parallel_loop3A_364 = arith.maximumf %parallel_loop3A_354, %parallel_loop3A_363 : vector<16xf32>
          %parallel_loop3A_365 = arith.constant 8 : i32
          %parallel_loop3A_366 = arith.muli %parallel_loop3A_323, %parallel_loop3A_365 : i32
          %parallel_loop3A_367 = arith.addi %parallel_loop3A_366, %scan3A_311 : i32
          %parallel_loop3A_368 = arith.constant 128 : i32
          %parallel_loop3A_369 = arith.muli %parallel_loop3A_367, %parallel_loop3A_368 : i32
          %parallel_loop3A_370 = arith.constant 64 : i32
          %parallel_loop3A_371 = arith.addi %parallel_loop3A_369, %parallel_loop3A_370 : i32
          %parallel_loop3A_372 = arith.index_cast %parallel_loop3A_371 : i32 to index
          %parallel_loop3A_373 = tpu.vector_load %run_scoped3A_3[%parallel_loop3A_372] {strides = array<i32>} : memref<32768xf32, #tpu.memory_space<vmem>>, vector<16xf32>,
          %parallel_loop3A_374 = arith.maximumf %parallel_loop3A_364, %parallel_loop3A_373 : vector<16xf32>
          %parallel_loop3A_375 = arith.constant 8 : i32
          %parallel_loop3A_376 = arith.muli %parallel_loop3A_323, %parallel_loop3A_375 : i32
          %parallel_loop3A_377 = arith.addi %parallel_loop3A_376, %scan3A_311 : i32
          %parallel_loop3A_378 = arith.constant 128 : i32
          %parallel_loop3A_379 = arith.muli %parallel_loop3A_377, %parallel_loop3A_378 : i32
          %parallel_loop3A_380 = arith.constant 80 : i32
          %parallel_loop3A_381 = arith.addi %parallel_loop3A_379, %parallel_loop3A_380 : i32
          %parallel_loop3A_382 = arith.index_cast %parallel_loop3A_381 : i32 to index
          %parallel_loop3A_383 = tpu.vector_load %run_scoped3A_3[%parallel_loop3A_382] {strides = array<i32>} : memref<32768xf32, #tpu.memory_space<vmem>>, vector<16xf32>,
          %parallel_loop3A_384 = arith.maximumf %parallel_loop3A_374, %parallel_loop3A_383 : vector<16xf32>
          %parallel_loop3A_385 = arith.constant 8 : i32
          %parallel_loop3A_386 = arith.muli %parallel_loop3A_323, %parallel_loop3A_385 : i32
          %parallel_loop3A_387 = arith.addi %parallel_loop3A_386, %scan3A_311 : i32
          %parallel_loop3A_388 = arith.constant 128 : i32
          %parallel_loop3A_389 = arith.muli %parallel_loop3A_387, %parallel_loop3A_388 : i32
          %parallel_loop3A_390 = arith.constant 96 : i32
          %parallel_loop3A_391 = arith.addi %parallel_loop3A_389, %parallel_loop3A_390 : i32
          %parallel_loop3A_392 = arith.index_cast %parallel_loop3A_391 : i32 to index
          %parallel_loop3A_393 = tpu.vector_load %run_scoped3A_3[%parallel_loop3A_392] {strides = array<i32>} : memref<32768xf32, #tpu.memory_space<vmem>>, vector<16xf32>,
          %parallel_loop3A_394 = arith.maximumf %parallel_loop3A_384, %parallel_loop3A_393 : vector<16xf32>
          %parallel_loop3A_395 = arith.constant 8 : i32
          %parallel_loop3A_396 = arith.muli %parallel_loop3A_323, %parallel_loop3A_395 : i32
          %parallel_loop3A_397 = arith.addi %parallel_loop3A_396, %scan3A_311 : i32
          %parallel_loop3A_398 = arith.constant 128 : i32
          %parallel_loop3A_399 = arith.muli %parallel_loop3A_397, %parallel_loop3A_398 : i32
          %parallel_loop3A_400 = arith.constant 112 : i32
          %parallel_loop3A_401 = arith.addi %parallel_loop3A_399, %parallel_loop3A_400 : i32
          %parallel_loop3A_402 = arith.index_cast %parallel_loop3A_401 : i32 to index
          %parallel_loop3A_403 = tpu.vector_load %run_scoped3A_3[%parallel_loop3A_402] {strides = array<i32>} : memref<32768xf32, #tpu.memory_space<vmem>>, vector<16xf32>,
          %parallel_loop3A_404 = arith.maximumf %parallel_loop3A_394, %parallel_loop3A_403 : vector<16xf32>
          scf.yield %parallel_loop3A_404 : vector<16xf32>
        } {sc.loop_unroll_factor = 4 : i64, sc.parallel_access}
        %reduce_max3A = arith.constant true
        %reduce_max3A_316 = vector.broadcast %reduce_max3A : i1 to vector<16xi1>
        %reduce_max3A_317 = tpu.scan <max>, %parallel_loop3A_315 masked %reduce_max3A_316 : vector<16xf32>, vector<16xi1> -> vector<16xf32>
        %reduce_max3A_318 = vector.extract %reduce_max3A_317[15] : f32 from vector<16xf32>
        %broadcast_in_dim3A_319 = vector.broadcast %reduce_max3A_318 : f32 to vector<16xf32>
        %parallel_loop3A_320 = arith.constant 0 : i32
        %parallel_loop3A_321 = arith.constant 32 : i32
        %parallel_loop3A_322 = arith.constant 1 : i32
        scf.for %parallel_loop3A_323 = %parallel_loop3A_320 to %parallel_loop3A_321 step %parallel_loop3A_322  : i32 {
          %parallel_loop3A_324 = arith.constant 8 : i32
          %parallel_loop3A_325 = arith.muli %parallel_loop3A_323, %parallel_loop3A_324 : i32
          %parallel_loop3A_326 = arith.addi %parallel_loop3A_325, %scan3A_311 : i32
          %parallel_loop3A_327 = arith.constant 128 : i32
          %parallel_loop3A_328 = arith.muli %parallel_loop3A_326, %parallel_loop3A_327 : i32
          %parallel_loop3A_329 = arith.constant 0 : i32
          %parallel_loop3A_330 = arith.addi %parallel_loop3A_328, %parallel_loop3A_329 : i32
          %parallel_loop3A_331 = arith.index_cast %parallel_loop3A_330 : i32 to index
          %parallel_loop3A_332 = tpu.vector_load %run_scoped3A_3[%parallel_loop3A_331] {strides = array<i32>} : memref<32768xf32, #tpu.memory_space<vmem>>, vector<16xf32>,
          %parallel_loop3A_333 = arith.cmpf oeq, %parallel_loop3A_332, %broadcast_in_dim3A_319 : vector<16xf32>
          %parallel_loop3A_334 = arith.constant 1.000000e+00 : f32
          %parallel_loop3A_335 = arith.constant 0.000000e+00 : f32
          %parallel_loop3A_336 = vector.broadcast %parallel_loop3A_334 : f32 to vector<16xf32>
          %parallel_loop3A_337 = vector.broadcast %parallel_loop3A_335 : f32 to vector<16xf32>
          %parallel_loop3A_338 = arith.select %parallel_loop3A_333, %parallel_loop3A_336, %parallel_loop3A_337 : vector<16xi1>, vector<16xf32>
          %parallel_loop3A_339 = arith.constant 8 : i32
          %parallel_loop3A_340 = arith.muli %parallel_loop3A_323, %parallel_loop3A_339 : i32
          %parallel_loop3A_341 = arith.addi %parallel_loop3A_340, %scan3A_311 : i32
          %parallel_loop3A_342 = arith.constant 128 : i32
          %parallel_loop3A_343 = arith.muli %parallel_loop3A_341, %parallel_loop3A_342 : i32
          %parallel_loop3A_344 = arith.constant 0 : i32
          %parallel_loop3A_345 = arith.addi %parallel_loop3A_343, %parallel_loop3A_344 : i32
          %parallel_loop3A_346 = arith.index_cast %parallel_loop3A_345 : i32 to index
          %parallel_loop3A_347 = tpu.vector_load %run_scoped3A_5[%parallel_loop3A_346] {strides = array<i32>} : memref<32768xf32, #tpu.memory_space<vmem>>, vector<16xf32>,
          tpu.vector_store %run_scoped3A_5[%parallel_loop3A_346], %parallel_loop3A_338 {strides = array<i32>} : memref<32768xf32, #tpu.memory_space<vmem>>, vector<16xf32>,
          %parallel_loop3A_348 = arith.constant 8 : i32
          %parallel_loop3A_349 = arith.muli %parallel_loop3A_323, %parallel_loop3A_348 : i32
          %parallel_loop3A_350 = arith.addi %parallel_loop3A_349, %scan3A_311 : i32
          %parallel_loop3A_351 = arith.constant 128 : i32
          %parallel_loop3A_352 = arith.muli %parallel_loop3A_350, %parallel_loop3A_351 : i32
          %parallel_loop3A_353 = arith.constant 16 : i32
          %parallel_loop3A_354 = arith.addi %parallel_loop3A_352, %parallel_loop3A_353 : i32
          %parallel_loop3A_355 = arith.index_cast %parallel_loop3A_354 : i32 to index
          %parallel_loop3A_356 = tpu.vector_load %run_scoped3A_3[%parallel_loop3A_355] {strides = array<i32>} : memref<32768xf32, #tpu.memory_space<vmem>>, vector<16xf32>,
          %parallel_loop3A_357 = arith.cmpf oeq, %parallel_loop3A_356, %broadcast_in_dim3A_319 : vector<16xf32>
          %parallel_loop3A_358 = arith.constant 1.000000e+00 : f32
          %parallel_loop3A_359 = arith.constant 0.000000e+00 : f32
          %parallel_loop3A_360 = vector.broadcast %parallel_loop3A_358 : f32 to vector<16xf32>
          %parallel_loop3A_361 = vector.broadcast %parallel_loop3A_359 : f32 to vector<16xf32>
          %parallel_loop3A_362 = arith.select %parallel_loop3A_357, %parallel_loop3A_360, %parallel_loop3A_361 : vector<16xi1>, vector<16xf32>
          %parallel_loop3A_363 = arith.constant 8 : i32
          %parallel_loop3A_364 = arith.muli %parallel_loop3A_323, %parallel_loop3A_363 : i32
          %parallel_loop3A_365 = arith.addi %parallel_loop3A_364, %scan3A_311 : i32
          %parallel_loop3A_366 = arith.constant 128 : i32
          %parallel_loop3A_367 = arith.muli %parallel_loop3A_365, %parallel_loop3A_366 : i32
          %parallel_loop3A_368 = arith.constant 16 : i32
          %parallel_loop3A_369 = arith.addi %parallel_loop3A_367, %parallel_loop3A_368 : i32
          %parallel_loop3A_370 = arith.index_cast %parallel_loop3A_369 : i32 to index
          %parallel_loop3A_371 = tpu.vector_load %run_scoped3A_5[%parallel_loop3A_370] {strides = array<i32>} : memref<32768xf32, #tpu.memory_space<vmem>>, vector<16xf32>,
          tpu.vector_store %run_scoped3A_5[%parallel_loop3A_370], %parallel_loop3A_362 {strides = array<i32>} : memref<32768xf32, #tpu.memory_space<vmem>>, vector<16xf32>,
          %parallel_loop3A_372 = arith.constant 8 : i32
          %parallel_loop3A_373 = arith.muli %parallel_loop3A_323, %parallel_loop3A_372 : i32
          %parallel_loop3A_374 = arith.addi %parallel_loop3A_373, %scan3A_311 : i32
          %parallel_loop3A_375 = arith.constant 128 : i32
          %parallel_loop3A_376 = arith.muli %parallel_loop3A_374, %parallel_loop3A_375 : i32
          %parallel_loop3A_377 = arith.constant 32 : i32
          %parallel_loop3A_378 = arith.addi %parallel_loop3A_376, %parallel_loop3A_377 : i32
          %parallel_loop3A_379 = arith.index_cast %parallel_loop3A_378 : i32 to index
          %parallel_loop3A_380 = tpu.vector_load %run_scoped3A_3[%parallel_loop3A_379] {strides = array<i32>} : memref<32768xf32, #tpu.memory_space<vmem>>, vector<16xf32>,
          %parallel_loop3A_381 = arith.cmpf oeq, %parallel_loop3A_380, %broadcast_in_dim3A_319 : vector<16xf32>
          %parallel_loop3A_382 = arith.constant 1.000000e+00 : f32
          %parallel_loop3A_383 = arith.constant 0.000000e+00 : f32
          %parallel_loop3A_384 = vector.broadcast %parallel_loop3A_382 : f32 to vector<16xf32>
          %parallel_loop3A_385 = vector.broadcast %parallel_loop3A_383 : f32 to vector<16xf32>
          %parallel_loop3A_386 = arith.select %parallel_loop3A_381, %parallel_loop3A_384, %parallel_loop3A_385 : vector<16xi1>, vector<16xf32>
          %parallel_loop3A_387 = arith.constant 8 : i32
          %parallel_loop3A_388 = arith.muli %parallel_loop3A_323, %parallel_loop3A_387 : i32
          %parallel_loop3A_389 = arith.addi %parallel_loop3A_388, %scan3A_311 : i32
          %parallel_loop3A_390 = arith.constant 128 : i32
          %parallel_loop3A_391 = arith.muli %parallel_loop3A_389, %parallel_loop3A_390 : i32
          %parallel_loop3A_392 = arith.constant 32 : i32
          %parallel_loop3A_393 = arith.addi %parallel_loop3A_391, %parallel_loop3A_392 : i32
          %parallel_loop3A_394 = arith.index_cast %parallel_loop3A_393 : i32 to index
          %parallel_loop3A_395 = tpu.vector_load %run_scoped3A_5[%parallel_loop3A_394] {strides = array<i32>} : memref<32768xf32, #tpu.memory_space<vmem>>, vector<16xf32>,
          tpu.vector_store %run_scoped3A_5[%parallel_loop3A_394], %parallel_loop3A_386 {strides = array<i32>} : memref<32768xf32, #tpu.memory_space<vmem>>, vector<16xf32>,
          %parallel_loop3A_396 = arith.constant 8 : i32
          %parallel_loop3A_397 = arith.muli %parallel_loop3A_323, %parallel_loop3A_396 : i32
          %parallel_loop3A_398 = arith.addi %parallel_loop3A_397, %scan3A_311 : i32
          %parallel_loop3A_399 = arith.constant 128 : i32
          %parallel_loop3A_400 = arith.muli %parallel_loop3A_398, %parallel_loop3A_399 : i32
          %parallel_loop3A_401 = arith.constant 48 : i32
          %parallel_loop3A_402 = arith.addi %parallel_loop3A_400, %parallel_loop3A_401 : i32
          %parallel_loop3A_403 = arith.index_cast %parallel_loop3A_402 : i32 to index
          %parallel_loop3A_404 = tpu.vector_load %run_scoped3A_3[%parallel_loop3A_403] {strides = array<i32>} : memref<32768xf32, #tpu.memory_space<vmem>>, vector<16xf32>,
          %parallel_loop3A_405 = arith.cmpf oeq, %parallel_loop3A_404, %broadcast_in_dim3A_319 : vector<16xf32>
          %parallel_loop3A_406 = arith.constant 1.000000e+00 : f32
          %parallel_loop3A_407 = arith.constant 0.000000e+00 : f32
          %parallel_loop3A_408 = vector.broadcast %parallel_loop3A_406 : f32 to vector<16xf32>
          %parallel_loop3A_409 = vector.broadcast %parallel_loop3A_407 : f32 to vector<16xf32>
          %parallel_loop3A_410 = arith.select %parallel_loop3A_405, %parallel_loop3A_408, %parallel_loop3A_409 : vector<16xi1>, vector<16xf32>
          %parallel_loop3A_411 = arith.constant 8 : i32
          %parallel_loop3A_412 = arith.muli %parallel_loop3A_323, %parallel_loop3A_411 : i32
          %parallel_loop3A_413 = arith.addi %parallel_loop3A_412, %scan3A_311 : i32
          %parallel_loop3A_414 = arith.constant 128 : i32
          %parallel_loop3A_415 = arith.muli %parallel_loop3A_413, %parallel_loop3A_414 : i32
          %parallel_loop3A_416 = arith.constant 48 : i32
          %parallel_loop3A_417 = arith.addi %parallel_loop3A_415, %parallel_loop3A_416 : i32
          %parallel_loop3A_418 = arith.index_cast %parallel_loop3A_417 : i32 to index
          %parallel_loop3A_419 = tpu.vector_load %run_scoped3A_5[%parallel_loop3A_418] {strides = array<i32>} : memref<32768xf32, #tpu.memory_space<vmem>>, vector<16xf32>,
          tpu.vector_store %run_scoped3A_5[%parallel_loop3A_418], %parallel_loop3A_410 {strides = array<i32>} : memref<32768xf32, #tpu.memory_space<vmem>>, vector<16xf32>,
          %parallel_loop3A_420 = arith.constant 8 : i32
          %parallel_loop3A_421 = arith.muli %parallel_loop3A_323, %parallel_loop3A_420 : i32
          %parallel_loop3A_422 = arith.addi %parallel_loop3A_421, %scan3A_311 : i32
          %parallel_loop3A_423 = arith.constant 128 : i32
          %parallel_loop3A_424 = arith.muli %parallel_loop3A_422, %parallel_loop3A_423 : i32
          %parallel_loop3A_425 = arith.constant 64 : i32
          %parallel_loop3A_426 = arith.addi %parallel_loop3A_424, %parallel_loop3A_425 : i32
          %parallel_loop3A_427 = arith.index_cast %parallel_loop3A_426 : i32 to index
          %parallel_loop3A_428 = tpu.vector_load %run_scoped3A_3[%parallel_loop3A_427] {strides = array<i32>} : memref<32768xf32, #tpu.memory_space<vmem>>, vector<16xf32>,
          %parallel_loop3A_429 = arith.cmpf oeq, %parallel_loop3A_428, %broadcast_in_dim3A_319 : vector<16xf32>
          %parallel_loop3A_430 = arith.constant 1.000000e+00 : f32
          %parallel_loop3A_431 = arith.constant 0.000000e+00 : f32
          %parallel_loop3A_432 = vector.broadcast %parallel_loop3A_430 : f32 to vector<16xf32>
          %parallel_loop3A_433 = vector.broadcast %parallel_loop3A_431 : f32 to vector<16xf32>
          %parallel_loop3A_434 = arith.select %parallel_loop3A_429, %parallel_loop3A_432, %parallel_loop3A_433 : vector<16xi1>, vector<16xf32>
          %parallel_loop3A_435 = arith.constant 8 : i32
          %parallel_loop3A_436 = arith.muli %parallel_loop3A_323, %parallel_loop3A_435 : i32
          %parallel_loop3A_437 = arith.addi %parallel_loop3A_436, %scan3A_311 : i32
          %parallel_loop3A_438 = arith.constant 128 : i32
          %parallel_loop3A_439 = arith.muli %parallel_loop3A_437, %parallel_loop3A_438 : i32
          %parallel_loop3A_440 = arith.constant 64 : i32
          %parallel_loop3A_441 = arith.addi %parallel_loop3A_439, %parallel_loop3A_440 : i32
          %parallel_loop3A_442 = arith.index_cast %parallel_loop3A_441 : i32 to index
          %parallel_loop3A_443 = tpu.vector_load %run_scoped3A_5[%parallel_loop3A_442] {strides = array<i32>} : memref<32768xf32, #tpu.memory_space<vmem>>, vector<16xf32>,
          tpu.vector_store %run_scoped3A_5[%parallel_loop3A_442], %parallel_loop3A_434 {strides = array<i32>} : memref<32768xf32, #tpu.memory_space<vmem>>, vector<16xf32>,
          %parallel_loop3A_444 = arith.constant 8 : i32
          %parallel_loop3A_445 = arith.muli %parallel_loop3A_323, %parallel_loop3A_444 : i32
          %parallel_loop3A_446 = arith.addi %parallel_loop3A_445, %scan3A_311 : i32
          %parallel_loop3A_447 = arith.constant 128 : i32
          %parallel_loop3A_448 = arith.muli %parallel_loop3A_446, %parallel_loop3A_447 : i32
          %parallel_loop3A_449 = arith.constant 80 : i32
          %parallel_loop3A_450 = arith.addi %parallel_loop3A_448, %parallel_loop3A_449 : i32
          %parallel_loop3A_451 = arith.index_cast %parallel_loop3A_450 : i32 to index
          %parallel_loop3A_452 = tpu.vector_load %run_scoped3A_3[%parallel_loop3A_451] {strides = array<i32>} : memref<32768xf32, #tpu.memory_space<vmem>>, vector<16xf32>,
          %parallel_loop3A_453 = arith.cmpf oeq, %parallel_loop3A_452, %broadcast_in_dim3A_319 : vector<16xf32>
          %parallel_loop3A_454 = arith.constant 1.000000e+00 : f32
          %parallel_loop3A_455 = arith.constant 0.000000e+00 : f32
          %parallel_loop3A_456 = vector.broadcast %parallel_loop3A_454 : f32 to vector<16xf32>
          %parallel_loop3A_457 = vector.broadcast %parallel_loop3A_455 : f32 to vector<16xf32>
          %parallel_loop3A_458 = arith.select %parallel_loop3A_453, %parallel_loop3A_456, %parallel_loop3A_457 : vector<16xi1>, vector<16xf32>
          %parallel_loop3A_459 = arith.constant 8 : i32
          %parallel_loop3A_460 = arith.muli %parallel_loop3A_323, %parallel_loop3A_459 : i32
          %parallel_loop3A_461 = arith.addi %parallel_loop3A_460, %scan3A_311 : i32
          %parallel_loop3A_462 = arith.constant 128 : i32
          %parallel_loop3A_463 = arith.muli %parallel_loop3A_461, %parallel_loop3A_462 : i32
          %parallel_loop3A_464 = arith.constant 80 : i32
          %parallel_loop3A_465 = arith.addi %parallel_loop3A_463, %parallel_loop3A_464 : i32
          %parallel_loop3A_466 = arith.index_cast %parallel_loop3A_465 : i32 to index
          %parallel_loop3A_467 = tpu.vector_load %run_scoped3A_5[%parallel_loop3A_466] {strides = array<i32>} : memref<32768xf32, #tpu.memory_space<vmem>>, vector<16xf32>,
          tpu.vector_store %run_scoped3A_5[%parallel_loop3A_466], %parallel_loop3A_458 {strides = array<i32>} : memref<32768xf32, #tpu.memory_space<vmem>>, vector<16xf32>,
          %parallel_loop3A_468 = arith.constant 8 : i32
          %parallel_loop3A_469 = arith.muli %parallel_loop3A_323, %parallel_loop3A_468 : i32
          %parallel_loop3A_470 = arith.addi %parallel_loop3A_469, %scan3A_311 : i32
          %parallel_loop3A_471 = arith.constant 128 : i32
          %parallel_loop3A_472 = arith.muli %parallel_loop3A_470, %parallel_loop3A_471 : i32
          %parallel_loop3A_473 = arith.constant 96 : i32
          %parallel_loop3A_474 = arith.addi %parallel_loop3A_472, %parallel_loop3A_473 : i32
          %parallel_loop3A_475 = arith.index_cast %parallel_loop3A_474 : i32 to index
          %parallel_loop3A_476 = tpu.vector_load %run_scoped3A_3[%parallel_loop3A_475] {strides = array<i32>} : memref<32768xf32, #tpu.memory_space<vmem>>, vector<16xf32>,
          %parallel_loop3A_477 = arith.cmpf oeq, %parallel_loop3A_476, %broadcast_in_dim3A_319 : vector<16xf32>
          %parallel_loop3A_478 = arith.constant 1.000000e+00 : f32
          %parallel_loop3A_479 = arith.constant 0.000000e+00 : f32
          %parallel_loop3A_480 = vector.broadcast %parallel_loop3A_478 : f32 to vector<16xf32>
          %parallel_loop3A_481 = vector.broadcast %parallel_loop3A_479 : f32 to vector<16xf32>
          %parallel_loop3A_482 = arith.select %parallel_loop3A_477, %parallel_loop3A_480, %parallel_loop3A_481 : vector<16xi1>, vector<16xf32>
          %parallel_loop3A_483 = arith.constant 8 : i32
          %parallel_loop3A_484 = arith.muli %parallel_loop3A_323, %parallel_loop3A_483 : i32
          %parallel_loop3A_485 = arith.addi %parallel_loop3A_484, %scan3A_311 : i32
          %parallel_loop3A_486 = arith.constant 128 : i32
          %parallel_loop3A_487 = arith.muli %parallel_loop3A_485, %parallel_loop3A_486 : i32
          %parallel_loop3A_488 = arith.constant 96 : i32
          %parallel_loop3A_489 = arith.addi %parallel_loop3A_487, %parallel_loop3A_488 : i32
          %parallel_loop3A_490 = arith.index_cast %parallel_loop3A_489 : i32 to index
          %parallel_loop3A_491 = tpu.vector_load %run_scoped3A_5[%parallel_loop3A_490] {strides = array<i32>} : memref<32768xf32, #tpu.memory_space<vmem>>, vector<16xf32>,
          tpu.vector_store %run_scoped3A_5[%parallel_loop3A_490], %parallel_loop3A_482 {strides = array<i32>} : memref<32768xf32, #tpu.memory_space<vmem>>, vector<16xf32>,
          %parallel_loop3A_492 = arith.constant 8 : i32
          %parallel_loop3A_493 = arith.muli %parallel_loop3A_323, %parallel_loop3A_492 : i32
          %parallel_loop3A_494 = arith.addi %parallel_loop3A_493, %scan3A_311 : i32
          %parallel_loop3A_495 = arith.constant 128 : i32
          %parallel_loop3A_496 = arith.muli %parallel_loop3A_494, %parallel_loop3A_495 : i32
          %parallel_loop3A_497 = arith.constant 112 : i32
          %parallel_loop3A_498 = arith.addi %parallel_loop3A_496, %parallel_loop3A_497 : i32
          %parallel_loop3A_499 = arith.index_cast %parallel_loop3A_498 : i32 to index
          %parallel_loop3A_500 = tpu.vector_load %run_scoped3A_3[%parallel_loop3A_499] {strides = array<i32>} : memref<32768xf32, #tpu.memory_space<vmem>>, vector<16xf32>,
          %parallel_loop3A_501 = arith.cmpf oeq, %parallel_loop3A_500, %broadcast_in_dim3A_319 : vector<16xf32>
          %parallel_loop3A_502 = arith.constant 1.000000e+00 : f32
          %parallel_loop3A_503 = arith.constant 0.000000e+00 : f32
          %parallel_loop3A_504 = vector.broadcast %parallel_loop3A_502 : f32 to vector<16xf32>
          %parallel_loop3A_505 = vector.broadcast %parallel_loop3A_503 : f32 to vector<16xf32>
          %parallel_loop3A_506 = arith.select %parallel_loop3A_501, %parallel_loop3A_504, %parallel_loop3A_505 : vector<16xi1>, vector<16xf32>
          %parallel_loop3A_507 = arith.constant 8 : i32
          %parallel_loop3A_508 = arith.muli %parallel_loop3A_323, %parallel_loop3A_507 : i32
          %parallel_loop3A_509 = arith.addi %parallel_loop3A_508, %scan3A_311 : i32
          %parallel_loop3A_510 = arith.constant 128 : i32
          %parallel_loop3A_511 = arith.muli %parallel_loop3A_509, %parallel_loop3A_510 : i32
          %parallel_loop3A_512 = arith.constant 112 : i32
          %parallel_loop3A_513 = arith.addi %parallel_loop3A_511, %parallel_loop3A_512 : i32
          %parallel_loop3A_514 = arith.index_cast %parallel_loop3A_513 : i32 to index
          %parallel_loop3A_515 = tpu.vector_load %run_scoped3A_5[%parallel_loop3A_514] {strides = array<i32>} : memref<32768xf32, #tpu.memory_space<vmem>>, vector<16xf32>,
          tpu.vector_store %run_scoped3A_5[%parallel_loop3A_514], %parallel_loop3A_506 {strides = array<i32>} : memref<32768xf32, #tpu.memory_space<vmem>>, vector<16xf32>,
        } {sc.loop_unroll_factor = 4 : i64, sc.parallel_access}
      }
      %scan3A_142 = arith.constant 8 : i32
      %add3A_143 = arith.constant 3 : i32
      %add3A_144 = arith.addi %mul3A_2, %add3A_143 : i32
      %dma_start3A_145 = arith.constant 0 : i32
      %dma_start3A_146 = tpu.memref_slice %arg3[%add3A_144, %dma_start3A_145] : memref<256x32768xf32, #tpu.memory_space<hbm>> -> memref<1x32768xf32, #tpu.memory_space<hbm>>
      %dma_start3A_147 = tpu.memref_squeeze %dma_start3A_146 : memref<1x32768xf32, #tpu.memory_space<hbm>> -> memref<32768xf32, #tpu.memory_space<hbm>>
      %dma_start3A_148 = arith.constant 0 : i32
      %dma_start3A_149 = tpu.memref_slice %arg3[%add3A_144, %dma_start3A_148] : memref<256x32768xf32, #tpu.memory_space<hbm>> -> memref<1x32768xf32, #tpu.memory_space<hbm>>
      %dma_start3A_150 = tpu.memref_squeeze %dma_start3A_149 : memref<1x32768xf32, #tpu.memory_space<hbm>> -> memref<32768xf32, #tpu.memory_space<hbm>>
      tpu.enqueue_dma source(%run_scoped3A_5 : memref<32768xf32, #tpu.memory_space<vmem>>) target(%dma_start3A_150 : memref<32768xf32, #tpu.memory_space<hbm>>) target_semaphore(%run_scoped3A_9 : memref<!tpu.dma_semaphore, #tpu.memory_space<semaphore_mem>>)
      %add3A_151 = arith.constant 5 : i32
      %add3A_152 = arith.addi %mul3A_2, %add3A_151 : i32
      %dma_start3A_153 = arith.constant 0 : i32
      %dma_start3A_154 = tpu.memref_slice %arg2[%add3A_152, %dma_start3A_153] : memref<256x32768xf32, #tpu.memory_space<hbm>> -> memref<1x32768xf32, #tpu.memory_space<hbm>>
      %dma_start3A_155 = tpu.memref_squeeze %dma_start3A_154 : memref<1x32768xf32, #tpu.memory_space<hbm>> -> memref<32768xf32, #tpu.memory_space<hbm>>
      %dma_start3A_156 = arith.constant 0 : i32
      %dma_start3A_157 = tpu.memref_slice %arg2[%add3A_152, %dma_start3A_156] : memref<256x32768xf32, #tpu.memory_space<hbm>> -> memref<1x32768xf32, #tpu.memory_space<hbm>>
      %dma_start3A_158 = tpu.memref_squeeze %dma_start3A_157 : memref<1x32768xf32, #tpu.memory_space<hbm>> -> memref<32768xf32, #tpu.memory_space<hbm>>
      tpu.enqueue_dma source(%dma_start3A_158 : memref<32768xf32, #tpu.memory_space<hbm>>) target(%run_scoped3A_3 : memref<32768xf32, #tpu.memory_space<vmem>>) target_semaphore(%run_scoped3A_7 : memref<!tpu.dma_semaphore, #tpu.memory_space<semaphore_mem>>)
      %add3A_159 = arith.constant 4 : i32
      %add3A_160 = arith.addi %mul3A_2, %add3A_159 : i32
      %dma_wait3A_161 = arith.constant 0 : i32
      %dma_wait3A_162 = tpu.memref_slice %arg2[%add3A_160, %dma_wait3A_161] : memref<256x32768xf32, #tpu.memory_space<hbm>> -> memref<1x32768xf32, #tpu.memory_space<hbm>>
      %dma_wait3A_163 = tpu.memref_squeeze %dma_wait3A_162 : memref<1x32768xf32, #tpu.memory_space<hbm>> -> memref<32768xf32, #tpu.memory_space<hbm>>
      %dma_wait3A_164 = arith.constant 0 : i32
      %dma_wait3A_165 = tpu.memref_slice %arg2[%add3A_160, %dma_wait3A_164] : memref<256x32768xf32, #tpu.memory_space<hbm>> -> memref<1x32768xf32, #tpu.memory_space<hbm>>
      %dma_wait3A_166 = tpu.memref_squeeze %dma_wait3A_165 : memref<1x32768xf32, #tpu.memory_space<hbm>> -> memref<32768xf32, #tpu.memory_space<hbm>>
      tpu.wait_dma2 semaphore(%run_scoped3A_6 : memref<!tpu.dma_semaphore, #tpu.memory_space<semaphore_mem>>) src(%dma_wait3A_166 : memref<32768xf32, #tpu.memory_space<hbm>>) dst(%run_scoped3A : memref<32768xf32, #tpu.memory_space<vmem>>)
      %add3A_167 = arith.constant 2 : i32
      %add3A_168 = arith.addi %mul3A_2, %add3A_167 : i32
      %dma_wait3A_169 = arith.constant 0 : i32
      %dma_wait3A_170 = tpu.memref_slice %arg3[%add3A_168, %dma_wait3A_169] : memref<256x32768xf32, #tpu.memory_space<hbm>> -> memref<1x32768xf32, #tpu.memory_space<hbm>>
      %dma_wait3A_171 = tpu.memref_squeeze %dma_wait3A_170 : memref<1x32768xf32, #tpu.memory_space<hbm>> -> memref<32768xf32, #tpu.memory_space<hbm>>
      %dma_wait3A_172 = arith.constant 0 : i32
      %dma_wait3A_173 = tpu.memref_slice %arg3[%add3A_168, %dma_wait3A_172] : memref<256x32768xf32, #tpu.memory_space<hbm>> -> memref<1x32768xf32, #tpu.memory_space<hbm>>
      %dma_wait3A_174 = tpu.memref_squeeze %dma_wait3A_173 : memref<1x32768xf32, #tpu.memory_space<hbm>> -> memref<32768xf32, #tpu.memory_space<hbm>>
      tpu.wait_dma2 semaphore(%run_scoped3A_8 : memref<!tpu.dma_semaphore, #tpu.memory_space<semaphore_mem>>) src(%run_scoped3A_4 : memref<32768xf32, #tpu.memory_space<vmem>>) dst(%dma_wait3A_174 : memref<32768xf32, #tpu.memory_space<hbm>>)
      %scan3A_175 = arith.constant 0 : i32
      %scan3A_176 = arith.constant 0 : i32
      %scan3A_177 = arith.constant 8 : i32
      %scan3A_178 = arith.addi %scan3A_176, %scan3A_177 : i32
      %scan3A_179 = arith.constant 1 : i32
      scf.for %scan3A_311 = %scan3A_176 to %scan3A_178 step %scan3A_179  : i32 {
        %broadcast_in_dim3A = arith.constant 0xFF800000 : f32
        %broadcast_in_dim3A_312 = vector.broadcast %broadcast_in_dim3A : f32 to vector<16xf32>
        %parallel_loop3A = arith.constant 0 : i32
        %parallel_loop3A_313 = arith.constant 32 : i32
        %parallel_loop3A_314 = arith.constant 1 : i32
        %parallel_loop3A_315 = scf.for %parallel_loop3A_323 = %parallel_loop3A to %parallel_loop3A_313 step %parallel_loop3A_314 iter_args(%parallel_loop3A_324 = %broadcast_in_dim3A_312) -> (vector<16xf32>)  : i32 {
          %parallel_loop3A_325 = arith.constant 8 : i32
          %parallel_loop3A_326 = arith.muli %parallel_loop3A_323, %parallel_loop3A_325 : i32
          %parallel_loop3A_327 = arith.addi %parallel_loop3A_326, %scan3A_311 : i32
          %parallel_loop3A_328 = arith.constant 128 : i32
          %parallel_loop3A_329 = arith.muli %parallel_loop3A_327, %parallel_loop3A_328 : i32
          %parallel_loop3A_330 = arith.constant 0 : i32
          %parallel_loop3A_331 = arith.addi %parallel_loop3A_329, %parallel_loop3A_330 : i32
          %parallel_loop3A_332 = arith.index_cast %parallel_loop3A_331 : i32 to index
          %parallel_loop3A_333 = tpu.vector_load %run_scoped3A[%parallel_loop3A_332] {strides = array<i32>} : memref<32768xf32, #tpu.memory_space<vmem>>, vector<16xf32>,
          %parallel_loop3A_334 = arith.maximumf %parallel_loop3A_324, %parallel_loop3A_333 : vector<16xf32>
          %parallel_loop3A_335 = arith.constant 8 : i32
          %parallel_loop3A_336 = arith.muli %parallel_loop3A_323, %parallel_loop3A_335 : i32
          %parallel_loop3A_337 = arith.addi %parallel_loop3A_336, %scan3A_311 : i32
          %parallel_loop3A_338 = arith.constant 128 : i32
          %parallel_loop3A_339 = arith.muli %parallel_loop3A_337, %parallel_loop3A_338 : i32
          %parallel_loop3A_340 = arith.constant 16 : i32
          %parallel_loop3A_341 = arith.addi %parallel_loop3A_339, %parallel_loop3A_340 : i32
          %parallel_loop3A_342 = arith.index_cast %parallel_loop3A_341 : i32 to index
          %parallel_loop3A_343 = tpu.vector_load %run_scoped3A[%parallel_loop3A_342] {strides = array<i32>} : memref<32768xf32, #tpu.memory_space<vmem>>, vector<16xf32>,
          %parallel_loop3A_344 = arith.maximumf %parallel_loop3A_334, %parallel_loop3A_343 : vector<16xf32>
          %parallel_loop3A_345 = arith.constant 8 : i32
          %parallel_loop3A_346 = arith.muli %parallel_loop3A_323, %parallel_loop3A_345 : i32
          %parallel_loop3A_347 = arith.addi %parallel_loop3A_346, %scan3A_311 : i32
          %parallel_loop3A_348 = arith.constant 128 : i32
          %parallel_loop3A_349 = arith.muli %parallel_loop3A_347, %parallel_loop3A_348 : i32
          %parallel_loop3A_350 = arith.constant 32 : i32
          %parallel_loop3A_351 = arith.addi %parallel_loop3A_349, %parallel_loop3A_350 : i32
          %parallel_loop3A_352 = arith.index_cast %parallel_loop3A_351 : i32 to index
          %parallel_loop3A_353 = tpu.vector_load %run_scoped3A[%parallel_loop3A_352] {strides = array<i32>} : memref<32768xf32, #tpu.memory_space<vmem>>, vector<16xf32>,
          %parallel_loop3A_354 = arith.maximumf %parallel_loop3A_344, %parallel_loop3A_353 : vector<16xf32>
          %parallel_loop3A_355 = arith.constant 8 : i32
          %parallel_loop3A_356 = arith.muli %parallel_loop3A_323, %parallel_loop3A_355 : i32
          %parallel_loop3A_357 = arith.addi %parallel_loop3A_356, %scan3A_311 : i32
          %parallel_loop3A_358 = arith.constant 128 : i32
          %parallel_loop3A_359 = arith.muli %parallel_loop3A_357, %parallel_loop3A_358 : i32
          %parallel_loop3A_360 = arith.constant 48 : i32
          %parallel_loop3A_361 = arith.addi %parallel_loop3A_359, %parallel_loop3A_360 : i32
          %parallel_loop3A_362 = arith.index_cast %parallel_loop3A_361 : i32 to index
          %parallel_loop3A_363 = tpu.vector_load %run_scoped3A[%parallel_loop3A_362] {strides = array<i32>} : memref<32768xf32, #tpu.memory_space<vmem>>, vector<16xf32>,
          %parallel_loop3A_364 = arith.maximumf %parallel_loop3A_354, %parallel_loop3A_363 : vector<16xf32>
          %parallel_loop3A_365 = arith.constant 8 : i32
          %parallel_loop3A_366 = arith.muli %parallel_loop3A_323, %parallel_loop3A_365 : i32
          %parallel_loop3A_367 = arith.addi %parallel_loop3A_366, %scan3A_311 : i32
          %parallel_loop3A_368 = arith.constant 128 : i32
          %parallel_loop3A_369 = arith.muli %parallel_loop3A_367, %parallel_loop3A_368 : i32
          %parallel_loop3A_370 = arith.constant 64 : i32
          %parallel_loop3A_371 = arith.addi %parallel_loop3A_369, %parallel_loop3A_370 : i32
          %parallel_loop3A_372 = arith.index_cast %parallel_loop3A_371 : i32 to index
          %parallel_loop3A_373 = tpu.vector_load %run_scoped3A[%parallel_loop3A_372] {strides = array<i32>} : memref<32768xf32, #tpu.memory_space<vmem>>, vector<16xf32>,
          %parallel_loop3A_374 = arith.maximumf %parallel_loop3A_364, %parallel_loop3A_373 : vector<16xf32>
          %parallel_loop3A_375 = arith.constant 8 : i32
          %parallel_loop3A_376 = arith.muli %parallel_loop3A_323, %parallel_loop3A_375 : i32
          %parallel_loop3A_377 = arith.addi %parallel_loop3A_376, %scan3A_311 : i32
          %parallel_loop3A_378 = arith.constant 128 : i32
          %parallel_loop3A_379 = arith.muli %parallel_loop3A_377, %parallel_loop3A_378 : i32
          %parallel_loop3A_380 = arith.constant 80 : i32
          %parallel_loop3A_381 = arith.addi %parallel_loop3A_379, %parallel_loop3A_380 : i32
          %parallel_loop3A_382 = arith.index_cast %parallel_loop3A_381 : i32 to index
          %parallel_loop3A_383 = tpu.vector_load %run_scoped3A[%parallel_loop3A_382] {strides = array<i32>} : memref<32768xf32, #tpu.memory_space<vmem>>, vector<16xf32>,
          %parallel_loop3A_384 = arith.maximumf %parallel_loop3A_374, %parallel_loop3A_383 : vector<16xf32>
          %parallel_loop3A_385 = arith.constant 8 : i32
          %parallel_loop3A_386 = arith.muli %parallel_loop3A_323, %parallel_loop3A_385 : i32
          %parallel_loop3A_387 = arith.addi %parallel_loop3A_386, %scan3A_311 : i32
          %parallel_loop3A_388 = arith.constant 128 : i32
          %parallel_loop3A_389 = arith.muli %parallel_loop3A_387, %parallel_loop3A_388 : i32
          %parallel_loop3A_390 = arith.constant 96 : i32
          %parallel_loop3A_391 = arith.addi %parallel_loop3A_389, %parallel_loop3A_390 : i32
          %parallel_loop3A_392 = arith.index_cast %parallel_loop3A_391 : i32 to index
          %parallel_loop3A_393 = tpu.vector_load %run_scoped3A[%parallel_loop3A_392] {strides = array<i32>} : memref<32768xf32, #tpu.memory_space<vmem>>, vector<16xf32>,
          %parallel_loop3A_394 = arith.maximumf %parallel_loop3A_384, %parallel_loop3A_393 : vector<16xf32>
          %parallel_loop3A_395 = arith.constant 8 : i32
          %parallel_loop3A_396 = arith.muli %parallel_loop3A_323, %parallel_loop3A_395 : i32
          %parallel_loop3A_397 = arith.addi %parallel_loop3A_396, %scan3A_311 : i32
          %parallel_loop3A_398 = arith.constant 128 : i32
          %parallel_loop3A_399 = arith.muli %parallel_loop3A_397, %parallel_loop3A_398 : i32
          %parallel_loop3A_400 = arith.constant 112 : i32
          %parallel_loop3A_401 = arith.addi %parallel_loop3A_399, %parallel_loop3A_400 : i32
          %parallel_loop3A_402 = arith.index_cast %parallel_loop3A_401 : i32 to index
          %parallel_loop3A_403 = tpu.vector_load %run_scoped3A[%parallel_loop3A_402] {strides = array<i32>} : memref<32768xf32, #tpu.memory_space<vmem>>, vector<16xf32>,
          %parallel_loop3A_404 = arith.maximumf %parallel_loop3A_394, %parallel_loop3A_403 : vector<16xf32>
          scf.yield %parallel_loop3A_404 : vector<16xf32>
        } {sc.loop_unroll_factor = 4 : i64, sc.parallel_access}
        %reduce_max3A = arith.constant true
        %reduce_max3A_316 = vector.broadcast %reduce_max3A : i1 to vector<16xi1>
        %reduce_max3A_317 = tpu.scan <max>, %parallel_loop3A_315 masked %reduce_max3A_316 : vector<16xf32>, vector<16xi1> -> vector<16xf32>
        %reduce_max3A_318 = vector.extract %reduce_max3A_317[15] : f32 from vector<16xf32>
        %broadcast_in_dim3A_319 = vector.broadcast %reduce_max3A_318 : f32 to vector<16xf32>
        %parallel_loop3A_320 = arith.constant 0 : i32
        %parallel_loop3A_321 = arith.constant 32 : i32
        %parallel_loop3A_322 = arith.constant 1 : i32
        scf.for %parallel_loop3A_323 = %parallel_loop3A_320 to %parallel_loop3A_321 step %parallel_loop3A_322  : i32 {
          %parallel_loop3A_324 = arith.constant 8 : i32
          %parallel_loop3A_325 = arith.muli %parallel_loop3A_323, %parallel_loop3A_324 : i32
          %parallel_loop3A_326 = arith.addi %parallel_loop3A_325, %scan3A_311 : i32
          %parallel_loop3A_327 = arith.constant 128 : i32
          %parallel_loop3A_328 = arith.muli %parallel_loop3A_326, %parallel_loop3A_327 : i32
          %parallel_loop3A_329 = arith.constant 0 : i32
          %parallel_loop3A_330 = arith.addi %parallel_loop3A_328, %parallel_loop3A_329 : i32
          %parallel_loop3A_331 = arith.index_cast %parallel_loop3A_330 : i32 to index
          %parallel_loop3A_332 = tpu.vector_load %run_scoped3A[%parallel_loop3A_331] {strides = array<i32>} : memref<32768xf32, #tpu.memory_space<vmem>>, vector<16xf32>,
          %parallel_loop3A_333 = arith.cmpf oeq, %parallel_loop3A_332, %broadcast_in_dim3A_319 : vector<16xf32>
          %parallel_loop3A_334 = arith.constant 1.000000e+00 : f32
          %parallel_loop3A_335 = arith.constant 0.000000e+00 : f32
          %parallel_loop3A_336 = vector.broadcast %parallel_loop3A_334 : f32 to vector<16xf32>
          %parallel_loop3A_337 = vector.broadcast %parallel_loop3A_335 : f32 to vector<16xf32>
          %parallel_loop3A_338 = arith.select %parallel_loop3A_333, %parallel_loop3A_336, %parallel_loop3A_337 : vector<16xi1>, vector<16xf32>
          %parallel_loop3A_339 = arith.constant 8 : i32
          %parallel_loop3A_340 = arith.muli %parallel_loop3A_323, %parallel_loop3A_339 : i32
          %parallel_loop3A_341 = arith.addi %parallel_loop3A_340, %scan3A_311 : i32
          %parallel_loop3A_342 = arith.constant 128 : i32
          %parallel_loop3A_343 = arith.muli %parallel_loop3A_341, %parallel_loop3A_342 : i32
          %parallel_loop3A_344 = arith.constant 0 : i32
          %parallel_loop3A_345 = arith.addi %parallel_loop3A_343, %parallel_loop3A_344 : i32
          %parallel_loop3A_346 = arith.index_cast %parallel_loop3A_345 : i32 to index
          %parallel_loop3A_347 = tpu.vector_load %run_scoped3A_4[%parallel_loop3A_346] {strides = array<i32>} : memref<32768xf32, #tpu.memory_space<vmem>>, vector<16xf32>,
          tpu.vector_store %run_scoped3A_4[%parallel_loop3A_346], %parallel_loop3A_338 {strides = array<i32>} : memref<32768xf32, #tpu.memory_space<vmem>>, vector<16xf32>,
          %parallel_loop3A_348 = arith.constant 8 : i32
          %parallel_loop3A_349 = arith.muli %parallel_loop3A_323, %parallel_loop3A_348 : i32
          %parallel_loop3A_350 = arith.addi %parallel_loop3A_349, %scan3A_311 : i32
          %parallel_loop3A_351 = arith.constant 128 : i32
          %parallel_loop3A_352 = arith.muli %parallel_loop3A_350, %parallel_loop3A_351 : i32
          %parallel_loop3A_353 = arith.constant 16 : i32
          %parallel_loop3A_354 = arith.addi %parallel_loop3A_352, %parallel_loop3A_353 : i32
          %parallel_loop3A_355 = arith.index_cast %parallel_loop3A_354 : i32 to index
          %parallel_loop3A_356 = tpu.vector_load %run_scoped3A[%parallel_loop3A_355] {strides = array<i32>} : memref<32768xf32, #tpu.memory_space<vmem>>, vector<16xf32>,
          %parallel_loop3A_357 = arith.cmpf oeq, %parallel_loop3A_356, %broadcast_in_dim3A_319 : vector<16xf32>
          %parallel_loop3A_358 = arith.constant 1.000000e+00 : f32
          %parallel_loop3A_359 = arith.constant 0.000000e+00 : f32
          %parallel_loop3A_360 = vector.broadcast %parallel_loop3A_358 : f32 to vector<16xf32>
          %parallel_loop3A_361 = vector.broadcast %parallel_loop3A_359 : f32 to vector<16xf32>
          %parallel_loop3A_362 = arith.select %parallel_loop3A_357, %parallel_loop3A_360, %parallel_loop3A_361 : vector<16xi1>, vector<16xf32>
          %parallel_loop3A_363 = arith.constant 8 : i32
          %parallel_loop3A_364 = arith.muli %parallel_loop3A_323, %parallel_loop3A_363 : i32
          %parallel_loop3A_365 = arith.addi %parallel_loop3A_364, %scan3A_311 : i32
          %parallel_loop3A_366 = arith.constant 128 : i32
          %parallel_loop3A_367 = arith.muli %parallel_loop3A_365, %parallel_loop3A_366 : i32
          %parallel_loop3A_368 = arith.constant 16 : i32
          %parallel_loop3A_369 = arith.addi %parallel_loop3A_367, %parallel_loop3A_368 : i32
          %parallel_loop3A_370 = arith.index_cast %parallel_loop3A_369 : i32 to index
          %parallel_loop3A_371 = tpu.vector_load %run_scoped3A_4[%parallel_loop3A_370] {strides = array<i32>} : memref<32768xf32, #tpu.memory_space<vmem>>, vector<16xf32>,
          tpu.vector_store %run_scoped3A_4[%parallel_loop3A_370], %parallel_loop3A_362 {strides = array<i32>} : memref<32768xf32, #tpu.memory_space<vmem>>, vector<16xf32>,
          %parallel_loop3A_372 = arith.constant 8 : i32
          %parallel_loop3A_373 = arith.muli %parallel_loop3A_323, %parallel_loop3A_372 : i32
          %parallel_loop3A_374 = arith.addi %parallel_loop3A_373, %scan3A_311 : i32
          %parallel_loop3A_375 = arith.constant 128 : i32
          %parallel_loop3A_376 = arith.muli %parallel_loop3A_374, %parallel_loop3A_375 : i32
          %parallel_loop3A_377 = arith.constant 32 : i32
          %parallel_loop3A_378 = arith.addi %parallel_loop3A_376, %parallel_loop3A_377 : i32
          %parallel_loop3A_379 = arith.index_cast %parallel_loop3A_378 : i32 to index
          %parallel_loop3A_380 = tpu.vector_load %run_scoped3A[%parallel_loop3A_379] {strides = array<i32>} : memref<32768xf32, #tpu.memory_space<vmem>>, vector<16xf32>,
          %parallel_loop3A_381 = arith.cmpf oeq, %parallel_loop3A_380, %broadcast_in_dim3A_319 : vector<16xf32>
          %parallel_loop3A_382 = arith.constant 1.000000e+00 : f32
          %parallel_loop3A_383 = arith.constant 0.000000e+00 : f32
          %parallel_loop3A_384 = vector.broadcast %parallel_loop3A_382 : f32 to vector<16xf32>
          %parallel_loop3A_385 = vector.broadcast %parallel_loop3A_383 : f32 to vector<16xf32>
          %parallel_loop3A_386 = arith.select %parallel_loop3A_381, %parallel_loop3A_384, %parallel_loop3A_385 : vector<16xi1>, vector<16xf32>
          %parallel_loop3A_387 = arith.constant 8 : i32
          %parallel_loop3A_388 = arith.muli %parallel_loop3A_323, %parallel_loop3A_387 : i32
          %parallel_loop3A_389 = arith.addi %parallel_loop3A_388, %scan3A_311 : i32
          %parallel_loop3A_390 = arith.constant 128 : i32
          %parallel_loop3A_391 = arith.muli %parallel_loop3A_389, %parallel_loop3A_390 : i32
          %parallel_loop3A_392 = arith.constant 32 : i32
          %parallel_loop3A_393 = arith.addi %parallel_loop3A_391, %parallel_loop3A_392 : i32
          %parallel_loop3A_394 = arith.index_cast %parallel_loop3A_393 : i32 to index
          %parallel_loop3A_395 = tpu.vector_load %run_scoped3A_4[%parallel_loop3A_394] {strides = array<i32>} : memref<32768xf32, #tpu.memory_space<vmem>>, vector<16xf32>,
          tpu.vector_store %run_scoped3A_4[%parallel_loop3A_394], %parallel_loop3A_386 {strides = array<i32>} : memref<32768xf32, #tpu.memory_space<vmem>>, vector<16xf32>,
          %parallel_loop3A_396 = arith.constant 8 : i32
          %parallel_loop3A_397 = arith.muli %parallel_loop3A_323, %parallel_loop3A_396 : i32
          %parallel_loop3A_398 = arith.addi %parallel_loop3A_397, %scan3A_311 : i32
          %parallel_loop3A_399 = arith.constant 128 : i32
          %parallel_loop3A_400 = arith.muli %parallel_loop3A_398, %parallel_loop3A_399 : i32
          %parallel_loop3A_401 = arith.constant 48 : i32
          %parallel_loop3A_402 = arith.addi %parallel_loop3A_400, %parallel_loop3A_401 : i32
          %parallel_loop3A_403 = arith.index_cast %parallel_loop3A_402 : i32 to index
          %parallel_loop3A_404 = tpu.vector_load %run_scoped3A[%parallel_loop3A_403] {strides = array<i32>} : memref<32768xf32, #tpu.memory_space<vmem>>, vector<16xf32>,
          %parallel_loop3A_405 = arith.cmpf oeq, %parallel_loop3A_404, %broadcast_in_dim3A_319 : vector<16xf32>
          %parallel_loop3A_406 = arith.constant 1.000000e+00 : f32
          %parallel_loop3A_407 = arith.constant 0.000000e+00 : f32
          %parallel_loop3A_408 = vector.broadcast %parallel_loop3A_406 : f32 to vector<16xf32>
          %parallel_loop3A_409 = vector.broadcast %parallel_loop3A_407 : f32 to vector<16xf32>
          %parallel_loop3A_410 = arith.select %parallel_loop3A_405, %parallel_loop3A_408, %parallel_loop3A_409 : vector<16xi1>, vector<16xf32>
          %parallel_loop3A_411 = arith.constant 8 : i32
          %parallel_loop3A_412 = arith.muli %parallel_loop3A_323, %parallel_loop3A_411 : i32
          %parallel_loop3A_413 = arith.addi %parallel_loop3A_412, %scan3A_311 : i32
          %parallel_loop3A_414 = arith.constant 128 : i32
          %parallel_loop3A_415 = arith.muli %parallel_loop3A_413, %parallel_loop3A_414 : i32
          %parallel_loop3A_416 = arith.constant 48 : i32
          %parallel_loop3A_417 = arith.addi %parallel_loop3A_415, %parallel_loop3A_416 : i32
          %parallel_loop3A_418 = arith.index_cast %parallel_loop3A_417 : i32 to index
          %parallel_loop3A_419 = tpu.vector_load %run_scoped3A_4[%parallel_loop3A_418] {strides = array<i32>} : memref<32768xf32, #tpu.memory_space<vmem>>, vector<16xf32>,
          tpu.vector_store %run_scoped3A_4[%parallel_loop3A_418], %parallel_loop3A_410 {strides = array<i32>} : memref<32768xf32, #tpu.memory_space<vmem>>, vector<16xf32>,
          %parallel_loop3A_420 = arith.constant 8 : i32
          %parallel_loop3A_421 = arith.muli %parallel_loop3A_323, %parallel_loop3A_420 : i32
          %parallel_loop3A_422 = arith.addi %parallel_loop3A_421, %scan3A_311 : i32
          %parallel_loop3A_423 = arith.constant 128 : i32
          %parallel_loop3A_424 = arith.muli %parallel_loop3A_422, %parallel_loop3A_423 : i32
          %parallel_loop3A_425 = arith.constant 64 : i32
          %parallel_loop3A_426 = arith.addi %parallel_loop3A_424, %parallel_loop3A_425 : i32
          %parallel_loop3A_427 = arith.index_cast %parallel_loop3A_426 : i32 to index
          %parallel_loop3A_428 = tpu.vector_load %run_scoped3A[%parallel_loop3A_427] {strides = array<i32>} : memref<32768xf32, #tpu.memory_space<vmem>>, vector<16xf32>,
          %parallel_loop3A_429 = arith.cmpf oeq, %parallel_loop3A_428, %broadcast_in_dim3A_319 : vector<16xf32>
          %parallel_loop3A_430 = arith.constant 1.000000e+00 : f32
          %parallel_loop3A_431 = arith.constant 0.000000e+00 : f32
          %parallel_loop3A_432 = vector.broadcast %parallel_loop3A_430 : f32 to vector<16xf32>
          %parallel_loop3A_433 = vector.broadcast %parallel_loop3A_431 : f32 to vector<16xf32>
          %parallel_loop3A_434 = arith.select %parallel_loop3A_429, %parallel_loop3A_432, %parallel_loop3A_433 : vector<16xi1>, vector<16xf32>
          %parallel_loop3A_435 = arith.constant 8 : i32
          %parallel_loop3A_436 = arith.muli %parallel_loop3A_323, %parallel_loop3A_435 : i32
          %parallel_loop3A_437 = arith.addi %parallel_loop3A_436, %scan3A_311 : i32
          %parallel_loop3A_438 = arith.constant 128 : i32
          %parallel_loop3A_439 = arith.muli %parallel_loop3A_437, %parallel_loop3A_438 : i32
          %parallel_loop3A_440 = arith.constant 64 : i32
          %parallel_loop3A_441 = arith.addi %parallel_loop3A_439, %parallel_loop3A_440 : i32
          %parallel_loop3A_442 = arith.index_cast %parallel_loop3A_441 : i32 to index
          %parallel_loop3A_443 = tpu.vector_load %run_scoped3A_4[%parallel_loop3A_442] {strides = array<i32>} : memref<32768xf32, #tpu.memory_space<vmem>>, vector<16xf32>,
          tpu.vector_store %run_scoped3A_4[%parallel_loop3A_442], %parallel_loop3A_434 {strides = array<i32>} : memref<32768xf32, #tpu.memory_space<vmem>>, vector<16xf32>,
          %parallel_loop3A_444 = arith.constant 8 : i32
          %parallel_loop3A_445 = arith.muli %parallel_loop3A_323, %parallel_loop3A_444 : i32
          %parallel_loop3A_446 = arith.addi %parallel_loop3A_445, %scan3A_311 : i32
          %parallel_loop3A_447 = arith.constant 128 : i32
          %parallel_loop3A_448 = arith.muli %parallel_loop3A_446, %parallel_loop3A_447 : i32
          %parallel_loop3A_449 = arith.constant 80 : i32
          %parallel_loop3A_450 = arith.addi %parallel_loop3A_448, %parallel_loop3A_449 : i32
          %parallel_loop3A_451 = arith.index_cast %parallel_loop3A_450 : i32 to index
          %parallel_loop3A_452 = tpu.vector_load %run_scoped3A[%parallel_loop3A_451] {strides = array<i32>} : memref<32768xf32, #tpu.memory_space<vmem>>, vector<16xf32>,
          %parallel_loop3A_453 = arith.cmpf oeq, %parallel_loop3A_452, %broadcast_in_dim3A_319 : vector<16xf32>
          %parallel_loop3A_454 = arith.constant 1.000000e+00 : f32
          %parallel_loop3A_455 = arith.constant 0.000000e+00 : f32
          %parallel_loop3A_456 = vector.broadcast %parallel_loop3A_454 : f32 to vector<16xf32>
          %parallel_loop3A_457 = vector.broadcast %parallel_loop3A_455 : f32 to vector<16xf32>
          %parallel_loop3A_458 = arith.select %parallel_loop3A_453, %parallel_loop3A_456, %parallel_loop3A_457 : vector<16xi1>, vector<16xf32>
          %parallel_loop3A_459 = arith.constant 8 : i32
          %parallel_loop3A_460 = arith.muli %parallel_loop3A_323, %parallel_loop3A_459 : i32
          %parallel_loop3A_461 = arith.addi %parallel_loop3A_460, %scan3A_311 : i32
          %parallel_loop3A_462 = arith.constant 128 : i32
          %parallel_loop3A_463 = arith.muli %parallel_loop3A_461, %parallel_loop3A_462 : i32
          %parallel_loop3A_464 = arith.constant 80 : i32
          %parallel_loop3A_465 = arith.addi %parallel_loop3A_463, %parallel_loop3A_464 : i32
          %parallel_loop3A_466 = arith.index_cast %parallel_loop3A_465 : i32 to index
          %parallel_loop3A_467 = tpu.vector_load %run_scoped3A_4[%parallel_loop3A_466] {strides = array<i32>} : memref<32768xf32, #tpu.memory_space<vmem>>, vector<16xf32>,
          tpu.vector_store %run_scoped3A_4[%parallel_loop3A_466], %parallel_loop3A_458 {strides = array<i32>} : memref<32768xf32, #tpu.memory_space<vmem>>, vector<16xf32>,
          %parallel_loop3A_468 = arith.constant 8 : i32
          %parallel_loop3A_469 = arith.muli %parallel_loop3A_323, %parallel_loop3A_468 : i32
          %parallel_loop3A_470 = arith.addi %parallel_loop3A_469, %scan3A_311 : i32
          %parallel_loop3A_471 = arith.constant 128 : i32
          %parallel_loop3A_472 = arith.muli %parallel_loop3A_470, %parallel_loop3A_471 : i32
          %parallel_loop3A_473 = arith.constant 96 : i32
          %parallel_loop3A_474 = arith.addi %parallel_loop3A_472, %parallel_loop3A_473 : i32
          %parallel_loop3A_475 = arith.index_cast %parallel_loop3A_474 : i32 to index
          %parallel_loop3A_476 = tpu.vector_load %run_scoped3A[%parallel_loop3A_475] {strides = array<i32>} : memref<32768xf32, #tpu.memory_space<vmem>>, vector<16xf32>,
          %parallel_loop3A_477 = arith.cmpf oeq, %parallel_loop3A_476, %broadcast_in_dim3A_319 : vector<16xf32>
          %parallel_loop3A_478 = arith.constant 1.000000e+00 : f32
          %parallel_loop3A_479 = arith.constant 0.000000e+00 : f32
          %parallel_loop3A_480 = vector.broadcast %parallel_loop3A_478 : f32 to vector<16xf32>
          %parallel_loop3A_481 = vector.broadcast %parallel_loop3A_479 : f32 to vector<16xf32>
          %parallel_loop3A_482 = arith.select %parallel_loop3A_477, %parallel_loop3A_480, %parallel_loop3A_481 : vector<16xi1>, vector<16xf32>
          %parallel_loop3A_483 = arith.constant 8 : i32
          %parallel_loop3A_484 = arith.muli %parallel_loop3A_323, %parallel_loop3A_483 : i32
          %parallel_loop3A_485 = arith.addi %parallel_loop3A_484, %scan3A_311 : i32
          %parallel_loop3A_486 = arith.constant 128 : i32
          %parallel_loop3A_487 = arith.muli %parallel_loop3A_485, %parallel_loop3A_486 : i32
          %parallel_loop3A_488 = arith.constant 96 : i32
          %parallel_loop3A_489 = arith.addi %parallel_loop3A_487, %parallel_loop3A_488 : i32
          %parallel_loop3A_490 = arith.index_cast %parallel_loop3A_489 : i32 to index
          %parallel_loop3A_491 = tpu.vector_load %run_scoped3A_4[%parallel_loop3A_490] {strides = array<i32>} : memref<32768xf32, #tpu.memory_space<vmem>>, vector<16xf32>,
          tpu.vector_store %run_scoped3A_4[%parallel_loop3A_490], %parallel_loop3A_482 {strides = array<i32>} : memref<32768xf32, #tpu.memory_space<vmem>>, vector<16xf32>,
          %parallel_loop3A_492 = arith.constant 8 : i32
          %parallel_loop3A_493 = arith.muli %parallel_loop3A_323, %parallel_loop3A_492 : i32
          %parallel_loop3A_494 = arith.addi %parallel_loop3A_493, %scan3A_311 : i32
          %parallel_loop3A_495 = arith.constant 128 : i32
          %parallel_loop3A_496 = arith.muli %parallel_loop3A_494, %parallel_loop3A_495 : i32
          %parallel_loop3A_497 = arith.constant 112 : i32
          %parallel_loop3A_498 = arith.addi %parallel_loop3A_496, %parallel_loop3A_497 : i32
          %parallel_loop3A_499 = arith.index_cast %parallel_loop3A_498 : i32 to index
          %parallel_loop3A_500 = tpu.vector_load %run_scoped3A[%parallel_loop3A_499] {strides = array<i32>} : memref<32768xf32, #tpu.memory_space<vmem>>, vector<16xf32>,
          %parallel_loop3A_501 = arith.cmpf oeq, %parallel_loop3A_500, %broadcast_in_dim3A_319 : vector<16xf32>
          %parallel_loop3A_502 = arith.constant 1.000000e+00 : f32
          %parallel_loop3A_503 = arith.constant 0.000000e+00 : f32
          %parallel_loop3A_504 = vector.broadcast %parallel_loop3A_502 : f32 to vector<16xf32>
          %parallel_loop3A_505 = vector.broadcast %parallel_loop3A_503 : f32 to vector<16xf32>
          %parallel_loop3A_506 = arith.select %parallel_loop3A_501, %parallel_loop3A_504, %parallel_loop3A_505 : vector<16xi1>, vector<16xf32>
          %parallel_loop3A_507 = arith.constant 8 : i32
          %parallel_loop3A_508 = arith.muli %parallel_loop3A_323, %parallel_loop3A_507 : i32
          %parallel_loop3A_509 = arith.addi %parallel_loop3A_508, %scan3A_311 : i32
          %parallel_loop3A_510 = arith.constant 128 : i32
          %parallel_loop3A_511 = arith.muli %parallel_loop3A_509, %parallel_loop3A_510 : i32
          %parallel_loop3A_512 = arith.constant 112 : i32
          %parallel_loop3A_513 = arith.addi %parallel_loop3A_511, %parallel_loop3A_512 : i32
          %parallel_loop3A_514 = arith.index_cast %parallel_loop3A_513 : i32 to index
          %parallel_loop3A_515 = tpu.vector_load %run_scoped3A_4[%parallel_loop3A_514] {strides = array<i32>} : memref<32768xf32, #tpu.memory_space<vmem>>, vector<16xf32>,
          tpu.vector_store %run_scoped3A_4[%parallel_loop3A_514], %parallel_loop3A_506 {strides = array<i32>} : memref<32768xf32, #tpu.memory_space<vmem>>, vector<16xf32>,
        } {sc.loop_unroll_factor = 4 : i64, sc.parallel_access}
      }
      %scan3A_180 = arith.constant 8 : i32
      %add3A_181 = arith.constant 4 : i32
      %add3A_182 = arith.addi %mul3A_2, %add3A_181 : i32
      %dma_start3A_183 = arith.constant 0 : i32
      %dma_start3A_184 = tpu.memref_slice %arg3[%add3A_182, %dma_start3A_183] : memref<256x32768xf32, #tpu.memory_space<hbm>> -> memref<1x32768xf32, #tpu.memory_space<hbm>>
      %dma_start3A_185 = tpu.memref_squeeze %dma_start3A_184 : memref<1x32768xf32, #tpu.memory_space<hbm>> -> memref<32768xf32, #tpu.memory_space<hbm>>
      %dma_start3A_186 = arith.constant 0 : i32
      %dma_start3A_187 = tpu.memref_slice %arg3[%add3A_182, %dma_start3A_186] : memref<256x32768xf32, #tpu.memory_space<hbm>> -> memref<1x32768xf32, #tpu.memory_space<hbm>>
      %dma_start3A_188 = tpu.memref_squeeze %dma_start3A_187 : memref<1x32768xf32, #tpu.memory_space<hbm>> -> memref<32768xf32, #tpu.memory_space<hbm>>
      tpu.enqueue_dma source(%run_scoped3A_4 : memref<32768xf32, #tpu.memory_space<vmem>>) target(%dma_start3A_188 : memref<32768xf32, #tpu.memory_space<hbm>>) target_semaphore(%run_scoped3A_8 : memref<!tpu.dma_semaphore, #tpu.memory_space<semaphore_mem>>)
      %add3A_189 = arith.constant 6 : i32
      %add3A_190 = arith.addi %mul3A_2, %add3A_189 : i32
      %dma_start3A_191 = arith.constant 0 : i32
      %dma_start3A_192 = tpu.memref_slice %arg2[%add3A_190, %dma_start3A_191] : memref<256x32768xf32, #tpu.memory_space<hbm>> -> memref<1x32768xf32, #tpu.memory_space<hbm>>
      %dma_start3A_193 = tpu.memref_squeeze %dma_start3A_192 : memref<1x32768xf32, #tpu.memory_space<hbm>> -> memref<32768xf32, #tpu.memory_space<hbm>>
      %dma_start3A_194 = arith.constant 0 : i32
      %dma_start3A_195 = tpu.memref_slice %arg2[%add3A_190, %dma_start3A_194] : memref<256x32768xf32, #tpu.memory_space<hbm>> -> memref<1x32768xf32, #tpu.memory_space<hbm>>
      %dma_start3A_196 = tpu.memref_squeeze %dma_start3A_195 : memref<1x32768xf32, #tpu.memory_space<hbm>> -> memref<32768xf32, #tpu.memory_space<hbm>>
      tpu.enqueue_dma source(%dma_start3A_196 : memref<32768xf32, #tpu.memory_space<hbm>>) target(%run_scoped3A : memref<32768xf32, #tpu.memory_space<vmem>>) target_semaphore(%run_scoped3A_6 : memref<!tpu.dma_semaphore, #tpu.memory_space<semaphore_mem>>)
      %add3A_197 = arith.constant 5 : i32
      %add3A_198 = arith.addi %mul3A_2, %add3A_197 : i32
      %dma_wait3A_199 = arith.constant 0 : i32
      %dma_wait3A_200 = tpu.memref_slice %arg2[%add3A_198, %dma_wait3A_199] : memref<256x32768xf32, #tpu.memory_space<hbm>> -> memref<1x32768xf32, #tpu.memory_space<hbm>>
      %dma_wait3A_201 = tpu.memref_squeeze %dma_wait3A_200 : memref<1x32768xf32, #tpu.memory_space<hbm>> -> memref<32768xf32, #tpu.memory_space<hbm>>
      %dma_wait3A_202 = arith.constant 0 : i32
      %dma_wait3A_203 = tpu.memref_slice %arg2[%add3A_198, %dma_wait3A_202] : memref<256x32768xf32, #tpu.memory_space<hbm>> -> memref<1x32768xf32, #tpu.memory_space<hbm>>
      %dma_wait3A_204 = tpu.memref_squeeze %dma_wait3A_203 : memref<1x32768xf32, #tpu.memory_space<hbm>> -> memref<32768xf32, #tpu.memory_space<hbm>>
      tpu.wait_dma2 semaphore(%run_scoped3A_7 : memref<!tpu.dma_semaphore, #tpu.memory_space<semaphore_mem>>) src(%dma_wait3A_204 : memref<32768xf32, #tpu.memory_space<hbm>>) dst(%run_scoped3A_3 : memref<32768xf32, #tpu.memory_space<vmem>>)
      %add3A_205 = arith.constant 3 : i32
      %add3A_206 = arith.addi %mul3A_2, %add3A_205 : i32
      %dma_wait3A_207 = arith.constant 0 : i32
      %dma_wait3A_208 = tpu.memref_slice %arg3[%add3A_206, %dma_wait3A_207] : memref<256x32768xf32, #tpu.memory_space<hbm>> -> memref<1x32768xf32, #tpu.memory_space<hbm>>
      %dma_wait3A_209 = tpu.memref_squeeze %dma_wait3A_208 : memref<1x32768xf32, #tpu.memory_space<hbm>> -> memref<32768xf32, #tpu.memory_space<hbm>>
      %dma_wait3A_210 = arith.constant 0 : i32
      %dma_wait3A_211 = tpu.memref_slice %arg3[%add3A_206, %dma_wait3A_210] : memref<256x32768xf32, #tpu.memory_space<hbm>> -> memref<1x32768xf32, #tpu.memory_space<hbm>>
      %dma_wait3A_212 = tpu.memref_squeeze %dma_wait3A_211 : memref<1x32768xf32, #tpu.memory_space<hbm>> -> memref<32768xf32, #tpu.memory_space<hbm>>
      tpu.wait_dma2 semaphore(%run_scoped3A_9 : memref<!tpu.dma_semaphore, #tpu.memory_space<semaphore_mem>>) src(%run_scoped3A_5 : memref<32768xf32, #tpu.memory_space<vmem>>) dst(%dma_wait3A_212 : memref<32768xf32, #tpu.memory_space<hbm>>)
      %scan3A_213 = arith.constant 0 : i32
      %scan3A_214 = arith.constant 0 : i32
      %scan3A_215 = arith.constant 8 : i32
      %scan3A_216 = arith.addi %scan3A_214, %scan3A_215 : i32
      %scan3A_217 = arith.constant 1 : i32
      scf.for %scan3A_311 = %scan3A_214 to %scan3A_216 step %scan3A_217  : i32 {
        %broadcast_in_dim3A = arith.constant 0xFF800000 : f32
        %broadcast_in_dim3A_312 = vector.broadcast %broadcast_in_dim3A : f32 to vector<16xf32>
        %parallel_loop3A = arith.constant 0 : i32
        %parallel_loop3A_313 = arith.constant 32 : i32
        %parallel_loop3A_314 = arith.constant 1 : i32
        %parallel_loop3A_315 = scf.for %parallel_loop3A_323 = %parallel_loop3A to %parallel_loop3A_313 step %parallel_loop3A_314 iter_args(%parallel_loop3A_324 = %broadcast_in_dim3A_312) -> (vector<16xf32>)  : i32 {
          %parallel_loop3A_325 = arith.constant 8 : i32
          %parallel_loop3A_326 = arith.muli %parallel_loop3A_323, %parallel_loop3A_325 : i32
          %parallel_loop3A_327 = arith.addi %parallel_loop3A_326, %scan3A_311 : i32
          %parallel_loop3A_328 = arith.constant 128 : i32
          %parallel_loop3A_329 = arith.muli %parallel_loop3A_327, %parallel_loop3A_328 : i32
          %parallel_loop3A_330 = arith.constant 0 : i32
          %parallel_loop3A_331 = arith.addi %parallel_loop3A_329, %parallel_loop3A_330 : i32
          %parallel_loop3A_332 = arith.index_cast %parallel_loop3A_331 : i32 to index
          %parallel_loop3A_333 = tpu.vector_load %run_scoped3A_3[%parallel_loop3A_332] {strides = array<i32>} : memref<32768xf32, #tpu.memory_space<vmem>>, vector<16xf32>,
          %parallel_loop3A_334 = arith.maximumf %parallel_loop3A_324, %parallel_loop3A_333 : vector<16xf32>
          %parallel_loop3A_335 = arith.constant 8 : i32
          %parallel_loop3A_336 = arith.muli %parallel_loop3A_323, %parallel_loop3A_335 : i32
          %parallel_loop3A_337 = arith.addi %parallel_loop3A_336, %scan3A_311 : i32
          %parallel_loop3A_338 = arith.constant 128 : i32
          %parallel_loop3A_339 = arith.muli %parallel_loop3A_337, %parallel_loop3A_338 : i32
          %parallel_loop3A_340 = arith.constant 16 : i32
          %parallel_loop3A_341 = arith.addi %parallel_loop3A_339, %parallel_loop3A_340 : i32
          %parallel_loop3A_342 = arith.index_cast %parallel_loop3A_341 : i32 to index
          %parallel_loop3A_343 = tpu.vector_load %run_scoped3A_3[%parallel_loop3A_342] {strides = array<i32>} : memref<32768xf32, #tpu.memory_space<vmem>>, vector<16xf32>,
          %parallel_loop3A_344 = arith.maximumf %parallel_loop3A_334, %parallel_loop3A_343 : vector<16xf32>
          %parallel_loop3A_345 = arith.constant 8 : i32
          %parallel_loop3A_346 = arith.muli %parallel_loop3A_323, %parallel_loop3A_345 : i32
          %parallel_loop3A_347 = arith.addi %parallel_loop3A_346, %scan3A_311 : i32
          %parallel_loop3A_348 = arith.constant 128 : i32
          %parallel_loop3A_349 = arith.muli %parallel_loop3A_347, %parallel_loop3A_348 : i32
          %parallel_loop3A_350 = arith.constant 32 : i32
          %parallel_loop3A_351 = arith.addi %parallel_loop3A_349, %parallel_loop3A_350 : i32
          %parallel_loop3A_352 = arith.index_cast %parallel_loop3A_351 : i32 to index
          %parallel_loop3A_353 = tpu.vector_load %run_scoped3A_3[%parallel_loop3A_352] {strides = array<i32>} : memref<32768xf32, #tpu.memory_space<vmem>>, vector<16xf32>,
          %parallel_loop3A_354 = arith.maximumf %parallel_loop3A_344, %parallel_loop3A_353 : vector<16xf32>
          %parallel_loop3A_355 = arith.constant 8 : i32
          %parallel_loop3A_356 = arith.muli %parallel_loop3A_323, %parallel_loop3A_355 : i32
          %parallel_loop3A_357 = arith.addi %parallel_loop3A_356, %scan3A_311 : i32
          %parallel_loop3A_358 = arith.constant 128 : i32
          %parallel_loop3A_359 = arith.muli %parallel_loop3A_357, %parallel_loop3A_358 : i32
          %parallel_loop3A_360 = arith.constant 48 : i32
          %parallel_loop3A_361 = arith.addi %parallel_loop3A_359, %parallel_loop3A_360 : i32
          %parallel_loop3A_362 = arith.index_cast %parallel_loop3A_361 : i32 to index
          %parallel_loop3A_363 = tpu.vector_load %run_scoped3A_3[%parallel_loop3A_362] {strides = array<i32>} : memref<32768xf32, #tpu.memory_space<vmem>>, vector<16xf32>,
          %parallel_loop3A_364 = arith.maximumf %parallel_loop3A_354, %parallel_loop3A_363 : vector<16xf32>
          %parallel_loop3A_365 = arith.constant 8 : i32
          %parallel_loop3A_366 = arith.muli %parallel_loop3A_323, %parallel_loop3A_365 : i32
          %parallel_loop3A_367 = arith.addi %parallel_loop3A_366, %scan3A_311 : i32
          %parallel_loop3A_368 = arith.constant 128 : i32
          %parallel_loop3A_369 = arith.muli %parallel_loop3A_367, %parallel_loop3A_368 : i32
          %parallel_loop3A_370 = arith.constant 64 : i32
          %parallel_loop3A_371 = arith.addi %parallel_loop3A_369, %parallel_loop3A_370 : i32
          %parallel_loop3A_372 = arith.index_cast %parallel_loop3A_371 : i32 to index
          %parallel_loop3A_373 = tpu.vector_load %run_scoped3A_3[%parallel_loop3A_372] {strides = array<i32>} : memref<32768xf32, #tpu.memory_space<vmem>>, vector<16xf32>,
          %parallel_loop3A_374 = arith.maximumf %parallel_loop3A_364, %parallel_loop3A_373 : vector<16xf32>
          %parallel_loop3A_375 = arith.constant 8 : i32
          %parallel_loop3A_376 = arith.muli %parallel_loop3A_323, %parallel_loop3A_375 : i32
          %parallel_loop3A_377 = arith.addi %parallel_loop3A_376, %scan3A_311 : i32
          %parallel_loop3A_378 = arith.constant 128 : i32
          %parallel_loop3A_379 = arith.muli %parallel_loop3A_377, %parallel_loop3A_378 : i32
          %parallel_loop3A_380 = arith.constant 80 : i32
          %parallel_loop3A_381 = arith.addi %parallel_loop3A_379, %parallel_loop3A_380 : i32
          %parallel_loop3A_382 = arith.index_cast %parallel_loop3A_381 : i32 to index
          %parallel_loop3A_383 = tpu.vector_load %run_scoped3A_3[%parallel_loop3A_382] {strides = array<i32>} : memref<32768xf32, #tpu.memory_space<vmem>>, vector<16xf32>,
          %parallel_loop3A_384 = arith.maximumf %parallel_loop3A_374, %parallel_loop3A_383 : vector<16xf32>
          %parallel_loop3A_385 = arith.constant 8 : i32
          %parallel_loop3A_386 = arith.muli %parallel_loop3A_323, %parallel_loop3A_385 : i32
          %parallel_loop3A_387 = arith.addi %parallel_loop3A_386, %scan3A_311 : i32
          %parallel_loop3A_388 = arith.constant 128 : i32
          %parallel_loop3A_389 = arith.muli %parallel_loop3A_387, %parallel_loop3A_388 : i32
          %parallel_loop3A_390 = arith.constant 96 : i32
          %parallel_loop3A_391 = arith.addi %parallel_loop3A_389, %parallel_loop3A_390 : i32
          %parallel_loop3A_392 = arith.index_cast %parallel_loop3A_391 : i32 to index
          %parallel_loop3A_393 = tpu.vector_load %run_scoped3A_3[%parallel_loop3A_392] {strides = array<i32>} : memref<32768xf32, #tpu.memory_space<vmem>>, vector<16xf32>,
          %parallel_loop3A_394 = arith.maximumf %parallel_loop3A_384, %parallel_loop3A_393 : vector<16xf32>
          %parallel_loop3A_395 = arith.constant 8 : i32
          %parallel_loop3A_396 = arith.muli %parallel_loop3A_323, %parallel_loop3A_395 : i32
          %parallel_loop3A_397 = arith.addi %parallel_loop3A_396, %scan3A_311 : i32
          %parallel_loop3A_398 = arith.constant 128 : i32
          %parallel_loop3A_399 = arith.muli %parallel_loop3A_397, %parallel_loop3A_398 : i32
          %parallel_loop3A_400 = arith.constant 112 : i32
          %parallel_loop3A_401 = arith.addi %parallel_loop3A_399, %parallel_loop3A_400 : i32
          %parallel_loop3A_402 = arith.index_cast %parallel_loop3A_401 : i32 to index
          %parallel_loop3A_403 = tpu.vector_load %run_scoped3A_3[%parallel_loop3A_402] {strides = array<i32>} : memref<32768xf32, #tpu.memory_space<vmem>>, vector<16xf32>,
          %parallel_loop3A_404 = arith.maximumf %parallel_loop3A_394, %parallel_loop3A_403 : vector<16xf32>
          scf.yield %parallel_loop3A_404 : vector<16xf32>
        } {sc.loop_unroll_factor = 4 : i64, sc.parallel_access}
        %reduce_max3A = arith.constant true
        %reduce_max3A_316 = vector.broadcast %reduce_max3A : i1 to vector<16xi1>
        %reduce_max3A_317 = tpu.scan <max>, %parallel_loop3A_315 masked %reduce_max3A_316 : vector<16xf32>, vector<16xi1> -> vector<16xf32>
        %reduce_max3A_318 = vector.extract %reduce_max3A_317[15] : f32 from vector<16xf32>
        %broadcast_in_dim3A_319 = vector.broadcast %reduce_max3A_318 : f32 to vector<16xf32>
        %parallel_loop3A_320 = arith.constant 0 : i32
        %parallel_loop3A_321 = arith.constant 32 : i32
        %parallel_loop3A_322 = arith.constant 1 : i32
        scf.for %parallel_loop3A_323 = %parallel_loop3A_320 to %parallel_loop3A_321 step %parallel_loop3A_322  : i32 {
          %parallel_loop3A_324 = arith.constant 8 : i32
          %parallel_loop3A_325 = arith.muli %parallel_loop3A_323, %parallel_loop3A_324 : i32
          %parallel_loop3A_326 = arith.addi %parallel_loop3A_325, %scan3A_311 : i32
          %parallel_loop3A_327 = arith.constant 128 : i32
          %parallel_loop3A_328 = arith.muli %parallel_loop3A_326, %parallel_loop3A_327 : i32
          %parallel_loop3A_329 = arith.constant 0 : i32
          %parallel_loop3A_330 = arith.addi %parallel_loop3A_328, %parallel_loop3A_329 : i32
          %parallel_loop3A_331 = arith.index_cast %parallel_loop3A_330 : i32 to index
          %parallel_loop3A_332 = tpu.vector_load %run_scoped3A_3[%parallel_loop3A_331] {strides = array<i32>} : memref<32768xf32, #tpu.memory_space<vmem>>, vector<16xf32>,
          %parallel_loop3A_333 = arith.cmpf oeq, %parallel_loop3A_332, %broadcast_in_dim3A_319 : vector<16xf32>
          %parallel_loop3A_334 = arith.constant 1.000000e+00 : f32
          %parallel_loop3A_335 = arith.constant 0.000000e+00 : f32
          %parallel_loop3A_336 = vector.broadcast %parallel_loop3A_334 : f32 to vector<16xf32>
          %parallel_loop3A_337 = vector.broadcast %parallel_loop3A_335 : f32 to vector<16xf32>
          %parallel_loop3A_338 = arith.select %parallel_loop3A_333, %parallel_loop3A_336, %parallel_loop3A_337 : vector<16xi1>, vector<16xf32>
          %parallel_loop3A_339 = arith.constant 8 : i32
          %parallel_loop3A_340 = arith.muli %parallel_loop3A_323, %parallel_loop3A_339 : i32
          %parallel_loop3A_341 = arith.addi %parallel_loop3A_340, %scan3A_311 : i32
          %parallel_loop3A_342 = arith.constant 128 : i32
          %parallel_loop3A_343 = arith.muli %parallel_loop3A_341, %parallel_loop3A_342 : i32
          %parallel_loop3A_344 = arith.constant 0 : i32
          %parallel_loop3A_345 = arith.addi %parallel_loop3A_343, %parallel_loop3A_344 : i32
          %parallel_loop3A_346 = arith.index_cast %parallel_loop3A_345 : i32 to index
          %parallel_loop3A_347 = tpu.vector_load %run_scoped3A_5[%parallel_loop3A_346] {strides = array<i32>} : memref<32768xf32, #tpu.memory_space<vmem>>, vector<16xf32>,
          tpu.vector_store %run_scoped3A_5[%parallel_loop3A_346], %parallel_loop3A_338 {strides = array<i32>} : memref<32768xf32, #tpu.memory_space<vmem>>, vector<16xf32>,
          %parallel_loop3A_348 = arith.constant 8 : i32
          %parallel_loop3A_349 = arith.muli %parallel_loop3A_323, %parallel_loop3A_348 : i32
          %parallel_loop3A_350 = arith.addi %parallel_loop3A_349, %scan3A_311 : i32
          %parallel_loop3A_351 = arith.constant 128 : i32
          %parallel_loop3A_352 = arith.muli %parallel_loop3A_350, %parallel_loop3A_351 : i32
          %parallel_loop3A_353 = arith.constant 16 : i32
          %parallel_loop3A_354 = arith.addi %parallel_loop3A_352, %parallel_loop3A_353 : i32
          %parallel_loop3A_355 = arith.index_cast %parallel_loop3A_354 : i32 to index
          %parallel_loop3A_356 = tpu.vector_load %run_scoped3A_3[%parallel_loop3A_355] {strides = array<i32>} : memref<32768xf32, #tpu.memory_space<vmem>>, vector<16xf32>,
          %parallel_loop3A_357 = arith.cmpf oeq, %parallel_loop3A_356, %broadcast_in_dim3A_319 : vector<16xf32>
          %parallel_loop3A_358 = arith.constant 1.000000e+00 : f32
          %parallel_loop3A_359 = arith.constant 0.000000e+00 : f32
          %parallel_loop3A_360 = vector.broadcast %parallel_loop3A_358 : f32 to vector<16xf32>
          %parallel_loop3A_361 = vector.broadcast %parallel_loop3A_359 : f32 to vector<16xf32>
          %parallel_loop3A_362 = arith.select %parallel_loop3A_357, %parallel_loop3A_360, %parallel_loop3A_361 : vector<16xi1>, vector<16xf32>
          %parallel_loop3A_363 = arith.constant 8 : i32
          %parallel_loop3A_364 = arith.muli %parallel_loop3A_323, %parallel_loop3A_363 : i32
          %parallel_loop3A_365 = arith.addi %parallel_loop3A_364, %scan3A_311 : i32
          %parallel_loop3A_366 = arith.constant 128 : i32
          %parallel_loop3A_367 = arith.muli %parallel_loop3A_365, %parallel_loop3A_366 : i32
          %parallel_loop3A_368 = arith.constant 16 : i32
          %parallel_loop3A_369 = arith.addi %parallel_loop3A_367, %parallel_loop3A_368 : i32
          %parallel_loop3A_370 = arith.index_cast %parallel_loop3A_369 : i32 to index
          %parallel_loop3A_371 = tpu.vector_load %run_scoped3A_5[%parallel_loop3A_370] {strides = array<i32>} : memref<32768xf32, #tpu.memory_space<vmem>>, vector<16xf32>,
          tpu.vector_store %run_scoped3A_5[%parallel_loop3A_370], %parallel_loop3A_362 {strides = array<i32>} : memref<32768xf32, #tpu.memory_space<vmem>>, vector<16xf32>,
          %parallel_loop3A_372 = arith.constant 8 : i32
          %parallel_loop3A_373 = arith.muli %parallel_loop3A_323, %parallel_loop3A_372 : i32
          %parallel_loop3A_374 = arith.addi %parallel_loop3A_373, %scan3A_311 : i32
          %parallel_loop3A_375 = arith.constant 128 : i32
          %parallel_loop3A_376 = arith.muli %parallel_loop3A_374, %parallel_loop3A_375 : i32
          %parallel_loop3A_377 = arith.constant 32 : i32
          %parallel_loop3A_378 = arith.addi %parallel_loop3A_376, %parallel_loop3A_377 : i32
          %parallel_loop3A_379 = arith.index_cast %parallel_loop3A_378 : i32 to index
          %parallel_loop3A_380 = tpu.vector_load %run_scoped3A_3[%parallel_loop3A_379] {strides = array<i32>} : memref<32768xf32, #tpu.memory_space<vmem>>, vector<16xf32>,
          %parallel_loop3A_381 = arith.cmpf oeq, %parallel_loop3A_380, %broadcast_in_dim3A_319 : vector<16xf32>
          %parallel_loop3A_382 = arith.constant 1.000000e+00 : f32
          %parallel_loop3A_383 = arith.constant 0.000000e+00 : f32
          %parallel_loop3A_384 = vector.broadcast %parallel_loop3A_382 : f32 to vector<16xf32>
          %parallel_loop3A_385 = vector.broadcast %parallel_loop3A_383 : f32 to vector<16xf32>
          %parallel_loop3A_386 = arith.select %parallel_loop3A_381, %parallel_loop3A_384, %parallel_loop3A_385 : vector<16xi1>, vector<16xf32>
          %parallel_loop3A_387 = arith.constant 8 : i32
          %parallel_loop3A_388 = arith.muli %parallel_loop3A_323, %parallel_loop3A_387 : i32
          %parallel_loop3A_389 = arith.addi %parallel_loop3A_388, %scan3A_311 : i32
          %parallel_loop3A_390 = arith.constant 128 : i32
          %parallel_loop3A_391 = arith.muli %parallel_loop3A_389, %parallel_loop3A_390 : i32
          %parallel_loop3A_392 = arith.constant 32 : i32
          %parallel_loop3A_393 = arith.addi %parallel_loop3A_391, %parallel_loop3A_392 : i32
          %parallel_loop3A_394 = arith.index_cast %parallel_loop3A_393 : i32 to index
          %parallel_loop3A_395 = tpu.vector_load %run_scoped3A_5[%parallel_loop3A_394] {strides = array<i32>} : memref<32768xf32, #tpu.memory_space<vmem>>, vector<16xf32>,
          tpu.vector_store %run_scoped3A_5[%parallel_loop3A_394], %parallel_loop3A_386 {strides = array<i32>} : memref<32768xf32, #tpu.memory_space<vmem>>, vector<16xf32>,
          %parallel_loop3A_396 = arith.constant 8 : i32
          %parallel_loop3A_397 = arith.muli %parallel_loop3A_323, %parallel_loop3A_396 : i32
          %parallel_loop3A_398 = arith.addi %parallel_loop3A_397, %scan3A_311 : i32
          %parallel_loop3A_399 = arith.constant 128 : i32
          %parallel_loop3A_400 = arith.muli %parallel_loop3A_398, %parallel_loop3A_399 : i32
          %parallel_loop3A_401 = arith.constant 48 : i32
          %parallel_loop3A_402 = arith.addi %parallel_loop3A_400, %parallel_loop3A_401 : i32
          %parallel_loop3A_403 = arith.index_cast %parallel_loop3A_402 : i32 to index
          %parallel_loop3A_404 = tpu.vector_load %run_scoped3A_3[%parallel_loop3A_403] {strides = array<i32>} : memref<32768xf32, #tpu.memory_space<vmem>>, vector<16xf32>,
          %parallel_loop3A_405 = arith.cmpf oeq, %parallel_loop3A_404, %broadcast_in_dim3A_319 : vector<16xf32>
          %parallel_loop3A_406 = arith.constant 1.000000e+00 : f32
          %parallel_loop3A_407 = arith.constant 0.000000e+00 : f32
          %parallel_loop3A_408 = vector.broadcast %parallel_loop3A_406 : f32 to vector<16xf32>
          %parallel_loop3A_409 = vector.broadcast %parallel_loop3A_407 : f32 to vector<16xf32>
          %parallel_loop3A_410 = arith.select %parallel_loop3A_405, %parallel_loop3A_408, %parallel_loop3A_409 : vector<16xi1>, vector<16xf32>
          %parallel_loop3A_411 = arith.constant 8 : i32
          %parallel_loop3A_412 = arith.muli %parallel_loop3A_323, %parallel_loop3A_411 : i32
          %parallel_loop3A_413 = arith.addi %parallel_loop3A_412, %scan3A_311 : i32
          %parallel_loop3A_414 = arith.constant 128 : i32
          %parallel_loop3A_415 = arith.muli %parallel_loop3A_413, %parallel_loop3A_414 : i32
          %parallel_loop3A_416 = arith.constant 48 : i32
          %parallel_loop3A_417 = arith.addi %parallel_loop3A_415, %parallel_loop3A_416 : i32
          %parallel_loop3A_418 = arith.index_cast %parallel_loop3A_417 : i32 to index
          %parallel_loop3A_419 = tpu.vector_load %run_scoped3A_5[%parallel_loop3A_418] {strides = array<i32>} : memref<32768xf32, #tpu.memory_space<vmem>>, vector<16xf32>,
          tpu.vector_store %run_scoped3A_5[%parallel_loop3A_418], %parallel_loop3A_410 {strides = array<i32>} : memref<32768xf32, #tpu.memory_space<vmem>>, vector<16xf32>,
          %parallel_loop3A_420 = arith.constant 8 : i32
          %parallel_loop3A_421 = arith.muli %parallel_loop3A_323, %parallel_loop3A_420 : i32
          %parallel_loop3A_422 = arith.addi %parallel_loop3A_421, %scan3A_311 : i32
          %parallel_loop3A_423 = arith.constant 128 : i32
          %parallel_loop3A_424 = arith.muli %parallel_loop3A_422, %parallel_loop3A_423 : i32
          %parallel_loop3A_425 = arith.constant 64 : i32
          %parallel_loop3A_426 = arith.addi %parallel_loop3A_424, %parallel_loop3A_425 : i32
          %parallel_loop3A_427 = arith.index_cast %parallel_loop3A_426 : i32 to index
          %parallel_loop3A_428 = tpu.vector_load %run_scoped3A_3[%parallel_loop3A_427] {strides = array<i32>} : memref<32768xf32, #tpu.memory_space<vmem>>, vector<16xf32>,
          %parallel_loop3A_429 = arith.cmpf oeq, %parallel_loop3A_428, %broadcast_in_dim3A_319 : vector<16xf32>
          %parallel_loop3A_430 = arith.constant 1.000000e+00 : f32
          %parallel_loop3A_431 = arith.constant 0.000000e+00 : f32
          %parallel_loop3A_432 = vector.broadcast %parallel_loop3A_430 : f32 to vector<16xf32>
          %parallel_loop3A_433 = vector.broadcast %parallel_loop3A_431 : f32 to vector<16xf32>
          %parallel_loop3A_434 = arith.select %parallel_loop3A_429, %parallel_loop3A_432, %parallel_loop3A_433 : vector<16xi1>, vector<16xf32>
          %parallel_loop3A_435 = arith.constant 8 : i32
          %parallel_loop3A_436 = arith.muli %parallel_loop3A_323, %parallel_loop3A_435 : i32
          %parallel_loop3A_437 = arith.addi %parallel_loop3A_436, %scan3A_311 : i32
          %parallel_loop3A_438 = arith.constant 128 : i32
          %parallel_loop3A_439 = arith.muli %parallel_loop3A_437, %parallel_loop3A_438 : i32
          %parallel_loop3A_440 = arith.constant 64 : i32
          %parallel_loop3A_441 = arith.addi %parallel_loop3A_439, %parallel_loop3A_440 : i32
          %parallel_loop3A_442 = arith.index_cast %parallel_loop3A_441 : i32 to index
          %parallel_loop3A_443 = tpu.vector_load %run_scoped3A_5[%parallel_loop3A_442] {strides = array<i32>} : memref<32768xf32, #tpu.memory_space<vmem>>, vector<16xf32>,
          tpu.vector_store %run_scoped3A_5[%parallel_loop3A_442], %parallel_loop3A_434 {strides = array<i32>} : memref<32768xf32, #tpu.memory_space<vmem>>, vector<16xf32>,
          %parallel_loop3A_444 = arith.constant 8 : i32
          %parallel_loop3A_445 = arith.muli %parallel_loop3A_323, %parallel_loop3A_444 : i32
          %parallel_loop3A_446 = arith.addi %parallel_loop3A_445, %scan3A_311 : i32
          %parallel_loop3A_447 = arith.constant 128 : i32
          %parallel_loop3A_448 = arith.muli %parallel_loop3A_446, %parallel_loop3A_447 : i32
          %parallel_loop3A_449 = arith.constant 80 : i32
          %parallel_loop3A_450 = arith.addi %parallel_loop3A_448, %parallel_loop3A_449 : i32
          %parallel_loop3A_451 = arith.index_cast %parallel_loop3A_450 : i32 to index
          %parallel_loop3A_452 = tpu.vector_load %run_scoped3A_3[%parallel_loop3A_451] {strides = array<i32>} : memref<32768xf32, #tpu.memory_space<vmem>>, vector<16xf32>,
          %parallel_loop3A_453 = arith.cmpf oeq, %parallel_loop3A_452, %broadcast_in_dim3A_319 : vector<16xf32>
          %parallel_loop3A_454 = arith.constant 1.000000e+00 : f32
          %parallel_loop3A_455 = arith.constant 0.000000e+00 : f32
          %parallel_loop3A_456 = vector.broadcast %parallel_loop3A_454 : f32 to vector<16xf32>
          %parallel_loop3A_457 = vector.broadcast %parallel_loop3A_455 : f32 to vector<16xf32>
          %parallel_loop3A_458 = arith.select %parallel_loop3A_453, %parallel_loop3A_456, %parallel_loop3A_457 : vector<16xi1>, vector<16xf32>
          %parallel_loop3A_459 = arith.constant 8 : i32
          %parallel_loop3A_460 = arith.muli %parallel_loop3A_323, %parallel_loop3A_459 : i32
          %parallel_loop3A_461 = arith.addi %parallel_loop3A_460, %scan3A_311 : i32
          %parallel_loop3A_462 = arith.constant 128 : i32
          %parallel_loop3A_463 = arith.muli %parallel_loop3A_461, %parallel_loop3A_462 : i32
          %parallel_loop3A_464 = arith.constant 80 : i32
          %parallel_loop3A_465 = arith.addi %parallel_loop3A_463, %parallel_loop3A_464 : i32
          %parallel_loop3A_466 = arith.index_cast %parallel_loop3A_465 : i32 to index
          %parallel_loop3A_467 = tpu.vector_load %run_scoped3A_5[%parallel_loop3A_466] {strides = array<i32>} : memref<32768xf32, #tpu.memory_space<vmem>>, vector<16xf32>,
          tpu.vector_store %run_scoped3A_5[%parallel_loop3A_466], %parallel_loop3A_458 {strides = array<i32>} : memref<32768xf32, #tpu.memory_space<vmem>>, vector<16xf32>,
          %parallel_loop3A_468 = arith.constant 8 : i32
          %parallel_loop3A_469 = arith.muli %parallel_loop3A_323, %parallel_loop3A_468 : i32
          %parallel_loop3A_470 = arith.addi %parallel_loop3A_469, %scan3A_311 : i32
          %parallel_loop3A_471 = arith.constant 128 : i32
          %parallel_loop3A_472 = arith.muli %parallel_loop3A_470, %parallel_loop3A_471 : i32
          %parallel_loop3A_473 = arith.constant 96 : i32
          %parallel_loop3A_474 = arith.addi %parallel_loop3A_472, %parallel_loop3A_473 : i32
          %parallel_loop3A_475 = arith.index_cast %parallel_loop3A_474 : i32 to index
          %parallel_loop3A_476 = tpu.vector_load %run_scoped3A_3[%parallel_loop3A_475] {strides = array<i32>} : memref<32768xf32, #tpu.memory_space<vmem>>, vector<16xf32>,
          %parallel_loop3A_477 = arith.cmpf oeq, %parallel_loop3A_476, %broadcast_in_dim3A_319 : vector<16xf32>
          %parallel_loop3A_478 = arith.constant 1.000000e+00 : f32
          %parallel_loop3A_479 = arith.constant 0.000000e+00 : f32
          %parallel_loop3A_480 = vector.broadcast %parallel_loop3A_478 : f32 to vector<16xf32>
          %parallel_loop3A_481 = vector.broadcast %parallel_loop3A_479 : f32 to vector<16xf32>
          %parallel_loop3A_482 = arith.select %parallel_loop3A_477, %parallel_loop3A_480, %parallel_loop3A_481 : vector<16xi1>, vector<16xf32>
          %parallel_loop3A_483 = arith.constant 8 : i32
          %parallel_loop3A_484 = arith.muli %parallel_loop3A_323, %parallel_loop3A_483 : i32
          %parallel_loop3A_485 = arith.addi %parallel_loop3A_484, %scan3A_311 : i32
          %parallel_loop3A_486 = arith.constant 128 : i32
          %parallel_loop3A_487 = arith.muli %parallel_loop3A_485, %parallel_loop3A_486 : i32
          %parallel_loop3A_488 = arith.constant 96 : i32
          %parallel_loop3A_489 = arith.addi %parallel_loop3A_487, %parallel_loop3A_488 : i32
          %parallel_loop3A_490 = arith.index_cast %parallel_loop3A_489 : i32 to index
          %parallel_loop3A_491 = tpu.vector_load %run_scoped3A_5[%parallel_loop3A_490] {strides = array<i32>} : memref<32768xf32, #tpu.memory_space<vmem>>, vector<16xf32>,
          tpu.vector_store %run_scoped3A_5[%parallel_loop3A_490], %parallel_loop3A_482 {strides = array<i32>} : memref<32768xf32, #tpu.memory_space<vmem>>, vector<16xf32>,
          %parallel_loop3A_492 = arith.constant 8 : i32
          %parallel_loop3A_493 = arith.muli %parallel_loop3A_323, %parallel_loop3A_492 : i32
          %parallel_loop3A_494 = arith.addi %parallel_loop3A_493, %scan3A_311 : i32
          %parallel_loop3A_495 = arith.constant 128 : i32
          %parallel_loop3A_496 = arith.muli %parallel_loop3A_494, %parallel_loop3A_495 : i32
          %parallel_loop3A_497 = arith.constant 112 : i32
          %parallel_loop3A_498 = arith.addi %parallel_loop3A_496, %parallel_loop3A_497 : i32
          %parallel_loop3A_499 = arith.index_cast %parallel_loop3A_498 : i32 to index
          %parallel_loop3A_500 = tpu.vector_load %run_scoped3A_3[%parallel_loop3A_499] {strides = array<i32>} : memref<32768xf32, #tpu.memory_space<vmem>>, vector<16xf32>,
          %parallel_loop3A_501 = arith.cmpf oeq, %parallel_loop3A_500, %broadcast_in_dim3A_319 : vector<16xf32>
          %parallel_loop3A_502 = arith.constant 1.000000e+00 : f32
          %parallel_loop3A_503 = arith.constant 0.000000e+00 : f32
          %parallel_loop3A_504 = vector.broadcast %parallel_loop3A_502 : f32 to vector<16xf32>
          %parallel_loop3A_505 = vector.broadcast %parallel_loop3A_503 : f32 to vector<16xf32>
          %parallel_loop3A_506 = arith.select %parallel_loop3A_501, %parallel_loop3A_504, %parallel_loop3A_505 : vector<16xi1>, vector<16xf32>
          %parallel_loop3A_507 = arith.constant 8 : i32
          %parallel_loop3A_508 = arith.muli %parallel_loop3A_323, %parallel_loop3A_507 : i32
          %parallel_loop3A_509 = arith.addi %parallel_loop3A_508, %scan3A_311 : i32
          %parallel_loop3A_510 = arith.constant 128 : i32
          %parallel_loop3A_511 = arith.muli %parallel_loop3A_509, %parallel_loop3A_510 : i32
          %parallel_loop3A_512 = arith.constant 112 : i32
          %parallel_loop3A_513 = arith.addi %parallel_loop3A_511, %parallel_loop3A_512 : i32
          %parallel_loop3A_514 = arith.index_cast %parallel_loop3A_513 : i32 to index
          %parallel_loop3A_515 = tpu.vector_load %run_scoped3A_5[%parallel_loop3A_514] {strides = array<i32>} : memref<32768xf32, #tpu.memory_space<vmem>>, vector<16xf32>,
          tpu.vector_store %run_scoped3A_5[%parallel_loop3A_514], %parallel_loop3A_506 {strides = array<i32>} : memref<32768xf32, #tpu.memory_space<vmem>>, vector<16xf32>,
        } {sc.loop_unroll_factor = 4 : i64, sc.parallel_access}
      }
      %scan3A_218 = arith.constant 8 : i32
      %add3A_219 = arith.constant 5 : i32
      %add3A_220 = arith.addi %mul3A_2, %add3A_219 : i32
      %dma_start3A_221 = arith.constant 0 : i32
      %dma_start3A_222 = tpu.memref_slice %arg3[%add3A_220, %dma_start3A_221] : memref<256x32768xf32, #tpu.memory_space<hbm>> -> memref<1x32768xf32, #tpu.memory_space<hbm>>
      %dma_start3A_223 = tpu.memref_squeeze %dma_start3A_222 : memref<1x32768xf32, #tpu.memory_space<hbm>> -> memref<32768xf32, #tpu.memory_space<hbm>>
      %dma_start3A_224 = arith.constant 0 : i32
      %dma_start3A_225 = tpu.memref_slice %arg3[%add3A_220, %dma_start3A_224] : memref<256x32768xf32, #tpu.memory_space<hbm>> -> memref<1x32768xf32, #tpu.memory_space<hbm>>
      %dma_start3A_226 = tpu.memref_squeeze %dma_start3A_225 : memref<1x32768xf32, #tpu.memory_space<hbm>> -> memref<32768xf32, #tpu.memory_space<hbm>>
      tpu.enqueue_dma source(%run_scoped3A_5 : memref<32768xf32, #tpu.memory_space<vmem>>) target(%dma_start3A_226 : memref<32768xf32, #tpu.memory_space<hbm>>) target_semaphore(%run_scoped3A_9 : memref<!tpu.dma_semaphore, #tpu.memory_space<semaphore_mem>>)
      %add3A_227 = arith.constant 7 : i32
      %add3A_228 = arith.addi %mul3A_2, %add3A_227 : i32
      %dma_start3A_229 = arith.constant 0 : i32
      %dma_start3A_230 = tpu.memref_slice %arg2[%add3A_228, %dma_start3A_229] : memref<256x32768xf32, #tpu.memory_space<hbm>> -> memref<1x32768xf32, #tpu.memory_space<hbm>>
      %dma_start3A_231 = tpu.memref_squeeze %dma_start3A_230 : memref<1x32768xf32, #tpu.memory_space<hbm>> -> memref<32768xf32, #tpu.memory_space<hbm>>
      %dma_start3A_232 = arith.constant 0 : i32
      %dma_start3A_233 = tpu.memref_slice %arg2[%add3A_228, %dma_start3A_232] : memref<256x32768xf32, #tpu.memory_space<hbm>> -> memref<1x32768xf32, #tpu.memory_space<hbm>>
      %dma_start3A_234 = tpu.memref_squeeze %dma_start3A_233 : memref<1x32768xf32, #tpu.memory_space<hbm>> -> memref<32768xf32, #tpu.memory_space<hbm>>
      tpu.enqueue_dma source(%dma_start3A_234 : memref<32768xf32, #tpu.memory_space<hbm>>) target(%run_scoped3A_3 : memref<32768xf32, #tpu.memory_space<vmem>>) target_semaphore(%run_scoped3A_7 : memref<!tpu.dma_semaphore, #tpu.memory_space<semaphore_mem>>)
      %add3A_235 = arith.constant 6 : i32
      %add3A_236 = arith.addi %mul3A_2, %add3A_235 : i32
      %dma_wait3A_237 = arith.constant 0 : i32
      %dma_wait3A_238 = tpu.memref_slice %arg2[%add3A_236, %dma_wait3A_237] : memref<256x32768xf32, #tpu.memory_space<hbm>> -> memref<1x32768xf32, #tpu.memory_space<hbm>>
      %dma_wait3A_239 = tpu.memref_squeeze %dma_wait3A_238 : memref<1x32768xf32, #tpu.memory_space<hbm>> -> memref<32768xf32, #tpu.memory_space<hbm>>
      %dma_wait3A_240 = arith.constant 0 : i32
      %dma_wait3A_241 = tpu.memref_slice %arg2[%add3A_236, %dma_wait3A_240] : memref<256x32768xf32, #tpu.memory_space<hbm>> -> memref<1x32768xf32, #tpu.memory_space<hbm>>
      %dma_wait3A_242 = tpu.memref_squeeze %dma_wait3A_241 : memref<1x32768xf32, #tpu.memory_space<hbm>> -> memref<32768xf32, #tpu.memory_space<hbm>>
      tpu.wait_dma2 semaphore(%run_scoped3A_6 : memref<!tpu.dma_semaphore, #tpu.memory_space<semaphore_mem>>) src(%dma_wait3A_242 : memref<32768xf32, #tpu.memory_space<hbm>>) dst(%run_scoped3A : memref<32768xf32, #tpu.memory_space<vmem>>)
      %add3A_243 = arith.constant 4 : i32
      %add3A_244 = arith.addi %mul3A_2, %add3A_243 : i32
      %dma_wait3A_245 = arith.constant 0 : i32
      %dma_wait3A_246 = tpu.memref_slice %arg3[%add3A_244, %dma_wait3A_245] : memref<256x32768xf32, #tpu.memory_space<hbm>> -> memref<1x32768xf32, #tpu.memory_space<hbm>>
      %dma_wait3A_247 = tpu.memref_squeeze %dma_wait3A_246 : memref<1x32768xf32, #tpu.memory_space<hbm>> -> memref<32768xf32, #tpu.memory_space<hbm>>
      %dma_wait3A_248 = arith.constant 0 : i32
      %dma_wait3A_249 = tpu.memref_slice %arg3[%add3A_244, %dma_wait3A_248] : memref<256x32768xf32, #tpu.memory_space<hbm>> -> memref<1x32768xf32, #tpu.memory_space<hbm>>
      %dma_wait3A_250 = tpu.memref_squeeze %dma_wait3A_249 : memref<1x32768xf32, #tpu.memory_space<hbm>> -> memref<32768xf32, #tpu.memory_space<hbm>>
      tpu.wait_dma2 semaphore(%run_scoped3A_8 : memref<!tpu.dma_semaphore, #tpu.memory_space<semaphore_mem>>) src(%run_scoped3A_4 : memref<32768xf32, #tpu.memory_space<vmem>>) dst(%dma_wait3A_250 : memref<32768xf32, #tpu.memory_space<hbm>>)
      %scan3A_251 = arith.constant 0 : i32
      %scan3A_252 = arith.constant 0 : i32
      %scan3A_253 = arith.constant 8 : i32
      %scan3A_254 = arith.addi %scan3A_252, %scan3A_253 : i32
      %scan3A_255 = arith.constant 1 : i32
      scf.for %scan3A_311 = %scan3A_252 to %scan3A_254 step %scan3A_255  : i32 {
        %broadcast_in_dim3A = arith.constant 0xFF800000 : f32
        %broadcast_in_dim3A_312 = vector.broadcast %broadcast_in_dim3A : f32 to vector<16xf32>
        %parallel_loop3A = arith.constant 0 : i32
        %parallel_loop3A_313 = arith.constant 32 : i32
        %parallel_loop3A_314 = arith.constant 1 : i32
        %parallel_loop3A_315 = scf.for %parallel_loop3A_323 = %parallel_loop3A to %parallel_loop3A_313 step %parallel_loop3A_314 iter_args(%parallel_loop3A_324 = %broadcast_in_dim3A_312) -> (vector<16xf32>)  : i32 {
          %parallel_loop3A_325 = arith.constant 8 : i32
          %parallel_loop3A_326 = arith.muli %parallel_loop3A_323, %parallel_loop3A_325 : i32
          %parallel_loop3A_327 = arith.addi %parallel_loop3A_326, %scan3A_311 : i32
          %parallel_loop3A_328 = arith.constant 128 : i32
          %parallel_loop3A_329 = arith.muli %parallel_loop3A_327, %parallel_loop3A_328 : i32
          %parallel_loop3A_330 = arith.constant 0 : i32
          %parallel_loop3A_331 = arith.addi %parallel_loop3A_329, %parallel_loop3A_330 : i32
          %parallel_loop3A_332 = arith.index_cast %parallel_loop3A_331 : i32 to index
          %parallel_loop3A_333 = tpu.vector_load %run_scoped3A[%parallel_loop3A_332] {strides = array<i32>} : memref<32768xf32, #tpu.memory_space<vmem>>, vector<16xf32>,
          %parallel_loop3A_334 = arith.maximumf %parallel_loop3A_324, %parallel_loop3A_333 : vector<16xf32>
          %parallel_loop3A_335 = arith.constant 8 : i32
          %parallel_loop3A_336 = arith.muli %parallel_loop3A_323, %parallel_loop3A_335 : i32
          %parallel_loop3A_337 = arith.addi %parallel_loop3A_336, %scan3A_311 : i32
          %parallel_loop3A_338 = arith.constant 128 : i32
          %parallel_loop3A_339 = arith.muli %parallel_loop3A_337, %parallel_loop3A_338 : i32
          %parallel_loop3A_340 = arith.constant 16 : i32
          %parallel_loop3A_341 = arith.addi %parallel_loop3A_339, %parallel_loop3A_340 : i32
          %parallel_loop3A_342 = arith.index_cast %parallel_loop3A_341 : i32 to index
          %parallel_loop3A_343 = tpu.vector_load %run_scoped3A[%parallel_loop3A_342] {strides = array<i32>} : memref<32768xf32, #tpu.memory_space<vmem>>, vector<16xf32>,
          %parallel_loop3A_344 = arith.maximumf %parallel_loop3A_334, %parallel_loop3A_343 : vector<16xf32>
          %parallel_loop3A_345 = arith.constant 8 : i32
          %parallel_loop3A_346 = arith.muli %parallel_loop3A_323, %parallel_loop3A_345 : i32
          %parallel_loop3A_347 = arith.addi %parallel_loop3A_346, %scan3A_311 : i32
          %parallel_loop3A_348 = arith.constant 128 : i32
          %parallel_loop3A_349 = arith.muli %parallel_loop3A_347, %parallel_loop3A_348 : i32
          %parallel_loop3A_350 = arith.constant 32 : i32
          %parallel_loop3A_351 = arith.addi %parallel_loop3A_349, %parallel_loop3A_350 : i32
          %parallel_loop3A_352 = arith.index_cast %parallel_loop3A_351 : i32 to index
          %parallel_loop3A_353 = tpu.vector_load %run_scoped3A[%parallel_loop3A_352] {strides = array<i32>} : memref<32768xf32, #tpu.memory_space<vmem>>, vector<16xf32>,
          %parallel_loop3A_354 = arith.maximumf %parallel_loop3A_344, %parallel_loop3A_353 : vector<16xf32>
          %parallel_loop3A_355 = arith.constant 8 : i32
          %parallel_loop3A_356 = arith.muli %parallel_loop3A_323, %parallel_loop3A_355 : i32
          %parallel_loop3A_357 = arith.addi %parallel_loop3A_356, %scan3A_311 : i32
          %parallel_loop3A_358 = arith.constant 128 : i32
          %parallel_loop3A_359 = arith.muli %parallel_loop3A_357, %parallel_loop3A_358 : i32
          %parallel_loop3A_360 = arith.constant 48 : i32
          %parallel_loop3A_361 = arith.addi %parallel_loop3A_359, %parallel_loop3A_360 : i32
          %parallel_loop3A_362 = arith.index_cast %parallel_loop3A_361 : i32 to index
          %parallel_loop3A_363 = tpu.vector_load %run_scoped3A[%parallel_loop3A_362] {strides = array<i32>} : memref<32768xf32, #tpu.memory_space<vmem>>, vector<16xf32>,
          %parallel_loop3A_364 = arith.maximumf %parallel_loop3A_354, %parallel_loop3A_363 : vector<16xf32>
          %parallel_loop3A_365 = arith.constant 8 : i32
          %parallel_loop3A_366 = arith.muli %parallel_loop3A_323, %parallel_loop3A_365 : i32
          %parallel_loop3A_367 = arith.addi %parallel_loop3A_366, %scan3A_311 : i32
          %parallel_loop3A_368 = arith.constant 128 : i32
          %parallel_loop3A_369 = arith.muli %parallel_loop3A_367, %parallel_loop3A_368 : i32
          %parallel_loop3A_370 = arith.constant 64 : i32
          %parallel_loop3A_371 = arith.addi %parallel_loop3A_369, %parallel_loop3A_370 : i32
          %parallel_loop3A_372 = arith.index_cast %parallel_loop3A_371 : i32 to index
          %parallel_loop3A_373 = tpu.vector_load %run_scoped3A[%parallel_loop3A_372] {strides = array<i32>} : memref<32768xf32, #tpu.memory_space<vmem>>, vector<16xf32>,
          %parallel_loop3A_374 = arith.maximumf %parallel_loop3A_364, %parallel_loop3A_373 : vector<16xf32>
          %parallel_loop3A_375 = arith.constant 8 : i32
          %parallel_loop3A_376 = arith.muli %parallel_loop3A_323, %parallel_loop3A_375 : i32
          %parallel_loop3A_377 = arith.addi %parallel_loop3A_376, %scan3A_311 : i32
          %parallel_loop3A_378 = arith.constant 128 : i32
          %parallel_loop3A_379 = arith.muli %parallel_loop3A_377, %parallel_loop3A_378 : i32
          %parallel_loop3A_380 = arith.constant 80 : i32
          %parallel_loop3A_381 = arith.addi %parallel_loop3A_379, %parallel_loop3A_380 : i32
          %parallel_loop3A_382 = arith.index_cast %parallel_loop3A_381 : i32 to index
          %parallel_loop3A_383 = tpu.vector_load %run_scoped3A[%parallel_loop3A_382] {strides = array<i32>} : memref<32768xf32, #tpu.memory_space<vmem>>, vector<16xf32>,
          %parallel_loop3A_384 = arith.maximumf %parallel_loop3A_374, %parallel_loop3A_383 : vector<16xf32>
          %parallel_loop3A_385 = arith.constant 8 : i32
          %parallel_loop3A_386 = arith.muli %parallel_loop3A_323, %parallel_loop3A_385 : i32
          %parallel_loop3A_387 = arith.addi %parallel_loop3A_386, %scan3A_311 : i32
          %parallel_loop3A_388 = arith.constant 128 : i32
          %parallel_loop3A_389 = arith.muli %parallel_loop3A_387, %parallel_loop3A_388 : i32
          %parallel_loop3A_390 = arith.constant 96 : i32
          %parallel_loop3A_391 = arith.addi %parallel_loop3A_389, %parallel_loop3A_390 : i32
          %parallel_loop3A_392 = arith.index_cast %parallel_loop3A_391 : i32 to index
          %parallel_loop3A_393 = tpu.vector_load %run_scoped3A[%parallel_loop3A_392] {strides = array<i32>} : memref<32768xf32, #tpu.memory_space<vmem>>, vector<16xf32>,
          %parallel_loop3A_394 = arith.maximumf %parallel_loop3A_384, %parallel_loop3A_393 : vector<16xf32>
          %parallel_loop3A_395 = arith.constant 8 : i32
          %parallel_loop3A_396 = arith.muli %parallel_loop3A_323, %parallel_loop3A_395 : i32
          %parallel_loop3A_397 = arith.addi %parallel_loop3A_396, %scan3A_311 : i32
          %parallel_loop3A_398 = arith.constant 128 : i32
          %parallel_loop3A_399 = arith.muli %parallel_loop3A_397, %parallel_loop3A_398 : i32
          %parallel_loop3A_400 = arith.constant 112 : i32
          %parallel_loop3A_401 = arith.addi %parallel_loop3A_399, %parallel_loop3A_400 : i32
          %parallel_loop3A_402 = arith.index_cast %parallel_loop3A_401 : i32 to index
          %parallel_loop3A_403 = tpu.vector_load %run_scoped3A[%parallel_loop3A_402] {strides = array<i32>} : memref<32768xf32, #tpu.memory_space<vmem>>, vector<16xf32>,
          %parallel_loop3A_404 = arith.maximumf %parallel_loop3A_394, %parallel_loop3A_403 : vector<16xf32>
          scf.yield %parallel_loop3A_404 : vector<16xf32>
        } {sc.loop_unroll_factor = 4 : i64, sc.parallel_access}
        %reduce_max3A = arith.constant true
        %reduce_max3A_316 = vector.broadcast %reduce_max3A : i1 to vector<16xi1>
        %reduce_max3A_317 = tpu.scan <max>, %parallel_loop3A_315 masked %reduce_max3A_316 : vector<16xf32>, vector<16xi1> -> vector<16xf32>
        %reduce_max3A_318 = vector.extract %reduce_max3A_317[15] : f32 from vector<16xf32>
        %broadcast_in_dim3A_319 = vector.broadcast %reduce_max3A_318 : f32 to vector<16xf32>
        %parallel_loop3A_320 = arith.constant 0 : i32
        %parallel_loop3A_321 = arith.constant 32 : i32
        %parallel_loop3A_322 = arith.constant 1 : i32
        scf.for %parallel_loop3A_323 = %parallel_loop3A_320 to %parallel_loop3A_321 step %parallel_loop3A_322  : i32 {
          %parallel_loop3A_324 = arith.constant 8 : i32
          %parallel_loop3A_325 = arith.muli %parallel_loop3A_323, %parallel_loop3A_324 : i32
          %parallel_loop3A_326 = arith.addi %parallel_loop3A_325, %scan3A_311 : i32
          %parallel_loop3A_327 = arith.constant 128 : i32
          %parallel_loop3A_328 = arith.muli %parallel_loop3A_326, %parallel_loop3A_327 : i32
          %parallel_loop3A_329 = arith.constant 0 : i32
          %parallel_loop3A_330 = arith.addi %parallel_loop3A_328, %parallel_loop3A_329 : i32
          %parallel_loop3A_331 = arith.index_cast %parallel_loop3A_330 : i32 to index
          %parallel_loop3A_332 = tpu.vector_load %run_scoped3A[%parallel_loop3A_331] {strides = array<i32>} : memref<32768xf32, #tpu.memory_space<vmem>>, vector<16xf32>,
          %parallel_loop3A_333 = arith.cmpf oeq, %parallel_loop3A_332, %broadcast_in_dim3A_319 : vector<16xf32>
          %parallel_loop3A_334 = arith.constant 1.000000e+00 : f32
          %parallel_loop3A_335 = arith.constant 0.000000e+00 : f32
          %parallel_loop3A_336 = vector.broadcast %parallel_loop3A_334 : f32 to vector<16xf32>
          %parallel_loop3A_337 = vector.broadcast %parallel_loop3A_335 : f32 to vector<16xf32>
          %parallel_loop3A_338 = arith.select %parallel_loop3A_333, %parallel_loop3A_336, %parallel_loop3A_337 : vector<16xi1>, vector<16xf32>
          %parallel_loop3A_339 = arith.constant 8 : i32
          %parallel_loop3A_340 = arith.muli %parallel_loop3A_323, %parallel_loop3A_339 : i32
          %parallel_loop3A_341 = arith.addi %parallel_loop3A_340, %scan3A_311 : i32
          %parallel_loop3A_342 = arith.constant 128 : i32
          %parallel_loop3A_343 = arith.muli %parallel_loop3A_341, %parallel_loop3A_342 : i32
          %parallel_loop3A_344 = arith.constant 0 : i32
          %parallel_loop3A_345 = arith.addi %parallel_loop3A_343, %parallel_loop3A_344 : i32
          %parallel_loop3A_346 = arith.index_cast %parallel_loop3A_345 : i32 to index
          %parallel_loop3A_347 = tpu.vector_load %run_scoped3A_4[%parallel_loop3A_346] {strides = array<i32>} : memref<32768xf32, #tpu.memory_space<vmem>>, vector<16xf32>,
          tpu.vector_store %run_scoped3A_4[%parallel_loop3A_346], %parallel_loop3A_338 {strides = array<i32>} : memref<32768xf32, #tpu.memory_space<vmem>>, vector<16xf32>,
          %parallel_loop3A_348 = arith.constant 8 : i32
          %parallel_loop3A_349 = arith.muli %parallel_loop3A_323, %parallel_loop3A_348 : i32
          %parallel_loop3A_350 = arith.addi %parallel_loop3A_349, %scan3A_311 : i32
          %parallel_loop3A_351 = arith.constant 128 : i32
          %parallel_loop3A_352 = arith.muli %parallel_loop3A_350, %parallel_loop3A_351 : i32
          %parallel_loop3A_353 = arith.constant 16 : i32
          %parallel_loop3A_354 = arith.addi %parallel_loop3A_352, %parallel_loop3A_353 : i32
          %parallel_loop3A_355 = arith.index_cast %parallel_loop3A_354 : i32 to index
          %parallel_loop3A_356 = tpu.vector_load %run_scoped3A[%parallel_loop3A_355] {strides = array<i32>} : memref<32768xf32, #tpu.memory_space<vmem>>, vector<16xf32>,
          %parallel_loop3A_357 = arith.cmpf oeq, %parallel_loop3A_356, %broadcast_in_dim3A_319 : vector<16xf32>
          %parallel_loop3A_358 = arith.constant 1.000000e+00 : f32
          %parallel_loop3A_359 = arith.constant 0.000000e+00 : f32
          %parallel_loop3A_360 = vector.broadcast %parallel_loop3A_358 : f32 to vector<16xf32>
          %parallel_loop3A_361 = vector.broadcast %parallel_loop3A_359 : f32 to vector<16xf32>
          %parallel_loop3A_362 = arith.select %parallel_loop3A_357, %parallel_loop3A_360, %parallel_loop3A_361 : vector<16xi1>, vector<16xf32>
          %parallel_loop3A_363 = arith.constant 8 : i32
          %parallel_loop3A_364 = arith.muli %parallel_loop3A_323, %parallel_loop3A_363 : i32
          %parallel_loop3A_365 = arith.addi %parallel_loop3A_364, %scan3A_311 : i32
          %parallel_loop3A_366 = arith.constant 128 : i32
          %parallel_loop3A_367 = arith.muli %parallel_loop3A_365, %parallel_loop3A_366 : i32
          %parallel_loop3A_368 = arith.constant 16 : i32
          %parallel_loop3A_369 = arith.addi %parallel_loop3A_367, %parallel_loop3A_368 : i32
          %parallel_loop3A_370 = arith.index_cast %parallel_loop3A_369 : i32 to index
          %parallel_loop3A_371 = tpu.vector_load %run_scoped3A_4[%parallel_loop3A_370] {strides = array<i32>} : memref<32768xf32, #tpu.memory_space<vmem>>, vector<16xf32>,
          tpu.vector_store %run_scoped3A_4[%parallel_loop3A_370], %parallel_loop3A_362 {strides = array<i32>} : memref<32768xf32, #tpu.memory_space<vmem>>, vector<16xf32>,
          %parallel_loop3A_372 = arith.constant 8 : i32
          %parallel_loop3A_373 = arith.muli %parallel_loop3A_323, %parallel_loop3A_372 : i32
          %parallel_loop3A_374 = arith.addi %parallel_loop3A_373, %scan3A_311 : i32
          %parallel_loop3A_375 = arith.constant 128 : i32
          %parallel_loop3A_376 = arith.muli %parallel_loop3A_374, %parallel_loop3A_375 : i32
          %parallel_loop3A_377 = arith.constant 32 : i32
          %parallel_loop3A_378 = arith.addi %parallel_loop3A_376, %parallel_loop3A_377 : i32
          %parallel_loop3A_379 = arith.index_cast %parallel_loop3A_378 : i32 to index
          %parallel_loop3A_380 = tpu.vector_load %run_scoped3A[%parallel_loop3A_379] {strides = array<i32>} : memref<32768xf32, #tpu.memory_space<vmem>>, vector<16xf32>,
          %parallel_loop3A_381 = arith.cmpf oeq, %parallel_loop3A_380, %broadcast_in_dim3A_319 : vector<16xf32>
          %parallel_loop3A_382 = arith.constant 1.000000e+00 : f32
          %parallel_loop3A_383 = arith.constant 0.000000e+00 : f32
          %parallel_loop3A_384 = vector.broadcast %parallel_loop3A_382 : f32 to vector<16xf32>
          %parallel_loop3A_385 = vector.broadcast %parallel_loop3A_383 : f32 to vector<16xf32>
          %parallel_loop3A_386 = arith.select %parallel_loop3A_381, %parallel_loop3A_384, %parallel_loop3A_385 : vector<16xi1>, vector<16xf32>
          %parallel_loop3A_387 = arith.constant 8 : i32
          %parallel_loop3A_388 = arith.muli %parallel_loop3A_323, %parallel_loop3A_387 : i32
          %parallel_loop3A_389 = arith.addi %parallel_loop3A_388, %scan3A_311 : i32
          %parallel_loop3A_390 = arith.constant 128 : i32
          %parallel_loop3A_391 = arith.muli %parallel_loop3A_389, %parallel_loop3A_390 : i32
          %parallel_loop3A_392 = arith.constant 32 : i32
          %parallel_loop3A_393 = arith.addi %parallel_loop3A_391, %parallel_loop3A_392 : i32
          %parallel_loop3A_394 = arith.index_cast %parallel_loop3A_393 : i32 to index
          %parallel_loop3A_395 = tpu.vector_load %run_scoped3A_4[%parallel_loop3A_394] {strides = array<i32>} : memref<32768xf32, #tpu.memory_space<vmem>>, vector<16xf32>,
          tpu.vector_store %run_scoped3A_4[%parallel_loop3A_394], %parallel_loop3A_386 {strides = array<i32>} : memref<32768xf32, #tpu.memory_space<vmem>>, vector<16xf32>,
          %parallel_loop3A_396 = arith.constant 8 : i32
          %parallel_loop3A_397 = arith.muli %parallel_loop3A_323, %parallel_loop3A_396 : i32
          %parallel_loop3A_398 = arith.addi %parallel_loop3A_397, %scan3A_311 : i32
          %parallel_loop3A_399 = arith.constant 128 : i32
          %parallel_loop3A_400 = arith.muli %parallel_loop3A_398, %parallel_loop3A_399 : i32
          %parallel_loop3A_401 = arith.constant 48 : i32
          %parallel_loop3A_402 = arith.addi %parallel_loop3A_400, %parallel_loop3A_401 : i32
          %parallel_loop3A_403 = arith.index_cast %parallel_loop3A_402 : i32 to index
          %parallel_loop3A_404 = tpu.vector_load %run_scoped3A[%parallel_loop3A_403] {strides = array<i32>} : memref<32768xf32, #tpu.memory_space<vmem>>, vector<16xf32>,
          %parallel_loop3A_405 = arith.cmpf oeq, %parallel_loop3A_404, %broadcast_in_dim3A_319 : vector<16xf32>
          %parallel_loop3A_406 = arith.constant 1.000000e+00 : f32
          %parallel_loop3A_407 = arith.constant 0.000000e+00 : f32
          %parallel_loop3A_408 = vector.broadcast %parallel_loop3A_406 : f32 to vector<16xf32>
          %parallel_loop3A_409 = vector.broadcast %parallel_loop3A_407 : f32 to vector<16xf32>
          %parallel_loop3A_410 = arith.select %parallel_loop3A_405, %parallel_loop3A_408, %parallel_loop3A_409 : vector<16xi1>, vector<16xf32>
          %parallel_loop3A_411 = arith.constant 8 : i32
          %parallel_loop3A_412 = arith.muli %parallel_loop3A_323, %parallel_loop3A_411 : i32
          %parallel_loop3A_413 = arith.addi %parallel_loop3A_412, %scan3A_311 : i32
          %parallel_loop3A_414 = arith.constant 128 : i32
          %parallel_loop3A_415 = arith.muli %parallel_loop3A_413, %parallel_loop3A_414 : i32
          %parallel_loop3A_416 = arith.constant 48 : i32
          %parallel_loop3A_417 = arith.addi %parallel_loop3A_415, %parallel_loop3A_416 : i32
          %parallel_loop3A_418 = arith.index_cast %parallel_loop3A_417 : i32 to index
          %parallel_loop3A_419 = tpu.vector_load %run_scoped3A_4[%parallel_loop3A_418] {strides = array<i32>} : memref<32768xf32, #tpu.memory_space<vmem>>, vector<16xf32>,
          tpu.vector_store %run_scoped3A_4[%parallel_loop3A_418], %parallel_loop3A_410 {strides = array<i32>} : memref<32768xf32, #tpu.memory_space<vmem>>, vector<16xf32>,
          %parallel_loop3A_420 = arith.constant 8 : i32
          %parallel_loop3A_421 = arith.muli %parallel_loop3A_323, %parallel_loop3A_420 : i32
          %parallel_loop3A_422 = arith.addi %parallel_loop3A_421, %scan3A_311 : i32
          %parallel_loop3A_423 = arith.constant 128 : i32
          %parallel_loop3A_424 = arith.muli %parallel_loop3A_422, %parallel_loop3A_423 : i32
          %parallel_loop3A_425 = arith.constant 64 : i32
          %parallel_loop3A_426 = arith.addi %parallel_loop3A_424, %parallel_loop3A_425 : i32
          %parallel_loop3A_427 = arith.index_cast %parallel_loop3A_426 : i32 to index
          %parallel_loop3A_428 = tpu.vector_load %run_scoped3A[%parallel_loop3A_427] {strides = array<i32>} : memref<32768xf32, #tpu.memory_space<vmem>>, vector<16xf32>,
          %parallel_loop3A_429 = arith.cmpf oeq, %parallel_loop3A_428, %broadcast_in_dim3A_319 : vector<16xf32>
          %parallel_loop3A_430 = arith.constant 1.000000e+00 : f32
          %parallel_loop3A_431 = arith.constant 0.000000e+00 : f32
          %parallel_loop3A_432 = vector.broadcast %parallel_loop3A_430 : f32 to vector<16xf32>
          %parallel_loop3A_433 = vector.broadcast %parallel_loop3A_431 : f32 to vector<16xf32>
          %parallel_loop3A_434 = arith.select %parallel_loop3A_429, %parallel_loop3A_432, %parallel_loop3A_433 : vector<16xi1>, vector<16xf32>
          %parallel_loop3A_435 = arith.constant 8 : i32
          %parallel_loop3A_436 = arith.muli %parallel_loop3A_323, %parallel_loop3A_435 : i32
          %parallel_loop3A_437 = arith.addi %parallel_loop3A_436, %scan3A_311 : i32
          %parallel_loop3A_438 = arith.constant 128 : i32
          %parallel_loop3A_439 = arith.muli %parallel_loop3A_437, %parallel_loop3A_438 : i32
          %parallel_loop3A_440 = arith.constant 64 : i32
          %parallel_loop3A_441 = arith.addi %parallel_loop3A_439, %parallel_loop3A_440 : i32
          %parallel_loop3A_442 = arith.index_cast %parallel_loop3A_441 : i32 to index
          %parallel_loop3A_443 = tpu.vector_load %run_scoped3A_4[%parallel_loop3A_442] {strides = array<i32>} : memref<32768xf32, #tpu.memory_space<vmem>>, vector<16xf32>,
          tpu.vector_store %run_scoped3A_4[%parallel_loop3A_442], %parallel_loop3A_434 {strides = array<i32>} : memref<32768xf32, #tpu.memory_space<vmem>>, vector<16xf32>,
          %parallel_loop3A_444 = arith.constant 8 : i32
          %parallel_loop3A_445 = arith.muli %parallel_loop3A_323, %parallel_loop3A_444 : i32
          %parallel_loop3A_446 = arith.addi %parallel_loop3A_445, %scan3A_311 : i32
          %parallel_loop3A_447 = arith.constant 128 : i32
          %parallel_loop3A_448 = arith.muli %parallel_loop3A_446, %parallel_loop3A_447 : i32
          %parallel_loop3A_449 = arith.constant 80 : i32
          %parallel_loop3A_450 = arith.addi %parallel_loop3A_448, %parallel_loop3A_449 : i32
          %parallel_loop3A_451 = arith.index_cast %parallel_loop3A_450 : i32 to index
          %parallel_loop3A_452 = tpu.vector_load %run_scoped3A[%parallel_loop3A_451] {strides = array<i32>} : memref<32768xf32, #tpu.memory_space<vmem>>, vector<16xf32>,
          %parallel_loop3A_453 = arith.cmpf oeq, %parallel_loop3A_452, %broadcast_in_dim3A_319 : vector<16xf32>
          %parallel_loop3A_454 = arith.constant 1.000000e+00 : f32
          %parallel_loop3A_455 = arith.constant 0.000000e+00 : f32
          %parallel_loop3A_456 = vector.broadcast %parallel_loop3A_454 : f32 to vector<16xf32>
          %parallel_loop3A_457 = vector.broadcast %parallel_loop3A_455 : f32 to vector<16xf32>
          %parallel_loop3A_458 = arith.select %parallel_loop3A_453, %parallel_loop3A_456, %parallel_loop3A_457 : vector<16xi1>, vector<16xf32>
          %parallel_loop3A_459 = arith.constant 8 : i32
          %parallel_loop3A_460 = arith.muli %parallel_loop3A_323, %parallel_loop3A_459 : i32
          %parallel_loop3A_461 = arith.addi %parallel_loop3A_460, %scan3A_311 : i32
          %parallel_loop3A_462 = arith.constant 128 : i32
          %parallel_loop3A_463 = arith.muli %parallel_loop3A_461, %parallel_loop3A_462 : i32
          %parallel_loop3A_464 = arith.constant 80 : i32
          %parallel_loop3A_465 = arith.addi %parallel_loop3A_463, %parallel_loop3A_464 : i32
          %parallel_loop3A_466 = arith.index_cast %parallel_loop3A_465 : i32 to index
          %parallel_loop3A_467 = tpu.vector_load %run_scoped3A_4[%parallel_loop3A_466] {strides = array<i32>} : memref<32768xf32, #tpu.memory_space<vmem>>, vector<16xf32>,
          tpu.vector_store %run_scoped3A_4[%parallel_loop3A_466], %parallel_loop3A_458 {strides = array<i32>} : memref<32768xf32, #tpu.memory_space<vmem>>, vector<16xf32>,
          %parallel_loop3A_468 = arith.constant 8 : i32
          %parallel_loop3A_469 = arith.muli %parallel_loop3A_323, %parallel_loop3A_468 : i32
          %parallel_loop3A_470 = arith.addi %parallel_loop3A_469, %scan3A_311 : i32
          %parallel_loop3A_471 = arith.constant 128 : i32
          %parallel_loop3A_472 = arith.muli %parallel_loop3A_470, %parallel_loop3A_471 : i32
          %parallel_loop3A_473 = arith.constant 96 : i32
          %parallel_loop3A_474 = arith.addi %parallel_loop3A_472, %parallel_loop3A_473 : i32
          %parallel_loop3A_475 = arith.index_cast %parallel_loop3A_474 : i32 to index
          %parallel_loop3A_476 = tpu.vector_load %run_scoped3A[%parallel_loop3A_475] {strides = array<i32>} : memref<32768xf32, #tpu.memory_space<vmem>>, vector<16xf32>,
          %parallel_loop3A_477 = arith.cmpf oeq, %parallel_loop3A_476, %broadcast_in_dim3A_319 : vector<16xf32>
          %parallel_loop3A_478 = arith.constant 1.000000e+00 : f32
          %parallel_loop3A_479 = arith.constant 0.000000e+00 : f32
          %parallel_loop3A_480 = vector.broadcast %parallel_loop3A_478 : f32 to vector<16xf32>
          %parallel_loop3A_481 = vector.broadcast %parallel_loop3A_479 : f32 to vector<16xf32>
          %parallel_loop3A_482 = arith.select %parallel_loop3A_477, %parallel_loop3A_480, %parallel_loop3A_481 : vector<16xi1>, vector<16xf32>
          %parallel_loop3A_483 = arith.constant 8 : i32
          %parallel_loop3A_484 = arith.muli %parallel_loop3A_323, %parallel_loop3A_483 : i32
          %parallel_loop3A_485 = arith.addi %parallel_loop3A_484, %scan3A_311 : i32
          %parallel_loop3A_486 = arith.constant 128 : i32
          %parallel_loop3A_487 = arith.muli %parallel_loop3A_485, %parallel_loop3A_486 : i32
          %parallel_loop3A_488 = arith.constant 96 : i32
          %parallel_loop3A_489 = arith.addi %parallel_loop3A_487, %parallel_loop3A_488 : i32
          %parallel_loop3A_490 = arith.index_cast %parallel_loop3A_489 : i32 to index
          %parallel_loop3A_491 = tpu.vector_load %run_scoped3A_4[%parallel_loop3A_490] {strides = array<i32>} : memref<32768xf32, #tpu.memory_space<vmem>>, vector<16xf32>,
          tpu.vector_store %run_scoped3A_4[%parallel_loop3A_490], %parallel_loop3A_482 {strides = array<i32>} : memref<32768xf32, #tpu.memory_space<vmem>>, vector<16xf32>,
          %parallel_loop3A_492 = arith.constant 8 : i32
          %parallel_loop3A_493 = arith.muli %parallel_loop3A_323, %parallel_loop3A_492 : i32
          %parallel_loop3A_494 = arith.addi %parallel_loop3A_493, %scan3A_311 : i32
          %parallel_loop3A_495 = arith.constant 128 : i32
          %parallel_loop3A_496 = arith.muli %parallel_loop3A_494, %parallel_loop3A_495 : i32
          %parallel_loop3A_497 = arith.constant 112 : i32
          %parallel_loop3A_498 = arith.addi %parallel_loop3A_496, %parallel_loop3A_497 : i32
          %parallel_loop3A_499 = arith.index_cast %parallel_loop3A_498 : i32 to index
          %parallel_loop3A_500 = tpu.vector_load %run_scoped3A[%parallel_loop3A_499] {strides = array<i32>} : memref<32768xf32, #tpu.memory_space<vmem>>, vector<16xf32>,
          %parallel_loop3A_501 = arith.cmpf oeq, %parallel_loop3A_500, %broadcast_in_dim3A_319 : vector<16xf32>
          %parallel_loop3A_502 = arith.constant 1.000000e+00 : f32
          %parallel_loop3A_503 = arith.constant 0.000000e+00 : f32
          %parallel_loop3A_504 = vector.broadcast %parallel_loop3A_502 : f32 to vector<16xf32>
          %parallel_loop3A_505 = vector.broadcast %parallel_loop3A_503 : f32 to vector<16xf32>
          %parallel_loop3A_506 = arith.select %parallel_loop3A_501, %parallel_loop3A_504, %parallel_loop3A_505 : vector<16xi1>, vector<16xf32>
          %parallel_loop3A_507 = arith.constant 8 : i32
          %parallel_loop3A_508 = arith.muli %parallel_loop3A_323, %parallel_loop3A_507 : i32
          %parallel_loop3A_509 = arith.addi %parallel_loop3A_508, %scan3A_311 : i32
          %parallel_loop3A_510 = arith.constant 128 : i32
          %parallel_loop3A_511 = arith.muli %parallel_loop3A_509, %parallel_loop3A_510 : i32
          %parallel_loop3A_512 = arith.constant 112 : i32
          %parallel_loop3A_513 = arith.addi %parallel_loop3A_511, %parallel_loop3A_512 : i32
          %parallel_loop3A_514 = arith.index_cast %parallel_loop3A_513 : i32 to index
          %parallel_loop3A_515 = tpu.vector_load %run_scoped3A_4[%parallel_loop3A_514] {strides = array<i32>} : memref<32768xf32, #tpu.memory_space<vmem>>, vector<16xf32>,
          tpu.vector_store %run_scoped3A_4[%parallel_loop3A_514], %parallel_loop3A_506 {strides = array<i32>} : memref<32768xf32, #tpu.memory_space<vmem>>, vector<16xf32>,
        } {sc.loop_unroll_factor = 4 : i64, sc.parallel_access}
      }
      %scan3A_256 = arith.constant 8 : i32
      %add3A_257 = arith.constant 6 : i32
      %add3A_258 = arith.addi %mul3A_2, %add3A_257 : i32
      %dma_start3A_259 = arith.constant 0 : i32
      %dma_start3A_260 = tpu.memref_slice %arg3[%add3A_258, %dma_start3A_259] : memref<256x32768xf32, #tpu.memory_space<hbm>> -> memref<1x32768xf32, #tpu.memory_space<hbm>>
      %dma_start3A_261 = tpu.memref_squeeze %dma_start3A_260 : memref<1x32768xf32, #tpu.memory_space<hbm>> -> memref<32768xf32, #tpu.memory_space<hbm>>
      %dma_start3A_262 = arith.constant 0 : i32
      %dma_start3A_263 = tpu.memref_slice %arg3[%add3A_258, %dma_start3A_262] : memref<256x32768xf32, #tpu.memory_space<hbm>> -> memref<1x32768xf32, #tpu.memory_space<hbm>>
      %dma_start3A_264 = tpu.memref_squeeze %dma_start3A_263 : memref<1x32768xf32, #tpu.memory_space<hbm>> -> memref<32768xf32, #tpu.memory_space<hbm>>
      tpu.enqueue_dma source(%run_scoped3A_4 : memref<32768xf32, #tpu.memory_space<vmem>>) target(%dma_start3A_264 : memref<32768xf32, #tpu.memory_space<hbm>>) target_semaphore(%run_scoped3A_8 : memref<!tpu.dma_semaphore, #tpu.memory_space<semaphore_mem>>)
      %add3A_265 = arith.constant 7 : i32
      %add3A_266 = arith.addi %mul3A_2, %add3A_265 : i32
      %dma_wait3A_267 = arith.constant 0 : i32
      %dma_wait3A_268 = tpu.memref_slice %arg2[%add3A_266, %dma_wait3A_267] : memref<256x32768xf32, #tpu.memory_space<hbm>> -> memref<1x32768xf32, #tpu.memory_space<hbm>>
      %dma_wait3A_269 = tpu.memref_squeeze %dma_wait3A_268 : memref<1x32768xf32, #tpu.memory_space<hbm>> -> memref<32768xf32, #tpu.memory_space<hbm>>
      %dma_wait3A_270 = arith.constant 0 : i32
      %dma_wait3A_271 = tpu.memref_slice %arg2[%add3A_266, %dma_wait3A_270] : memref<256x32768xf32, #tpu.memory_space<hbm>> -> memref<1x32768xf32, #tpu.memory_space<hbm>>
      %dma_wait3A_272 = tpu.memref_squeeze %dma_wait3A_271 : memref<1x32768xf32, #tpu.memory_space<hbm>> -> memref<32768xf32, #tpu.memory_space<hbm>>
      tpu.wait_dma2 semaphore(%run_scoped3A_7 : memref<!tpu.dma_semaphore, #tpu.memory_space<semaphore_mem>>) src(%dma_wait3A_272 : memref<32768xf32, #tpu.memory_space<hbm>>) dst(%run_scoped3A_3 : memref<32768xf32, #tpu.memory_space<vmem>>)
      %add3A_273 = arith.constant 5 : i32
      %add3A_274 = arith.addi %mul3A_2, %add3A_273 : i32
      %dma_wait3A_275 = arith.constant 0 : i32
      %dma_wait3A_276 = tpu.memref_slice %arg3[%add3A_274, %dma_wait3A_275] : memref<256x32768xf32, #tpu.memory_space<hbm>> -> memref<1x32768xf32, #tpu.memory_space<hbm>>
      %dma_wait3A_277 = tpu.memref_squeeze %dma_wait3A_276 : memref<1x32768xf32, #tpu.memory_space<hbm>> -> memref<32768xf32, #tpu.memory_space<hbm>>
      %dma_wait3A_278 = arith.constant 0 : i32
      %dma_wait3A_279 = tpu.memref_slice %arg3[%add3A_274, %dma_wait3A_278] : memref<256x32768xf32, #tpu.memory_space<hbm>> -> memref<1x32768xf32, #tpu.memory_space<hbm>>
      %dma_wait3A_280 = tpu.memref_squeeze %dma_wait3A_279 : memref<1x32768xf32, #tpu.memory_space<hbm>> -> memref<32768xf32, #tpu.memory_space<hbm>>
      tpu.wait_dma2 semaphore(%run_scoped3A_9 : memref<!tpu.dma_semaphore, #tpu.memory_space<semaphore_mem>>) src(%run_scoped3A_5 : memref<32768xf32, #tpu.memory_space<vmem>>) dst(%dma_wait3A_280 : memref<32768xf32, #tpu.memory_space<hbm>>)
      %scan3A_281 = arith.constant 0 : i32
      %scan3A_282 = arith.constant 0 : i32
      %scan3A_283 = arith.constant 8 : i32
      %scan3A_284 = arith.addi %scan3A_282, %scan3A_283 : i32
      %scan3A_285 = arith.constant 1 : i32
      scf.for %scan3A_311 = %scan3A_282 to %scan3A_284 step %scan3A_285  : i32 {
        %broadcast_in_dim3A = arith.constant 0xFF800000 : f32
        %broadcast_in_dim3A_312 = vector.broadcast %broadcast_in_dim3A : f32 to vector<16xf32>
        %parallel_loop3A = arith.constant 0 : i32
        %parallel_loop3A_313 = arith.constant 32 : i32
        %parallel_loop3A_314 = arith.constant 1 : i32
        %parallel_loop3A_315 = scf.for %parallel_loop3A_323 = %parallel_loop3A to %parallel_loop3A_313 step %parallel_loop3A_314 iter_args(%parallel_loop3A_324 = %broadcast_in_dim3A_312) -> (vector<16xf32>)  : i32 {
          %parallel_loop3A_325 = arith.constant 8 : i32
          %parallel_loop3A_326 = arith.muli %parallel_loop3A_323, %parallel_loop3A_325 : i32
          %parallel_loop3A_327 = arith.addi %parallel_loop3A_326, %scan3A_311 : i32
          %parallel_loop3A_328 = arith.constant 128 : i32
          %parallel_loop3A_329 = arith.muli %parallel_loop3A_327, %parallel_loop3A_328 : i32
          %parallel_loop3A_330 = arith.constant 0 : i32
          %parallel_loop3A_331 = arith.addi %parallel_loop3A_329, %parallel_loop3A_330 : i32
          %parallel_loop3A_332 = arith.index_cast %parallel_loop3A_331 : i32 to index
          %parallel_loop3A_333 = tpu.vector_load %run_scoped3A_3[%parallel_loop3A_332] {strides = array<i32>} : memref<32768xf32, #tpu.memory_space<vmem>>, vector<16xf32>,
          %parallel_loop3A_334 = arith.maximumf %parallel_loop3A_324, %parallel_loop3A_333 : vector<16xf32>
          %parallel_loop3A_335 = arith.constant 8 : i32
          %parallel_loop3A_336 = arith.muli %parallel_loop3A_323, %parallel_loop3A_335 : i32
          %parallel_loop3A_337 = arith.addi %parallel_loop3A_336, %scan3A_311 : i32
          %parallel_loop3A_338 = arith.constant 128 : i32
          %parallel_loop3A_339 = arith.muli %parallel_loop3A_337, %parallel_loop3A_338 : i32
          %parallel_loop3A_340 = arith.constant 16 : i32
          %parallel_loop3A_341 = arith.addi %parallel_loop3A_339, %parallel_loop3A_340 : i32
          %parallel_loop3A_342 = arith.index_cast %parallel_loop3A_341 : i32 to index
          %parallel_loop3A_343 = tpu.vector_load %run_scoped3A_3[%parallel_loop3A_342] {strides = array<i32>} : memref<32768xf32, #tpu.memory_space<vmem>>, vector<16xf32>,
          %parallel_loop3A_344 = arith.maximumf %parallel_loop3A_334, %parallel_loop3A_343 : vector<16xf32>
          %parallel_loop3A_345 = arith.constant 8 : i32
          %parallel_loop3A_346 = arith.muli %parallel_loop3A_323, %parallel_loop3A_345 : i32
          %parallel_loop3A_347 = arith.addi %parallel_loop3A_346, %scan3A_311 : i32
          %parallel_loop3A_348 = arith.constant 128 : i32
          %parallel_loop3A_349 = arith.muli %parallel_loop3A_347, %parallel_loop3A_348 : i32
          %parallel_loop3A_350 = arith.constant 32 : i32
          %parallel_loop3A_351 = arith.addi %parallel_loop3A_349, %parallel_loop3A_350 : i32
          %parallel_loop3A_352 = arith.index_cast %parallel_loop3A_351 : i32 to index
          %parallel_loop3A_353 = tpu.vector_load %run_scoped3A_3[%parallel_loop3A_352] {strides = array<i32>} : memref<32768xf32, #tpu.memory_space<vmem>>, vector<16xf32>,
          %parallel_loop3A_354 = arith.maximumf %parallel_loop3A_344, %parallel_loop3A_353 : vector<16xf32>
          %parallel_loop3A_355 = arith.constant 8 : i32
          %parallel_loop3A_356 = arith.muli %parallel_loop3A_323, %parallel_loop3A_355 : i32
          %parallel_loop3A_357 = arith.addi %parallel_loop3A_356, %scan3A_311 : i32
          %parallel_loop3A_358 = arith.constant 128 : i32
          %parallel_loop3A_359 = arith.muli %parallel_loop3A_357, %parallel_loop3A_358 : i32
          %parallel_loop3A_360 = arith.constant 48 : i32
          %parallel_loop3A_361 = arith.addi %parallel_loop3A_359, %parallel_loop3A_360 : i32
          %parallel_loop3A_362 = arith.index_cast %parallel_loop3A_361 : i32 to index
          %parallel_loop3A_363 = tpu.vector_load %run_scoped3A_3[%parallel_loop3A_362] {strides = array<i32>} : memref<32768xf32, #tpu.memory_space<vmem>>, vector<16xf32>,
          %parallel_loop3A_364 = arith.maximumf %parallel_loop3A_354, %parallel_loop3A_363 : vector<16xf32>
          %parallel_loop3A_365 = arith.constant 8 : i32
          %parallel_loop3A_366 = arith.muli %parallel_loop3A_323, %parallel_loop3A_365 : i32
          %parallel_loop3A_367 = arith.addi %parallel_loop3A_366, %scan3A_311 : i32
          %parallel_loop3A_368 = arith.constant 128 : i32
          %parallel_loop3A_369 = arith.muli %parallel_loop3A_367, %parallel_loop3A_368 : i32
          %parallel_loop3A_370 = arith.constant 64 : i32
          %parallel_loop3A_371 = arith.addi %parallel_loop3A_369, %parallel_loop3A_370 : i32
          %parallel_loop3A_372 = arith.index_cast %parallel_loop3A_371 : i32 to index
          %parallel_loop3A_373 = tpu.vector_load %run_scoped3A_3[%parallel_loop3A_372] {strides = array<i32>} : memref<32768xf32, #tpu.memory_space<vmem>>, vector<16xf32>,
          %parallel_loop3A_374 = arith.maximumf %parallel_loop3A_364, %parallel_loop3A_373 : vector<16xf32>
          %parallel_loop3A_375 = arith.constant 8 : i32
          %parallel_loop3A_376 = arith.muli %parallel_loop3A_323, %parallel_loop3A_375 : i32
          %parallel_loop3A_377 = arith.addi %parallel_loop3A_376, %scan3A_311 : i32
          %parallel_loop3A_378 = arith.constant 128 : i32
          %parallel_loop3A_379 = arith.muli %parallel_loop3A_377, %parallel_loop3A_378 : i32
          %parallel_loop3A_380 = arith.constant 80 : i32
          %parallel_loop3A_381 = arith.addi %parallel_loop3A_379, %parallel_loop3A_380 : i32
          %parallel_loop3A_382 = arith.index_cast %parallel_loop3A_381 : i32 to index
          %parallel_loop3A_383 = tpu.vector_load %run_scoped3A_3[%parallel_loop3A_382] {strides = array<i32>} : memref<32768xf32, #tpu.memory_space<vmem>>, vector<16xf32>,
          %parallel_loop3A_384 = arith.maximumf %parallel_loop3A_374, %parallel_loop3A_383 : vector<16xf32>
          %parallel_loop3A_385 = arith.constant 8 : i32
          %parallel_loop3A_386 = arith.muli %parallel_loop3A_323, %parallel_loop3A_385 : i32
          %parallel_loop3A_387 = arith.addi %parallel_loop3A_386, %scan3A_311 : i32
          %parallel_loop3A_388 = arith.constant 128 : i32
          %parallel_loop3A_389 = arith.muli %parallel_loop3A_387, %parallel_loop3A_388 : i32
          %parallel_loop3A_390 = arith.constant 96 : i32
          %parallel_loop3A_391 = arith.addi %parallel_loop3A_389, %parallel_loop3A_390 : i32
          %parallel_loop3A_392 = arith.index_cast %parallel_loop3A_391 : i32 to index
          %parallel_loop3A_393 = tpu.vector_load %run_scoped3A_3[%parallel_loop3A_392] {strides = array<i32>} : memref<32768xf32, #tpu.memory_space<vmem>>, vector<16xf32>,
          %parallel_loop3A_394 = arith.maximumf %parallel_loop3A_384, %parallel_loop3A_393 : vector<16xf32>
          %parallel_loop3A_395 = arith.constant 8 : i32
          %parallel_loop3A_396 = arith.muli %parallel_loop3A_323, %parallel_loop3A_395 : i32
          %parallel_loop3A_397 = arith.addi %parallel_loop3A_396, %scan3A_311 : i32
          %parallel_loop3A_398 = arith.constant 128 : i32
          %parallel_loop3A_399 = arith.muli %parallel_loop3A_397, %parallel_loop3A_398 : i32
          %parallel_loop3A_400 = arith.constant 112 : i32
          %parallel_loop3A_401 = arith.addi %parallel_loop3A_399, %parallel_loop3A_400 : i32
          %parallel_loop3A_402 = arith.index_cast %parallel_loop3A_401 : i32 to index
          %parallel_loop3A_403 = tpu.vector_load %run_scoped3A_3[%parallel_loop3A_402] {strides = array<i32>} : memref<32768xf32, #tpu.memory_space<vmem>>, vector<16xf32>,
          %parallel_loop3A_404 = arith.maximumf %parallel_loop3A_394, %parallel_loop3A_403 : vector<16xf32>
          scf.yield %parallel_loop3A_404 : vector<16xf32>
        } {sc.loop_unroll_factor = 4 : i64, sc.parallel_access}
        %reduce_max3A = arith.constant true
        %reduce_max3A_316 = vector.broadcast %reduce_max3A : i1 to vector<16xi1>
        %reduce_max3A_317 = tpu.scan <max>, %parallel_loop3A_315 masked %reduce_max3A_316 : vector<16xf32>, vector<16xi1> -> vector<16xf32>
        %reduce_max3A_318 = vector.extract %reduce_max3A_317[15] : f32 from vector<16xf32>
        %broadcast_in_dim3A_319 = vector.broadcast %reduce_max3A_318 : f32 to vector<16xf32>
        %parallel_loop3A_320 = arith.constant 0 : i32
        %parallel_loop3A_321 = arith.constant 32 : i32
        %parallel_loop3A_322 = arith.constant 1 : i32
        scf.for %parallel_loop3A_323 = %parallel_loop3A_320 to %parallel_loop3A_321 step %parallel_loop3A_322  : i32 {
          %parallel_loop3A_324 = arith.constant 8 : i32
          %parallel_loop3A_325 = arith.muli %parallel_loop3A_323, %parallel_loop3A_324 : i32
          %parallel_loop3A_326 = arith.addi %parallel_loop3A_325, %scan3A_311 : i32
          %parallel_loop3A_327 = arith.constant 128 : i32
          %parallel_loop3A_328 = arith.muli %parallel_loop3A_326, %parallel_loop3A_327 : i32
          %parallel_loop3A_329 = arith.constant 0 : i32
          %parallel_loop3A_330 = arith.addi %parallel_loop3A_328, %parallel_loop3A_329 : i32
          %parallel_loop3A_331 = arith.index_cast %parallel_loop3A_330 : i32 to index
          %parallel_loop3A_332 = tpu.vector_load %run_scoped3A_3[%parallel_loop3A_331] {strides = array<i32>} : memref<32768xf32, #tpu.memory_space<vmem>>, vector<16xf32>,
          %parallel_loop3A_333 = arith.cmpf oeq, %parallel_loop3A_332, %broadcast_in_dim3A_319 : vector<16xf32>
          %parallel_loop3A_334 = arith.constant 1.000000e+00 : f32
          %parallel_loop3A_335 = arith.constant 0.000000e+00 : f32
          %parallel_loop3A_336 = vector.broadcast %parallel_loop3A_334 : f32 to vector<16xf32>
          %parallel_loop3A_337 = vector.broadcast %parallel_loop3A_335 : f32 to vector<16xf32>
          %parallel_loop3A_338 = arith.select %parallel_loop3A_333, %parallel_loop3A_336, %parallel_loop3A_337 : vector<16xi1>, vector<16xf32>
          %parallel_loop3A_339 = arith.constant 8 : i32
          %parallel_loop3A_340 = arith.muli %parallel_loop3A_323, %parallel_loop3A_339 : i32
          %parallel_loop3A_341 = arith.addi %parallel_loop3A_340, %scan3A_311 : i32
          %parallel_loop3A_342 = arith.constant 128 : i32
          %parallel_loop3A_343 = arith.muli %parallel_loop3A_341, %parallel_loop3A_342 : i32
          %parallel_loop3A_344 = arith.constant 0 : i32
          %parallel_loop3A_345 = arith.addi %parallel_loop3A_343, %parallel_loop3A_344 : i32
          %parallel_loop3A_346 = arith.index_cast %parallel_loop3A_345 : i32 to index
          %parallel_loop3A_347 = tpu.vector_load %run_scoped3A_5[%parallel_loop3A_346] {strides = array<i32>} : memref<32768xf32, #tpu.memory_space<vmem>>, vector<16xf32>,
          tpu.vector_store %run_scoped3A_5[%parallel_loop3A_346], %parallel_loop3A_338 {strides = array<i32>} : memref<32768xf32, #tpu.memory_space<vmem>>, vector<16xf32>,
          %parallel_loop3A_348 = arith.constant 8 : i32
          %parallel_loop3A_349 = arith.muli %parallel_loop3A_323, %parallel_loop3A_348 : i32
          %parallel_loop3A_350 = arith.addi %parallel_loop3A_349, %scan3A_311 : i32
          %parallel_loop3A_351 = arith.constant 128 : i32
          %parallel_loop3A_352 = arith.muli %parallel_loop3A_350, %parallel_loop3A_351 : i32
          %parallel_loop3A_353 = arith.constant 16 : i32
          %parallel_loop3A_354 = arith.addi %parallel_loop3A_352, %parallel_loop3A_353 : i32
          %parallel_loop3A_355 = arith.index_cast %parallel_loop3A_354 : i32 to index
          %parallel_loop3A_356 = tpu.vector_load %run_scoped3A_3[%parallel_loop3A_355] {strides = array<i32>} : memref<32768xf32, #tpu.memory_space<vmem>>, vector<16xf32>,
          %parallel_loop3A_357 = arith.cmpf oeq, %parallel_loop3A_356, %broadcast_in_dim3A_319 : vector<16xf32>
          %parallel_loop3A_358 = arith.constant 1.000000e+00 : f32
          %parallel_loop3A_359 = arith.constant 0.000000e+00 : f32
          %parallel_loop3A_360 = vector.broadcast %parallel_loop3A_358 : f32 to vector<16xf32>
          %parallel_loop3A_361 = vector.broadcast %parallel_loop3A_359 : f32 to vector<16xf32>
          %parallel_loop3A_362 = arith.select %parallel_loop3A_357, %parallel_loop3A_360, %parallel_loop3A_361 : vector<16xi1>, vector<16xf32>
          %parallel_loop3A_363 = arith.constant 8 : i32
          %parallel_loop3A_364 = arith.muli %parallel_loop3A_323, %parallel_loop3A_363 : i32
          %parallel_loop3A_365 = arith.addi %parallel_loop3A_364, %scan3A_311 : i32
          %parallel_loop3A_366 = arith.constant 128 : i32
          %parallel_loop3A_367 = arith.muli %parallel_loop3A_365, %parallel_loop3A_366 : i32
          %parallel_loop3A_368 = arith.constant 16 : i32
          %parallel_loop3A_369 = arith.addi %parallel_loop3A_367, %parallel_loop3A_368 : i32
          %parallel_loop3A_370 = arith.index_cast %parallel_loop3A_369 : i32 to index
          %parallel_loop3A_371 = tpu.vector_load %run_scoped3A_5[%parallel_loop3A_370] {strides = array<i32>} : memref<32768xf32, #tpu.memory_space<vmem>>, vector<16xf32>,
          tpu.vector_store %run_scoped3A_5[%parallel_loop3A_370], %parallel_loop3A_362 {strides = array<i32>} : memref<32768xf32, #tpu.memory_space<vmem>>, vector<16xf32>,
          %parallel_loop3A_372 = arith.constant 8 : i32
          %parallel_loop3A_373 = arith.muli %parallel_loop3A_323, %parallel_loop3A_372 : i32
          %parallel_loop3A_374 = arith.addi %parallel_loop3A_373, %scan3A_311 : i32
          %parallel_loop3A_375 = arith.constant 128 : i32
          %parallel_loop3A_376 = arith.muli %parallel_loop3A_374, %parallel_loop3A_375 : i32
          %parallel_loop3A_377 = arith.constant 32 : i32
          %parallel_loop3A_378 = arith.addi %parallel_loop3A_376, %parallel_loop3A_377 : i32
          %parallel_loop3A_379 = arith.index_cast %parallel_loop3A_378 : i32 to index
          %parallel_loop3A_380 = tpu.vector_load %run_scoped3A_3[%parallel_loop3A_379] {strides = array<i32>} : memref<32768xf32, #tpu.memory_space<vmem>>, vector<16xf32>,
          %parallel_loop3A_381 = arith.cmpf oeq, %parallel_loop3A_380, %broadcast_in_dim3A_319 : vector<16xf32>
          %parallel_loop3A_382 = arith.constant 1.000000e+00 : f32
          %parallel_loop3A_383 = arith.constant 0.000000e+00 : f32
          %parallel_loop3A_384 = vector.broadcast %parallel_loop3A_382 : f32 to vector<16xf32>
          %parallel_loop3A_385 = vector.broadcast %parallel_loop3A_383 : f32 to vector<16xf32>
          %parallel_loop3A_386 = arith.select %parallel_loop3A_381, %parallel_loop3A_384, %parallel_loop3A_385 : vector<16xi1>, vector<16xf32>
          %parallel_loop3A_387 = arith.constant 8 : i32
          %parallel_loop3A_388 = arith.muli %parallel_loop3A_323, %parallel_loop3A_387 : i32
          %parallel_loop3A_389 = arith.addi %parallel_loop3A_388, %scan3A_311 : i32
          %parallel_loop3A_390 = arith.constant 128 : i32
          %parallel_loop3A_391 = arith.muli %parallel_loop3A_389, %parallel_loop3A_390 : i32
          %parallel_loop3A_392 = arith.constant 32 : i32
          %parallel_loop3A_393 = arith.addi %parallel_loop3A_391, %parallel_loop3A_392 : i32
          %parallel_loop3A_394 = arith.index_cast %parallel_loop3A_393 : i32 to index
          %parallel_loop3A_395 = tpu.vector_load %run_scoped3A_5[%parallel_loop3A_394] {strides = array<i32>} : memref<32768xf32, #tpu.memory_space<vmem>>, vector<16xf32>,
          tpu.vector_store %run_scoped3A_5[%parallel_loop3A_394], %parallel_loop3A_386 {strides = array<i32>} : memref<32768xf32, #tpu.memory_space<vmem>>, vector<16xf32>,
          %parallel_loop3A_396 = arith.constant 8 : i32
          %parallel_loop3A_397 = arith.muli %parallel_loop3A_323, %parallel_loop3A_396 : i32
          %parallel_loop3A_398 = arith.addi %parallel_loop3A_397, %scan3A_311 : i32
          %parallel_loop3A_399 = arith.constant 128 : i32
          %parallel_loop3A_400 = arith.muli %parallel_loop3A_398, %parallel_loop3A_399 : i32
          %parallel_loop3A_401 = arith.constant 48 : i32
          %parallel_loop3A_402 = arith.addi %parallel_loop3A_400, %parallel_loop3A_401 : i32
          %parallel_loop3A_403 = arith.index_cast %parallel_loop3A_402 : i32 to index
          %parallel_loop3A_404 = tpu.vector_load %run_scoped3A_3[%parallel_loop3A_403] {strides = array<i32>} : memref<32768xf32, #tpu.memory_space<vmem>>, vector<16xf32>,
          %parallel_loop3A_405 = arith.cmpf oeq, %parallel_loop3A_404, %broadcast_in_dim3A_319 : vector<16xf32>
          %parallel_loop3A_406 = arith.constant 1.000000e+00 : f32
          %parallel_loop3A_407 = arith.constant 0.000000e+00 : f32
          %parallel_loop3A_408 = vector.broadcast %parallel_loop3A_406 : f32 to vector<16xf32>
          %parallel_loop3A_409 = vector.broadcast %parallel_loop3A_407 : f32 to vector<16xf32>
          %parallel_loop3A_410 = arith.select %parallel_loop3A_405, %parallel_loop3A_408, %parallel_loop3A_409 : vector<16xi1>, vector<16xf32>
          %parallel_loop3A_411 = arith.constant 8 : i32
          %parallel_loop3A_412 = arith.muli %parallel_loop3A_323, %parallel_loop3A_411 : i32
          %parallel_loop3A_413 = arith.addi %parallel_loop3A_412, %scan3A_311 : i32
          %parallel_loop3A_414 = arith.constant 128 : i32
          %parallel_loop3A_415 = arith.muli %parallel_loop3A_413, %parallel_loop3A_414 : i32
          %parallel_loop3A_416 = arith.constant 48 : i32
          %parallel_loop3A_417 = arith.addi %parallel_loop3A_415, %parallel_loop3A_416 : i32
          %parallel_loop3A_418 = arith.index_cast %parallel_loop3A_417 : i32 to index
          %parallel_loop3A_419 = tpu.vector_load %run_scoped3A_5[%parallel_loop3A_418] {strides = array<i32>} : memref<32768xf32, #tpu.memory_space<vmem>>, vector<16xf32>,
          tpu.vector_store %run_scoped3A_5[%parallel_loop3A_418], %parallel_loop3A_410 {strides = array<i32>} : memref<32768xf32, #tpu.memory_space<vmem>>, vector<16xf32>,
          %parallel_loop3A_420 = arith.constant 8 : i32
          %parallel_loop3A_421 = arith.muli %parallel_loop3A_323, %parallel_loop3A_420 : i32
          %parallel_loop3A_422 = arith.addi %parallel_loop3A_421, %scan3A_311 : i32
          %parallel_loop3A_423 = arith.constant 128 : i32
          %parallel_loop3A_424 = arith.muli %parallel_loop3A_422, %parallel_loop3A_423 : i32
          %parallel_loop3A_425 = arith.constant 64 : i32
          %parallel_loop3A_426 = arith.addi %parallel_loop3A_424, %parallel_loop3A_425 : i32
          %parallel_loop3A_427 = arith.index_cast %parallel_loop3A_426 : i32 to index
          %parallel_loop3A_428 = tpu.vector_load %run_scoped3A_3[%parallel_loop3A_427] {strides = array<i32>} : memref<32768xf32, #tpu.memory_space<vmem>>, vector<16xf32>,
          %parallel_loop3A_429 = arith.cmpf oeq, %parallel_loop3A_428, %broadcast_in_dim3A_319 : vector<16xf32>
          %parallel_loop3A_430 = arith.constant 1.000000e+00 : f32
          %parallel_loop3A_431 = arith.constant 0.000000e+00 : f32
          %parallel_loop3A_432 = vector.broadcast %parallel_loop3A_430 : f32 to vector<16xf32>
          %parallel_loop3A_433 = vector.broadcast %parallel_loop3A_431 : f32 to vector<16xf32>
          %parallel_loop3A_434 = arith.select %parallel_loop3A_429, %parallel_loop3A_432, %parallel_loop3A_433 : vector<16xi1>, vector<16xf32>
          %parallel_loop3A_435 = arith.constant 8 : i32
          %parallel_loop3A_436 = arith.muli %parallel_loop3A_323, %parallel_loop3A_435 : i32
          %parallel_loop3A_437 = arith.addi %parallel_loop3A_436, %scan3A_311 : i32
          %parallel_loop3A_438 = arith.constant 128 : i32
          %parallel_loop3A_439 = arith.muli %parallel_loop3A_437, %parallel_loop3A_438 : i32
          %parallel_loop3A_440 = arith.constant 64 : i32
          %parallel_loop3A_441 = arith.addi %parallel_loop3A_439, %parallel_loop3A_440 : i32
          %parallel_loop3A_442 = arith.index_cast %parallel_loop3A_441 : i32 to index
          %parallel_loop3A_443 = tpu.vector_load %run_scoped3A_5[%parallel_loop3A_442] {strides = array<i32>} : memref<32768xf32, #tpu.memory_space<vmem>>, vector<16xf32>,
          tpu.vector_store %run_scoped3A_5[%parallel_loop3A_442], %parallel_loop3A_434 {strides = array<i32>} : memref<32768xf32, #tpu.memory_space<vmem>>, vector<16xf32>,
          %parallel_loop3A_444 = arith.constant 8 : i32
          %parallel_loop3A_445 = arith.muli %parallel_loop3A_323, %parallel_loop3A_444 : i32
          %parallel_loop3A_446 = arith.addi %parallel_loop3A_445, %scan3A_311 : i32
          %parallel_loop3A_447 = arith.constant 128 : i32
          %parallel_loop3A_448 = arith.muli %parallel_loop3A_446, %parallel_loop3A_447 : i32
          %parallel_loop3A_449 = arith.constant 80 : i32
          %parallel_loop3A_450 = arith.addi %parallel_loop3A_448, %parallel_loop3A_449 : i32
          %parallel_loop3A_451 = arith.index_cast %parallel_loop3A_450 : i32 to index
          %parallel_loop3A_452 = tpu.vector_load %run_scoped3A_3[%parallel_loop3A_451] {strides = array<i32>} : memref<32768xf32, #tpu.memory_space<vmem>>, vector<16xf32>,
          %parallel_loop3A_453 = arith.cmpf oeq, %parallel_loop3A_452, %broadcast_in_dim3A_319 : vector<16xf32>
          %parallel_loop3A_454 = arith.constant 1.000000e+00 : f32
          %parallel_loop3A_455 = arith.constant 0.000000e+00 : f32
          %parallel_loop3A_456 = vector.broadcast %parallel_loop3A_454 : f32 to vector<16xf32>
          %parallel_loop3A_457 = vector.broadcast %parallel_loop3A_455 : f32 to vector<16xf32>
          %parallel_loop3A_458 = arith.select %parallel_loop3A_453, %parallel_loop3A_456, %parallel_loop3A_457 : vector<16xi1>, vector<16xf32>
          %parallel_loop3A_459 = arith.constant 8 : i32
          %parallel_loop3A_460 = arith.muli %parallel_loop3A_323, %parallel_loop3A_459 : i32
          %parallel_loop3A_461 = arith.addi %parallel_loop3A_460, %scan3A_311 : i32
          %parallel_loop3A_462 = arith.constant 128 : i32
          %parallel_loop3A_463 = arith.muli %parallel_loop3A_461, %parallel_loop3A_462 : i32
          %parallel_loop3A_464 = arith.constant 80 : i32
          %parallel_loop3A_465 = arith.addi %parallel_loop3A_463, %parallel_loop3A_464 : i32
          %parallel_loop3A_466 = arith.index_cast %parallel_loop3A_465 : i32 to index
          %parallel_loop3A_467 = tpu.vector_load %run_scoped3A_5[%parallel_loop3A_466] {strides = array<i32>} : memref<32768xf32, #tpu.memory_space<vmem>>, vector<16xf32>,
          tpu.vector_store %run_scoped3A_5[%parallel_loop3A_466], %parallel_loop3A_458 {strides = array<i32>} : memref<32768xf32, #tpu.memory_space<vmem>>, vector<16xf32>,
          %parallel_loop3A_468 = arith.constant 8 : i32
          %parallel_loop3A_469 = arith.muli %parallel_loop3A_323, %parallel_loop3A_468 : i32
          %parallel_loop3A_470 = arith.addi %parallel_loop3A_469, %scan3A_311 : i32
          %parallel_loop3A_471 = arith.constant 128 : i32
          %parallel_loop3A_472 = arith.muli %parallel_loop3A_470, %parallel_loop3A_471 : i32
          %parallel_loop3A_473 = arith.constant 96 : i32
          %parallel_loop3A_474 = arith.addi %parallel_loop3A_472, %parallel_loop3A_473 : i32
          %parallel_loop3A_475 = arith.index_cast %parallel_loop3A_474 : i32 to index
          %parallel_loop3A_476 = tpu.vector_load %run_scoped3A_3[%parallel_loop3A_475] {strides = array<i32>} : memref<32768xf32, #tpu.memory_space<vmem>>, vector<16xf32>,
          %parallel_loop3A_477 = arith.cmpf oeq, %parallel_loop3A_476, %broadcast_in_dim3A_319 : vector<16xf32>
          %parallel_loop3A_478 = arith.constant 1.000000e+00 : f32
          %parallel_loop3A_479 = arith.constant 0.000000e+00 : f32
          %parallel_loop3A_480 = vector.broadcast %parallel_loop3A_478 : f32 to vector<16xf32>
          %parallel_loop3A_481 = vector.broadcast %parallel_loop3A_479 : f32 to vector<16xf32>
          %parallel_loop3A_482 = arith.select %parallel_loop3A_477, %parallel_loop3A_480, %parallel_loop3A_481 : vector<16xi1>, vector<16xf32>
          %parallel_loop3A_483 = arith.constant 8 : i32
          %parallel_loop3A_484 = arith.muli %parallel_loop3A_323, %parallel_loop3A_483 : i32
          %parallel_loop3A_485 = arith.addi %parallel_loop3A_484, %scan3A_311 : i32
          %parallel_loop3A_486 = arith.constant 128 : i32
          %parallel_loop3A_487 = arith.muli %parallel_loop3A_485, %parallel_loop3A_486 : i32
          %parallel_loop3A_488 = arith.constant 96 : i32
          %parallel_loop3A_489 = arith.addi %parallel_loop3A_487, %parallel_loop3A_488 : i32
          %parallel_loop3A_490 = arith.index_cast %parallel_loop3A_489 : i32 to index
          %parallel_loop3A_491 = tpu.vector_load %run_scoped3A_5[%parallel_loop3A_490] {strides = array<i32>} : memref<32768xf32, #tpu.memory_space<vmem>>, vector<16xf32>,
          tpu.vector_store %run_scoped3A_5[%parallel_loop3A_490], %parallel_loop3A_482 {strides = array<i32>} : memref<32768xf32, #tpu.memory_space<vmem>>, vector<16xf32>,
          %parallel_loop3A_492 = arith.constant 8 : i32
          %parallel_loop3A_493 = arith.muli %parallel_loop3A_323, %parallel_loop3A_492 : i32
          %parallel_loop3A_494 = arith.addi %parallel_loop3A_493, %scan3A_311 : i32
          %parallel_loop3A_495 = arith.constant 128 : i32
          %parallel_loop3A_496 = arith.muli %parallel_loop3A_494, %parallel_loop3A_495 : i32
          %parallel_loop3A_497 = arith.constant 112 : i32
          %parallel_loop3A_498 = arith.addi %parallel_loop3A_496, %parallel_loop3A_497 : i32
          %parallel_loop3A_499 = arith.index_cast %parallel_loop3A_498 : i32 to index
          %parallel_loop3A_500 = tpu.vector_load %run_scoped3A_3[%parallel_loop3A_499] {strides = array<i32>} : memref<32768xf32, #tpu.memory_space<vmem>>, vector<16xf32>,
          %parallel_loop3A_501 = arith.cmpf oeq, %parallel_loop3A_500, %broadcast_in_dim3A_319 : vector<16xf32>
          %parallel_loop3A_502 = arith.constant 1.000000e+00 : f32
          %parallel_loop3A_503 = arith.constant 0.000000e+00 : f32
          %parallel_loop3A_504 = vector.broadcast %parallel_loop3A_502 : f32 to vector<16xf32>
          %parallel_loop3A_505 = vector.broadcast %parallel_loop3A_503 : f32 to vector<16xf32>
          %parallel_loop3A_506 = arith.select %parallel_loop3A_501, %parallel_loop3A_504, %parallel_loop3A_505 : vector<16xi1>, vector<16xf32>
          %parallel_loop3A_507 = arith.constant 8 : i32
          %parallel_loop3A_508 = arith.muli %parallel_loop3A_323, %parallel_loop3A_507 : i32
          %parallel_loop3A_509 = arith.addi %parallel_loop3A_508, %scan3A_311 : i32
          %parallel_loop3A_510 = arith.constant 128 : i32
          %parallel_loop3A_511 = arith.muli %parallel_loop3A_509, %parallel_loop3A_510 : i32
          %parallel_loop3A_512 = arith.constant 112 : i32
          %parallel_loop3A_513 = arith.addi %parallel_loop3A_511, %parallel_loop3A_512 : i32
          %parallel_loop3A_514 = arith.index_cast %parallel_loop3A_513 : i32 to index
          %parallel_loop3A_515 = tpu.vector_load %run_scoped3A_5[%parallel_loop3A_514] {strides = array<i32>} : memref<32768xf32, #tpu.memory_space<vmem>>, vector<16xf32>,
          tpu.vector_store %run_scoped3A_5[%parallel_loop3A_514], %parallel_loop3A_506 {strides = array<i32>} : memref<32768xf32, #tpu.memory_space<vmem>>, vector<16xf32>,
        } {sc.loop_unroll_factor = 4 : i64, sc.parallel_access}
      }
      %scan3A_286 = arith.constant 8 : i32
      %add3A_287 = arith.constant 7 : i32
      %add3A_288 = arith.addi %mul3A_2, %add3A_287 : i32
      %dma_start3A_289 = arith.constant 0 : i32
      %dma_start3A_290 = tpu.memref_slice %arg3[%add3A_288, %dma_start3A_289] : memref<256x32768xf32, #tpu.memory_space<hbm>> -> memref<1x32768xf32, #tpu.memory_space<hbm>>
      %dma_start3A_291 = tpu.memref_squeeze %dma_start3A_290 : memref<1x32768xf32, #tpu.memory_space<hbm>> -> memref<32768xf32, #tpu.memory_space<hbm>>
      %dma_start3A_292 = arith.constant 0 : i32
      %dma_start3A_293 = tpu.memref_slice %arg3[%add3A_288, %dma_start3A_292] : memref<256x32768xf32, #tpu.memory_space<hbm>> -> memref<1x32768xf32, #tpu.memory_space<hbm>>
      %dma_start3A_294 = tpu.memref_squeeze %dma_start3A_293 : memref<1x32768xf32, #tpu.memory_space<hbm>> -> memref<32768xf32, #tpu.memory_space<hbm>>
      tpu.enqueue_dma source(%run_scoped3A_5 : memref<32768xf32, #tpu.memory_space<vmem>>) target(%dma_start3A_294 : memref<32768xf32, #tpu.memory_space<hbm>>) target_semaphore(%run_scoped3A_9 : memref<!tpu.dma_semaphore, #tpu.memory_space<semaphore_mem>>)
      %add3A_295 = arith.constant 6 : i32
      %add3A_296 = arith.addi %mul3A_2, %add3A_295 : i32
      %dma_wait3A_297 = arith.constant 0 : i32
      %dma_wait3A_298 = tpu.memref_slice %arg3[%add3A_296, %dma_wait3A_297] : memref<256x32768xf32, #tpu.memory_space<hbm>> -> memref<1x32768xf32, #tpu.memory_space<hbm>>
      %dma_wait3A_299 = tpu.memref_squeeze %dma_wait3A_298 : memref<1x32768xf32, #tpu.memory_space<hbm>> -> memref<32768xf32, #tpu.memory_space<hbm>>
      %dma_wait3A_300 = arith.constant 0 : i32
      %dma_wait3A_301 = tpu.memref_slice %arg3[%add3A_296, %dma_wait3A_300] : memref<256x32768xf32, #tpu.memory_space<hbm>> -> memref<1x32768xf32, #tpu.memory_space<hbm>>
      %dma_wait3A_302 = tpu.memref_squeeze %dma_wait3A_301 : memref<1x32768xf32, #tpu.memory_space<hbm>> -> memref<32768xf32, #tpu.memory_space<hbm>>
      tpu.wait_dma2 semaphore(%run_scoped3A_8 : memref<!tpu.dma_semaphore, #tpu.memory_space<semaphore_mem>>) src(%run_scoped3A_4 : memref<32768xf32, #tpu.memory_space<vmem>>) dst(%dma_wait3A_302 : memref<32768xf32, #tpu.memory_space<hbm>>)
      %add3A_303 = arith.constant 7 : i32
      %add3A_304 = arith.addi %mul3A_2, %add3A_303 : i32
      %dma_wait3A_305 = arith.constant 0 : i32
      %dma_wait3A_306 = tpu.memref_slice %arg3[%add3A_304, %dma_wait3A_305] : memref<256x32768xf32, #tpu.memory_space<hbm>> -> memref<1x32768xf32, #tpu.memory_space<hbm>>
      %dma_wait3A_307 = tpu.memref_squeeze %dma_wait3A_306 : memref<1x32768xf32, #tpu.memory_space<hbm>> -> memref<32768xf32, #tpu.memory_space<hbm>>
      %dma_wait3A_308 = arith.constant 0 : i32
      %dma_wait3A_309 = tpu.memref_slice %arg3[%add3A_304, %dma_wait3A_308] : memref<256x32768xf32, #tpu.memory_space<hbm>> -> memref<1x32768xf32, #tpu.memory_space<hbm>>
      %dma_wait3A_310 = tpu.memref_squeeze %dma_wait3A_309 : memref<1x32768xf32, #tpu.memory_space<hbm>> -> memref<32768xf32, #tpu.memory_space<hbm>>
      tpu.wait_dma2 semaphore(%run_scoped3A_9 : memref<!tpu.dma_semaphore, #tpu.memory_space<semaphore_mem>>) src(%run_scoped3A_5 : memref<32768xf32, #tpu.memory_space<vmem>>) dst(%dma_wait3A_310 : memref<32768xf32, #tpu.memory_space<hbm>>)
      tpu.yield
    }) : () -> ()
    return
  }
}

</mosaic_0001>

<sc_bundles>
// kernel: kernel.3.cloned.1.call-start
scs
__scs_entry_jumppad:
0x0: {  	(pc) =	sbr.rel $0x88, $3  }
0x1: {  	(tag) =	ssettag $0x0;
	lr =	simm.s32 $0x1  }
0x2: {  	[smem:$0x3FA0] =	sst lr;
	_ =	strace $0xD0000000  }
0x3: {  	_ = 	snop  }
0x4: {  	_ = 	snop  }
0x5: {  	_ = 	snop  }
0x6: {  	_ = 	snop  }
0x7: {  	_ = 	snop  }
__scs_overlays_trampoline_lowered:
0x8: {  	[smem:$0x3FAF] =	sst s0  }
0x9: {  	[smem:$0x3FB0] =	sst s1  }
0xa: {  	[smem:$0x3FB1] =	sst s2  }
0xb: {  	[smem:$0x3FB2] =	sst s3  }
0xc: {  	[smem:$0x3FB3] =	sst s4  }
0xd: {  	[smem:$0x3FB4] =	sst s5  }
0xe: {  	[smem:$0x3FB5] =	sst s6  }
0xf: {  	[smem:$0x3FB6] =	sst s7  }
0x10: {  	[smem:$0x3FB7] =	sst s8  }
0x11: {  	[smem:$0x3FB8] =	sst s9;
	s0 =	simm.s32 @!p0 $0x0  }
0x12: {  	s1 =	sld [smem:$0x3F9E];
	s0 =	simm.s32 @p0 $0x1  }
0x13: {  	[smem:$0x3FB9] =	sst s0;
	s0 =	simm.s32 @!p1 $0x0  }
0x14: {  	s2 =	sld [smem:$0x3F9D];
	s0 =	simm.s32 @p1 $0x1  }
0x15: {  	[smem:$0x3FBA] =	sst s0;
	s0 =	simm.s32 @!p2 $0x0  }
0x16: {  	s3 =	sld [smem:$0x3FDB];
	s0 =	simm.s32 @p2 $0x1  }
0x17: {  	s4 =	simm.s32 $0x1BF5;
	[smem:$0x3FBC] =	sst s0  }
0x18: {  	s0 =	sld [smem:$0x3F9F];
	_ =	swait.ge [sflag:s4], $0x0  }
0x19: {  	s7 =	sld [smem:$0x3FA0]  }
0x1a: {  	s8 =	sadd.s32 $0xFFFFE003, lr  }
0x1b: {  	s9 =	sadd.s32 $0xFFFFFEF7, lr;
	s5 =	simm.s32 $0xFFFFFFFF;
	p2 =	slt.u32 s8, $0xFFFFF086  }
0x1c: {  	p1 =	slt.u32 s9, $0xF7A;
	s5 =	simm.s32 @!p2 $0x0  }
0x1d: {  	s5 =	simm.s32 @p1 $0x1;
	p0 =	seq.s32 s7, s2  }
0x1e: {  	s7 =	smul.u32 @!p0 $0xF7A, s2;
	p2 =	seq.s32 @!p0 s5, $0x0  }
0x1f: {  	s9 =	smul.u32 $0xF7A, s1;
	s8 =	simm.s32 @!p0 $0x1BF5;
	p2 =	por !p2, p0  }
0x20: {  	[sflag:s8] =	ssyncset.s32 @!p0 $0xFFFFF086;
	s6 =	sadd.s32 @!p0 s3, s7;
	s7 =	simm.s32 @!p0 $0x108  }
0x21: {  	s3 =	sadd.s32 s3, s9;
	s6 =	sadd.s32 @!p0 $0x88, s6;
	s7 =	simm.s32 @p2 $0x1082  }
0x22: {  	[simem:s7], [sflag:s8] =	dma.local @!p0 [hbm:s6], $0xF7A  }
0x23: {  	s9 =	sor.u32 $0xD0000000, s2;
	s6 =	simm.s32 $0x108;
	_ =	swait.ge @!p0 [sflag:s8], $0x0  }
0x24: {  	s3 =	sadd.s32 $0x88, s3;
	s6 =	simm.s32 @!p1 $0x1082;
	[sflag:s4] =	ssyncset.s32 $0xFFFFF086  }
0x25: {  	[simem:s6], [sflag:s4] =	dma.local [hbm:s3], $0xF7A  }
0x26: {  	[smem:$0x3FA0] =	sst s1;
	(tag) =	ssettag s2;
	_ =	strace s9  }
0x27: {  	s1 =	sld [smem:$0x3FB0]  }
0x28: {  	s2 =	sld [smem:$0x3FB1]  }
0x29: {  	s4 =	sld [smem:$0x3FB3]  }
0x2a: {  	p0 =	seq.s32 s5, $0x0;
	s5 =	sld [smem:$0x3FB4]  }
0x2b: {  	s6 =	sld [smem:$0x3FB5]  }
0x2c: {  	s7 =	sld [smem:$0x3FB6]  }
0x2d: {  	s3 =	simm.s32 $0x108;
	s8 =	sld [smem:$0x3FB7]  }
0x2e: {  	s3 =	simm.s32 @!p0 $0x1082;
	s9 =	sld [smem:$0x3FB8]  }
0x2f: {  	lr =	sadd.s32 s0, s3;
	s0 =	sld [smem:$0x3FAF]  }
0x30: {  	s3 =	sld [smem:$0x3FB2]  }
0x31: {  	[smem:$0x3FBB] =	sst s10  }
0x32: {  	s10 =	sld [smem:$0x3FB9];
	_ =	sdelay $0x3  }
0x33: {  	p0 =	seq.s32 s10, $0x1;
	s10 =	sld [smem:$0x3FBB];
	_ =	sdelay $0x3  }
0x34: {  	[smem:$0x3FBB] =	sst s10  }
0x35: {  	s10 =	sld [smem:$0x3FBA];
	_ =	sdelay $0x3  }
0x36: {  	p1 =	seq.s32 s10, $0x1;
	s10 =	sld [smem:$0x3FBB];
	_ =	sdelay $0x3  }
0x37: {  	[smem:$0x3FBB] =	sst s10  }
0x38: {  	s10 =	sld [smem:$0x3FBC]  }
0x39: {  	_ = 	snop;
	(pc) =	sbr.ind lr, $3  }
0x3a: {  	_ = 	snop  }
0x3b: {  	_ = 	snop  }
0x3c: {  	p2 =	seq.s32 s10, $0x1;
	s10 =	sld [smem:$0x3FBB]  }
0x3d: {  	_ =	shalt  }
0x3e: {  	_ =	shalt  }
0x3f: {  	_ =	shalt  }
0x40: {  	_ =	shalt  }
0x41: {  	_ =	shalt  }
0x42: {  	_ =	shalt  }
0x43: {  	_ =	shalt  }
0x44: {  	_ =	shalt  }
0x45: {  	_ =	shalt  }
0x46: {  	_ =	shalt  }
0x47: {  	_ =	shalt  }
0x48: {  	_ =	shalt  }
0x49: {  	_ =	shalt  }
0x4a: {  	_ =	shalt  }
0x4b: {  	_ =	shalt  }
0x4c: {  	_ =	shalt  }
0x4d: {  	_ =	shalt  }
0x4e: {  	_ =	shalt  }
0x4f: {  	_ =	shalt  }
0x50: {  	_ =	shalt  }
0x51: {  	_ =	shalt  }
0x52: {  	_ =	shalt  }
0x53: {  	_ =	shalt  }
0x54: {  	_ =	shalt  }
0x55: {  	_ =	shalt  }
0x56: {  	_ =	shalt  }
0x57: {  	_ =	shalt  }
0x58: {  	_ =	shalt  }
0x59: {  	_ =	shalt  }
0x5a: {  	_ =	shalt  }
0x5b: {  	_ =	shalt  }
0x5c: {  	_ =	shalt  }
0x5d: {  	_ =	shalt  }
0x5e: {  	_ =	shalt  }
0x5f: {  	_ =	shalt  }
0x60: {  	_ =	shalt  }
0x61: {  	_ =	shalt  }
0x62: {  	_ =	shalt  }
0x63: {  	_ =	shalt  }
0x64: {  	_ =	shalt  }
0x65: {  	_ =	shalt  }
0x66: {  	_ =	shalt  }
0x67: {  	_ =	shalt  }
0x68: {  	_ =	shalt  }
0x69: {  	_ =	shalt  }
0x6a: {  	_ =	shalt  }
0x6b: {  	_ =	shalt  }
0x6c: {  	_ =	shalt  }
0x6d: {  	_ =	shalt  }
0x6e: {  	_ =	shalt  }
0x6f: {  	_ =	shalt  }
0x70: {  	_ =	shalt  }
0x71: {  	_ =	shalt  }
0x72: {  	_ =	shalt  }
0x73: {  	_ =	shalt  }
0x74: {  	_ =	shalt  }
0x75: {  	_ =	shalt  }
0x76: {  	_ =	shalt  }
0x77: {  	_ =	shalt  }
0x78: {  	_ =	shalt  }
0x79: {  	_ =	shalt  }
0x7a: {  	_ =	shalt  }
0x7b: {  	_ =	shalt  }
0x7c: {  	_ =	shalt  }
0x7d: {  	_ =	shalt  }
0x7e: {  	_ =	shalt  }
0x7f: {  	_ =	shalt  }
0x80: {  	_ =	shalt  }
0x81: {  	_ =	shalt  }
0x82: {  	_ =	shalt  }
0x83: {  	_ =	shalt  }
0x84: {  	_ =	shalt  }
0x85: {  	_ =	shalt  }
0x86: {  	_ =	shalt  }
0x87: {  	_ =	shalt  }
.Lfunc_end0:
.L_simem_size_0:
called_computation_lowered:
.L_overlay_start_0:
0x88: {  	s2 =	sld [smem:$0x3FD9]  }
0x89: {  	s3 =	sld [smem:$0x3FFE];
	_ =	sdelay $0x1  }
0x8a: {  	s1 =	srdreg.scid  }
0x8b: {  	s0 =	sand.u32 $0x1, s1  }
0x8c: {  	s17 =	sshll.u32 s0, $0xA;
	s2 =	sadd.s32 s3, s2  }
0x8d: {  	s2 =	sadd.s32 s2, s17  }
0x8e: {  	[smem:$0x3FC7] =	sst s2  }
0x8f: {  	_ = 	snop  }
0x90: {  	s2 =	sld [smem:$0x3FD0];
	(tm) =	ssettm $0x1  }
0x91: {  	s18 =	sld [smem:$0x3FFB];
	_ =	sdelay $0x3  }
0x92: {  	_ =	strace s18  }
0x93: {  	s3 =	sld [smem:$0x3FFC];
	_ =	sdelay $0x3  }
0x94: {  	_ =	strace s3  }
0x95: {  	s3 =	sld [smem:$0x3FFD];
	_ =	sdelay $0x3  }
0x96: {  	_ =	strace s3  }
0x97: {  	_ =	strace $0x8FFFFFFF  }
0x98: {  	s19 =	sld [smem:$0x3FDB];
	_ =	sdelay $0x1  }
0x99: {  	s4 =	simm.s32 $_scs_section_size  }
0x9a: {  	s5 =	simm.s32 $_size__tile_overlayer_lowered;
	s6 =	simm.s32 $_tile_overlayer_lowered  }
0x9b: {  	s22 =	simm.s32 $0x1BFF;
	s21 =	sshll.u32 s6, $0x1;
	s3 =	sadd.s32 s4, s19  }
0x9c: {  	s7 =	simm.s32 $0x0;
	s20 =	sshll.u32 s5, $0x1;
	s5 =	sadd.s32 s21, s3  }
0x9d: {  	[timem:s7], [sflag:s22] =	dma.local [hbm:s5], s20  }
0x9e: {  	_ =	swait.ge [sflag:s22], s20  }
0x9f: {  	s4 =	ssub.s32 $0x0, s20;
	[sflag:s22] =	ssyncset.done $0x0  }
0xa0: {  	[sflag:s22] =	ssyncadd.s32 s4;
	_ =	sdelay $0x1  }
0xa1: {  	s23 =	simm.s32 $0x1B8B  }
0xa2: {  	_ =	swait.ge [sflag:s23], $0x1  }
0xa3: {  	[sflag:s23] =	ssyncset.done $0x0  }
0xa4: {  	s25 =	simm.s32 $0x1B8E;
	s24 =	sld [smem:$0x3FFE];
	[sflag:s23] =	ssyncadd.s32 $0xFFFFFFFF  }
0xa5: {  	s26 =	simm.s32 $execute0_lowered;
	[smem:$0x3FD2] =	sst s25  }
0xa6: {  	s5 =	sshll.u32 s26, $0x1;
	_ =	strace $0x80000046;
	[dreg:$0x1] =	wrdreg $0xFFFFFFFF  }
0xa7: {  	s28 =	simm.s32 $_size_execute0_lowered;
	s3 =	sadd.s32 s3, s5;
	[dreg:$0x0] =	wrdreg $0x0  }
0xa8: {  	s5 =	sshll.u32 s28, $0x1;
	[dreg:$0x2] =	wrdreg s3  }
0xa9: {  	[dreg:$0x3] =	wrdreg s5  }
0xaa: {  	[dreg:$0x4] =	wrdreg $0xC0  }
0xab: {  	_ =	task [dreg:s7], $0x5FFFF  }
0xac: {  	[dreg:$0x1] =	wrdreg $0xFFFFFFFF  }
0xad: {  	[dreg:$0x0] =	wrdreg $0x60  }
0xae: {  	[dreg:$0x2] =	wrdreg s2  }
0xaf: {  	[dreg:$0x3] =	wrdreg s24  }
0xb0: {  	[dreg:$0x4] =	wrdreg $0x9  }
0xb1: {  	_ =	task.clear_ibuf [dreg:s7], $0x5FFFF;
	_ =	strace $0x90000046  }
0xb2: {  	s29 =	simm.s32 $0x9;
	_ =	strace $0x80000048  }
0xb3: {  	_ =	swait.ge [sflag:s29], $0x1  }
0xb4: {  	[sflag:s29] =	ssyncadd.s32 $0xFFFFFFFF  }
0xb5: {  	_ =	strace $0x90000048  }
0xb6: {  	_ =	sfence  }
0xb7: {  	s30 =	sld [smem:$0x0];
	_ =	sdelay $0x2  }
0xb8: {  	s31 =	sshll.u32 s1, $0xD;
	s1 =	sshrl.u32 s1, $0x2  }
0xb9: {  	s3 =	sand.u32 $0x4000, s31;
	s1 =	sadd.s32 s1, s30  }
0xba: {  	s0 =	sor.u32 s3, s0;
	s1 =	sshll.u32 s1, $0x11  }
0xbb: {  	s0 =	sor.u32 s1, s0  }
0xbc: {  	s0 =	sadd.s32 $0x8F2B, s0  }
0xbd: {  	[sflag:s0] =	ssyncadd.remote.s32 $0x1  }
0xbe: {  	_ =	sfence.sel $0xFFFF  }
0xbf: {  	[dreg:$0x0] =	wrdreg $0xFFFFFFFF;
	(pc) =	sbr.abs _section_cstart, $3  }
0xc0: {  	[dreg:$0x1] =	wrdreg $0xFFFFFFFF  }
0xc1: {  	_ =	task.clear_ibuf [dreg:s7], $0x2FFFF;
	_ =	strace $0x9FFFFFFF  }
0xc2: {  	(tm) =	ssettm $0x7FFFFFFF  }
0xc3: {  	_ =	shalt  }
tec
execute0_lowered:
.L_overlay_start_1:
0x0: {  	(tag) =	ssettag $0x1  }
0x1: {  	s0 =	rddreg [dreg:$0x0]  }
0x2: {  	s1 =	rddreg [dreg:$0x1];
	s3 =	simm.s32 $0x0  }
0x3: {  	s2 =	srdreg.scid;
	s4 =	stileid.u32;
	s20 =	simm.s32 $0x80  }
0x4: {  	s21 =	simm.s32 $0x400;
	s22 =	simm.s32 $0x8000;
	s23 =	simm.s32 $0x1  }
0x5: {  	s28 =	simm.s32 $0x3;
	s29 =	simm.s32 $0x4;
	s30 =	simm.s32 $0x0  }
0x6: {  	[smem:$0x7FF] =	sst s3;
	s2 =	sand.u32 $0x1, s2;
	s4 =	sshll.u32 s4, $0xF  }
0x7: {  	s1 =	sadd.s32 $0x400, s1;
	s24 =	ssub.s32 $0x2, s2;
	s2 =	sshll.u32 s2, $0x13  }
0x8: {  	_ =	strace $0x80000047;
	s5 =	sshrl.u32 s24, $0x1;
	s2 =	sor.u32 s4, s2  }
0x9: {  	s3 =	ssub.s32 s24, s5;
	s4 =	sor.u32 $0x10, s2;
	s25 =	sadd.s32 s0, s2  }
0xa: {  	s9 =	sor.u32 $0x20, s2;
	s5 =	sadd.s32 s1, s2;
	s11 =	sor.u32 $0x30, s2  }
0xb: {  	s31 =	sor.u32 $0x40, s2;
	s15 =	sor.u32 $0x50, s2;
	s17 =	sor.u32 $0x60, s2  }
0xc: {  	s2 =	sor.u32 $0x70, s2;
	s24 =	simm.s32 $0x10000;
	[dreg:$0x3] =	wrdreg s25  }
0xd: {  	s26 =	sadd.s32 s0, s4;
	s6 =	sadd.s32 s0, s9;
	s7 =	sadd.s32 s1, s4  }
0xe: {  	s8 =	sadd.s32 s0, s11;
	s9 =	sadd.s32 s1, s9;
	s10 =	sadd.s32 s0, s31  }
0xf: {  	s11 =	sadd.s32 s1, s11;
	s12 =	sadd.s32 s0, s15;
	s13 =	sadd.s32 s1, s31  }
0x10: {  	s14 =	sadd.s32 s0, s17;
	s15 =	sadd.s32 s1, s15;
	s16 =	sadd.s32 s0, s2  }
0x11: {  	s17 =	sadd.s32 s1, s17;
	s18 =	sadd.s32 s1, s2;
	s19 =	smax.u32 s3, $0x1  }
0x12: {  	v0 =	vimm.f32 $0.0e+00;
	s25 =	simm.s32 $0x2;
	[dreg:$0x4] =	wrdreg s26;
	s26 =	simm.s32 $0x18000  }
.LBB2_1:
0x13: {  	s0 =	simm.s32 $0x0;
	s1 =	rddreg [dreg:$0x3]  }
0x14: {  	[tilespmem:s0], [sflag:$0x1] =	stream.strided.gather [hbm4b:s1+s20], $0x8000, s21, s20, $0x38;
	v63 =	vld [tilespmem:$0x0]  }
0x15: {  	s4 =	rddreg [dreg:$0x4]  }
0x16: {  	[tilespmem:s22], [sflag:$0x2] =	stream.strided.gather [hbm4b:s4+s20], $0x8000, s21, s20, $0x38;
	v63 =	vld [tilespmem:$0x0]  }
0x17: {  	_ =	swait.ge [sflag:s23], $0x8000  }
0x18: {  	s31 =	simm.s32 $0x800;
	[sflag:s23] =	ssyncset.done $0x0  }
0x19: {  	s2 =	simm.s32 $0x10800;
	s1 =	simm.s32 $0x0;
	[sflag:s23] =	ssyncadd.s32 $0xFFFF8000  }
.LBB2_2:
0x1a: {  	v1 =	vld [tilespmem:s31+$0xFFFFF800]  }
0x1b: {  	v2 =	vld [tilespmem:s31+$0xFFFFF810]  }
0x1c: {  	v3 =	vld [tilespmem:s31+$0xFFFFF820]  }
0x1d: {  	v4 =	vld [tilespmem:s31+$0xFFFFF830]  }
0x1e: {  	v5 =	vimm.f32 $-Inf;
	v6 =	vld [tilespmem:s31+$0xFFFFF840]  }
0x1f: {  	v1 =	vmax.f32 v5, v1;
	v5 =	vld [tilespmem:s31+$0xFFFFF850]  }
0x20: {  	v1 =	vmax.f32 v1, v2;
	v2 =	vld [tilespmem:s31+$0xFFFFF860]  }
0x21: {  	v1 =	vmax.f32 v1, v3;
	v3 =	vld [tilespmem:s31+$0xFFFFF870]  }
0x22: {  	v1 =	vmax.f32 v1, v4;
	v4 =	vld [tilespmem:s31+$0xFFFFFC00]  }
0x23: {  	v1 =	vmax.f32 v1, v6;
	v6 =	vld [tilespmem:s31+$0xFFFFFC10]  }
0x24: {  	v1 =	vmax.f32 v1, v5;
	v5 =	vld [tilespmem:s31+$0xFFFFFC20]  }
0x25: {  	v1 =	vmax.f32 v1, v2;
	v2 =	vld [tilespmem:s31+$0xFFFFFC30]  }
0x26: {  	v1 =	vmax.f32 v1, v3;
	v3 =	vld [tilespmem:s31+$0xFFFFFC40]  }
0x27: {  	v1 =	vmax.f32 v1, v4;
	v4 =	vld [tilespmem:s31+$0xFFFFFC50]  }
0x28: {  	v1 =	vmax.f32 v1, v6;
	v6 =	vld [tilespmem:s31+$0xFFFFFC60]  }
0x29: {  	v1 =	vmax.f32 v1, v5;
	v5 =	vld [tilespmem:s31+$0xFFFFFC70]  }
0x2a: {  	v1 =	vmax.f32 v1, v2;
	v2 =	vld [tilespmem:s31+$0x0]  }
0x2b: {  	v1 =	vmax.f32 v1, v3;
	v3 =	vld [tilespmem:s31+$0x10]  }
0x2c: {  	v1 =	vmax.f32 v1, v4;
	v4 =	vld [tilespmem:s31+$0x20]  }
0x2d: {  	v1 =	vmax.f32 v1, v6;
	v6 =	vld [tilespmem:s31+$0x30]  }
0x2e: {  	v1 =	vmax.f32 v1, v5;
	v5 =	vld [tilespmem:s31+$0x40]  }
0x2f: {  	v1 =	vmax.f32 v1, v2;
	v2 =	vld [tilespmem:s31+$0x50]  }
0x30: {  	v1 =	vmax.f32 v1, v3;
	v3 =	vld [tilespmem:s31+$0x60]  }
0x31: {  	v1 =	vmax.f32 v1, v4;
	v4 =	vld [tilespmem:s31+$0x70]  }
0x32: {  	v1 =	vmax.f32 v1, v6;
	v6 =	vld [tilespmem:s31+$0x400]  }
0x33: {  	v1 =	vmax.f32 v1, v5;
	v5 =	vld [tilespmem:s31+$0x410]  }
0x34: {  	v7 =	vld [tilespmem:s31+$0x420];
	v1 =	vmax.f32 v1, v2  }
0x35: {  	v2 =	vmax.f32 v1, v3;
	v1 =	vld [tilespmem:s31+$0x430]  }
0x36: {  	v3 =	vmax.f32 v2, v4;
	v2 =	vld [tilespmem:s31+$0x440]  }
0x37: {  	v4 =	vmax.f32 v3, v6;
	v3 =	vld [tilespmem:s31+$0x450]  }
0x38: {  	v5 =	vmax.f32 v4, v5;
	v4 =	vld [tilespmem:s31+$0x460]  }
0x39: {  	s0 =	simm.s32 $0x0;
	s3 =	sadd.s32 $0x1000, s31;
	v6 =	vmax.f32 v5, v7;
	v5 =	vld [tilespmem:s31+$0x470]  }
.LBB2_3:
0x3a: {  	v7 =	vld [tilespmem:s3+$0xFFFFF800];
	s0 =	sadd.s32 $0x4, s0;
	v1 =	vmax.f32 v6, v1  }
0x3b: {  	v6 =	vld [tilespmem:s3+$0xFFFFF810];
	p0 =	slt.u32 s0, $0x1C;
	v1 =	vmax.f32 v1, v2  }
0x3c: {  	v2 =	vld [tilespmem:s3+$0xFFFFF820];
	v1 =	vmax.f32 v1, v3  }
0x3d: {  	v3 =	vld [tilespmem:s3+$0xFFFFF830];
	v1 =	vmax.f32 v1, v4  }
0x3e: {  	v4 =	vld [tilespmem:s3+$0xFFFFF840];
	v1 =	vmax.f32 v1, v5  }
0x3f: {  	v1 =	vmax.f32 v1, v7;
	v5 =	vld [tilespmem:s3+$0xFFFFF850]  }
0x40: {  	v1 =	vmax.f32 v1, v6;
	v6 =	vld [tilespmem:s3+$0xFFFFF860]  }
0x41: {  	v1 =	vmax.f32 v1, v2;
	v2 =	vld [tilespmem:s3+$0xFFFFF870]  }
0x42: {  	v1 =	vmax.f32 v1, v3;
	v3 =	vld [tilespmem:s3+$0xFFFFFC00]  }
0x43: {  	v1 =	vmax.f32 v1, v4;
	v4 =	vld [tilespmem:s3+$0xFFFFFC10]  }
0x44: {  	v1 =	vmax.f32 v1, v5;
	v5 =	vld [tilespmem:s3+$0xFFFFFC20]  }
0x45: {  	v1 =	vmax.f32 v1, v6;
	v6 =	vld [tilespmem:s3+$0xFFFFFC30]  }
0x46: {  	v1 =	vmax.f32 v1, v2;
	v2 =	vld [tilespmem:s3+$0xFFFFFC40]  }
0x47: {  	v1 =	vmax.f32 v1, v3;
	v3 =	vld [tilespmem:s3+$0xFFFFFC50]  }
0x48: {  	v1 =	vmax.f32 v1, v4;
	v4 =	vld [tilespmem:s3+$0xFFFFFC60]  }
0x49: {  	v1 =	vmax.f32 v1, v5;
	v5 =	vld [tilespmem:s3+$0xFFFFFC70]  }
0x4a: {  	v1 =	vmax.f32 v1, v6;
	v6 =	vld [tilespmem:s3+$0x0]  }
0x4b: {  	v1 =	vmax.f32 v1, v2;
	v2 =	vld [tilespmem:s3+$0x10]  }
0x4c: {  	v1 =	vmax.f32 v1, v3;
	v3 =	vld [tilespmem:s3+$0x20]  }
0x4d: {  	v1 =	vmax.f32 v1, v4;
	v4 =	vld [tilespmem:s3+$0x30]  }
0x4e: {  	v1 =	vmax.f32 v1, v5;
	v5 =	vld [tilespmem:s3+$0x40]  }
0x4f: {  	v1 =	vmax.f32 v1, v6;
	v6 =	vld [tilespmem:s3+$0x50]  }
0x50: {  	v1 =	vmax.f32 v1, v2;
	v2 =	vld [tilespmem:s3+$0x60]  }
0x51: {  	v1 =	vmax.f32 v1, v3;
	v3 =	vld [tilespmem:s3+$0x70]  }
0x52: {  	v1 =	vmax.f32 v1, v4;
	v4 =	vld [tilespmem:s3+$0x400]  }
0x53: {  	v1 =	vmax.f32 v1, v5;
	v5 =	vld [tilespmem:s3+$0x410]  }
0x54: {  	v1 =	vmax.f32 v1, v6;
	v6 =	vld [tilespmem:s3+$0x420]  }
.Ltmp0:
0x55: {  	v2 =	vmax.f32 v1, v2;
	v1 =	vld [tilespmem:s3+$0x430];
	(pc) =	sbr.rel @p0 .LBB2_3-.Ltmp0, $4  }
0x56: {  	v3 =	vmax.f32 v2, v3;
	v2 =	vld [tilespmem:s3+$0x440]  }
0x57: {  	v4 =	vmax.f32 v3, v4;
	v3 =	vld [tilespmem:s3+$0x450]  }
0x58: {  	v5 =	vmax.f32 v4, v5;
	v4 =	vld [tilespmem:s3+$0x460]  }
0x59: {  	v6 =	vmax.f32 v5, v6;
	v5 =	vld [tilespmem:s3+$0x470];
	s3 =	sadd.s32 $0x1000, s3  }
0x5a: {  	v1 =	vmax.f32 v6, v1  }
0x5b: {  	v1 =	vmax.f32 v1, v2  }
0x5c: {  	v1 =	vmax.f32 v1, v3  }
0x5d: {  	v1 =	vmax.f32 v1, v4  }
0x5e: {  	v1 =	vmax.f32 v1, v5  }
0x5f: {  	(xrf0) =	vmax.scan.msk.f32 $0xffff, v1;
	_ =	sdelay $0x3  }
0x60: {  	v2 =	vld [tilespmem:s31+$0x470]  }
0x61: {  	v3 =	vld [tilespmem:s31+$0xFFFFF810]  }
0x62: {  	v4 =	vld [tilespmem:s31+$0xFFFFF820];
	v1, _, _ =	vpop (xrf0)  }
0x63: {  	v5 =	vld [tilespmem:s31+$0xFFFFF830];
	v1 =	vbroadcast v1, $0xF  }
0x64: {  	v6 =	vld [tilespmem:s31+$0xFFFFF840]  }
0x65: {  	v7 =	vld [tilespmem:s31+$0xFFFFF850];
	vm0 =	veq.f32 v2, v1  }
0x66: {  	vm1 =	veq.f32 v3, v1;
	v2 =	vld [tilespmem:s31+$0xFFFFF860];
	v3 =	vsel vm0, $0x3F800000, v0  }
0x67: {  	v8 =	vsel vm1, $0x3F800000, v0;
	vm0 =	veq.f32 v4, v1;
	v4 =	vld [tilespmem:s31+$0xFFFFF870];
	[tilespmem:s2+$0x470] =	vst v3  }
0x68: {  	[tilespmem:s2+$0xFFFFF810] =	vst v8;
	v3 =	vsel vm0, $0x3F800000, v0;
	vm0 =	veq.f32 v5, v1;
	v5 =	vld [tilespmem:s31+$0xFFFFFC00]  }
0x69: {  	[tilespmem:s2+$0xFFFFF820] =	vst v3;
	v3 =	vsel vm0, $0x3F800000, v0;
	vm0 =	veq.f32 v6, v1;
	v6 =	vld [tilespmem:s31+$0xFFFFFC10]  }
0x6a: {  	[tilespmem:s2+$0xFFFFF830] =	vst v3;
	v3 =	vsel vm0, $0x3F800000, v0;
	vm0 =	veq.f32 v7, v1;
	v7 =	vld [tilespmem:s31+$0xFFFFFC20]  }
0x6b: {  	[tilespmem:s2+$0xFFFFF840] =	vst v3;
	v3 =	vsel vm0, $0x3F800000, v0;
	vm0 =	veq.f32 v2, v1;
	v2 =	vld [tilespmem:s31+$0xFFFFFC30]  }
0x6c: {  	[tilespmem:s2+$0xFFFFF850] =	vst v3;
	v3 =	vsel vm0, $0x3F800000, v0;
	vm0 =	veq.f32 v4, v1;
	v4 =	vld [tilespmem:s31+$0xFFFFFC40]  }
0x6d: {  	[tilespmem:s2+$0xFFFFF860] =	vst v3;
	v3 =	vsel vm0, $0x3F800000, v0;
	vm0 =	veq.f32 v5, v1;
	v5 =	vld [tilespmem:s31+$0xFFFFFC50]  }
0x6e: {  	[tilespmem:s2+$0xFFFFF870] =	vst v3;
	v3 =	vsel vm0, $0x3F800000, v0;
	vm0 =	veq.f32 v6, v1;
	v6 =	vld [tilespmem:s31+$0xFFFFFC60]  }
0x6f: {  	[tilespmem:s2+$0xFFFFFC00] =	vst v3;
	v3 =	vsel vm0, $0x3F800000, v0;
	vm0 =	veq.f32 v7, v1;
	v7 =	vld [tilespmem:s31+$0xFFFFFC70]  }
0x70: {  	[tilespmem:s2+$0xFFFFFC10] =	vst v3;
	v3 =	vsel vm0, $0x3F800000, v0;
	vm0 =	veq.f32 v2, v1;
	v2 =	vld [tilespmem:s31+$0x0]  }
0x71: {  	[tilespmem:s2+$0xFFFFFC20] =	vst v3;
	v3 =	vsel vm0, $0x3F800000, v0;
	vm0 =	veq.f32 v4, v1;
	v4 =	vld [tilespmem:s31+$0x10]  }
0x72: {  	[tilespmem:s2+$0xFFFFFC30] =	vst v3;
	v3 =	vsel vm0, $0x3F800000, v0;
	vm0 =	veq.f32 v5, v1;
	v5 =	vld [tilespmem:s31+$0x20]  }
0x73: {  	[tilespmem:s2+$0xFFFFFC40] =	vst v3;
	v3 =	vsel vm0, $0x3F800000, v0;
	vm0 =	veq.f32 v6, v1;
	v6 =	vld [tilespmem:s31+$0x30]  }
0x74: {  	[tilespmem:s2+$0xFFFFFC50] =	vst v3;
	v3 =	vsel vm0, $0x3F800000, v0;
	vm0 =	veq.f32 v7, v1;
	v7 =	vld [tilespmem:s31+$0x40]  }
0x75: {  	[tilespmem:s2+$0xFFFFFC60] =	vst v3;
	v3 =	vsel vm0, $0x3F800000, v0;
	vm0 =	veq.f32 v2, v1;
	v2 =	vld [tilespmem:s31+$0x50]  }
0x76: {  	[tilespmem:s2+$0xFFFFFC70] =	vst v3;
	v3 =	vsel vm0, $0x3F800000, v0;
	vm0 =	veq.f32 v4, v1;
	v4 =	vld [tilespmem:s31+$0x60]  }
0x77: {  	[tilespmem:s2+$0x0] =	vst v3;
	v3 =	vsel vm0, $0x3F800000, v0;
	vm0 =	veq.f32 v5, v1;
	v5 =	vld [tilespmem:s31+$0x70]  }
0x78: {  	[tilespmem:s2+$0x10] =	vst v3;
	v3 =	vsel vm0, $0x3F800000, v0;
	vm0 =	veq.f32 v6, v1;
	v6 =	vld [tilespmem:s31+$0x400]  }
0x79: {  	[tilespmem:s2+$0x20] =	vst v3;
	v3 =	vsel vm0, $0x3F800000, v0;
	vm0 =	veq.f32 v7, v1;
	v7 =	vld [tilespmem:s31+$0x410]  }
0x7a: {  	v8 =	vld [tilespmem:s31+$0x420];
	[tilespmem:s2+$0x30] =	vst v3;
	v3 =	vsel vm0, $0x3F800000, v0;
	vm0 =	veq.f32 v2, v1  }
0x7b: {  	v2 =	vld [tilespmem:s31+$0x430];
	[tilespmem:s2+$0x40] =	vst v3;
	v3 =	vsel vm0, $0x3F800000, v0;
	vm0 =	veq.f32 v4, v1  }
0x7c: {  	[tilespmem:s2+$0x50] =	vst v3;
	v4 =	vsel vm0, $0x3F800000, v0;
	vm0 =	veq.f32 v5, v1;
	v3 =	vld [tilespmem:s31+$0x440]  }
0x7d: {  	[tilespmem:s2+$0x60] =	vst v4;
	v5 =	vsel vm0, $0x3F800000, v0;
	vm0 =	veq.f32 v6, v1;
	v4 =	vld [tilespmem:s31+$0x450]  }
0x7e: {  	[tilespmem:s2+$0x70] =	vst v5;
	v9 =	vsel vm0, $0x3F800000, v0;
	vm0 =	veq.f32 v7, v1;
	v5 =	vld [tilespmem:s31+$0x460]  }
0x7f: {  	s3 =	simm.s32 $0x0;
	s4 =	sadd.s32 $0x1000, s31;
	s0 =	smov.u32 s2;
	v6 =	vld [tilespmem:s31+$0xFFFFF800];
	[tilespmem:s2+$0x400] =	vst v9;
	v7 =	vsel vm0, $0x3F800000, v0;
	vm0 =	veq.f32 v8, v1  }
.LBB2_5:
0x80: {  	v8 =	vld [tilespmem:s4+$0x470];
	s3 =	sadd.s32 $0x4, s3;
	[tilespmem:s0+$0x410] =	vst v7;
	v7 =	vsel vm0, $0x3F800000, v0;
	vm0 =	veq.f32 v2, v1  }
0x81: {  	v2 =	vld [tilespmem:s4+$0xFFFFF810];
	p0 =	slt.u32 s3, $0x1C;
	[tilespmem:s0+$0x420] =	vst v7;
	v7 =	vsel vm0, $0x3F800000, v0;
	vm0 =	veq.f32 v3, v1  }
0x82: {  	v3 =	vld [tilespmem:s4+$0xFFFFF820];
	[tilespmem:s0+$0x430] =	vst v7;
	v7 =	vsel vm0, $0x3F800000, v0;
	vm0 =	veq.f32 v4, v1  }
0x83: {  	v4 =	vld [tilespmem:s4+$0xFFFFF830];
	[tilespmem:s0+$0x440] =	vst v7;
	v7 =	vsel vm0, $0x3F800000, v0;
	vm0 =	veq.f32 v5, v1  }
0x84: {  	v5 =	vld [tilespmem:s4+$0xFFFFF840];
	vm1 =	veq.f32 v6, v1;
	[tilespmem:s0+$0x450] =	vst v7;
	v6 =	vsel vm0, $0x3F800000, v0  }
0x85: {  	v7 =	vld [tilespmem:s4+$0xFFFFF850];
	vm0 =	veq.f32 v8, v1;
	v8 =	vsel vm1, $0x3F800000, v0;
	[tilespmem:s0+$0x460] =	vst v6  }
0x86: {  	vm1 =	veq.f32 v2, v1;
	v2 =	vld [tilespmem:s4+$0xFFFFF860];
	v6 =	vsel vm0, $0x3F800000, v0;
	[tilespmem:s0+$0xFFFFF800] =	vst v8;
	s0 =	sadd.s32 $0x1000, s0  }
0x87: {  	v8 =	vsel vm1, $0x3F800000, v0;
	vm0 =	veq.f32 v3, v1;
	v3 =	vld [tilespmem:s4+$0xFFFFF870];
	[tilespmem:s0+$0x470] =	vst v6  }
0x88: {  	[tilespmem:s0+$0xFFFFF810] =	vst v8;
	v6 =	vsel vm0, $0x3F800000, v0;
	vm0 =	veq.f32 v4, v1;
	v4 =	vld [tilespmem:s4+$0xFFFFFC00]  }
0x89: {  	[tilespmem:s0+$0xFFFFF820] =	vst v6;
	v6 =	vsel vm0, $0x3F800000, v0;
	vm0 =	veq.f32 v5, v1;
	v5 =	vld [tilespmem:s4+$0xFFFFFC10]  }
0x8a: {  	[tilespmem:s0+$0xFFFFF830] =	vst v6;
	v6 =	vsel vm0, $0x3F800000, v0;
	vm0 =	veq.f32 v7, v1;
	v7 =	vld [tilespmem:s4+$0xFFFFFC20]  }
0x8b: {  	[tilespmem:s0+$0xFFFFF840] =	vst v6;
	v6 =	vsel vm0, $0x3F800000, v0;
	vm0 =	veq.f32 v2, v1;
	v2 =	vld [tilespmem:s4+$0xFFFFFC30]  }
0x8c: {  	[tilespmem:s0+$0xFFFFF850] =	vst v6;
	v6 =	vsel vm0, $0x3F800000, v0;
	vm0 =	veq.f32 v3, v1;
	v3 =	vld [tilespmem:s4+$0xFFFFFC40]  }
0x8d: {  	[tilespmem:s0+$0xFFFFF860] =	vst v6;
	v6 =	vsel vm0, $0x3F800000, v0;
	vm0 =	veq.f32 v4, v1;
	v4 =	vld [tilespmem:s4+$0xFFFFFC50]  }
0x8e: {  	[tilespmem:s0+$0xFFFFF870] =	vst v6;
	v6 =	vsel vm0, $0x3F800000, v0;
	vm0 =	veq.f32 v5, v1;
	v5 =	vld [tilespmem:s4+$0xFFFFFC60]  }
0x8f: {  	[tilespmem:s0+$0xFFFFFC00] =	vst v6;
	v6 =	vsel vm0, $0x3F800000, v0;
	vm0 =	veq.f32 v7, v1;
	v7 =	vld [tilespmem:s4+$0xFFFFFC70]  }
0x90: {  	[tilespmem:s0+$0xFFFFFC10] =	vst v6;
	v6 =	vsel vm0, $0x3F800000, v0;
	vm0 =	veq.f32 v2, v1;
	v2 =	vld [tilespmem:s4+$0x0]  }
0x91: {  	[tilespmem:s0+$0xFFFFFC20] =	vst v6;
	v6 =	vsel vm0, $0x3F800000, v0;
	vm0 =	veq.f32 v3, v1;
	v3 =	vld [tilespmem:s4+$0x10]  }
0x92: {  	[tilespmem:s0+$0xFFFFFC30] =	vst v6;
	v6 =	vsel vm0, $0x3F800000, v0;
	vm0 =	veq.f32 v4, v1;
	v4 =	vld [tilespmem:s4+$0x20]  }
0x93: {  	[tilespmem:s0+$0xFFFFFC40] =	vst v6;
	v6 =	vsel vm0, $0x3F800000, v0;
	vm0 =	veq.f32 v5, v1;
	v5 =	vld [tilespmem:s4+$0x30]  }
0x94: {  	[tilespmem:s0+$0xFFFFFC50] =	vst v6;
	v6 =	vsel vm0, $0x3F800000, v0;
	vm0 =	veq.f32 v7, v1;
	v7 =	vld [tilespmem:s4+$0x40]  }
0x95: {  	[tilespmem:s0+$0xFFFFFC60] =	vst v6;
	v6 =	vsel vm0, $0x3F800000, v0;
	vm0 =	veq.f32 v2, v1;
	v2 =	vld [tilespmem:s4+$0x50]  }
0x96: {  	[tilespmem:s0+$0xFFFFFC70] =	vst v6;
	v6 =	vsel vm0, $0x3F800000, v0;
	vm0 =	veq.f32 v3, v1;
	v3 =	vld [tilespmem:s4+$0x60]  }
0x97: {  	[tilespmem:s0+$0x0] =	vst v6;
	v6 =	vsel vm0, $0x3F800000, v0;
	vm0 =	veq.f32 v4, v1;
	v4 =	vld [tilespmem:s4+$0x70]  }
0x98: {  	[tilespmem:s0+$0x10] =	vst v6;
	v6 =	vsel vm0, $0x3F800000, v0;
	vm0 =	veq.f32 v5, v1;
	v5 =	vld [tilespmem:s4+$0x400]  }
0x99: {  	[tilespmem:s0+$0x20] =	vst v6;
	v6 =	vsel vm0, $0x3F800000, v0;
	vm0 =	veq.f32 v7, v1;
	v7 =	vld [tilespmem:s4+$0x410]  }
0x9a: {  	[tilespmem:s0+$0x30] =	vst v6;
	v6 =	vsel vm0, $0x3F800000, v0;
	vm0 =	veq.f32 v2, v1;
	v8 =	vld [tilespmem:s4+$0x420]  }
.Ltmp1:
0x9b: {  	[tilespmem:s0+$0x40] =	vst v6;
	v6 =	vsel vm0, $0x3F800000, v0;
	vm0 =	veq.f32 v3, v1;
	v2 =	vld [tilespmem:s4+$0x430];
	(pc) =	sbr.rel @p0 .LBB2_5-.Ltmp1, $4  }
0x9c: {  	[tilespmem:s0+$0x50] =	vst v6;
	v6 =	vsel vm0, $0x3F800000, v0;
	vm0 =	veq.f32 v4, v1;
	v3 =	vld [tilespmem:s4+$0x440]  }
0x9d: {  	[tilespmem:s0+$0x60] =	vst v6;
	v6 =	vsel vm0, $0x3F800000, v0;
	vm0 =	veq.f32 v5, v1;
	v4 =	vld [tilespmem:s4+$0x450]  }
0x9e: {  	[tilespmem:s0+$0x70] =	vst v6;
	v9 =	vsel vm0, $0x3F800000, v0;
	vm0 =	veq.f32 v7, v1;
	v5 =	vld [tilespmem:s4+$0x460]  }
0x9f: {  	v6 =	vld [tilespmem:s4+$0xFFFFF800];
	[tilespmem:s0+$0x400] =	vst v9;
	v7 =	vsel vm0, $0x3F800000, v0;
	vm0 =	veq.f32 v8, v1;
	s4 =	sadd.s32 $0x1000, s4  }
0xa0: {  	[tilespmem:s0+$0x410] =	vst v7;
	v62 =	vsel vm0, $0x3F800000, v0;
	vm12 =	veq.f32 v2, v1;
	s1 =	sadd.s32 $0x1, s1  }
0xa1: {  	[tilespmem:s0+$0x420] =	vst v62;
	v2 =	vsel vm12, $0x3F800000, v0;
	vm13 =	veq.f32 v3, v1;
	p0 =	sne.s32 s1, $0x8  }
.Ltmp2:
0xa2: {  	[tilespmem:s0+$0x430] =	vst v2;
	v2 =	vsel vm13, $0x3F800000, v0;
	vm14 =	veq.f32 v4, v1;
	(pc) =	sbr.rel @p0 .LBB2_2-.Ltmp2, $4  }
0xa3: {  	[tilespmem:s0+$0x440] =	vst v2;
	v2 =	vsel vm14, $0x3F800000, v0;
	vm15 =	veq.f32 v5, v1  }
0xa4: {  	vm1 =	veq.f32 v6, v1;
	[tilespmem:s0+$0x450] =	vst v2;
	v1 =	vsel vm15, $0x3F800000, v0  }
0xa5: {  	v2 =	vsel vm1, $0x3F800000, v0;
	[tilespmem:s0+$0x460] =	vst v1  }
0xa6: {  	s31 =	sadd.s32 $0x80, s31;
	s2 =	sadd.s32 $0x80, s2;
	[tilespmem:s0+$0xFFFFF800] =	vst v2  }
0xa7: {  	[hbm4b:s5+s20] =	stream.strided.scatter [tilespmem:s24], [sflag:$0x3], $0x8000, s21, s20, $0x38;
	v63 =	vld [tilespmem:$0x0]  }
0xa8: {  	s31 =	simm.s32 $0x0  }
0xa9: {  	[tilespmem:s31], [sflag:$0x1] =	stream.strided.gather [hbm4b:s6+s20], $0x8000, s21, s20, $0x38;
	v63 =	vld [tilespmem:$0x0]  }
0xaa: {  	_ =	swait.ge [sflag:s25], $0x8000  }
0xab: {  	[sflag:s25] =	ssyncset.done $0x0  }
0xac: {  	s0 =	simm.s32 $0x8800;
	s1 =	simm.s32 $0x18800;
	[sflag:s25] =	ssyncadd.s32 $0xFFFF8000  }
.LBB2_8:
0xad: {  	v1 =	vld [tilespmem:s0+$0xFFFFF800]  }
0xae: {  	v2 =	vld [tilespmem:s0+$0xFFFFF810]  }
0xaf: {  	v3 =	vld [tilespmem:s0+$0xFFFFF820]  }
0xb0: {  	v4 =	vld [tilespmem:s0+$0xFFFFF830]  }
0xb1: {  	v5 =	vimm.f32 $-Inf;
	v6 =	vld [tilespmem:s0+$0xFFFFF840]  }
0xb2: {  	v1 =	vmax.f32 v5, v1;
	v5 =	vld [tilespmem:s0+$0xFFFFF850]  }
0xb3: {  	v1 =	vmax.f32 v1, v2;
	v2 =	vld [tilespmem:s0+$0xFFFFF860]  }
0xb4: {  	v1 =	vmax.f32 v1, v3;
	v3 =	vld [tilespmem:s0+$0xFFFFF870]  }
0xb5: {  	v1 =	vmax.f32 v1, v4;
	v4 =	vld [tilespmem:s0+$0xFFFFFC00]  }
0xb6: {  	v1 =	vmax.f32 v1, v6;
	v6 =	vld [tilespmem:s0+$0xFFFFFC10]  }
0xb7: {  	v1 =	vmax.f32 v1, v5;
	v5 =	vld [tilespmem:s0+$0xFFFFFC20]  }
0xb8: {  	v1 =	vmax.f32 v1, v2;
	v2 =	vld [tilespmem:s0+$0xFFFFFC30]  }
0xb9: {  	v1 =	vmax.f32 v1, v3;
	v3 =	vld [tilespmem:s0+$0xFFFFFC40]  }
0xba: {  	v1 =	vmax.f32 v1, v4;
	v4 =	vld [tilespmem:s0+$0xFFFFFC50]  }
0xbb: {  	v1 =	vmax.f32 v1, v6;
	v6 =	vld [tilespmem:s0+$0xFFFFFC60]  }
0xbc: {  	v1 =	vmax.f32 v1, v5;
	v5 =	vld [tilespmem:s0+$0xFFFFFC70]  }
0xbd: {  	v1 =	vmax.f32 v1, v2;
	v2 =	vld [tilespmem:s0+$0x0]  }
0xbe: {  	v1 =	vmax.f32 v1, v3;
	v3 =	vld [tilespmem:s0+$0x10]  }
0xbf: {  	v1 =	vmax.f32 v1, v4;
	v4 =	vld [tilespmem:s0+$0x20]  }
0xc0: {  	v1 =	vmax.f32 v1, v6;
	v6 =	vld [tilespmem:s0+$0x30]  }
0xc1: {  	v1 =	vmax.f32 v1, v5;
	v5 =	vld [tilespmem:s0+$0x40]  }
0xc2: {  	v1 =	vmax.f32 v1, v2;
	v2 =	vld [tilespmem:s0+$0x50]  }
0xc3: {  	v1 =	vmax.f32 v1, v3;
	v3 =	vld [tilespmem:s0+$0x60]  }
0xc4: {  	v1 =	vmax.f32 v1, v4;
	v4 =	vld [tilespmem:s0+$0x70]  }
0xc5: {  	v1 =	vmax.f32 v1, v6;
	v6 =	vld [tilespmem:s0+$0x400]  }
0xc6: {  	v1 =	vmax.f32 v1, v5;
	v5 =	vld [tilespmem:s0+$0x410]  }
0xc7: {  	v7 =	vld [tilespmem:s0+$0x420];
	v1 =	vmax.f32 v1, v2  }
0xc8: {  	v2 =	vmax.f32 v1, v3;
	v1 =	vld [tilespmem:s0+$0x430]  }
0xc9: {  	v3 =	vmax.f32 v2, v4;
	v2 =	vld [tilespmem:s0+$0x440]  }
0xca: {  	v4 =	vmax.f32 v3, v6;
	v3 =	vld [tilespmem:s0+$0x450]  }
0xcb: {  	v5 =	vmax.f32 v4, v5;
	v4 =	vld [tilespmem:s0+$0x460]  }
0xcc: {  	s2 =	simm.s32 $0x0;
	s3 =	sadd.s32 $0x1000, s0;
	v6 =	vmax.f32 v5, v7;
	v5 =	vld [tilespmem:s0+$0x470]  }
.LBB2_9:
0xcd: {  	v7 =	vld [tilespmem:s3+$0xFFFFF800];
	s2 =	sadd.s32 $0x4, s2;
	v1 =	vmax.f32 v6, v1  }
0xce: {  	v6 =	vld [tilespmem:s3+$0xFFFFF810];
	p0 =	slt.u32 s2, $0x1C;
	v1 =	vmax.f32 v1, v2  }
0xcf: {  	v2 =	vld [tilespmem:s3+$0xFFFFF820];
	v1 =	vmax.f32 v1, v3  }
0xd0: {  	v3 =	vld [tilespmem:s3+$0xFFFFF830];
	v1 =	vmax.f32 v1, v4  }
0xd1: {  	v4 =	vld [tilespmem:s3+$0xFFFFF840];
	v1 =	vmax.f32 v1, v5  }
0xd2: {  	v1 =	vmax.f32 v1, v7;
	v5 =	vld [tilespmem:s3+$0xFFFFF850]  }
0xd3: {  	v1 =	vmax.f32 v1, v6;
	v6 =	vld [tilespmem:s3+$0xFFFFF860]  }
0xd4: {  	v1 =	vmax.f32 v1, v2;
	v2 =	vld [tilespmem:s3+$0xFFFFF870]  }
0xd5: {  	v1 =	vmax.f32 v1, v3;
	v3 =	vld [tilespmem:s3+$0xFFFFFC00]  }
0xd6: {  	v1 =	vmax.f32 v1, v4;
	v4 =	vld [tilespmem:s3+$0xFFFFFC10]  }
0xd7: {  	v1 =	vmax.f32 v1, v5;
	v5 =	vld [tilespmem:s3+$0xFFFFFC20]  }
0xd8: {  	v1 =	vmax.f32 v1, v6;
	v6 =	vld [tilespmem:s3+$0xFFFFFC30]  }
0xd9: {  	v1 =	vmax.f32 v1, v2;
	v2 =	vld [tilespmem:s3+$0xFFFFFC40]  }
0xda: {  	v1 =	vmax.f32 v1, v3;
	v3 =	vld [tilespmem:s3+$0xFFFFFC50]  }
0xdb: {  	v1 =	vmax.f32 v1, v4;
	v4 =	vld [tilespmem:s3+$0xFFFFFC60]  }
0xdc: {  	v1 =	vmax.f32 v1, v5;
	v5 =	vld [tilespmem:s3+$0xFFFFFC70]  }
0xdd: {  	v1 =	vmax.f32 v1, v6;
	v6 =	vld [tilespmem:s3+$0x0]  }
0xde: {  	v1 =	vmax.f32 v1, v2;
	v2 =	vld [tilespmem:s3+$0x10]  }
0xdf: {  	v1 =	vmax.f32 v1, v3;
	v3 =	vld [tilespmem:s3+$0x20]  }
0xe0: {  	v1 =	vmax.f32 v1, v4;
	v4 =	vld [tilespmem:s3+$0x30]  }
0xe1: {  	v1 =	vmax.f32 v1, v5;
	v5 =	vld [tilespmem:s3+$0x40]  }
0xe2: {  	v1 =	vmax.f32 v1, v6;
	v6 =	vld [tilespmem:s3+$0x50]  }
0xe3: {  	v1 =	vmax.f32 v1, v2;
	v2 =	vld [tilespmem:s3+$0x60]  }
0xe4: {  	v1 =	vmax.f32 v1, v3;
	v3 =	vld [tilespmem:s3+$0x70]  }
0xe5: {  	v1 =	vmax.f32 v1, v4;
	v4 =	vld [tilespmem:s3+$0x400]  }
0xe6: {  	v1 =	vmax.f32 v1, v5;
	v5 =	vld [tilespmem:s3+$0x410]  }
0xe7: {  	v1 =	vmax.f32 v1, v6;
	v6 =	vld [tilespmem:s3+$0x420]  }
.Ltmp3:
0xe8: {  	v2 =	vmax.f32 v1, v2;
	v1 =	vld [tilespmem:s3+$0x430];
	(pc) =	sbr.rel @p0 .LBB2_9-.Ltmp3, $4  }
0xe9: {  	v3 =	vmax.f32 v2, v3;
	v2 =	vld [tilespmem:s3+$0x440]  }
0xea: {  	v4 =	vmax.f32 v3, v4;
	v3 =	vld [tilespmem:s3+$0x450]  }
0xeb: {  	v5 =	vmax.f32 v4, v5;
	v4 =	vld [tilespmem:s3+$0x460]  }
0xec: {  	v6 =	vmax.f32 v5, v6;
	v5 =	vld [tilespmem:s3+$0x470];
	s3 =	sadd.s32 $0x1000, s3  }
0xed: {  	v1 =	vmax.f32 v6, v1  }
0xee: {  	v1 =	vmax.f32 v1, v2  }
0xef: {  	v1 =	vmax.f32 v1, v3  }
0xf0: {  	v1 =	vmax.f32 v1, v4  }
0xf1: {  	v1 =	vmax.f32 v1, v5  }
0xf2: {  	(xrf0) =	vmax.scan.msk.f32 $0xffff, v1;
	_ =	sdelay $0x3  }
0xf3: {  	v2 =	vld [tilespmem:s0+$0x470]  }
0xf4: {  	v3 =	vld [tilespmem:s0+$0xFFFFF810]  }
0xf5: {  	v4 =	vld [tilespmem:s0+$0xFFFFF820];
	v1, _, _ =	vpop (xrf0)  }
0xf6: {  	v5 =	vld [tilespmem:s0+$0xFFFFF830];
	v1 =	vbroadcast v1, $0xF  }
0xf7: {  	v6 =	vld [tilespmem:s0+$0xFFFFF840]  }
0xf8: {  	v7 =	vld [tilespmem:s0+$0xFFFFF850];
	vm0 =	veq.f32 v2, v1  }
0xf9: {  	vm1 =	veq.f32 v3, v1;
	v2 =	vld [tilespmem:s0+$0xFFFFF860];
	v3 =	vsel vm0, $0x3F800000, v0  }
0xfa: {  	v8 =	vsel vm1, $0x3F800000, v0;
	vm0 =	veq.f32 v4, v1;
	v4 =	vld [tilespmem:s0+$0xFFFFF870];
	[tilespmem:s1+$0x470] =	vst v3  }
0xfb: {  	[tilespmem:s1+$0xFFFFF810] =	vst v8;
	v3 =	vsel vm0, $0x3F800000, v0;
	vm0 =	veq.f32 v5, v1;
	v5 =	vld [tilespmem:s0+$0xFFFFFC00]  }
0xfc: {  	[tilespmem:s1+$0xFFFFF820] =	vst v3;
	v3 =	vsel vm0, $0x3F800000, v0;
	vm0 =	veq.f32 v6, v1;
	v6 =	vld [tilespmem:s0+$0xFFFFFC10]  }
0xfd: {  	[tilespmem:s1+$0xFFFFF830] =	vst v3;
	v3 =	vsel vm0, $0x3F800000, v0;
	vm0 =	veq.f32 v7, v1;
	v7 =	vld [tilespmem:s0+$0xFFFFFC20]  }
0xfe: {  	[tilespmem:s1+$0xFFFFF840] =	vst v3;
	v3 =	vsel vm0, $0x3F800000, v0;
	vm0 =	veq.f32 v2, v1;
	v2 =	vld [tilespmem:s0+$0xFFFFFC30]  }
0xff: {  	[tilespmem:s1+$0xFFFFF850] =	vst v3;
	v3 =	vsel vm0, $0x3F800000, v0;
	vm0 =	veq.f32 v4, v1;
	v4 =	vld [tilespmem:s0+$0xFFFFFC40]  }
0x100: {  	[tilespmem:s1+$0xFFFFF860] =	vst v3;
	v3 =	vsel vm0, $0x3F800000, v0;
	vm0 =	veq.f32 v5, v1;
	v5 =	vld [tilespmem:s0+$0xFFFFFC50]  }
0x101: {  	[tilespmem:s1+$0xFFFFF870] =	vst v3;
	v3 =	vsel vm0, $0x3F800000, v0;
	vm0 =	veq.f32 v6, v1;
	v6 =	vld [tilespmem:s0+$0xFFFFFC60]  }
0x102: {  	[tilespmem:s1+$0xFFFFFC00] =	vst v3;
	v3 =	vsel vm0, $0x3F800000, v0;
	vm0 =	veq.f32 v7, v1;
	v7 =	vld [tilespmem:s0+$0xFFFFFC70]  }
0x103: {  	[tilespmem:s1+$0xFFFFFC10] =	vst v3;
	v3 =	vsel vm0, $0x3F800000, v0;
	vm0 =	veq.f32 v2, v1;
	v2 =	vld [tilespmem:s0+$0x0]  }
0x104: {  	[tilespmem:s1+$0xFFFFFC20] =	vst v3;
	v3 =	vsel vm0, $0x3F800000, v0;
	vm0 =	veq.f32 v4, v1;
	v4 =	vld [tilespmem:s0+$0x10]  }
0x105: {  	[tilespmem:s1+$0xFFFFFC30] =	vst v3;
	v3 =	vsel vm0, $0x3F800000, v0;
	vm0 =	veq.f32 v5, v1;
	v5 =	vld [tilespmem:s0+$0x20]  }
0x106: {  	[tilespmem:s1+$0xFFFFFC40] =	vst v3;
	v3 =	vsel vm0, $0x3F800000, v0;
	vm0 =	veq.f32 v6, v1;
	v6 =	vld [tilespmem:s0+$0x30]  }
0x107: {  	[tilespmem:s1+$0xFFFFFC50] =	vst v3;
	v3 =	vsel vm0, $0x3F800000, v0;
	vm0 =	veq.f32 v7, v1;
	v7 =	vld [tilespmem:s0+$0x40]  }
0x108: {  	[tilespmem:s1+$0xFFFFFC60] =	vst v3;
	v3 =	vsel vm0, $0x3F800000, v0;
	vm0 =	veq.f32 v2, v1;
	v2 =	vld [tilespmem:s0+$0x50]  }
0x109: {  	[tilespmem:s1+$0xFFFFFC70] =	vst v3;
	v3 =	vsel vm0, $0x3F800000, v0;
	vm0 =	veq.f32 v4, v1;
	v4 =	vld [tilespmem:s0+$0x60]  }
0x10a: {  	[tilespmem:s1+$0x0] =	vst v3;
	v3 =	vsel vm0, $0x3F800000, v0;
	vm0 =	veq.f32 v5, v1;
	v5 =	vld [tilespmem:s0+$0x70]  }
0x10b: {  	[tilespmem:s1+$0x10] =	vst v3;
	v3 =	vsel vm0, $0x3F800000, v0;
	vm0 =	veq.f32 v6, v1;
	v6 =	vld [tilespmem:s0+$0x400]  }
0x10c: {  	[tilespmem:s1+$0x20] =	vst v3;
	v3 =	vsel vm0, $0x3F800000, v0;
	vm0 =	veq.f32 v7, v1;
	v7 =	vld [tilespmem:s0+$0x410]  }
0x10d: {  	v8 =	vld [tilespmem:s0+$0x420];
	[tilespmem:s1+$0x30] =	vst v3;
	v3 =	vsel vm0, $0x3F800000, v0;
	vm0 =	veq.f32 v2, v1  }
0x10e: {  	v2 =	vld [tilespmem:s0+$0x430];
	[tilespmem:s1+$0x40] =	vst v3;
	v3 =	vsel vm0, $0x3F800000, v0;
	vm0 =	veq.f32 v4, v1  }
0x10f: {  	[tilespmem:s1+$0x50] =	vst v3;
	v4 =	vsel vm0, $0x3F800000, v0;
	vm0 =	veq.f32 v5, v1;
	v3 =	vld [tilespmem:s0+$0x440]  }
0x110: {  	[tilespmem:s1+$0x60] =	vst v4;
	v5 =	vsel vm0, $0x3F800000, v0;
	vm0 =	veq.f32 v6, v1;
	v4 =	vld [tilespmem:s0+$0x450]  }
0x111: {  	[tilespmem:s1+$0x70] =	vst v5;
	v9 =	vsel vm0, $0x3F800000, v0;
	vm0 =	veq.f32 v7, v1;
	v5 =	vld [tilespmem:s0+$0x460]  }
0x112: {  	s3 =	simm.s32 $0x0;
	s4 =	sadd.s32 $0x1000, s0;
	s2 =	smov.u32 s1;
	v6 =	vld [tilespmem:s0+$0xFFFFF800];
	[tilespmem:s1+$0x400] =	vst v9;
	v7 =	vsel vm0, $0x3F800000, v0;
	vm0 =	veq.f32 v8, v1  }
.LBB2_11:
0x113: {  	v8 =	vld [tilespmem:s4+$0x470];
	s3 =	sadd.s32 $0x4, s3;
	[tilespmem:s2+$0x410] =	vst v7;
	v7 =	vsel vm0, $0x3F800000, v0;
	vm0 =	veq.f32 v2, v1  }
0x114: {  	v2 =	vld [tilespmem:s4+$0xFFFFF810];
	p0 =	slt.u32 s3, $0x1C;
	[tilespmem:s2+$0x420] =	vst v7;
	v7 =	vsel vm0, $0x3F800000, v0;
	vm0 =	veq.f32 v3, v1  }
0x115: {  	v3 =	vld [tilespmem:s4+$0xFFFFF820];
	[tilespmem:s2+$0x430] =	vst v7;
	v7 =	vsel vm0, $0x3F800000, v0;
	vm0 =	veq.f32 v4, v1  }
0x116: {  	v4 =	vld [tilespmem:s4+$0xFFFFF830];
	[tilespmem:s2+$0x440] =	vst v7;
	v7 =	vsel vm0, $0x3F800000, v0;
	vm0 =	veq.f32 v5, v1  }
0x117: {  	v5 =	vld [tilespmem:s4+$0xFFFFF840];
	vm1 =	veq.f32 v6, v1;
	[tilespmem:s2+$0x450] =	vst v7;
	v6 =	vsel vm0, $0x3F800000, v0  }
0x118: {  	v7 =	vld [tilespmem:s4+$0xFFFFF850];
	vm0 =	veq.f32 v8, v1;
	v8 =	vsel vm1, $0x3F800000, v0;
	[tilespmem:s2+$0x460] =	vst v6  }
0x119: {  	vm1 =	veq.f32 v2, v1;
	v2 =	vld [tilespmem:s4+$0xFFFFF860];
	v6 =	vsel vm0, $0x3F800000, v0;
	[tilespmem:s2+$0xFFFFF800] =	vst v8;
	s2 =	sadd.s32 $0x1000, s2  }
0x11a: {  	v8 =	vsel vm1, $0x3F800000, v0;
	vm0 =	veq.f32 v3, v1;
	v3 =	vld [tilespmem:s4+$0xFFFFF870];
	[tilespmem:s2+$0x470] =	vst v6  }
0x11b: {  	[tilespmem:s2+$0xFFFFF810] =	vst v8;
	v6 =	vsel vm0, $0x3F800000, v0;
	vm0 =	veq.f32 v4, v1;
	v4 =	vld [tilespmem:s4+$0xFFFFFC00]  }
0x11c: {  	[tilespmem:s2+$0xFFFFF820] =	vst v6;
	v6 =	vsel vm0, $0x3F800000, v0;
	vm0 =	veq.f32 v5, v1;
	v5 =	vld [tilespmem:s4+$0xFFFFFC10]  }
0x11d: {  	[tilespmem:s2+$0xFFFFF830] =	vst v6;
	v6 =	vsel vm0, $0x3F800000, v0;
	vm0 =	veq.f32 v7, v1;
	v7 =	vld [tilespmem:s4+$0xFFFFFC20]  }
0x11e: {  	[tilespmem:s2+$0xFFFFF840] =	vst v6;
	v6 =	vsel vm0, $0x3F800000, v0;
	vm0 =	veq.f32 v2, v1;
	v2 =	vld [tilespmem:s4+$0xFFFFFC30]  }
0x11f: {  	[tilespmem:s2+$0xFFFFF850] =	vst v6;
	v6 =	vsel vm0, $0x3F800000, v0;
	vm0 =	veq.f32 v3, v1;
	v3 =	vld [tilespmem:s4+$0xFFFFFC40]  }
0x120: {  	[tilespmem:s2+$0xFFFFF860] =	vst v6;
	v6 =	vsel vm0, $0x3F800000, v0;
	vm0 =	veq.f32 v4, v1;
	v4 =	vld [tilespmem:s4+$0xFFFFFC50]  }
0x121: {  	[tilespmem:s2+$0xFFFFF870] =	vst v6;
	v6 =	vsel vm0, $0x3F800000, v0;
	vm0 =	veq.f32 v5, v1;
	v5 =	vld [tilespmem:s4+$0xFFFFFC60]  }
0x122: {  	[tilespmem:s2+$0xFFFFFC00] =	vst v6;
	v6 =	vsel vm0, $0x3F800000, v0;
	vm0 =	veq.f32 v7, v1;
	v7 =	vld [tilespmem:s4+$0xFFFFFC70]  }
0x123: {  	[tilespmem:s2+$0xFFFFFC10] =	vst v6;
	v6 =	vsel vm0, $0x3F800000, v0;
	vm0 =	veq.f32 v2, v1;
	v2 =	vld [tilespmem:s4+$0x0]  }
0x124: {  	[tilespmem:s2+$0xFFFFFC20] =	vst v6;
	v6 =	vsel vm0, $0x3F800000, v0;
	vm0 =	veq.f32 v3, v1;
	v3 =	vld [tilespmem:s4+$0x10]  }
0x125: {  	[tilespmem:s2+$0xFFFFFC30] =	vst v6;
	v6 =	vsel vm0, $0x3F800000, v0;
	vm0 =	veq.f32 v4, v1;
	v4 =	vld [tilespmem:s4+$0x20]  }
0x126: {  	[tilespmem:s2+$0xFFFFFC40] =	vst v6;
	v6 =	vsel vm0, $0x3F800000, v0;
	vm0 =	veq.f32 v5, v1;
	v5 =	vld [tilespmem:s4+$0x30]  }
0x127: {  	[tilespmem:s2+$0xFFFFFC50] =	vst v6;
	v6 =	vsel vm0, $0x3F800000, v0;
	vm0 =	veq.f32 v7, v1;
	v7 =	vld [tilespmem:s4+$0x40]  }
0x128: {  	[tilespmem:s2+$0xFFFFFC60] =	vst v6;
	v6 =	vsel vm0, $0x3F800000, v0;
	vm0 =	veq.f32 v2, v1;
	v2 =	vld [tilespmem:s4+$0x50]  }
0x129: {  	[tilespmem:s2+$0xFFFFFC70] =	vst v6;
	v6 =	vsel vm0, $0x3F800000, v0;
	vm0 =	veq.f32 v3, v1;
	v3 =	vld [tilespmem:s4+$0x60]  }
0x12a: {  	[tilespmem:s2+$0x0] =	vst v6;
	v6 =	vsel vm0, $0x3F800000, v0;
	vm0 =	veq.f32 v4, v1;
	v4 =	vld [tilespmem:s4+$0x70]  }
0x12b: {  	[tilespmem:s2+$0x10] =	vst v6;
	v6 =	vsel vm0, $0x3F800000, v0;
	vm0 =	veq.f32 v5, v1;
	v5 =	vld [tilespmem:s4+$0x400]  }
0x12c: {  	[tilespmem:s2+$0x20] =	vst v6;
	v6 =	vsel vm0, $0x3F800000, v0;
	vm0 =	veq.f32 v7, v1;
	v7 =	vld [tilespmem:s4+$0x410]  }
0x12d: {  	[tilespmem:s2+$0x30] =	vst v6;
	v6 =	vsel vm0, $0x3F800000, v0;
	vm0 =	veq.f32 v2, v1;
	v8 =	vld [tilespmem:s4+$0x420]  }
.Ltmp4:
0x12e: {  	[tilespmem:s2+$0x40] =	vst v6;
	v6 =	vsel vm0, $0x3F800000, v0;
	vm0 =	veq.f32 v3, v1;
	v2 =	vld [tilespmem:s4+$0x430];
	(pc) =	sbr.rel @p0 .LBB2_11-.Ltmp4, $4  }
0x12f: {  	[tilespmem:s2+$0x50] =	vst v6;
	v6 =	vsel vm0, $0x3F800000, v0;
	vm0 =	veq.f32 v4, v1;
	v3 =	vld [tilespmem:s4+$0x440]  }
0x130: {  	[tilespmem:s2+$0x60] =	vst v6;
	v6 =	vsel vm0, $0x3F800000, v0;
	vm0 =	veq.f32 v5, v1;
	v4 =	vld [tilespmem:s4+$0x450]  }
0x131: {  	[tilespmem:s2+$0x70] =	vst v6;
	v9 =	vsel vm0, $0x3F800000, v0;
	vm0 =	veq.f32 v7, v1;
	v5 =	vld [tilespmem:s4+$0x460]  }
0x132: {  	v6 =	vld [tilespmem:s4+$0xFFFFF800];
	[tilespmem:s2+$0x400] =	vst v9;
	v7 =	vsel vm0, $0x3F800000, v0;
	vm0 =	veq.f32 v8, v1;
	s4 =	sadd.s32 $0x1000, s4  }
0x133: {  	[tilespmem:s2+$0x410] =	vst v7;
	v62 =	vsel vm0, $0x3F800000, v0;
	vm12 =	veq.f32 v2, v1;
	s31 =	sadd.s32 $0x1, s31  }
0x134: {  	[tilespmem:s2+$0x420] =	vst v62;
	v2 =	vsel vm12, $0x3F800000, v0;
	vm13 =	veq.f32 v3, v1;
	p0 =	sne.s32 s31, $0x8  }
.Ltmp5:
0x135: {  	[tilespmem:s2+$0x430] =	vst v2;
	v2 =	vsel vm13, $0x3F800000, v0;
	vm14 =	veq.f32 v4, v1;
	(pc) =	sbr.rel @p0 .LBB2_8-.Ltmp5, $4  }
0x136: {  	[tilespmem:s2+$0x440] =	vst v2;
	v2 =	vsel vm14, $0x3F800000, v0;
	vm15 =	veq.f32 v5, v1  }
0x137: {  	vm1 =	veq.f32 v6, v1;
	[tilespmem:s2+$0x450] =	vst v2;
	v1 =	vsel vm15, $0x3F800000, v0  }
0x138: {  	v2 =	vsel vm1, $0x3F800000, v0;
	[tilespmem:s2+$0x460] =	vst v1  }
0x139: {  	s0 =	sadd.s32 $0x80, s0;
	s1 =	sadd.s32 $0x80, s1;
	[tilespmem:s2+$0xFFFFF800] =	vst v2  }
0x13a: {  	[hbm4b:s7+s20] =	stream.strided.scatter [tilespmem:s26], [sflag:$0x4], $0x8000, s21, s20, $0x38;
	v63 =	vld [tilespmem:$0x0]  }
0x13b: {  	_ = 	snop  }
0x13c: {  	[tilespmem:s22], [sflag:$0x2] =	stream.strided.gather [hbm4b:s8+s20], $0x8000, s21, s20, $0x38;
	v63 =	vld [tilespmem:$0x0]  }
0x13d: {  	_ =	swait.ge [sflag:s23], $0x8000  }
0x13e: {  	[sflag:s23] =	ssyncset.done $0x0  }
0x13f: {  	[sflag:s23] =	ssyncadd.s32 $0xFFFF8000  }
0x140: {  	_ =	swait.ge [sflag:s28], $0x8000  }
0x141: {  	s31 =	simm.s32 $0x0;
	[sflag:s28] =	ssyncset.done $0x0  }
0x142: {  	s0 =	simm.s32 $0x800;
	s1 =	simm.s32 $0x10800;
	[sflag:s28] =	ssyncadd.s32 $0xFFFF8000  }
.LBB2_14:
0x143: {  	v1 =	vld [tilespmem:s0+$0xFFFFF800]  }
0x144: {  	v2 =	vld [tilespmem:s0+$0xFFFFF810]  }
0x145: {  	v3 =	vld [tilespmem:s0+$0xFFFFF820]  }
0x146: {  	v4 =	vld [tilespmem:s0+$0xFFFFF830]  }
0x147: {  	v5 =	vimm.f32 $-Inf;
	v6 =	vld [tilespmem:s0+$0xFFFFF840]  }
0x148: {  	v1 =	vmax.f32 v5, v1;
	v5 =	vld [tilespmem:s0+$0xFFFFF850]  }
0x149: {  	v1 =	vmax.f32 v1, v2;
	v2 =	vld [tilespmem:s0+$0xFFFFF860]  }
0x14a: {  	v1 =	vmax.f32 v1, v3;
	v3 =	vld [tilespmem:s0+$0xFFFFF870]  }
0x14b: {  	v1 =	vmax.f32 v1, v4;
	v4 =	vld [tilespmem:s0+$0xFFFFFC00]  }
0x14c: {  	v1 =	vmax.f32 v1, v6;
	v6 =	vld [tilespmem:s0+$0xFFFFFC10]  }
0x14d: {  	v1 =	vmax.f32 v1, v5;
	v5 =	vld [tilespmem:s0+$0xFFFFFC20]  }
0x14e: {  	v1 =	vmax.f32 v1, v2;
	v2 =	vld [tilespmem:s0+$0xFFFFFC30]  }
0x14f: {  	v1 =	vmax.f32 v1, v3;
	v3 =	vld [tilespmem:s0+$0xFFFFFC40]  }
0x150: {  	v1 =	vmax.f32 v1, v4;
	v4 =	vld [tilespmem:s0+$0xFFFFFC50]  }
0x151: {  	v1 =	vmax.f32 v1, v6;
	v6 =	vld [tilespmem:s0+$0xFFFFFC60]  }
0x152: {  	v1 =	vmax.f32 v1, v5;
	v5 =	vld [tilespmem:s0+$0xFFFFFC70]  }
0x153: {  	v1 =	vmax.f32 v1, v2;
	v2 =	vld [tilespmem:s0+$0x0]  }
0x154: {  	v1 =	vmax.f32 v1, v3;
	v3 =	vld [tilespmem:s0+$0x10]  }
0x155: {  	v1 =	vmax.f32 v1, v4;
	v4 =	vld [tilespmem:s0+$0x20]  }
0x156: {  	v1 =	vmax.f32 v1, v6;
	v6 =	vld [tilespmem:s0+$0x30]  }
0x157: {  	v1 =	vmax.f32 v1, v5;
	v5 =	vld [tilespmem:s0+$0x40]  }
0x158: {  	v1 =	vmax.f32 v1, v2;
	v2 =	vld [tilespmem:s0+$0x50]  }
0x159: {  	v1 =	vmax.f32 v1, v3;
	v3 =	vld [tilespmem:s0+$0x60]  }
0x15a: {  	v1 =	vmax.f32 v1, v4;
	v4 =	vld [tilespmem:s0+$0x70]  }
0x15b: {  	v1 =	vmax.f32 v1, v6;
	v6 =	vld [tilespmem:s0+$0x400]  }
0x15c: {  	v1 =	vmax.f32 v1, v5;
	v5 =	vld [tilespmem:s0+$0x410]  }
0x15d: {  	v7 =	vld [tilespmem:s0+$0x420];
	v1 =	vmax.f32 v1, v2  }
0x15e: {  	v2 =	vmax.f32 v1, v3;
	v1 =	vld [tilespmem:s0+$0x430]  }
0x15f: {  	v3 =	vmax.f32 v2, v4;
	v2 =	vld [tilespmem:s0+$0x440]  }
0x160: {  	v4 =	vmax.f32 v3, v6;
	v3 =	vld [tilespmem:s0+$0x450]  }
0x161: {  	v5 =	vmax.f32 v4, v5;
	v4 =	vld [tilespmem:s0+$0x460]  }
0x162: {  	s2 =	simm.s32 $0x0;
	s3 =	sadd.s32 $0x1000, s0;
	v6 =	vmax.f32 v5, v7;
	v5 =	vld [tilespmem:s0+$0x470]  }
.LBB2_15:
0x163: {  	v7 =	vld [tilespmem:s3+$0xFFFFF800];
	s2 =	sadd.s32 $0x4, s2;
	v1 =	vmax.f32 v6, v1  }
0x164: {  	v6 =	vld [tilespmem:s3+$0xFFFFF810];
	p0 =	slt.u32 s2, $0x1C;
	v1 =	vmax.f32 v1, v2  }
0x165: {  	v2 =	vld [tilespmem:s3+$0xFFFFF820];
	v1 =	vmax.f32 v1, v3  }
0x166: {  	v3 =	vld [tilespmem:s3+$0xFFFFF830];
	v1 =	vmax.f32 v1, v4  }
0x167: {  	v4 =	vld [tilespmem:s3+$0xFFFFF840];
	v1 =	vmax.f32 v1, v5  }
0x168: {  	v1 =	vmax.f32 v1, v7;
	v5 =	vld [tilespmem:s3+$0xFFFFF850]  }
0x169: {  	v1 =	vmax.f32 v1, v6;
	v6 =	vld [tilespmem:s3+$0xFFFFF860]  }
0x16a: {  	v1 =	vmax.f32 v1, v2;
	v2 =	vld [tilespmem:s3+$0xFFFFF870]  }
0x16b: {  	v1 =	vmax.f32 v1, v3;
	v3 =	vld [tilespmem:s3+$0xFFFFFC00]  }
0x16c: {  	v1 =	vmax.f32 v1, v4;
	v4 =	vld [tilespmem:s3+$0xFFFFFC10]  }
0x16d: {  	v1 =	vmax.f32 v1, v5;
	v5 =	vld [tilespmem:s3+$0xFFFFFC20]  }
0x16e: {  	v1 =	vmax.f32 v1, v6;
	v6 =	vld [tilespmem:s3+$0xFFFFFC30]  }
0x16f: {  	v1 =	vmax.f32 v1, v2;
	v2 =	vld [tilespmem:s3+$0xFFFFFC40]  }
0x170: {  	v1 =	vmax.f32 v1, v3;
	v3 =	vld [tilespmem:s3+$0xFFFFFC50]  }
0x171: {  	v1 =	vmax.f32 v1, v4;
	v4 =	vld [tilespmem:s3+$0xFFFFFC60]  }
0x172: {  	v1 =	vmax.f32 v1, v5;
	v5 =	vld [tilespmem:s3+$0xFFFFFC70]  }
0x173: {  	v1 =	vmax.f32 v1, v6;
	v6 =	vld [tilespmem:s3+$0x0]  }
0x174: {  	v1 =	vmax.f32 v1, v2;
	v2 =	vld [tilespmem:s3+$0x10]  }
0x175: {  	v1 =	vmax.f32 v1, v3;
	v3 =	vld [tilespmem:s3+$0x20]  }
0x176: {  	v1 =	vmax.f32 v1, v4;
	v4 =	vld [tilespmem:s3+$0x30]  }
0x177: {  	v1 =	vmax.f32 v1, v5;
	v5 =	vld [tilespmem:s3+$0x40]  }
0x178: {  	v1 =	vmax.f32 v1, v6;
	v6 =	vld [tilespmem:s3+$0x50]  }
0x179: {  	v1 =	vmax.f32 v1, v2;
	v2 =	vld [tilespmem:s3+$0x60]  }
0x17a: {  	v1 =	vmax.f32 v1, v3;
	v3 =	vld [tilespmem:s3+$0x70]  }
0x17b: {  	v1 =	vmax.f32 v1, v4;
	v4 =	vld [tilespmem:s3+$0x400]  }
0x17c: {  	v1 =	vmax.f32 v1, v5;
	v5 =	vld [tilespmem:s3+$0x410]  }
0x17d: {  	v1 =	vmax.f32 v1, v6;
	v6 =	vld [tilespmem:s3+$0x420]  }
.Ltmp6:
0x17e: {  	v2 =	vmax.f32 v1, v2;
	v1 =	vld [tilespmem:s3+$0x430];
	(pc) =	sbr.rel @p0 .LBB2_15-.Ltmp6, $4  }
0x17f: {  	v3 =	vmax.f32 v2, v3;
	v2 =	vld [tilespmem:s3+$0x440]  }
0x180: {  	v4 =	vmax.f32 v3, v4;
	v3 =	vld [tilespmem:s3+$0x450]  }
0x181: {  	v5 =	vmax.f32 v4, v5;
	v4 =	vld [tilespmem:s3+$0x460]  }
0x182: {  	v6 =	vmax.f32 v5, v6;
	v5 =	vld [tilespmem:s3+$0x470];
	s3 =	sadd.s32 $0x1000, s3  }
0x183: {  	v1 =	vmax.f32 v6, v1  }
0x184: {  	v1 =	vmax.f32 v1, v2  }
0x185: {  	v1 =	vmax.f32 v1, v3  }
0x186: {  	v1 =	vmax.f32 v1, v4  }
0x187: {  	v1 =	vmax.f32 v1, v5  }
0x188: {  	(xrf0) =	vmax.scan.msk.f32 $0xffff, v1;
	_ =	sdelay $0x3  }
0x189: {  	v2 =	vld [tilespmem:s0+$0x470]  }
0x18a: {  	v3 =	vld [tilespmem:s0+$0xFFFFF810]  }
0x18b: {  	v4 =	vld [tilespmem:s0+$0xFFFFF820];
	v1, _, _ =	vpop (xrf0)  }
0x18c: {  	v5 =	vld [tilespmem:s0+$0xFFFFF830];
	v1 =	vbroadcast v1, $0xF  }
0x18d: {  	v6 =	vld [tilespmem:s0+$0xFFFFF840]  }
0x18e: {  	v7 =	vld [tilespmem:s0+$0xFFFFF850];
	vm0 =	veq.f32 v2, v1  }
0x18f: {  	vm1 =	veq.f32 v3, v1;
	v2 =	vld [tilespmem:s0+$0xFFFFF860];
	v3 =	vsel vm0, $0x3F800000, v0  }
0x190: {  	v8 =	vsel vm1, $0x3F800000, v0;
	vm0 =	veq.f32 v4, v1;
	v4 =	vld [tilespmem:s0+$0xFFFFF870];
	[tilespmem:s1+$0x470] =	vst v3  }
0x191: {  	[tilespmem:s1+$0xFFFFF810] =	vst v8;
	v3 =	vsel vm0, $0x3F800000, v0;
	vm0 =	veq.f32 v5, v1;
	v5 =	vld [tilespmem:s0+$0xFFFFFC00]  }
0x192: {  	[tilespmem:s1+$0xFFFFF820] =	vst v3;
	v3 =	vsel vm0, $0x3F800000, v0;
	vm0 =	veq.f32 v6, v1;
	v6 =	vld [tilespmem:s0+$0xFFFFFC10]  }
0x193: {  	[tilespmem:s1+$0xFFFFF830] =	vst v3;
	v3 =	vsel vm0, $0x3F800000, v0;
	vm0 =	veq.f32 v7, v1;
	v7 =	vld [tilespmem:s0+$0xFFFFFC20]  }
0x194: {  	[tilespmem:s1+$0xFFFFF840] =	vst v3;
	v3 =	vsel vm0, $0x3F800000, v0;
	vm0 =	veq.f32 v2, v1;
	v2 =	vld [tilespmem:s0+$0xFFFFFC30]  }
0x195: {  	[tilespmem:s1+$0xFFFFF850] =	vst v3;
	v3 =	vsel vm0, $0x3F800000, v0;
	vm0 =	veq.f32 v4, v1;
	v4 =	vld [tilespmem:s0+$0xFFFFFC40]  }
0x196: {  	[tilespmem:s1+$0xFFFFF860] =	vst v3;
	v3 =	vsel vm0, $0x3F800000, v0;
	vm0 =	veq.f32 v5, v1;
	v5 =	vld [tilespmem:s0+$0xFFFFFC50]  }
0x197: {  	[tilespmem:s1+$0xFFFFF870] =	vst v3;
	v3 =	vsel vm0, $0x3F800000, v0;
	vm0 =	veq.f32 v6, v1;
	v6 =	vld [tilespmem:s0+$0xFFFFFC60]  }
0x198: {  	[tilespmem:s1+$0xFFFFFC00] =	vst v3;
	v3 =	vsel vm0, $0x3F800000, v0;
	vm0 =	veq.f32 v7, v1;
	v7 =	vld [tilespmem:s0+$0xFFFFFC70]  }
0x199: {  	[tilespmem:s1+$0xFFFFFC10] =	vst v3;
	v3 =	vsel vm0, $0x3F800000, v0;
	vm0 =	veq.f32 v2, v1;
	v2 =	vld [tilespmem:s0+$0x0]  }
0x19a: {  	[tilespmem:s1+$0xFFFFFC20] =	vst v3;
	v3 =	vsel vm0, $0x3F800000, v0;
	vm0 =	veq.f32 v4, v1;
	v4 =	vld [tilespmem:s0+$0x10]  }
0x19b: {  	[tilespmem:s1+$0xFFFFFC30] =	vst v3;
	v3 =	vsel vm0, $0x3F800000, v0;
	vm0 =	veq.f32 v5, v1;
	v5 =	vld [tilespmem:s0+$0x20]  }
0x19c: {  	[tilespmem:s1+$0xFFFFFC40] =	vst v3;
	v3 =	vsel vm0, $0x3F800000, v0;
	vm0 =	veq.f32 v6, v1;
	v6 =	vld [tilespmem:s0+$0x30]  }
0x19d: {  	[tilespmem:s1+$0xFFFFFC50] =	vst v3;
	v3 =	vsel vm0, $0x3F800000, v0;
	vm0 =	veq.f32 v7, v1;
	v7 =	vld [tilespmem:s0+$0x40]  }
0x19e: {  	[tilespmem:s1+$0xFFFFFC60] =	vst v3;
	v3 =	vsel vm0, $0x3F800000, v0;
	vm0 =	veq.f32 v2, v1;
	v2 =	vld [tilespmem:s0+$0x50]  }
0x19f: {  	[tilespmem:s1+$0xFFFFFC70] =	vst v3;
	v3 =	vsel vm0, $0x3F800000, v0;
	vm0 =	veq.f32 v4, v1;
	v4 =	vld [tilespmem:s0+$0x60]  }
0x1a0: {  	[tilespmem:s1+$0x0] =	vst v3;
	v3 =	vsel vm0, $0x3F800000, v0;
	vm0 =	veq.f32 v5, v1;
	v5 =	vld [tilespmem:s0+$0x70]  }
0x1a1: {  	[tilespmem:s1+$0x10] =	vst v3;
	v3 =	vsel vm0, $0x3F800000, v0;
	vm0 =	veq.f32 v6, v1;
	v6 =	vld [tilespmem:s0+$0x400]  }
0x1a2: {  	[tilespmem:s1+$0x20] =	vst v3;
	v3 =	vsel vm0, $0x3F800000, v0;
	vm0 =	veq.f32 v7, v1;
	v7 =	vld [tilespmem:s0+$0x410]  }
0x1a3: {  	v8 =	vld [tilespmem:s0+$0x420];
	[tilespmem:s1+$0x30] =	vst v3;
	v3 =	vsel vm0, $0x3F800000, v0;
	vm0 =	veq.f32 v2, v1  }
0x1a4: {  	v2 =	vld [tilespmem:s0+$0x430];
	[tilespmem:s1+$0x40] =	vst v3;
	v3 =	vsel vm0, $0x3F800000, v0;
	vm0 =	veq.f32 v4, v1  }
0x1a5: {  	[tilespmem:s1+$0x50] =	vst v3;
	v4 =	vsel vm0, $0x3F800000, v0;
	vm0 =	veq.f32 v5, v1;
	v3 =	vld [tilespmem:s0+$0x440]  }
0x1a6: {  	[tilespmem:s1+$0x60] =	vst v4;
	v5 =	vsel vm0, $0x3F800000, v0;
	vm0 =	veq.f32 v6, v1;
	v4 =	vld [tilespmem:s0+$0x450]  }
0x1a7: {  	[tilespmem:s1+$0x70] =	vst v5;
	v9 =	vsel vm0, $0x3F800000, v0;
	vm0 =	veq.f32 v7, v1;
	v5 =	vld [tilespmem:s0+$0x460]  }
0x1a8: {  	s3 =	simm.s32 $0x0;
	s4 =	sadd.s32 $0x1000, s0;
	s2 =	smov.u32 s1;
	v6 =	vld [tilespmem:s0+$0xFFFFF800];
	[tilespmem:s1+$0x400] =	vst v9;
	v7 =	vsel vm0, $0x3F800000, v0;
	vm0 =	veq.f32 v8, v1  }
.LBB2_17:
0x1a9: {  	v8 =	vld [tilespmem:s4+$0x470];
	s3 =	sadd.s32 $0x4, s3;
	[tilespmem:s2+$0x410] =	vst v7;
	v7 =	vsel vm0, $0x3F800000, v0;
	vm0 =	veq.f32 v2, v1  }
0x1aa: {  	v2 =	vld [tilespmem:s4+$0xFFFFF810];
	p0 =	slt.u32 s3, $0x1C;
	[tilespmem:s2+$0x420] =	vst v7;
	v7 =	vsel vm0, $0x3F800000, v0;
	vm0 =	veq.f32 v3, v1  }
0x1ab: {  	v3 =	vld [tilespmem:s4+$0xFFFFF820];
	[tilespmem:s2+$0x430] =	vst v7;
	v7 =	vsel vm0, $0x3F800000, v0;
	vm0 =	veq.f32 v4, v1  }
0x1ac: {  	v4 =	vld [tilespmem:s4+$0xFFFFF830];
	[tilespmem:s2+$0x440] =	vst v7;
	v7 =	vsel vm0, $0x3F800000, v0;
	vm0 =	veq.f32 v5, v1  }
0x1ad: {  	v5 =	vld [tilespmem:s4+$0xFFFFF840];
	vm1 =	veq.f32 v6, v1;
	[tilespmem:s2+$0x450] =	vst v7;
	v6 =	vsel vm0, $0x3F800000, v0  }
0x1ae: {  	v7 =	vld [tilespmem:s4+$0xFFFFF850];
	vm0 =	veq.f32 v8, v1;
	v8 =	vsel vm1, $0x3F800000, v0;
	[tilespmem:s2+$0x460] =	vst v6  }
0x1af: {  	vm1 =	veq.f32 v2, v1;
	v2 =	vld [tilespmem:s4+$0xFFFFF860];
	v6 =	vsel vm0, $0x3F800000, v0;
	[tilespmem:s2+$0xFFFFF800] =	vst v8;
	s2 =	sadd.s32 $0x1000, s2  }
0x1b0: {  	v8 =	vsel vm1, $0x3F800000, v0;
	vm0 =	veq.f32 v3, v1;
	v3 =	vld [tilespmem:s4+$0xFFFFF870];
	[tilespmem:s2+$0x470] =	vst v6  }
0x1b1: {  	[tilespmem:s2+$0xFFFFF810] =	vst v8;
	v6 =	vsel vm0, $0x3F800000, v0;
	vm0 =	veq.f32 v4, v1;
	v4 =	vld [tilespmem:s4+$0xFFFFFC00]  }
0x1b2: {  	[tilespmem:s2+$0xFFFFF820] =	vst v6;
	v6 =	vsel vm0, $0x3F800000, v0;
	vm0 =	veq.f32 v5, v1;
	v5 =	vld [tilespmem:s4+$0xFFFFFC10]  }
0x1b3: {  	[tilespmem:s2+$0xFFFFF830] =	vst v6;
	v6 =	vsel vm0, $0x3F800000, v0;
	vm0 =	veq.f32 v7, v1;
	v7 =	vld [tilespmem:s4+$0xFFFFFC20]  }
0x1b4: {  	[tilespmem:s2+$0xFFFFF840] =	vst v6;
	v6 =	vsel vm0, $0x3F800000, v0;
	vm0 =	veq.f32 v2, v1;
	v2 =	vld [tilespmem:s4+$0xFFFFFC30]  }
0x1b5: {  	[tilespmem:s2+$0xFFFFF850] =	vst v6;
	v6 =	vsel vm0, $0x3F800000, v0;
	vm0 =	veq.f32 v3, v1;
	v3 =	vld [tilespmem:s4+$0xFFFFFC40]  }
0x1b6: {  	[tilespmem:s2+$0xFFFFF860] =	vst v6;
	v6 =	vsel vm0, $0x3F800000, v0;
	vm0 =	veq.f32 v4, v1;
	v4 =	vld [tilespmem:s4+$0xFFFFFC50]  }
0x1b7: {  	[tilespmem:s2+$0xFFFFF870] =	vst v6;
	v6 =	vsel vm0, $0x3F800000, v0;
	vm0 =	veq.f32 v5, v1;
	v5 =	vld [tilespmem:s4+$0xFFFFFC60]  }
0x1b8: {  	[tilespmem:s2+$0xFFFFFC00] =	vst v6;
	v6 =	vsel vm0, $0x3F800000, v0;
	vm0 =	veq.f32 v7, v1;
	v7 =	vld [tilespmem:s4+$0xFFFFFC70]  }
0x1b9: {  	[tilespmem:s2+$0xFFFFFC10] =	vst v6;
	v6 =	vsel vm0, $0x3F800000, v0;
	vm0 =	veq.f32 v2, v1;
	v2 =	vld [tilespmem:s4+$0x0]  }
0x1ba: {  	[tilespmem:s2+$0xFFFFFC20] =	vst v6;
	v6 =	vsel vm0, $0x3F800000, v0;
	vm0 =	veq.f32 v3, v1;
	v3 =	vld [tilespmem:s4+$0x10]  }
0x1bb: {  	[tilespmem:s2+$0xFFFFFC30] =	vst v6;
	v6 =	vsel vm0, $0x3F800000, v0;
	vm0 =	veq.f32 v4, v1;
	v4 =	vld [tilespmem:s4+$0x20]  }
0x1bc: {  	[tilespmem:s2+$0xFFFFFC40] =	vst v6;
	v6 =	vsel vm0, $0x3F800000, v0;
	vm0 =	veq.f32 v5, v1;
	v5 =	vld [tilespmem:s4+$0x30]  }
0x1bd: {  	[tilespmem:s2+$0xFFFFFC50] =	vst v6;
	v6 =	vsel vm0, $0x3F800000, v0;
	vm0 =	veq.f32 v7, v1;
	v7 =	vld [tilespmem:s4+$0x40]  }
0x1be: {  	[tilespmem:s2+$0xFFFFFC60] =	vst v6;
	v6 =	vsel vm0, $0x3F800000, v0;
	vm0 =	veq.f32 v2, v1;
	v2 =	vld [tilespmem:s4+$0x50]  }
0x1bf: {  	[tilespmem:s2+$0xFFFFFC70] =	vst v6;
	v6 =	vsel vm0, $0x3F800000, v0;
	vm0 =	veq.f32 v3, v1;
	v3 =	vld [tilespmem:s4+$0x60]  }
0x1c0: {  	[tilespmem:s2+$0x0] =	vst v6;
	v6 =	vsel vm0, $0x3F800000, v0;
	vm0 =	veq.f32 v4, v1;
	v4 =	vld [tilespmem:s4+$0x70]  }
0x1c1: {  	[tilespmem:s2+$0x10] =	vst v6;
	v6 =	vsel vm0, $0x3F800000, v0;
	vm0 =	veq.f32 v5, v1;
	v5 =	vld [tilespmem:s4+$0x400]  }
0x1c2: {  	[tilespmem:s2+$0x20] =	vst v6;
	v6 =	vsel vm0, $0x3F800000, v0;
	vm0 =	veq.f32 v7, v1;
	v7 =	vld [tilespmem:s4+$0x410]  }
0x1c3: {  	[tilespmem:s2+$0x30] =	vst v6;
	v6 =	vsel vm0, $0x3F800000, v0;
	vm0 =	veq.f32 v2, v1;
	v8 =	vld [tilespmem:s4+$0x420]  }
.Ltmp7:
0x1c4: {  	[tilespmem:s2+$0x40] =	vst v6;
	v6 =	vsel vm0, $0x3F800000, v0;
	vm0 =	veq.f32 v3, v1;
	v2 =	vld [tilespmem:s4+$0x430];
	(pc) =	sbr.rel @p0 .LBB2_17-.Ltmp7, $4  }
0x1c5: {  	[tilespmem:s2+$0x50] =	vst v6;
	v6 =	vsel vm0, $0x3F800000, v0;
	vm0 =	veq.f32 v4, v1;
	v3 =	vld [tilespmem:s4+$0x440]  }
0x1c6: {  	[tilespmem:s2+$0x60] =	vst v6;
	v6 =	vsel vm0, $0x3F800000, v0;
	vm0 =	veq.f32 v5, v1;
	v4 =	vld [tilespmem:s4+$0x450]  }
0x1c7: {  	[tilespmem:s2+$0x70] =	vst v6;
	v9 =	vsel vm0, $0x3F800000, v0;
	vm0 =	veq.f32 v7, v1;
	v5 =	vld [tilespmem:s4+$0x460]  }
0x1c8: {  	v6 =	vld [tilespmem:s4+$0xFFFFF800];
	[tilespmem:s2+$0x400] =	vst v9;
	v7 =	vsel vm0, $0x3F800000, v0;
	vm0 =	veq.f32 v8, v1;
	s4 =	sadd.s32 $0x1000, s4  }
0x1c9: {  	[tilespmem:s2+$0x410] =	vst v7;
	v62 =	vsel vm0, $0x3F800000, v0;
	vm12 =	veq.f32 v2, v1;
	s31 =	sadd.s32 $0x1, s31  }
0x1ca: {  	[tilespmem:s2+$0x420] =	vst v62;
	v2 =	vsel vm12, $0x3F800000, v0;
	vm13 =	veq.f32 v3, v1;
	p0 =	sne.s32 s31, $0x8  }
.Ltmp8:
0x1cb: {  	[tilespmem:s2+$0x430] =	vst v2;
	v2 =	vsel vm13, $0x3F800000, v0;
	vm14 =	veq.f32 v4, v1;
	(pc) =	sbr.rel @p0 .LBB2_14-.Ltmp8, $4  }
0x1cc: {  	[tilespmem:s2+$0x440] =	vst v2;
	v2 =	vsel vm14, $0x3F800000, v0;
	vm15 =	veq.f32 v5, v1  }
0x1cd: {  	vm1 =	veq.f32 v6, v1;
	[tilespmem:s2+$0x450] =	vst v2;
	v1 =	vsel vm15, $0x3F800000, v0  }
0x1ce: {  	v2 =	vsel vm1, $0x3F800000, v0;
	[tilespmem:s2+$0x460] =	vst v1  }
0x1cf: {  	s0 =	sadd.s32 $0x80, s0;
	s1 =	sadd.s32 $0x80, s1;
	[tilespmem:s2+$0xFFFFF800] =	vst v2  }
0x1d0: {  	[hbm4b:s9+s20] =	stream.strided.scatter [tilespmem:s24], [sflag:$0x3], $0x8000, s21, s20, $0x38;
	v63 =	vld [tilespmem:$0x0]  }
0x1d1: {  	s31 =	simm.s32 $0x0  }
0x1d2: {  	[tilespmem:s31], [sflag:$0x1] =	stream.strided.gather [hbm4b:s10+s20], $0x8000, s21, s20, $0x38;
	v63 =	vld [tilespmem:$0x0]  }
0x1d3: {  	_ =	swait.ge [sflag:s25], $0x8000  }
0x1d4: {  	[sflag:s25] =	ssyncset.done $0x0  }
0x1d5: {  	[sflag:s25] =	ssyncadd.s32 $0xFFFF8000  }
0x1d6: {  	_ =	swait.ge [sflag:s29], $0x8000  }
0x1d7: {  	[sflag:s29] =	ssyncset.done $0x0  }
0x1d8: {  	s0 =	simm.s32 $0x8800;
	s1 =	simm.s32 $0x18800;
	[sflag:s29] =	ssyncadd.s32 $0xFFFF8000  }
.LBB2_20:
0x1d9: {  	v1 =	vld [tilespmem:s0+$0xFFFFF800]  }
0x1da: {  	v2 =	vld [tilespmem:s0+$0xFFFFF810]  }
0x1db: {  	v3 =	vld [tilespmem:s0+$0xFFFFF820]  }
0x1dc: {  	v4 =	vld [tilespmem:s0+$0xFFFFF830]  }
0x1dd: {  	v5 =	vimm.f32 $-Inf;
	v6 =	vld [tilespmem:s0+$0xFFFFF840]  }
0x1de: {  	v1 =	vmax.f32 v5, v1;
	v5 =	vld [tilespmem:s0+$0xFFFFF850]  }
0x1df: {  	v1 =	vmax.f32 v1, v2;
	v2 =	vld [tilespmem:s0+$0xFFFFF860]  }
0x1e0: {  	v1 =	vmax.f32 v1, v3;
	v3 =	vld [tilespmem:s0+$0xFFFFF870]  }
0x1e1: {  	v1 =	vmax.f32 v1, v4;
	v4 =	vld [tilespmem:s0+$0xFFFFFC00]  }
0x1e2: {  	v1 =	vmax.f32 v1, v6;
	v6 =	vld [tilespmem:s0+$0xFFFFFC10]  }
0x1e3: {  	v1 =	vmax.f32 v1, v5;
	v5 =	vld [tilespmem:s0+$0xFFFFFC20]  }
0x1e4: {  	v1 =	vmax.f32 v1, v2;
	v2 =	vld [tilespmem:s0+$0xFFFFFC30]  }
0x1e5: {  	v1 =	vmax.f32 v1, v3;
	v3 =	vld [tilespmem:s0+$0xFFFFFC40]  }
0x1e6: {  	v1 =	vmax.f32 v1, v4;
	v4 =	vld [tilespmem:s0+$0xFFFFFC50]  }
0x1e7: {  	v1 =	vmax.f32 v1, v6;
	v6 =	vld [tilespmem:s0+$0xFFFFFC60]  }
0x1e8: {  	v1 =	vmax.f32 v1, v5;
	v5 =	vld [tilespmem:s0+$0xFFFFFC70]  }
0x1e9: {  	v1 =	vmax.f32 v1, v2;
	v2 =	vld [tilespmem:s0+$0x0]  }
0x1ea: {  	v1 =	vmax.f32 v1, v3;
	v3 =	vld [tilespmem:s0+$0x10]  }
0x1eb: {  	v1 =	vmax.f32 v1, v4;
	v4 =	vld [tilespmem:s0+$0x20]  }
0x1ec: {  	v1 =	vmax.f32 v1, v6;
	v6 =	vld [tilespmem:s0+$0x30]  }
0x1ed: {  	v1 =	vmax.f32 v1, v5;
	v5 =	vld [tilespmem:s0+$0x40]  }
0x1ee: {  	v1 =	vmax.f32 v1, v2;
	v2 =	vld [tilespmem:s0+$0x50]  }
0x1ef: {  	v1 =	vmax.f32 v1, v3;
	v3 =	vld [tilespmem:s0+$0x60]  }
0x1f0: {  	v1 =	vmax.f32 v1, v4;
	v4 =	vld [tilespmem:s0+$0x70]  }
0x1f1: {  	v1 =	vmax.f32 v1, v6;
	v6 =	vld [tilespmem:s0+$0x400]  }
0x1f2: {  	v1 =	vmax.f32 v1, v5;
	v5 =	vld [tilespmem:s0+$0x410]  }
0x1f3: {  	v7 =	vld [tilespmem:s0+$0x420];
	v1 =	vmax.f32 v1, v2  }
0x1f4: {  	v2 =	vmax.f32 v1, v3;
	v1 =	vld [tilespmem:s0+$0x430]  }
0x1f5: {  	v3 =	vmax.f32 v2, v4;
	v2 =	vld [tilespmem:s0+$0x440]  }
0x1f6: {  	v4 =	vmax.f32 v3, v6;
	v3 =	vld [tilespmem:s0+$0x450]  }
0x1f7: {  	v5 =	vmax.f32 v4, v5;
	v4 =	vld [tilespmem:s0+$0x460]  }
0x1f8: {  	s2 =	simm.s32 $0x0;
	s3 =	sadd.s32 $0x1000, s0;
	v6 =	vmax.f32 v5, v7;
	v5 =	vld [tilespmem:s0+$0x470]  }
.LBB2_21:
0x1f9: {  	v7 =	vld [tilespmem:s3+$0xFFFFF800];
	s2 =	sadd.s32 $0x4, s2;
	v1 =	vmax.f32 v6, v1  }
0x1fa: {  	v6 =	vld [tilespmem:s3+$0xFFFFF810];
	p0 =	slt.u32 s2, $0x1C;
	v1 =	vmax.f32 v1, v2  }
0x1fb: {  	v2 =	vld [tilespmem:s3+$0xFFFFF820];
	v1 =	vmax.f32 v1, v3  }
0x1fc: {  	v3 =	vld [tilespmem:s3+$0xFFFFF830];
	v1 =	vmax.f32 v1, v4  }
0x1fd: {  	v4 =	vld [tilespmem:s3+$0xFFFFF840];
	v1 =	vmax.f32 v1, v5  }
0x1fe: {  	v1 =	vmax.f32 v1, v7;
	v5 =	vld [tilespmem:s3+$0xFFFFF850]  }
0x1ff: {  	v1 =	vmax.f32 v1, v6;
	v6 =	vld [tilespmem:s3+$0xFFFFF860]  }
0x200: {  	v1 =	vmax.f32 v1, v2;
	v2 =	vld [tilespmem:s3+$0xFFFFF870]  }
0x201: {  	v1 =	vmax.f32 v1, v3;
	v3 =	vld [tilespmem:s3+$0xFFFFFC00]  }
0x202: {  	v1 =	vmax.f32 v1, v4;
	v4 =	vld [tilespmem:s3+$0xFFFFFC10]  }
0x203: {  	v1 =	vmax.f32 v1, v5;
	v5 =	vld [tilespmem:s3+$0xFFFFFC20]  }
0x204: {  	v1 =	vmax.f32 v1, v6;
	v6 =	vld [tilespmem:s3+$0xFFFFFC30]  }
0x205: {  	v1 =	vmax.f32 v1, v2;
	v2 =	vld [tilespmem:s3+$0xFFFFFC40]  }
0x206: {  	v1 =	vmax.f32 v1, v3;
	v3 =	vld [tilespmem:s3+$0xFFFFFC50]  }
0x207: {  	v1 =	vmax.f32 v1, v4;
	v4 =	vld [tilespmem:s3+$0xFFFFFC60]  }
0x208: {  	v1 =	vmax.f32 v1, v5;
	v5 =	vld [tilespmem:s3+$0xFFFFFC70]  }
0x209: {  	v1 =	vmax.f32 v1, v6;
	v6 =	vld [tilespmem:s3+$0x0]  }
0x20a: {  	v1 =	vmax.f32 v1, v2;
	v2 =	vld [tilespmem:s3+$0x10]  }
0x20b: {  	v1 =	vmax.f32 v1, v3;
	v3 =	vld [tilespmem:s3+$0x20]  }
0x20c: {  	v1 =	vmax.f32 v1, v4;
	v4 =	vld [tilespmem:s3+$0x30]  }
0x20d: {  	v1 =	vmax.f32 v1, v5;
	v5 =	vld [tilespmem:s3+$0x40]  }
0x20e: {  	v1 =	vmax.f32 v1, v6;
	v6 =	vld [tilespmem:s3+$0x50]  }
0x20f: {  	v1 =	vmax.f32 v1, v2;
	v2 =	vld [tilespmem:s3+$0x60]  }
0x210: {  	v1 =	vmax.f32 v1, v3;
	v3 =	vld [tilespmem:s3+$0x70]  }
0x211: {  	v1 =	vmax.f32 v1, v4;
	v4 =	vld [tilespmem:s3+$0x400]  }
0x212: {  	v1 =	vmax.f32 v1, v5;
	v5 =	vld [tilespmem:s3+$0x410]  }
0x213: {  	v1 =	vmax.f32 v1, v6;
	v6 =	vld [tilespmem:s3+$0x420]  }
.Ltmp9:
0x214: {  	v2 =	vmax.f32 v1, v2;
	v1 =	vld [tilespmem:s3+$0x430];
	(pc) =	sbr.rel @p0 .LBB2_21-.Ltmp9, $4  }
0x215: {  	v3 =	vmax.f32 v2, v3;
	v2 =	vld [tilespmem:s3+$0x440]  }
0x216: {  	v4 =	vmax.f32 v3, v4;
	v3 =	vld [tilespmem:s3+$0x450]  }
0x217: {  	v5 =	vmax.f32 v4, v5;
	v4 =	vld [tilespmem:s3+$0x460]  }
0x218: {  	v6 =	vmax.f32 v5, v6;
	v5 =	vld [tilespmem:s3+$0x470];
	s3 =	sadd.s32 $0x1000, s3  }
0x219: {  	v1 =	vmax.f32 v6, v1  }
0x21a: {  	v1 =	vmax.f32 v1, v2  }
0x21b: {  	v1 =	vmax.f32 v1, v3  }
0x21c: {  	v1 =	vmax.f32 v1, v4  }
0x21d: {  	v1 =	vmax.f32 v1, v5  }
0x21e: {  	(xrf0) =	vmax.scan.msk.f32 $0xffff, v1;
	_ =	sdelay $0x3  }
0x21f: {  	v2 =	vld [tilespmem:s0+$0x470]  }
0x220: {  	v3 =	vld [tilespmem:s0+$0xFFFFF810]  }
0x221: {  	v4 =	vld [tilespmem:s0+$0xFFFFF820];
	v1, _, _ =	vpop (xrf0)  }
0x222: {  	v5 =	vld [tilespmem:s0+$0xFFFFF830];
	v1 =	vbroadcast v1, $0xF  }
0x223: {  	v6 =	vld [tilespmem:s0+$0xFFFFF840]  }
0x224: {  	v7 =	vld [tilespmem:s0+$0xFFFFF850];
	vm0 =	veq.f32 v2, v1  }
0x225: {  	vm1 =	veq.f32 v3, v1;
	v2 =	vld [tilespmem:s0+$0xFFFFF860];
	v3 =	vsel vm0, $0x3F800000, v0  }
0x226: {  	v8 =	vsel vm1, $0x3F800000, v0;
	vm0 =	veq.f32 v4, v1;
	v4 =	vld [tilespmem:s0+$0xFFFFF870];
	[tilespmem:s1+$0x470] =	vst v3  }
0x227: {  	[tilespmem:s1+$0xFFFFF810] =	vst v8;
	v3 =	vsel vm0, $0x3F800000, v0;
	vm0 =	veq.f32 v5, v1;
	v5 =	vld [tilespmem:s0+$0xFFFFFC00]  }
0x228: {  	[tilespmem:s1+$0xFFFFF820] =	vst v3;
	v3 =	vsel vm0, $0x3F800000, v0;
	vm0 =	veq.f32 v6, v1;
	v6 =	vld [tilespmem:s0+$0xFFFFFC10]  }
0x229: {  	[tilespmem:s1+$0xFFFFF830] =	vst v3;
	v3 =	vsel vm0, $0x3F800000, v0;
	vm0 =	veq.f32 v7, v1;
	v7 =	vld [tilespmem:s0+$0xFFFFFC20]  }
0x22a: {  	[tilespmem:s1+$0xFFFFF840] =	vst v3;
	v3 =	vsel vm0, $0x3F800000, v0;
	vm0 =	veq.f32 v2, v1;
	v2 =	vld [tilespmem:s0+$0xFFFFFC30]  }
0x22b: {  	[tilespmem:s1+$0xFFFFF850] =	vst v3;
	v3 =	vsel vm0, $0x3F800000, v0;
	vm0 =	veq.f32 v4, v1;
	v4 =	vld [tilespmem:s0+$0xFFFFFC40]  }
0x22c: {  	[tilespmem:s1+$0xFFFFF860] =	vst v3;
	v3 =	vsel vm0, $0x3F800000, v0;
	vm0 =	veq.f32 v5, v1;
	v5 =	vld [tilespmem:s0+$0xFFFFFC50]  }
0x22d: {  	[tilespmem:s1+$0xFFFFF870] =	vst v3;
	v3 =	vsel vm0, $0x3F800000, v0;
	vm0 =	veq.f32 v6, v1;
	v6 =	vld [tilespmem:s0+$0xFFFFFC60]  }
0x22e: {  	[tilespmem:s1+$0xFFFFFC00] =	vst v3;
	v3 =	vsel vm0, $0x3F800000, v0;
	vm0 =	veq.f32 v7, v1;
	v7 =	vld [tilespmem:s0+$0xFFFFFC70]  }
0x22f: {  	[tilespmem:s1+$0xFFFFFC10] =	vst v3;
	v3 =	vsel vm0, $0x3F800000, v0;
	vm0 =	veq.f32 v2, v1;
	v2 =	vld [tilespmem:s0+$0x0]  }
0x230: {  	[tilespmem:s1+$0xFFFFFC20] =	vst v3;
	v3 =	vsel vm0, $0x3F800000, v0;
	vm0 =	veq.f32 v4, v1;
	v4 =	vld [tilespmem:s0+$0x10]  }
0x231: {  	[tilespmem:s1+$0xFFFFFC30] =	vst v3;
	v3 =	vsel vm0, $0x3F800000, v0;
	vm0 =	veq.f32 v5, v1;
	v5 =	vld [tilespmem:s0+$0x20]  }
0x232: {  	[tilespmem:s1+$0xFFFFFC40] =	vst v3;
	v3 =	vsel vm0, $0x3F800000, v0;
	vm0 =	veq.f32 v6, v1;
	v6 =	vld [tilespmem:s0+$0x30]  }
0x233: {  	[tilespmem:s1+$0xFFFFFC50] =	vst v3;
	v3 =	vsel vm0, $0x3F800000, v0;
	vm0 =	veq.f32 v7, v1;
	v7 =	vld [tilespmem:s0+$0x40]  }
0x234: {  	[tilespmem:s1+$0xFFFFFC60] =	vst v3;
	v3 =	vsel vm0, $0x3F800000, v0;
	vm0 =	veq.f32 v2, v1;
	v2 =	vld [tilespmem:s0+$0x50]  }
0x235: {  	[tilespmem:s1+$0xFFFFFC70] =	vst v3;
	v3 =	vsel vm0, $0x3F800000, v0;
	vm0 =	veq.f32 v4, v1;
	v4 =	vld [tilespmem:s0+$0x60]  }
0x236: {  	[tilespmem:s1+$0x0] =	vst v3;
	v3 =	vsel vm0, $0x3F800000, v0;
	vm0 =	veq.f32 v5, v1;
	v5 =	vld [tilespmem:s0+$0x70]  }
0x237: {  	[tilespmem:s1+$0x10] =	vst v3;
	v3 =	vsel vm0, $0x3F800000, v0;
	vm0 =	veq.f32 v6, v1;
	v6 =	vld [tilespmem:s0+$0x400]  }
0x238: {  	[tilespmem:s1+$0x20] =	vst v3;
	v3 =	vsel vm0, $0x3F800000, v0;
	vm0 =	veq.f32 v7, v1;
	v7 =	vld [tilespmem:s0+$0x410]  }
0x239: {  	v8 =	vld [tilespmem:s0+$0x420];
	[tilespmem:s1+$0x30] =	vst v3;
	v3 =	vsel vm0, $0x3F800000, v0;
	vm0 =	veq.f32 v2, v1  }
0x23a: {  	v2 =	vld [tilespmem:s0+$0x430];
	[tilespmem:s1+$0x40] =	vst v3;
	v3 =	vsel vm0, $0x3F800000, v0;
	vm0 =	veq.f32 v4, v1  }
0x23b: {  	[tilespmem:s1+$0x50] =	vst v3;
	v4 =	vsel vm0, $0x3F800000, v0;
	vm0 =	veq.f32 v5, v1;
	v3 =	vld [tilespmem:s0+$0x440]  }
0x23c: {  	[tilespmem:s1+$0x60] =	vst v4;
	v5 =	vsel vm0, $0x3F800000, v0;
	vm0 =	veq.f32 v6, v1;
	v4 =	vld [tilespmem:s0+$0x450]  }
0x23d: {  	[tilespmem:s1+$0x70] =	vst v5;
	v9 =	vsel vm0, $0x3F800000, v0;
	vm0 =	veq.f32 v7, v1;
	v5 =	vld [tilespmem:s0+$0x460]  }
0x23e: {  	s3 =	simm.s32 $0x0;
	s4 =	sadd.s32 $0x1000, s0;
	s2 =	smov.u32 s1;
	v6 =	vld [tilespmem:s0+$0xFFFFF800];
	[tilespmem:s1+$0x400] =	vst v9;
	v7 =	vsel vm0, $0x3F800000, v0;
	vm0 =	veq.f32 v8, v1  }
.LBB2_23:
0x23f: {  	v8 =	vld [tilespmem:s4+$0x470];
	s3 =	sadd.s32 $0x4, s3;
	[tilespmem:s2+$0x410] =	vst v7;
	v7 =	vsel vm0, $0x3F800000, v0;
	vm0 =	veq.f32 v2, v1  }
0x240: {  	v2 =	vld [tilespmem:s4+$0xFFFFF810];
	p0 =	slt.u32 s3, $0x1C;
	[tilespmem:s2+$0x420] =	vst v7;
	v7 =	vsel vm0, $0x3F800000, v0;
	vm0 =	veq.f32 v3, v1  }
0x241: {  	v3 =	vld [tilespmem:s4+$0xFFFFF820];
	[tilespmem:s2+$0x430] =	vst v7;
	v7 =	vsel vm0, $0x3F800000, v0;
	vm0 =	veq.f32 v4, v1  }
0x242: {  	v4 =	vld [tilespmem:s4+$0xFFFFF830];
	[tilespmem:s2+$0x440] =	vst v7;
	v7 =	vsel vm0, $0x3F800000, v0;
	vm0 =	veq.f32 v5, v1  }
0x243: {  	v5 =	vld [tilespmem:s4+$0xFFFFF840];
	vm1 =	veq.f32 v6, v1;
	[tilespmem:s2+$0x450] =	vst v7;
	v6 =	vsel vm0, $0x3F800000, v0  }
0x244: {  	v7 =	vld [tilespmem:s4+$0xFFFFF850];
	vm0 =	veq.f32 v8, v1;
	v8 =	vsel vm1, $0x3F800000, v0;
	[tilespmem:s2+$0x460] =	vst v6  }
0x245: {  	vm1 =	veq.f32 v2, v1;
	v2 =	vld [tilespmem:s4+$0xFFFFF860];
	v6 =	vsel vm0, $0x3F800000, v0;
	[tilespmem:s2+$0xFFFFF800] =	vst v8;
	s2 =	sadd.s32 $0x1000, s2  }
0x246: {  	v8 =	vsel vm1, $0x3F800000, v0;
	vm0 =	veq.f32 v3, v1;
	v3 =	vld [tilespmem:s4+$0xFFFFF870];
	[tilespmem:s2+$0x470] =	vst v6  }
0x247: {  	[tilespmem:s2+$0xFFFFF810] =	vst v8;
	v6 =	vsel vm0, $0x3F800000, v0;
	vm0 =	veq.f32 v4, v1;
	v4 =	vld [tilespmem:s4+$0xFFFFFC00]  }
0x248: {  	[tilespmem:s2+$0xFFFFF820] =	vst v6;
	v6 =	vsel vm0, $0x3F800000, v0;
	vm0 =	veq.f32 v5, v1;
	v5 =	vld [tilespmem:s4+$0xFFFFFC10]  }
0x249: {  	[tilespmem:s2+$0xFFFFF830] =	vst v6;
	v6 =	vsel vm0, $0x3F800000, v0;
	vm0 =	veq.f32 v7, v1;
	v7 =	vld [tilespmem:s4+$0xFFFFFC20]  }
0x24a: {  	[tilespmem:s2+$0xFFFFF840] =	vst v6;
	v6 =	vsel vm0, $0x3F800000, v0;
	vm0 =	veq.f32 v2, v1;
	v2 =	vld [tilespmem:s4+$0xFFFFFC30]  }
0x24b: {  	[tilespmem:s2+$0xFFFFF850] =	vst v6;
	v6 =	vsel vm0, $0x3F800000, v0;
	vm0 =	veq.f32 v3, v1;
	v3 =	vld [tilespmem:s4+$0xFFFFFC40]  }
0x24c: {  	[tilespmem:s2+$0xFFFFF860] =	vst v6;
	v6 =	vsel vm0, $0x3F800000, v0;
	vm0 =	veq.f32 v4, v1;
	v4 =	vld [tilespmem:s4+$0xFFFFFC50]  }
0x24d: {  	[tilespmem:s2+$0xFFFFF870] =	vst v6;
	v6 =	vsel vm0, $0x3F800000, v0;
	vm0 =	veq.f32 v5, v1;
	v5 =	vld [tilespmem:s4+$0xFFFFFC60]  }
0x24e: {  	[tilespmem:s2+$0xFFFFFC00] =	vst v6;
	v6 =	vsel vm0, $0x3F800000, v0;
	vm0 =	veq.f32 v7, v1;
	v7 =	vld [tilespmem:s4+$0xFFFFFC70]  }
0x24f: {  	[tilespmem:s2+$0xFFFFFC10] =	vst v6;
	v6 =	vsel vm0, $0x3F800000, v0;
	vm0 =	veq.f32 v2, v1;
	v2 =	vld [tilespmem:s4+$0x0]  }
0x250: {  	[tilespmem:s2+$0xFFFFFC20] =	vst v6;
	v6 =	vsel vm0, $0x3F800000, v0;
	vm0 =	veq.f32 v3, v1;
	v3 =	vld [tilespmem:s4+$0x10]  }
0x251: {  	[tilespmem:s2+$0xFFFFFC30] =	vst v6;
	v6 =	vsel vm0, $0x3F800000, v0;
	vm0 =	veq.f32 v4, v1;
	v4 =	vld [tilespmem:s4+$0x20]  }
0x252: {  	[tilespmem:s2+$0xFFFFFC40] =	vst v6;
	v6 =	vsel vm0, $0x3F800000, v0;
	vm0 =	veq.f32 v5, v1;
	v5 =	vld [tilespmem:s4+$0x30]  }
0x253: {  	[tilespmem:s2+$0xFFFFFC50] =	vst v6;
	v6 =	vsel vm0, $0x3F800000, v0;
	vm0 =	veq.f32 v7, v1;
	v7 =	vld [tilespmem:s4+$0x40]  }
0x254: {  	[tilespmem:s2+$0xFFFFFC60] =	vst v6;
	v6 =	vsel vm0, $0x3F800000, v0;
	vm0 =	veq.f32 v2, v1;
	v2 =	vld [tilespmem:s4+$0x50]  }
0x255: {  	[tilespmem:s2+$0xFFFFFC70] =	vst v6;
	v6 =	vsel vm0, $0x3F800000, v0;
	vm0 =	veq.f32 v3, v1;
	v3 =	vld [tilespmem:s4+$0x60]  }
0x256: {  	[tilespmem:s2+$0x0] =	vst v6;
	v6 =	vsel vm0, $0x3F800000, v0;
	vm0 =	veq.f32 v4, v1;
	v4 =	vld [tilespmem:s4+$0x70]  }
0x257: {  	[tilespmem:s2+$0x10] =	vst v6;
	v6 =	vsel vm0, $0x3F800000, v0;
	vm0 =	veq.f32 v5, v1;
	v5 =	vld [tilespmem:s4+$0x400]  }
0x258: {  	[tilespmem:s2+$0x20] =	vst v6;
	v6 =	vsel vm0, $0x3F800000, v0;
	vm0 =	veq.f32 v7, v1;
	v7 =	vld [tilespmem:s4+$0x410]  }
0x259: {  	[tilespmem:s2+$0x30] =	vst v6;
	v6 =	vsel vm0, $0x3F800000, v0;
	vm0 =	veq.f32 v2, v1;
	v8 =	vld [tilespmem:s4+$0x420]  }
.Ltmp10:
0x25a: {  	[tilespmem:s2+$0x40] =	vst v6;
	v6 =	vsel vm0, $0x3F800000, v0;
	vm0 =	veq.f32 v3, v1;
	v2 =	vld [tilespmem:s4+$0x430];
	(pc) =	sbr.rel @p0 .LBB2_23-.Ltmp10, $4  }
0x25b: {  	[tilespmem:s2+$0x50] =	vst v6;
	v6 =	vsel vm0, $0x3F800000, v0;
	vm0 =	veq.f32 v4, v1;
	v3 =	vld [tilespmem:s4+$0x440]  }
0x25c: {  	[tilespmem:s2+$0x60] =	vst v6;
	v6 =	vsel vm0, $0x3F800000, v0;
	vm0 =	veq.f32 v5, v1;
	v4 =	vld [tilespmem:s4+$0x450]  }
0x25d: {  	[tilespmem:s2+$0x70] =	vst v6;
	v9 =	vsel vm0, $0x3F800000, v0;
	vm0 =	veq.f32 v7, v1;
	v5 =	vld [tilespmem:s4+$0x460]  }
0x25e: {  	v6 =	vld [tilespmem:s4+$0xFFFFF800];
	[tilespmem:s2+$0x400] =	vst v9;
	v7 =	vsel vm0, $0x3F800000, v0;
	vm0 =	veq.f32 v8, v1;
	s4 =	sadd.s32 $0x1000, s4  }
0x25f: {  	[tilespmem:s2+$0x410] =	vst v7;
	v62 =	vsel vm0, $0x3F800000, v0;
	vm12 =	veq.f32 v2, v1;
	s31 =	sadd.s32 $0x1, s31  }
0x260: {  	[tilespmem:s2+$0x420] =	vst v62;
	v2 =	vsel vm12, $0x3F800000, v0;
	vm13 =	veq.f32 v3, v1;
	p0 =	sne.s32 s31, $0x8  }
.Ltmp11:
0x261: {  	[tilespmem:s2+$0x430] =	vst v2;
	v2 =	vsel vm13, $0x3F800000, v0;
	vm14 =	veq.f32 v4, v1;
	(pc) =	sbr.rel @p0 .LBB2_20-.Ltmp11, $4  }
0x262: {  	[tilespmem:s2+$0x440] =	vst v2;
	v2 =	vsel vm14, $0x3F800000, v0;
	vm15 =	veq.f32 v5, v1  }
0x263: {  	vm1 =	veq.f32 v6, v1;
	[tilespmem:s2+$0x450] =	vst v2;
	v1 =	vsel vm15, $0x3F800000, v0  }
0x264: {  	v2 =	vsel vm1, $0x3F800000, v0;
	[tilespmem:s2+$0x460] =	vst v1  }
0x265: {  	s0 =	sadd.s32 $0x80, s0;
	s1 =	sadd.s32 $0x80, s1;
	[tilespmem:s2+$0xFFFFF800] =	vst v2  }
0x266: {  	[hbm4b:s11+s20] =	stream.strided.scatter [tilespmem:s26], [sflag:$0x4], $0x8000, s21, s20, $0x38;
	v63 =	vld [tilespmem:$0x0]  }
0x267: {  	_ = 	snop  }
0x268: {  	[tilespmem:s22], [sflag:$0x2] =	stream.strided.gather [hbm4b:s12+s20], $0x8000, s21, s20, $0x38;
	v63 =	vld [tilespmem:$0x0]  }
0x269: {  	_ =	swait.ge [sflag:s23], $0x8000  }
0x26a: {  	[sflag:s23] =	ssyncset.done $0x0  }
0x26b: {  	[sflag:s23] =	ssyncadd.s32 $0xFFFF8000  }
0x26c: {  	_ =	swait.ge [sflag:s28], $0x8000  }
0x26d: {  	s31 =	simm.s32 $0x0;
	[sflag:s28] =	ssyncset.done $0x0  }
0x26e: {  	s0 =	simm.s32 $0x800;
	s1 =	simm.s32 $0x10800;
	[sflag:s28] =	ssyncadd.s32 $0xFFFF8000  }
.LBB2_26:
0x26f: {  	v1 =	vld [tilespmem:s0+$0xFFFFF800]  }
0x270: {  	v2 =	vld [tilespmem:s0+$0xFFFFF810]  }
0x271: {  	v3 =	vld [tilespmem:s0+$0xFFFFF820]  }
0x272: {  	v4 =	vld [tilespmem:s0+$0xFFFFF830]  }
0x273: {  	v5 =	vimm.f32 $-Inf;
	v6 =	vld [tilespmem:s0+$0xFFFFF840]  }
0x274: {  	v1 =	vmax.f32 v5, v1;
	v5 =	vld [tilespmem:s0+$0xFFFFF850]  }
0x275: {  	v1 =	vmax.f32 v1, v2;
	v2 =	vld [tilespmem:s0+$0xFFFFF860]  }
0x276: {  	v1 =	vmax.f32 v1, v3;
	v3 =	vld [tilespmem:s0+$0xFFFFF870]  }
0x277: {  	v1 =	vmax.f32 v1, v4;
	v4 =	vld [tilespmem:s0+$0xFFFFFC00]  }
0x278: {  	v1 =	vmax.f32 v1, v6;
	v6 =	vld [tilespmem:s0+$0xFFFFFC10]  }
0x279: {  	v1 =	vmax.f32 v1, v5;
	v5 =	vld [tilespmem:s0+$0xFFFFFC20]  }
0x27a: {  	v1 =	vmax.f32 v1, v2;
	v2 =	vld [tilespmem:s0+$0xFFFFFC30]  }
0x27b: {  	v1 =	vmax.f32 v1, v3;
	v3 =	vld [tilespmem:s0+$0xFFFFFC40]  }
0x27c: {  	v1 =	vmax.f32 v1, v4;
	v4 =	vld [tilespmem:s0+$0xFFFFFC50]  }
0x27d: {  	v1 =	vmax.f32 v1, v6;
	v6 =	vld [tilespmem:s0+$0xFFFFFC60]  }
0x27e: {  	v1 =	vmax.f32 v1, v5;
	v5 =	vld [tilespmem:s0+$0xFFFFFC70]  }
0x27f: {  	v1 =	vmax.f32 v1, v2;
	v2 =	vld [tilespmem:s0+$0x0]  }
0x280: {  	v1 =	vmax.f32 v1, v3;
	v3 =	vld [tilespmem:s0+$0x10]  }
0x281: {  	v1 =	vmax.f32 v1, v4;
	v4 =	vld [tilespmem:s0+$0x20]  }
0x282: {  	v1 =	vmax.f32 v1, v6;
	v6 =	vld [tilespmem:s0+$0x30]  }
0x283: {  	v1 =	vmax.f32 v1, v5;
	v5 =	vld [tilespmem:s0+$0x40]  }
0x284: {  	v1 =	vmax.f32 v1, v2;
	v2 =	vld [tilespmem:s0+$0x50]  }
0x285: {  	v1 =	vmax.f32 v1, v3;
	v3 =	vld [tilespmem:s0+$0x60]  }
0x286: {  	v1 =	vmax.f32 v1, v4;
	v4 =	vld [tilespmem:s0+$0x70]  }
0x287: {  	v1 =	vmax.f32 v1, v6;
	v6 =	vld [tilespmem:s0+$0x400]  }
0x288: {  	v1 =	vmax.f32 v1, v5;
	v5 =	vld [tilespmem:s0+$0x410]  }
0x289: {  	v7 =	vld [tilespmem:s0+$0x420];
	v1 =	vmax.f32 v1, v2  }
0x28a: {  	v2 =	vmax.f32 v1, v3;
	v1 =	vld [tilespmem:s0+$0x430]  }
0x28b: {  	v3 =	vmax.f32 v2, v4;
	v2 =	vld [tilespmem:s0+$0x440]  }
0x28c: {  	v4 =	vmax.f32 v3, v6;
	v3 =	vld [tilespmem:s0+$0x450]  }
0x28d: {  	v5 =	vmax.f32 v4, v5;
	v4 =	vld [tilespmem:s0+$0x460]  }
0x28e: {  	s2 =	simm.s32 $0x0;
	s3 =	sadd.s32 $0x1000, s0;
	v6 =	vmax.f32 v5, v7;
	v5 =	vld [tilespmem:s0+$0x470]  }
.LBB2_27:
0x28f: {  	v7 =	vld [tilespmem:s3+$0xFFFFF800];
	s2 =	sadd.s32 $0x4, s2;
	v1 =	vmax.f32 v6, v1  }
0x290: {  	v6 =	vld [tilespmem:s3+$0xFFFFF810];
	p0 =	slt.u32 s2, $0x1C;
	v1 =	vmax.f32 v1, v2  }
0x291: {  	v2 =	vld [tilespmem:s3+$0xFFFFF820];
	v1 =	vmax.f32 v1, v3  }
0x292: {  	v3 =	vld [tilespmem:s3+$0xFFFFF830];
	v1 =	vmax.f32 v1, v4  }
0x293: {  	v4 =	vld [tilespmem:s3+$0xFFFFF840];
	v1 =	vmax.f32 v1, v5  }
0x294: {  	v1 =	vmax.f32 v1, v7;
	v5 =	vld [tilespmem:s3+$0xFFFFF850]  }
0x295: {  	v1 =	vmax.f32 v1, v6;
	v6 =	vld [tilespmem:s3+$0xFFFFF860]  }
0x296: {  	v1 =	vmax.f32 v1, v2;
	v2 =	vld [tilespmem:s3+$0xFFFFF870]  }
0x297: {  	v1 =	vmax.f32 v1, v3;
	v3 =	vld [tilespmem:s3+$0xFFFFFC00]  }
0x298: {  	v1 =	vmax.f32 v1, v4;
	v4 =	vld [tilespmem:s3+$0xFFFFFC10]  }
0x299: {  	v1 =	vmax.f32 v1, v5;
	v5 =	vld [tilespmem:s3+$0xFFFFFC20]  }
0x29a: {  	v1 =	vmax.f32 v1, v6;
	v6 =	vld [tilespmem:s3+$0xFFFFFC30]  }
0x29b: {  	v1 =	vmax.f32 v1, v2;
	v2 =	vld [tilespmem:s3+$0xFFFFFC40]  }
0x29c: {  	v1 =	vmax.f32 v1, v3;
	v3 =	vld [tilespmem:s3+$0xFFFFFC50]  }
0x29d: {  	v1 =	vmax.f32 v1, v4;
	v4 =	vld [tilespmem:s3+$0xFFFFFC60]  }
0x29e: {  	v1 =	vmax.f32 v1, v5;
	v5 =	vld [tilespmem:s3+$0xFFFFFC70]  }
0x29f: {  	v1 =	vmax.f32 v1, v6;
	v6 =	vld [tilespmem:s3+$0x0]  }
0x2a0: {  	v1 =	vmax.f32 v1, v2;
	v2 =	vld [tilespmem:s3+$0x10]  }
0x2a1: {  	v1 =	vmax.f32 v1, v3;
	v3 =	vld [tilespmem:s3+$0x20]  }
0x2a2: {  	v1 =	vmax.f32 v1, v4;
	v4 =	vld [tilespmem:s3+$0x30]  }
0x2a3: {  	v1 =	vmax.f32 v1, v5;
	v5 =	vld [tilespmem:s3+$0x40]  }
0x2a4: {  	v1 =	vmax.f32 v1, v6;
	v6 =	vld [tilespmem:s3+$0x50]  }
0x2a5: {  	v1 =	vmax.f32 v1, v2;
	v2 =	vld [tilespmem:s3+$0x60]  }
0x2a6: {  	v1 =	vmax.f32 v1, v3;
	v3 =	vld [tilespmem:s3+$0x70]  }
0x2a7: {  	v1 =	vmax.f32 v1, v4;
	v4 =	vld [tilespmem:s3+$0x400]  }
0x2a8: {  	v1 =	vmax.f32 v1, v5;
	v5 =	vld [tilespmem:s3+$0x410]  }
0x2a9: {  	v1 =	vmax.f32 v1, v6;
	v6 =	vld [tilespmem:s3+$0x420]  }
.Ltmp12:
0x2aa: {  	v2 =	vmax.f32 v1, v2;
	v1 =	vld [tilespmem:s3+$0x430];
	(pc) =	sbr.rel @p0 .LBB2_27-.Ltmp12, $4  }
0x2ab: {  	v3 =	vmax.f32 v2, v3;
	v2 =	vld [tilespmem:s3+$0x440]  }
0x2ac: {  	v4 =	vmax.f32 v3, v4;
	v3 =	vld [tilespmem:s3+$0x450]  }
0x2ad: {  	v5 =	vmax.f32 v4, v5;
	v4 =	vld [tilespmem:s3+$0x460]  }
0x2ae: {  	v6 =	vmax.f32 v5, v6;
	v5 =	vld [tilespmem:s3+$0x470];
	s3 =	sadd.s32 $0x1000, s3  }
0x2af: {  	v1 =	vmax.f32 v6, v1  }
0x2b0: {  	v1 =	vmax.f32 v1, v2  }
0x2b1: {  	v1 =	vmax.f32 v1, v3  }
0x2b2: {  	v1 =	vmax.f32 v1, v4  }
0x2b3: {  	v1 =	vmax.f32 v1, v5  }
0x2b4: {  	(xrf0) =	vmax.scan.msk.f32 $0xffff, v1;
	_ =	sdelay $0x3  }
0x2b5: {  	v2 =	vld [tilespmem:s0+$0x470]  }
0x2b6: {  	v3 =	vld [tilespmem:s0+$0xFFFFF810]  }
0x2b7: {  	v4 =	vld [tilespmem:s0+$0xFFFFF820];
	v1, _, _ =	vpop (xrf0)  }
0x2b8: {  	v5 =	vld [tilespmem:s0+$0xFFFFF830];
	v1 =	vbroadcast v1, $0xF  }
0x2b9: {  	v6 =	vld [tilespmem:s0+$0xFFFFF840]  }
0x2ba: {  	v7 =	vld [tilespmem:s0+$0xFFFFF850];
	vm0 =	veq.f32 v2, v1  }
0x2bb: {  	vm1 =	veq.f32 v3, v1;
	v2 =	vld [tilespmem:s0+$0xFFFFF860];
	v3 =	vsel vm0, $0x3F800000, v0  }
0x2bc: {  	v8 =	vsel vm1, $0x3F800000, v0;
	vm0 =	veq.f32 v4, v1;
	v4 =	vld [tilespmem:s0+$0xFFFFF870];
	[tilespmem:s1+$0x470] =	vst v3  }
0x2bd: {  	[tilespmem:s1+$0xFFFFF810] =	vst v8;
	v3 =	vsel vm0, $0x3F800000, v0;
	vm0 =	veq.f32 v5, v1;
	v5 =	vld [tilespmem:s0+$0xFFFFFC00]  }
0x2be: {  	[tilespmem:s1+$0xFFFFF820] =	vst v3;
	v3 =	vsel vm0, $0x3F800000, v0;
	vm0 =	veq.f32 v6, v1;
	v6 =	vld [tilespmem:s0+$0xFFFFFC10]  }
0x2bf: {  	[tilespmem:s1+$0xFFFFF830] =	vst v3;
	v3 =	vsel vm0, $0x3F800000, v0;
	vm0 =	veq.f32 v7, v1;
	v7 =	vld [tilespmem:s0+$0xFFFFFC20]  }
0x2c0: {  	[tilespmem:s1+$0xFFFFF840] =	vst v3;
	v3 =	vsel vm0, $0x3F800000, v0;
	vm0 =	veq.f32 v2, v1;
	v2 =	vld [tilespmem:s0+$0xFFFFFC30]  }
0x2c1: {  	[tilespmem:s1+$0xFFFFF850] =	vst v3;
	v3 =	vsel vm0, $0x3F800000, v0;
	vm0 =	veq.f32 v4, v1;
	v4 =	vld [tilespmem:s0+$0xFFFFFC40]  }
0x2c2: {  	[tilespmem:s1+$0xFFFFF860] =	vst v3;
	v3 =	vsel vm0, $0x3F800000, v0;
	vm0 =	veq.f32 v5, v1;
	v5 =	vld [tilespmem:s0+$0xFFFFFC50]  }
0x2c3: {  	[tilespmem:s1+$0xFFFFF870] =	vst v3;
	v3 =	vsel vm0, $0x3F800000, v0;
	vm0 =	veq.f32 v6, v1;
	v6 =	vld [tilespmem:s0+$0xFFFFFC60]  }
0x2c4: {  	[tilespmem:s1+$0xFFFFFC00] =	vst v3;
	v3 =	vsel vm0, $0x3F800000, v0;
	vm0 =	veq.f32 v7, v1;
	v7 =	vld [tilespmem:s0+$0xFFFFFC70]  }
0x2c5: {  	[tilespmem:s1+$0xFFFFFC10] =	vst v3;
	v3 =	vsel vm0, $0x3F800000, v0;
	vm0 =	veq.f32 v2, v1;
	v2 =	vld [tilespmem:s0+$0x0]  }
0x2c6: {  	[tilespmem:s1+$0xFFFFFC20] =	vst v3;
	v3 =	vsel vm0, $0x3F800000, v0;
	vm0 =	veq.f32 v4, v1;
	v4 =	vld [tilespmem:s0+$0x10]  }
0x2c7: {  	[tilespmem:s1+$0xFFFFFC30] =	vst v3;
	v3 =	vsel vm0, $0x3F800000, v0;
	vm0 =	veq.f32 v5, v1;
	v5 =	vld [tilespmem:s0+$0x20]  }
0x2c8: {  	[tilespmem:s1+$0xFFFFFC40] =	vst v3;
	v3 =	vsel vm0, $0x3F800000, v0;
	vm0 =	veq.f32 v6, v1;
	v6 =	vld [tilespmem:s0+$0x30]  }
0x2c9: {  	[tilespmem:s1+$0xFFFFFC50] =	vst v3;
	v3 =	vsel vm0, $0x3F800000, v0;
	vm0 =	veq.f32 v7, v1;
	v7 =	vld [tilespmem:s0+$0x40]  }
0x2ca: {  	[tilespmem:s1+$0xFFFFFC60] =	vst v3;
	v3 =	vsel vm0, $0x3F800000, v0;
	vm0 =	veq.f32 v2, v1;
	v2 =	vld [tilespmem:s0+$0x50]  }
0x2cb: {  	[tilespmem:s1+$0xFFFFFC70] =	vst v3;
	v3 =	vsel vm0, $0x3F800000, v0;
	vm0 =	veq.f32 v4, v1;
	v4 =	vld [tilespmem:s0+$0x60]  }
0x2cc: {  	[tilespmem:s1+$0x0] =	vst v3;
	v3 =	vsel vm0, $0x3F800000, v0;
	vm0 =	veq.f32 v5, v1;
	v5 =	vld [tilespmem:s0+$0x70]  }
0x2cd: {  	[tilespmem:s1+$0x10] =	vst v3;
	v3 =	vsel vm0, $0x3F800000, v0;
	vm0 =	veq.f32 v6, v1;
	v6 =	vld [tilespmem:s0+$0x400]  }
0x2ce: {  	[tilespmem:s1+$0x20] =	vst v3;
	v3 =	vsel vm0, $0x3F800000, v0;
	vm0 =	veq.f32 v7, v1;
	v7 =	vld [tilespmem:s0+$0x410]  }
0x2cf: {  	v8 =	vld [tilespmem:s0+$0x420];
	[tilespmem:s1+$0x30] =	vst v3;
	v3 =	vsel vm0, $0x3F800000, v0;
	vm0 =	veq.f32 v2, v1  }
0x2d0: {  	v2 =	vld [tilespmem:s0+$0x430];
	[tilespmem:s1+$0x40] =	vst v3;
	v3 =	vsel vm0, $0x3F800000, v0;
	vm0 =	veq.f32 v4, v1  }
0x2d1: {  	[tilespmem:s1+$0x50] =	vst v3;
	v4 =	vsel vm0, $0x3F800000, v0;
	vm0 =	veq.f32 v5, v1;
	v3 =	vld [tilespmem:s0+$0x440]  }
0x2d2: {  	[tilespmem:s1+$0x60] =	vst v4;
	v5 =	vsel vm0, $0x3F800000, v0;
	vm0 =	veq.f32 v6, v1;
	v4 =	vld [tilespmem:s0+$0x450]  }
0x2d3: {  	[tilespmem:s1+$0x70] =	vst v5;
	v9 =	vsel vm0, $0x3F800000, v0;
	vm0 =	veq.f32 v7, v1;
	v5 =	vld [tilespmem:s0+$0x460]  }
0x2d4: {  	s3 =	simm.s32 $0x0;
	s4 =	sadd.s32 $0x1000, s0;
	s2 =	smov.u32 s1;
	v6 =	vld [tilespmem:s0+$0xFFFFF800];
	[tilespmem:s1+$0x400] =	vst v9;
	v7 =	vsel vm0, $0x3F800000, v0;
	vm0 =	veq.f32 v8, v1  }
.LBB2_29:
0x2d5: {  	v8 =	vld [tilespmem:s4+$0x470];
	s3 =	sadd.s32 $0x4, s3;
	[tilespmem:s2+$0x410] =	vst v7;
	v7 =	vsel vm0, $0x3F800000, v0;
	vm0 =	veq.f32 v2, v1  }
0x2d6: {  	v2 =	vld [tilespmem:s4+$0xFFFFF810];
	p0 =	slt.u32 s3, $0x1C;
	[tilespmem:s2+$0x420] =	vst v7;
	v7 =	vsel vm0, $0x3F800000, v0;
	vm0 =	veq.f32 v3, v1  }
0x2d7: {  	v3 =	vld [tilespmem:s4+$0xFFFFF820];
	[tilespmem:s2+$0x430] =	vst v7;
	v7 =	vsel vm0, $0x3F800000, v0;
	vm0 =	veq.f32 v4, v1  }
0x2d8: {  	v4 =	vld [tilespmem:s4+$0xFFFFF830];
	[tilespmem:s2+$0x440] =	vst v7;
	v7 =	vsel vm0, $0x3F800000, v0;
	vm0 =	veq.f32 v5, v1  }
0x2d9: {  	v5 =	vld [tilespmem:s4+$0xFFFFF840];
	vm1 =	veq.f32 v6, v1;
	[tilespmem:s2+$0x450] =	vst v7;
	v6 =	vsel vm0, $0x3F800000, v0  }
0x2da: {  	v7 =	vld [tilespmem:s4+$0xFFFFF850];
	vm0 =	veq.f32 v8, v1;
	v8 =	vsel vm1, $0x3F800000, v0;
	[tilespmem:s2+$0x460] =	vst v6  }
0x2db: {  	vm1 =	veq.f32 v2, v1;
	v2 =	vld [tilespmem:s4+$0xFFFFF860];
	v6 =	vsel vm0, $0x3F800000, v0;
	[tilespmem:s2+$0xFFFFF800] =	vst v8;
	s2 =	sadd.s32 $0x1000, s2  }
0x2dc: {  	v8 =	vsel vm1, $0x3F800000, v0;
	vm0 =	veq.f32 v3, v1;
	v3 =	vld [tilespmem:s4+$0xFFFFF870];
	[tilespmem:s2+$0x470] =	vst v6  }
0x2dd: {  	[tilespmem:s2+$0xFFFFF810] =	vst v8;
	v6 =	vsel vm0, $0x3F800000, v0;
	vm0 =	veq.f32 v4, v1;
	v4 =	vld [tilespmem:s4+$0xFFFFFC00]  }
0x2de: {  	[tilespmem:s2+$0xFFFFF820] =	vst v6;
	v6 =	vsel vm0, $0x3F800000, v0;
	vm0 =	veq.f32 v5, v1;
	v5 =	vld [tilespmem:s4+$0xFFFFFC10]  }
0x2df: {  	[tilespmem:s2+$0xFFFFF830] =	vst v6;
	v6 =	vsel vm0, $0x3F800000, v0;
	vm0 =	veq.f32 v7, v1;
	v7 =	vld [tilespmem:s4+$0xFFFFFC20]  }
0x2e0: {  	[tilespmem:s2+$0xFFFFF840] =	vst v6;
	v6 =	vsel vm0, $0x3F800000, v0;
	vm0 =	veq.f32 v2, v1;
	v2 =	vld [tilespmem:s4+$0xFFFFFC30]  }
0x2e1: {  	[tilespmem:s2+$0xFFFFF850] =	vst v6;
	v6 =	vsel vm0, $0x3F800000, v0;
	vm0 =	veq.f32 v3, v1;
	v3 =	vld [tilespmem:s4+$0xFFFFFC40]  }
0x2e2: {  	[tilespmem:s2+$0xFFFFF860] =	vst v6;
	v6 =	vsel vm0, $0x3F800000, v0;
	vm0 =	veq.f32 v4, v1;
	v4 =	vld [tilespmem:s4+$0xFFFFFC50]  }
0x2e3: {  	[tilespmem:s2+$0xFFFFF870] =	vst v6;
	v6 =	vsel vm0, $0x3F800000, v0;
	vm0 =	veq.f32 v5, v1;
	v5 =	vld [tilespmem:s4+$0xFFFFFC60]  }
0x2e4: {  	[tilespmem:s2+$0xFFFFFC00] =	vst v6;
	v6 =	vsel vm0, $0x3F800000, v0;
	vm0 =	veq.f32 v7, v1;
	v7 =	vld [tilespmem:s4+$0xFFFFFC70]  }
0x2e5: {  	[tilespmem:s2+$0xFFFFFC10] =	vst v6;
	v6 =	vsel vm0, $0x3F800000, v0;
	vm0 =	veq.f32 v2, v1;
	v2 =	vld [tilespmem:s4+$0x0]  }
0x2e6: {  	[tilespmem:s2+$0xFFFFFC20] =	vst v6;
	v6 =	vsel vm0, $0x3F800000, v0;
	vm0 =	veq.f32 v3, v1;
	v3 =	vld [tilespmem:s4+$0x10]  }
0x2e7: {  	[tilespmem:s2+$0xFFFFFC30] =	vst v6;
	v6 =	vsel vm0, $0x3F800000, v0;
	vm0 =	veq.f32 v4, v1;
	v4 =	vld [tilespmem:s4+$0x20]  }
0x2e8: {  	[tilespmem:s2+$0xFFFFFC40] =	vst v6;
	v6 =	vsel vm0, $0x3F800000, v0;
	vm0 =	veq.f32 v5, v1;
	v5 =	vld [tilespmem:s4+$0x30]  }
0x2e9: {  	[tilespmem:s2+$0xFFFFFC50] =	vst v6;
	v6 =	vsel vm0, $0x3F800000, v0;
	vm0 =	veq.f32 v7, v1;
	v7 =	vld [tilespmem:s4+$0x40]  }
0x2ea: {  	[tilespmem:s2+$0xFFFFFC60] =	vst v6;
	v6 =	vsel vm0, $0x3F800000, v0;
	vm0 =	veq.f32 v2, v1;
	v2 =	vld [tilespmem:s4+$0x50]  }
0x2eb: {  	[tilespmem:s2+$0xFFFFFC70] =	vst v6;
	v6 =	vsel vm0, $0x3F800000, v0;
	vm0 =	veq.f32 v3, v1;
	v3 =	vld [tilespmem:s4+$0x60]  }
0x2ec: {  	[tilespmem:s2+$0x0] =	vst v6;
	v6 =	vsel vm0, $0x3F800000, v0;
	vm0 =	veq.f32 v4, v1;
	v4 =	vld [tilespmem:s4+$0x70]  }
0x2ed: {  	[tilespmem:s2+$0x10] =	vst v6;
	v6 =	vsel vm0, $0x3F800000, v0;
	vm0 =	veq.f32 v5, v1;
	v5 =	vld [tilespmem:s4+$0x400]  }
0x2ee: {  	[tilespmem:s2+$0x20] =	vst v6;
	v6 =	vsel vm0, $0x3F800000, v0;
	vm0 =	veq.f32 v7, v1;
	v7 =	vld [tilespmem:s4+$0x410]  }
0x2ef: {  	[tilespmem:s2+$0x30] =	vst v6;
	v6 =	vsel vm0, $0x3F800000, v0;
	vm0 =	veq.f32 v2, v1;
	v8 =	vld [tilespmem:s4+$0x420]  }
.Ltmp13:
0x2f0: {  	[tilespmem:s2+$0x40] =	vst v6;
	v6 =	vsel vm0, $0x3F800000, v0;
	vm0 =	veq.f32 v3, v1;
	v2 =	vld [tilespmem:s4+$0x430];
	(pc) =	sbr.rel @p0 .LBB2_29-.Ltmp13, $4  }
0x2f1: {  	[tilespmem:s2+$0x50] =	vst v6;
	v6 =	vsel vm0, $0x3F800000, v0;
	vm0 =	veq.f32 v4, v1;
	v3 =	vld [tilespmem:s4+$0x440]  }
0x2f2: {  	[tilespmem:s2+$0x60] =	vst v6;
	v6 =	vsel vm0, $0x3F800000, v0;
	vm0 =	veq.f32 v5, v1;
	v4 =	vld [tilespmem:s4+$0x450]  }
0x2f3: {  	[tilespmem:s2+$0x70] =	vst v6;
	v9 =	vsel vm0, $0x3F800000, v0;
	vm0 =	veq.f32 v7, v1;
	v5 =	vld [tilespmem:s4+$0x460]  }
0x2f4: {  	v6 =	vld [tilespmem:s4+$0xFFFFF800];
	[tilespmem:s2+$0x400] =	vst v9;
	v7 =	vsel vm0, $0x3F800000, v0;
	vm0 =	veq.f32 v8, v1;
	s4 =	sadd.s32 $0x1000, s4  }
0x2f5: {  	[tilespmem:s2+$0x410] =	vst v7;
	v62 =	vsel vm0, $0x3F800000, v0;
	vm12 =	veq.f32 v2, v1;
	s31 =	sadd.s32 $0x1, s31  }
0x2f6: {  	[tilespmem:s2+$0x420] =	vst v62;
	v2 =	vsel vm12, $0x3F800000, v0;
	vm13 =	veq.f32 v3, v1;
	p0 =	sne.s32 s31, $0x8  }
.Ltmp14:
0x2f7: {  	[tilespmem:s2+$0x430] =	vst v2;
	v2 =	vsel vm13, $0x3F800000, v0;
	vm14 =	veq.f32 v4, v1;
	(pc) =	sbr.rel @p0 .LBB2_26-.Ltmp14, $4  }
0x2f8: {  	[tilespmem:s2+$0x440] =	vst v2;
	v2 =	vsel vm14, $0x3F800000, v0;
	vm15 =	veq.f32 v5, v1  }
0x2f9: {  	vm1 =	veq.f32 v6, v1;
	[tilespmem:s2+$0x450] =	vst v2;
	v1 =	vsel vm15, $0x3F800000, v0  }
0x2fa: {  	v2 =	vsel vm1, $0x3F800000, v0;
	[tilespmem:s2+$0x460] =	vst v1  }
0x2fb: {  	s0 =	sadd.s32 $0x80, s0;
	s1 =	sadd.s32 $0x80, s1;
	[tilespmem:s2+$0xFFFFF800] =	vst v2  }
0x2fc: {  	[hbm4b:s13+s20] =	stream.strided.scatter [tilespmem:s24], [sflag:$0x3], $0x8000, s21, s20, $0x38;
	v63 =	vld [tilespmem:$0x0]  }
0x2fd: {  	s31 =	simm.s32 $0x0  }
0x2fe: {  	[tilespmem:s31], [sflag:$0x1] =	stream.strided.gather [hbm4b:s14+s20], $0x8000, s21, s20, $0x38;
	v63 =	vld [tilespmem:$0x0]  }
0x2ff: {  	_ =	swait.ge [sflag:s25], $0x8000  }
0x300: {  	[sflag:s25] =	ssyncset.done $0x0  }
0x301: {  	[sflag:s25] =	ssyncadd.s32 $0xFFFF8000  }
0x302: {  	_ =	swait.ge [sflag:s29], $0x8000  }
0x303: {  	[sflag:s29] =	ssyncset.done $0x0  }
0x304: {  	s0 =	simm.s32 $0x8800;
	s1 =	simm.s32 $0x18800;
	[sflag:s29] =	ssyncadd.s32 $0xFFFF8000  }
.LBB2_32:
0x305: {  	v1 =	vld [tilespmem:s0+$0xFFFFF800]  }
0x306: {  	v2 =	vld [tilespmem:s0+$0xFFFFF810]  }
0x307: {  	v3 =	vld [tilespmem:s0+$0xFFFFF820]  }
0x308: {  	v4 =	vld [tilespmem:s0+$0xFFFFF830]  }
0x309: {  	v5 =	vimm.f32 $-Inf;
	v6 =	vld [tilespmem:s0+$0xFFFFF840]  }
0x30a: {  	v1 =	vmax.f32 v5, v1;
	v5 =	vld [tilespmem:s0+$0xFFFFF850]  }
0x30b: {  	v1 =	vmax.f32 v1, v2;
	v2 =	vld [tilespmem:s0+$0xFFFFF860]  }
0x30c: {  	v1 =	vmax.f32 v1, v3;
	v3 =	vld [tilespmem:s0+$0xFFFFF870]  }
0x30d: {  	v1 =	vmax.f32 v1, v4;
	v4 =	vld [tilespmem:s0+$0xFFFFFC00]  }
0x30e: {  	v1 =	vmax.f32 v1, v6;
	v6 =	vld [tilespmem:s0+$0xFFFFFC10]  }
0x30f: {  	v1 =	vmax.f32 v1, v5;
	v5 =	vld [tilespmem:s0+$0xFFFFFC20]  }
0x310: {  	v1 =	vmax.f32 v1, v2;
	v2 =	vld [tilespmem:s0+$0xFFFFFC30]  }
0x311: {  	v1 =	vmax.f32 v1, v3;
	v3 =	vld [tilespmem:s0+$0xFFFFFC40]  }
0x312: {  	v1 =	vmax.f32 v1, v4;
	v4 =	vld [tilespmem:s0+$0xFFFFFC50]  }
0x313: {  	v1 =	vmax.f32 v1, v6;
	v6 =	vld [tilespmem:s0+$0xFFFFFC60]  }
0x314: {  	v1 =	vmax.f32 v1, v5;
	v5 =	vld [tilespmem:s0+$0xFFFFFC70]  }
0x315: {  	v1 =	vmax.f32 v1, v2;
	v2 =	vld [tilespmem:s0+$0x0]  }
0x316: {  	v1 =	vmax.f32 v1, v3;
	v3 =	vld [tilespmem:s0+$0x10]  }
0x317: {  	v1 =	vmax.f32 v1, v4;
	v4 =	vld [tilespmem:s0+$0x20]  }
0x318: {  	v1 =	vmax.f32 v1, v6;
	v6 =	vld [tilespmem:s0+$0x30]  }
0x319: {  	v1 =	vmax.f32 v1, v5;
	v5 =	vld [tilespmem:s0+$0x40]  }
0x31a: {  	v1 =	vmax.f32 v1, v2;
	v2 =	vld [tilespmem:s0+$0x50]  }
0x31b: {  	v1 =	vmax.f32 v1, v3;
	v3 =	vld [tilespmem:s0+$0x60]  }
0x31c: {  	v1 =	vmax.f32 v1, v4;
	v4 =	vld [tilespmem:s0+$0x70]  }
0x31d: {  	v1 =	vmax.f32 v1, v6;
	v6 =	vld [tilespmem:s0+$0x400]  }
0x31e: {  	v1 =	vmax.f32 v1, v5;
	v5 =	vld [tilespmem:s0+$0x410]  }
0x31f: {  	v7 =	vld [tilespmem:s0+$0x420];
	v1 =	vmax.f32 v1, v2  }
0x320: {  	v2 =	vmax.f32 v1, v3;
	v1 =	vld [tilespmem:s0+$0x430]  }
0x321: {  	v3 =	vmax.f32 v2, v4;
	v2 =	vld [tilespmem:s0+$0x440]  }
0x322: {  	v4 =	vmax.f32 v3, v6;
	v3 =	vld [tilespmem:s0+$0x450]  }
0x323: {  	v5 =	vmax.f32 v4, v5;
	v4 =	vld [tilespmem:s0+$0x460]  }
0x324: {  	s2 =	simm.s32 $0x0;
	s3 =	sadd.s32 $0x1000, s0;
	v6 =	vmax.f32 v5, v7;
	v5 =	vld [tilespmem:s0+$0x470]  }
.LBB2_33:
0x325: {  	v7 =	vld [tilespmem:s3+$0xFFFFF800];
	s2 =	sadd.s32 $0x4, s2;
	v1 =	vmax.f32 v6, v1  }
0x326: {  	v6 =	vld [tilespmem:s3+$0xFFFFF810];
	p0 =	slt.u32 s2, $0x1C;
	v1 =	vmax.f32 v1, v2  }
0x327: {  	v2 =	vld [tilespmem:s3+$0xFFFFF820];
	v1 =	vmax.f32 v1, v3  }
0x328: {  	v3 =	vld [tilespmem:s3+$0xFFFFF830];
	v1 =	vmax.f32 v1, v4  }
0x329: {  	v4 =	vld [tilespmem:s3+$0xFFFFF840];
	v1 =	vmax.f32 v1, v5  }
0x32a: {  	v1 =	vmax.f32 v1, v7;
	v5 =	vld [tilespmem:s3+$0xFFFFF850]  }
0x32b: {  	v1 =	vmax.f32 v1, v6;
	v6 =	vld [tilespmem:s3+$0xFFFFF860]  }
0x32c: {  	v1 =	vmax.f32 v1, v2;
	v2 =	vld [tilespmem:s3+$0xFFFFF870]  }
0x32d: {  	v1 =	vmax.f32 v1, v3;
	v3 =	vld [tilespmem:s3+$0xFFFFFC00]  }
0x32e: {  	v1 =	vmax.f32 v1, v4;
	v4 =	vld [tilespmem:s3+$0xFFFFFC10]  }
0x32f: {  	v1 =	vmax.f32 v1, v5;
	v5 =	vld [tilespmem:s3+$0xFFFFFC20]  }
0x330: {  	v1 =	vmax.f32 v1, v6;
	v6 =	vld [tilespmem:s3+$0xFFFFFC30]  }
0x331: {  	v1 =	vmax.f32 v1, v2;
	v2 =	vld [tilespmem:s3+$0xFFFFFC40]  }
0x332: {  	v1 =	vmax.f32 v1, v3;
	v3 =	vld [tilespmem:s3+$0xFFFFFC50]  }
0x333: {  	v1 =	vmax.f32 v1, v4;
	v4 =	vld [tilespmem:s3+$0xFFFFFC60]  }
0x334: {  	v1 =	vmax.f32 v1, v5;
	v5 =	vld [tilespmem:s3+$0xFFFFFC70]  }
0x335: {  	v1 =	vmax.f32 v1, v6;
	v6 =	vld [tilespmem:s3+$0x0]  }
0x336: {  	v1 =	vmax.f32 v1, v2;
	v2 =	vld [tilespmem:s3+$0x10]  }
0x337: {  	v1 =	vmax.f32 v1, v3;
	v3 =	vld [tilespmem:s3+$0x20]  }
0x338: {  	v1 =	vmax.f32 v1, v4;
	v4 =	vld [tilespmem:s3+$0x30]  }
0x339: {  	v1 =	vmax.f32 v1, v5;
	v5 =	vld [tilespmem:s3+$0x40]  }
0x33a: {  	v1 =	vmax.f32 v1, v6;
	v6 =	vld [tilespmem:s3+$0x50]  }
0x33b: {  	v1 =	vmax.f32 v1, v2;
	v2 =	vld [tilespmem:s3+$0x60]  }
0x33c: {  	v1 =	vmax.f32 v1, v3;
	v3 =	vld [tilespmem:s3+$0x70]  }
0x33d: {  	v1 =	vmax.f32 v1, v4;
	v4 =	vld [tilespmem:s3+$0x400]  }
0x33e: {  	v1 =	vmax.f32 v1, v5;
	v5 =	vld [tilespmem:s3+$0x410]  }
0x33f: {  	v1 =	vmax.f32 v1, v6;
	v6 =	vld [tilespmem:s3+$0x420]  }
.Ltmp15:
0x340: {  	v2 =	vmax.f32 v1, v2;
	v1 =	vld [tilespmem:s3+$0x430];
	(pc) =	sbr.rel @p0 .LBB2_33-.Ltmp15, $4  }
0x341: {  	v3 =	vmax.f32 v2, v3;
	v2 =	vld [tilespmem:s3+$0x440]  }
0x342: {  	v4 =	vmax.f32 v3, v4;
	v3 =	vld [tilespmem:s3+$0x450]  }
0x343: {  	v5 =	vmax.f32 v4, v5;
	v4 =	vld [tilespmem:s3+$0x460]  }
0x344: {  	v6 =	vmax.f32 v5, v6;
	v5 =	vld [tilespmem:s3+$0x470];
	s3 =	sadd.s32 $0x1000, s3  }
0x345: {  	v1 =	vmax.f32 v6, v1  }
0x346: {  	v1 =	vmax.f32 v1, v2  }
0x347: {  	v1 =	vmax.f32 v1, v3  }
0x348: {  	v1 =	vmax.f32 v1, v4  }
0x349: {  	v1 =	vmax.f32 v1, v5  }
0x34a: {  	(xrf0) =	vmax.scan.msk.f32 $0xffff, v1;
	_ =	sdelay $0x3  }
0x34b: {  	v2 =	vld [tilespmem:s0+$0x470]  }
0x34c: {  	v3 =	vld [tilespmem:s0+$0xFFFFF810]  }
0x34d: {  	v4 =	vld [tilespmem:s0+$0xFFFFF820];
	v1, _, _ =	vpop (xrf0)  }
0x34e: {  	v5 =	vld [tilespmem:s0+$0xFFFFF830];
	v1 =	vbroadcast v1, $0xF  }
0x34f: {  	v6 =	vld [tilespmem:s0+$0xFFFFF840]  }
0x350: {  	v7 =	vld [tilespmem:s0+$0xFFFFF850];
	vm0 =	veq.f32 v2, v1  }
0x351: {  	vm1 =	veq.f32 v3, v1;
	v2 =	vld [tilespmem:s0+$0xFFFFF860];
	v3 =	vsel vm0, $0x3F800000, v0  }
0x352: {  	v8 =	vsel vm1, $0x3F800000, v0;
	vm0 =	veq.f32 v4, v1;
	v4 =	vld [tilespmem:s0+$0xFFFFF870];
	[tilespmem:s1+$0x470] =	vst v3  }
0x353: {  	[tilespmem:s1+$0xFFFFF810] =	vst v8;
	v3 =	vsel vm0, $0x3F800000, v0;
	vm0 =	veq.f32 v5, v1;
	v5 =	vld [tilespmem:s0+$0xFFFFFC00]  }
0x354: {  	[tilespmem:s1+$0xFFFFF820] =	vst v3;
	v3 =	vsel vm0, $0x3F800000, v0;
	vm0 =	veq.f32 v6, v1;
	v6 =	vld [tilespmem:s0+$0xFFFFFC10]  }
0x355: {  	[tilespmem:s1+$0xFFFFF830] =	vst v3;
	v3 =	vsel vm0, $0x3F800000, v0;
	vm0 =	veq.f32 v7, v1;
	v7 =	vld [tilespmem:s0+$0xFFFFFC20]  }
0x356: {  	[tilespmem:s1+$0xFFFFF840] =	vst v3;
	v3 =	vsel vm0, $0x3F800000, v0;
	vm0 =	veq.f32 v2, v1;
	v2 =	vld [tilespmem:s0+$0xFFFFFC30]  }
0x357: {  	[tilespmem:s1+$0xFFFFF850] =	vst v3;
	v3 =	vsel vm0, $0x3F800000, v0;
	vm0 =	veq.f32 v4, v1;
	v4 =	vld [tilespmem:s0+$0xFFFFFC40]  }
0x358: {  	[tilespmem:s1+$0xFFFFF860] =	vst v3;
	v3 =	vsel vm0, $0x3F800000, v0;
	vm0 =	veq.f32 v5, v1;
	v5 =	vld [tilespmem:s0+$0xFFFFFC50]  }
0x359: {  	[tilespmem:s1+$0xFFFFF870] =	vst v3;
	v3 =	vsel vm0, $0x3F800000, v0;
	vm0 =	veq.f32 v6, v1;
	v6 =	vld [tilespmem:s0+$0xFFFFFC60]  }
0x35a: {  	[tilespmem:s1+$0xFFFFFC00] =	vst v3;
	v3 =	vsel vm0, $0x3F800000, v0;
	vm0 =	veq.f32 v7, v1;
	v7 =	vld [tilespmem:s0+$0xFFFFFC70]  }
0x35b: {  	[tilespmem:s1+$0xFFFFFC10] =	vst v3;
	v3 =	vsel vm0, $0x3F800000, v0;
	vm0 =	veq.f32 v2, v1;
	v2 =	vld [tilespmem:s0+$0x0]  }
0x35c: {  	[tilespmem:s1+$0xFFFFFC20] =	vst v3;
	v3 =	vsel vm0, $0x3F800000, v0;
	vm0 =	veq.f32 v4, v1;
	v4 =	vld [tilespmem:s0+$0x10]  }
0x35d: {  	[tilespmem:s1+$0xFFFFFC30] =	vst v3;
	v3 =	vsel vm0, $0x3F800000, v0;
	vm0 =	veq.f32 v5, v1;
	v5 =	vld [tilespmem:s0+$0x20]  }
0x35e: {  	[tilespmem:s1+$0xFFFFFC40] =	vst v3;
	v3 =	vsel vm0, $0x3F800000, v0;
	vm0 =	veq.f32 v6, v1;
	v6 =	vld [tilespmem:s0+$0x30]  }
0x35f: {  	[tilespmem:s1+$0xFFFFFC50] =	vst v3;
	v3 =	vsel vm0, $0x3F800000, v0;
	vm0 =	veq.f32 v7, v1;
	v7 =	vld [tilespmem:s0+$0x40]  }
0x360: {  	[tilespmem:s1+$0xFFFFFC60] =	vst v3;
	v3 =	vsel vm0, $0x3F800000, v0;
	vm0 =	veq.f32 v2, v1;
	v2 =	vld [tilespmem:s0+$0x50]  }
0x361: {  	[tilespmem:s1+$0xFFFFFC70] =	vst v3;
	v3 =	vsel vm0, $0x3F800000, v0;
	vm0 =	veq.f32 v4, v1;
	v4 =	vld [tilespmem:s0+$0x60]  }
0x362: {  	[tilespmem:s1+$0x0] =	vst v3;
	v3 =	vsel vm0, $0x3F800000, v0;
	vm0 =	veq.f32 v5, v1;
	v5 =	vld [tilespmem:s0+$0x70]  }
0x363: {  	[tilespmem:s1+$0x10] =	vst v3;
	v3 =	vsel vm0, $0x3F800000, v0;
	vm0 =	veq.f32 v6, v1;
	v6 =	vld [tilespmem:s0+$0x400]  }
0x364: {  	[tilespmem:s1+$0x20] =	vst v3;
	v3 =	vsel vm0, $0x3F800000, v0;
	vm0 =	veq.f32 v7, v1;
	v7 =	vld [tilespmem:s0+$0x410]  }
0x365: {  	v8 =	vld [tilespmem:s0+$0x420];
	[tilespmem:s1+$0x30] =	vst v3;
	v3 =	vsel vm0, $0x3F800000, v0;
	vm0 =	veq.f32 v2, v1  }
0x366: {  	v2 =	vld [tilespmem:s0+$0x430];
	[tilespmem:s1+$0x40] =	vst v3;
	v3 =	vsel vm0, $0x3F800000, v0;
	vm0 =	veq.f32 v4, v1  }
0x367: {  	[tilespmem:s1+$0x50] =	vst v3;
	v4 =	vsel vm0, $0x3F800000, v0;
	vm0 =	veq.f32 v5, v1;
	v3 =	vld [tilespmem:s0+$0x440]  }
0x368: {  	[tilespmem:s1+$0x60] =	vst v4;
	v5 =	vsel vm0, $0x3F800000, v0;
	vm0 =	veq.f32 v6, v1;
	v4 =	vld [tilespmem:s0+$0x450]  }
0x369: {  	[tilespmem:s1+$0x70] =	vst v5;
	v9 =	vsel vm0, $0x3F800000, v0;
	vm0 =	veq.f32 v7, v1;
	v5 =	vld [tilespmem:s0+$0x460]  }
0x36a: {  	s3 =	simm.s32 $0x0;
	s4 =	sadd.s32 $0x1000, s0;
	s2 =	smov.u32 s1;
	v6 =	vld [tilespmem:s0+$0xFFFFF800];
	[tilespmem:s1+$0x400] =	vst v9;
	v7 =	vsel vm0, $0x3F800000, v0;
	vm0 =	veq.f32 v8, v1  }
.LBB2_35:
0x36b: {  	v8 =	vld [tilespmem:s4+$0x470];
	s3 =	sadd.s32 $0x4, s3;
	[tilespmem:s2+$0x410] =	vst v7;
	v7 =	vsel vm0, $0x3F800000, v0;
	vm0 =	veq.f32 v2, v1  }
0x36c: {  	v2 =	vld [tilespmem:s4+$0xFFFFF810];
	p0 =	slt.u32 s3, $0x1C;
	[tilespmem:s2+$0x420] =	vst v7;
	v7 =	vsel vm0, $0x3F800000, v0;
	vm0 =	veq.f32 v3, v1  }
0x36d: {  	v3 =	vld [tilespmem:s4+$0xFFFFF820];
	[tilespmem:s2+$0x430] =	vst v7;
	v7 =	vsel vm0, $0x3F800000, v0;
	vm0 =	veq.f32 v4, v1  }
0x36e: {  	v4 =	vld [tilespmem:s4+$0xFFFFF830];
	[tilespmem:s2+$0x440] =	vst v7;
	v7 =	vsel vm0, $0x3F800000, v0;
	vm0 =	veq.f32 v5, v1  }
0x36f: {  	v5 =	vld [tilespmem:s4+$0xFFFFF840];
	vm1 =	veq.f32 v6, v1;
	[tilespmem:s2+$0x450] =	vst v7;
	v6 =	vsel vm0, $0x3F800000, v0  }
0x370: {  	v7 =	vld [tilespmem:s4+$0xFFFFF850];
	vm0 =	veq.f32 v8, v1;
	v8 =	vsel vm1, $0x3F800000, v0;
	[tilespmem:s2+$0x460] =	vst v6  }
0x371: {  	vm1 =	veq.f32 v2, v1;
	v2 =	vld [tilespmem:s4+$0xFFFFF860];
	v6 =	vsel vm0, $0x3F800000, v0;
	[tilespmem:s2+$0xFFFFF800] =	vst v8;
	s2 =	sadd.s32 $0x1000, s2  }
0x372: {  	v8 =	vsel vm1, $0x3F800000, v0;
	vm0 =	veq.f32 v3, v1;
	v3 =	vld [tilespmem:s4+$0xFFFFF870];
	[tilespmem:s2+$0x470] =	vst v6  }
0x373: {  	[tilespmem:s2+$0xFFFFF810] =	vst v8;
	v6 =	vsel vm0, $0x3F800000, v0;
	vm0 =	veq.f32 v4, v1;
	v4 =	vld [tilespmem:s4+$0xFFFFFC00]  }
0x374: {  	[tilespmem:s2+$0xFFFFF820] =	vst v6;
	v6 =	vsel vm0, $0x3F800000, v0;
	vm0 =	veq.f32 v5, v1;
	v5 =	vld [tilespmem:s4+$0xFFFFFC10]  }
0x375: {  	[tilespmem:s2+$0xFFFFF830] =	vst v6;
	v6 =	vsel vm0, $0x3F800000, v0;
	vm0 =	veq.f32 v7, v1;
	v7 =	vld [tilespmem:s4+$0xFFFFFC20]  }
0x376: {  	[tilespmem:s2+$0xFFFFF840] =	vst v6;
	v6 =	vsel vm0, $0x3F800000, v0;
	vm0 =	veq.f32 v2, v1;
	v2 =	vld [tilespmem:s4+$0xFFFFFC30]  }
0x377: {  	[tilespmem:s2+$0xFFFFF850] =	vst v6;
	v6 =	vsel vm0, $0x3F800000, v0;
	vm0 =	veq.f32 v3, v1;
	v3 =	vld [tilespmem:s4+$0xFFFFFC40]  }
0x378: {  	[tilespmem:s2+$0xFFFFF860] =	vst v6;
	v6 =	vsel vm0, $0x3F800000, v0;
	vm0 =	veq.f32 v4, v1;
	v4 =	vld [tilespmem:s4+$0xFFFFFC50]  }
0x379: {  	[tilespmem:s2+$0xFFFFF870] =	vst v6;
	v6 =	vsel vm0, $0x3F800000, v0;
	vm0 =	veq.f32 v5, v1;
	v5 =	vld [tilespmem:s4+$0xFFFFFC60]  }
0x37a: {  	[tilespmem:s2+$0xFFFFFC00] =	vst v6;
	v6 =	vsel vm0, $0x3F800000, v0;
	vm0 =	veq.f32 v7, v1;
	v7 =	vld [tilespmem:s4+$0xFFFFFC70]  }
0x37b: {  	[tilespmem:s2+$0xFFFFFC10] =	vst v6;
	v6 =	vsel vm0, $0x3F800000, v0;
	vm0 =	veq.f32 v2, v1;
	v2 =	vld [tilespmem:s4+$0x0]  }
0x37c: {  	[tilespmem:s2+$0xFFFFFC20] =	vst v6;
	v6 =	vsel vm0, $0x3F800000, v0;
	vm0 =	veq.f32 v3, v1;
	v3 =	vld [tilespmem:s4+$0x10]  }
0x37d: {  	[tilespmem:s2+$0xFFFFFC30] =	vst v6;
	v6 =	vsel vm0, $0x3F800000, v0;
	vm0 =	veq.f32 v4, v1;
	v4 =	vld [tilespmem:s4+$0x20]  }
0x37e: {  	[tilespmem:s2+$0xFFFFFC40] =	vst v6;
	v6 =	vsel vm0, $0x3F800000, v0;
	vm0 =	veq.f32 v5, v1;
	v5 =	vld [tilespmem:s4+$0x30]  }
0x37f: {  	[tilespmem:s2+$0xFFFFFC50] =	vst v6;
	v6 =	vsel vm0, $0x3F800000, v0;
	vm0 =	veq.f32 v7, v1;
	v7 =	vld [tilespmem:s4+$0x40]  }
0x380: {  	[tilespmem:s2+$0xFFFFFC60] =	vst v6;
	v6 =	vsel vm0, $0x3F800000, v0;
	vm0 =	veq.f32 v2, v1;
	v2 =	vld [tilespmem:s4+$0x50]  }
0x381: {  	[tilespmem:s2+$0xFFFFFC70] =	vst v6;
	v6 =	vsel vm0, $0x3F800000, v0;
	vm0 =	veq.f32 v3, v1;
	v3 =	vld [tilespmem:s4+$0x60]  }
0x382: {  	[tilespmem:s2+$0x0] =	vst v6;
	v6 =	vsel vm0, $0x3F800000, v0;
	vm0 =	veq.f32 v4, v1;
	v4 =	vld [tilespmem:s4+$0x70]  }
0x383: {  	[tilespmem:s2+$0x10] =	vst v6;
	v6 =	vsel vm0, $0x3F800000, v0;
	vm0 =	veq.f32 v5, v1;
	v5 =	vld [tilespmem:s4+$0x400]  }
0x384: {  	[tilespmem:s2+$0x20] =	vst v6;
	v6 =	vsel vm0, $0x3F800000, v0;
	vm0 =	veq.f32 v7, v1;
	v7 =	vld [tilespmem:s4+$0x410]  }
0x385: {  	[tilespmem:s2+$0x30] =	vst v6;
	v6 =	vsel vm0, $0x3F800000, v0;
	vm0 =	veq.f32 v2, v1;
	v8 =	vld [tilespmem:s4+$0x420]  }
.Ltmp16:
0x386: {  	[tilespmem:s2+$0x40] =	vst v6;
	v6 =	vsel vm0, $0x3F800000, v0;
	vm0 =	veq.f32 v3, v1;
	v2 =	vld [tilespmem:s4+$0x430];
	(pc) =	sbr.rel @p0 .LBB2_35-.Ltmp16, $4  }
0x387: {  	[tilespmem:s2+$0x50] =	vst v6;
	v6 =	vsel vm0, $0x3F800000, v0;
	vm0 =	veq.f32 v4, v1;
	v3 =	vld [tilespmem:s4+$0x440]  }
0x388: {  	[tilespmem:s2+$0x60] =	vst v6;
	v6 =	vsel vm0, $0x3F800000, v0;
	vm0 =	veq.f32 v5, v1;
	v4 =	vld [tilespmem:s4+$0x450]  }
0x389: {  	[tilespmem:s2+$0x70] =	vst v6;
	v9 =	vsel vm0, $0x3F800000, v0;
	vm0 =	veq.f32 v7, v1;
	v5 =	vld [tilespmem:s4+$0x460]  }
0x38a: {  	v6 =	vld [tilespmem:s4+$0xFFFFF800];
	[tilespmem:s2+$0x400] =	vst v9;
	v7 =	vsel vm0, $0x3F800000, v0;
	vm0 =	veq.f32 v8, v1;
	s4 =	sadd.s32 $0x1000, s4  }
0x38b: {  	[tilespmem:s2+$0x410] =	vst v7;
	v62 =	vsel vm0, $0x3F800000, v0;
	vm12 =	veq.f32 v2, v1;
	s31 =	sadd.s32 $0x1, s31  }
0x38c: {  	[tilespmem:s2+$0x420] =	vst v62;
	v2 =	vsel vm12, $0x3F800000, v0;
	vm13 =	veq.f32 v3, v1;
	p0 =	sne.s32 s31, $0x8  }
.Ltmp17:
0x38d: {  	[tilespmem:s2+$0x430] =	vst v2;
	v2 =	vsel vm13, $0x3F800000, v0;
	vm14 =	veq.f32 v4, v1;
	(pc) =	sbr.rel @p0 .LBB2_32-.Ltmp17, $4  }
0x38e: {  	[tilespmem:s2+$0x440] =	vst v2;
	v2 =	vsel vm14, $0x3F800000, v0;
	vm15 =	veq.f32 v5, v1  }
0x38f: {  	vm1 =	veq.f32 v6, v1;
	[tilespmem:s2+$0x450] =	vst v2;
	v1 =	vsel vm15, $0x3F800000, v0  }
0x390: {  	v2 =	vsel vm1, $0x3F800000, v0;
	[tilespmem:s2+$0x460] =	vst v1  }
0x391: {  	s0 =	sadd.s32 $0x80, s0;
	s1 =	sadd.s32 $0x80, s1;
	[tilespmem:s2+$0xFFFFF800] =	vst v2  }
0x392: {  	[hbm4b:s15+s20] =	stream.strided.scatter [tilespmem:s26], [sflag:$0x4], $0x8000, s21, s20, $0x38;
	v63 =	vld [tilespmem:$0x0]  }
0x393: {  	_ = 	snop  }
0x394: {  	[tilespmem:s22], [sflag:$0x2] =	stream.strided.gather [hbm4b:s16+s20], $0x8000, s21, s20, $0x38;
	v63 =	vld [tilespmem:$0x0]  }
0x395: {  	_ =	swait.ge [sflag:s23], $0x8000  }
0x396: {  	[sflag:s23] =	ssyncset.done $0x0  }
0x397: {  	[sflag:s23] =	ssyncadd.s32 $0xFFFF8000  }
0x398: {  	_ =	swait.ge [sflag:s28], $0x8000  }
0x399: {  	s31 =	simm.s32 $0x0;
	[sflag:s28] =	ssyncset.done $0x0  }
0x39a: {  	s0 =	simm.s32 $0x800;
	s1 =	simm.s32 $0x10800;
	[sflag:s28] =	ssyncadd.s32 $0xFFFF8000  }
.LBB2_38:
0x39b: {  	v1 =	vld [tilespmem:s0+$0xFFFFF800]  }
0x39c: {  	v2 =	vld [tilespmem:s0+$0xFFFFF810]  }
0x39d: {  	v3 =	vld [tilespmem:s0+$0xFFFFF820]  }
0x39e: {  	v4 =	vld [tilespmem:s0+$0xFFFFF830]  }
0x39f: {  	v5 =	vimm.f32 $-Inf;
	v6 =	vld [tilespmem:s0+$0xFFFFF840]  }
0x3a0: {  	v1 =	vmax.f32 v5, v1;
	v5 =	vld [tilespmem:s0+$0xFFFFF850]  }
0x3a1: {  	v1 =	vmax.f32 v1, v2;
	v2 =	vld [tilespmem:s0+$0xFFFFF860]  }
0x3a2: {  	v1 =	vmax.f32 v1, v3;
	v3 =	vld [tilespmem:s0+$0xFFFFF870]  }
0x3a3: {  	v1 =	vmax.f32 v1, v4;
	v4 =	vld [tilespmem:s0+$0xFFFFFC00]  }
0x3a4: {  	v1 =	vmax.f32 v1, v6;
	v6 =	vld [tilespmem:s0+$0xFFFFFC10]  }
0x3a5: {  	v1 =	vmax.f32 v1, v5;
	v5 =	vld [tilespmem:s0+$0xFFFFFC20]  }
0x3a6: {  	v1 =	vmax.f32 v1, v2;
	v2 =	vld [tilespmem:s0+$0xFFFFFC30]  }
0x3a7: {  	v1 =	vmax.f32 v1, v3;
	v3 =	vld [tilespmem:s0+$0xFFFFFC40]  }
0x3a8: {  	v1 =	vmax.f32 v1, v4;
	v4 =	vld [tilespmem:s0+$0xFFFFFC50]  }
0x3a9: {  	v1 =	vmax.f32 v1, v6;
	v6 =	vld [tilespmem:s0+$0xFFFFFC60]  }
0x3aa: {  	v1 =	vmax.f32 v1, v5;
	v5 =	vld [tilespmem:s0+$0xFFFFFC70]  }
0x3ab: {  	v1 =	vmax.f32 v1, v2;
	v2 =	vld [tilespmem:s0+$0x0]  }
0x3ac: {  	v1 =	vmax.f32 v1, v3;
	v3 =	vld [tilespmem:s0+$0x10]  }
0x3ad: {  	v1 =	vmax.f32 v1, v4;
	v4 =	vld [tilespmem:s0+$0x20]  }
0x3ae: {  	v1 =	vmax.f32 v1, v6;
	v6 =	vld [tilespmem:s0+$0x30]  }
0x3af: {  	v1 =	vmax.f32 v1, v5;
	v5 =	vld [tilespmem:s0+$0x40]  }
0x3b0: {  	v1 =	vmax.f32 v1, v2;
	v2 =	vld [tilespmem:s0+$0x50]  }
0x3b1: {  	v1 =	vmax.f32 v1, v3;
	v3 =	vld [tilespmem:s0+$0x60]  }
0x3b2: {  	v1 =	vmax.f32 v1, v4;
	v4 =	vld [tilespmem:s0+$0x70]  }
0x3b3: {  	v1 =	vmax.f32 v1, v6;
	v6 =	vld [tilespmem:s0+$0x400]  }
0x3b4: {  	v1 =	vmax.f32 v1, v5;
	v5 =	vld [tilespmem:s0+$0x410]  }
0x3b5: {  	v7 =	vld [tilespmem:s0+$0x420];
	v1 =	vmax.f32 v1, v2  }
0x3b6: {  	v2 =	vmax.f32 v1, v3;
	v1 =	vld [tilespmem:s0+$0x430]  }
0x3b7: {  	v3 =	vmax.f32 v2, v4;
	v2 =	vld [tilespmem:s0+$0x440]  }
0x3b8: {  	v4 =	vmax.f32 v3, v6;
	v3 =	vld [tilespmem:s0+$0x450]  }
0x3b9: {  	v5 =	vmax.f32 v4, v5;
	v4 =	vld [tilespmem:s0+$0x460]  }
0x3ba: {  	s2 =	simm.s32 $0x0;
	s3 =	sadd.s32 $0x1000, s0;
	v6 =	vmax.f32 v5, v7;
	v5 =	vld [tilespmem:s0+$0x470]  }
.LBB2_39:
0x3bb: {  	v7 =	vld [tilespmem:s3+$0xFFFFF800];
	s2 =	sadd.s32 $0x4, s2;
	v1 =	vmax.f32 v6, v1  }
0x3bc: {  	v6 =	vld [tilespmem:s3+$0xFFFFF810];
	p0 =	slt.u32 s2, $0x1C;
	v1 =	vmax.f32 v1, v2  }
0x3bd: {  	v2 =	vld [tilespmem:s3+$0xFFFFF820];
	v1 =	vmax.f32 v1, v3  }
0x3be: {  	v3 =	vld [tilespmem:s3+$0xFFFFF830];
	v1 =	vmax.f32 v1, v4  }
0x3bf: {  	v4 =	vld [tilespmem:s3+$0xFFFFF840];
	v1 =	vmax.f32 v1, v5  }
0x3c0: {  	v1 =	vmax.f32 v1, v7;
	v5 =	vld [tilespmem:s3+$0xFFFFF850]  }
0x3c1: {  	v1 =	vmax.f32 v1, v6;
	v6 =	vld [tilespmem:s3+$0xFFFFF860]  }
0x3c2: {  	v1 =	vmax.f32 v1, v2;
	v2 =	vld [tilespmem:s3+$0xFFFFF870]  }
0x3c3: {  	v1 =	vmax.f32 v1, v3;
	v3 =	vld [tilespmem:s3+$0xFFFFFC00]  }
0x3c4: {  	v1 =	vmax.f32 v1, v4;
	v4 =	vld [tilespmem:s3+$0xFFFFFC10]  }
0x3c5: {  	v1 =	vmax.f32 v1, v5;
	v5 =	vld [tilespmem:s3+$0xFFFFFC20]  }
0x3c6: {  	v1 =	vmax.f32 v1, v6;
	v6 =	vld [tilespmem:s3+$0xFFFFFC30]  }
0x3c7: {  	v1 =	vmax.f32 v1, v2;
	v2 =	vld [tilespmem:s3+$0xFFFFFC40]  }
0x3c8: {  	v1 =	vmax.f32 v1, v3;
	v3 =	vld [tilespmem:s3+$0xFFFFFC50]  }
0x3c9: {  	v1 =	vmax.f32 v1, v4;
	v4 =	vld [tilespmem:s3+$0xFFFFFC60]  }
0x3ca: {  	v1 =	vmax.f32 v1, v5;
	v5 =	vld [tilespmem:s3+$0xFFFFFC70]  }
0x3cb: {  	v1 =	vmax.f32 v1, v6;
	v6 =	vld [tilespmem:s3+$0x0]  }
0x3cc: {  	v1 =	vmax.f32 v1, v2;
	v2 =	vld [tilespmem:s3+$0x10]  }
0x3cd: {  	v1 =	vmax.f32 v1, v3;
	v3 =	vld [tilespmem:s3+$0x20]  }
0x3ce: {  	v1 =	vmax.f32 v1, v4;
	v4 =	vld [tilespmem:s3+$0x30]  }
0x3cf: {  	v1 =	vmax.f32 v1, v5;
	v5 =	vld [tilespmem:s3+$0x40]  }
0x3d0: {  	v1 =	vmax.f32 v1, v6;
	v6 =	vld [tilespmem:s3+$0x50]  }
0x3d1: {  	v1 =	vmax.f32 v1, v2;
	v2 =	vld [tilespmem:s3+$0x60]  }
0x3d2: {  	v1 =	vmax.f32 v1, v3;
	v3 =	vld [tilespmem:s3+$0x70]  }
0x3d3: {  	v1 =	vmax.f32 v1, v4;
	v4 =	vld [tilespmem:s3+$0x400]  }
0x3d4: {  	v1 =	vmax.f32 v1, v5;
	v5 =	vld [tilespmem:s3+$0x410]  }
0x3d5: {  	v1 =	vmax.f32 v1, v6;
	v6 =	vld [tilespmem:s3+$0x420]  }
.Ltmp18:
0x3d6: {  	v2 =	vmax.f32 v1, v2;
	v1 =	vld [tilespmem:s3+$0x430];
	(pc) =	sbr.rel @p0 .LBB2_39-.Ltmp18, $4  }
0x3d7: {  	v3 =	vmax.f32 v2, v3;
	v2 =	vld [tilespmem:s3+$0x440]  }
0x3d8: {  	v4 =	vmax.f32 v3, v4;
	v3 =	vld [tilespmem:s3+$0x450]  }
0x3d9: {  	v5 =	vmax.f32 v4, v5;
	v4 =	vld [tilespmem:s3+$0x460]  }
0x3da: {  	v6 =	vmax.f32 v5, v6;
	v5 =	vld [tilespmem:s3+$0x470];
	s3 =	sadd.s32 $0x1000, s3  }
0x3db: {  	v1 =	vmax.f32 v6, v1  }
0x3dc: {  	v1 =	vmax.f32 v1, v2  }
0x3dd: {  	v1 =	vmax.f32 v1, v3  }
0x3de: {  	v1 =	vmax.f32 v1, v4  }
0x3df: {  	v1 =	vmax.f32 v1, v5  }
0x3e0: {  	(xrf0) =	vmax.scan.msk.f32 $0xffff, v1;
	_ =	sdelay $0x3  }
0x3e1: {  	v2 =	vld [tilespmem:s0+$0x470]  }
0x3e2: {  	v3 =	vld [tilespmem:s0+$0xFFFFF810]  }
0x3e3: {  	v4 =	vld [tilespmem:s0+$0xFFFFF820];
	v1, _, _ =	vpop (xrf0)  }
0x3e4: {  	v5 =	vld [tilespmem:s0+$0xFFFFF830];
	v1 =	vbroadcast v1, $0xF  }
0x3e5: {  	v6 =	vld [tilespmem:s0+$0xFFFFF840]  }
0x3e6: {  	v7 =	vld [tilespmem:s0+$0xFFFFF850];
	vm0 =	veq.f32 v2, v1  }
0x3e7: {  	vm1 =	veq.f32 v3, v1;
	v2 =	vld [tilespmem:s0+$0xFFFFF860];
	v3 =	vsel vm0, $0x3F800000, v0  }
0x3e8: {  	v8 =	vsel vm1, $0x3F800000, v0;
	vm0 =	veq.f32 v4, v1;
	v4 =	vld [tilespmem:s0+$0xFFFFF870];
	[tilespmem:s1+$0x470] =	vst v3  }
0x3e9: {  	[tilespmem:s1+$0xFFFFF810] =	vst v8;
	v3 =	vsel vm0, $0x3F800000, v0;
	vm0 =	veq.f32 v5, v1;
	v5 =	vld [tilespmem:s0+$0xFFFFFC00]  }
0x3ea: {  	[tilespmem:s1+$0xFFFFF820] =	vst v3;
	v3 =	vsel vm0, $0x3F800000, v0;
	vm0 =	veq.f32 v6, v1;
	v6 =	vld [tilespmem:s0+$0xFFFFFC10]  }
0x3eb: {  	[tilespmem:s1+$0xFFFFF830] =	vst v3;
	v3 =	vsel vm0, $0x3F800000, v0;
	vm0 =	veq.f32 v7, v1;
	v7 =	vld [tilespmem:s0+$0xFFFFFC20]  }
0x3ec: {  	[tilespmem:s1+$0xFFFFF840] =	vst v3;
	v3 =	vsel vm0, $0x3F800000, v0;
	vm0 =	veq.f32 v2, v1;
	v2 =	vld [tilespmem:s0+$0xFFFFFC30]  }
0x3ed: {  	[tilespmem:s1+$0xFFFFF850] =	vst v3;
	v3 =	vsel vm0, $0x3F800000, v0;
	vm0 =	veq.f32 v4, v1;
	v4 =	vld [tilespmem:s0+$0xFFFFFC40]  }
0x3ee: {  	[tilespmem:s1+$0xFFFFF860] =	vst v3;
	v3 =	vsel vm0, $0x3F800000, v0;
	vm0 =	veq.f32 v5, v1;
	v5 =	vld [tilespmem:s0+$0xFFFFFC50]  }
0x3ef: {  	[tilespmem:s1+$0xFFFFF870] =	vst v3;
	v3 =	vsel vm0, $0x3F800000, v0;
	vm0 =	veq.f32 v6, v1;
	v6 =	vld [tilespmem:s0+$0xFFFFFC60]  }
0x3f0: {  	[tilespmem:s1+$0xFFFFFC00] =	vst v3;
	v3 =	vsel vm0, $0x3F800000, v0;
	vm0 =	veq.f32 v7, v1;
	v7 =	vld [tilespmem:s0+$0xFFFFFC70]  }
0x3f1: {  	[tilespmem:s1+$0xFFFFFC10] =	vst v3;
	v3 =	vsel vm0, $0x3F800000, v0;
	vm0 =	veq.f32 v2, v1;
	v2 =	vld [tilespmem:s0+$0x0]  }
0x3f2: {  	[tilespmem:s1+$0xFFFFFC20] =	vst v3;
	v3 =	vsel vm0, $0x3F800000, v0;
	vm0 =	veq.f32 v4, v1;
	v4 =	vld [tilespmem:s0+$0x10]  }
0x3f3: {  	[tilespmem:s1+$0xFFFFFC30] =	vst v3;
	v3 =	vsel vm0, $0x3F800000, v0;
	vm0 =	veq.f32 v5, v1;
	v5 =	vld [tilespmem:s0+$0x20]  }
0x3f4: {  	[tilespmem:s1+$0xFFFFFC40] =	vst v3;
	v3 =	vsel vm0, $0x3F800000, v0;
	vm0 =	veq.f32 v6, v1;
	v6 =	vld [tilespmem:s0+$0x30]  }
0x3f5: {  	[tilespmem:s1+$0xFFFFFC50] =	vst v3;
	v3 =	vsel vm0, $0x3F800000, v0;
	vm0 =	veq.f32 v7, v1;
	v7 =	vld [tilespmem:s0+$0x40]  }
0x3f6: {  	[tilespmem:s1+$0xFFFFFC60] =	vst v3;
	v3 =	vsel vm0, $0x3F800000, v0;
	vm0 =	veq.f32 v2, v1;
	v2 =	vld [tilespmem:s0+$0x50]  }
0x3f7: {  	[tilespmem:s1+$0xFFFFFC70] =	vst v3;
	v3 =	vsel vm0, $0x3F800000, v0;
	vm0 =	veq.f32 v4, v1;
	v4 =	vld [tilespmem:s0+$0x60]  }
0x3f8: {  	[tilespmem:s1+$0x0] =	vst v3;
	v3 =	vsel vm0, $0x3F800000, v0;
	vm0 =	veq.f32 v5, v1;
	v5 =	vld [tilespmem:s0+$0x70]  }
0x3f9: {  	[tilespmem:s1+$0x10] =	vst v3;
	v3 =	vsel vm0, $0x3F800000, v0;
	vm0 =	veq.f32 v6, v1;
	v6 =	vld [tilespmem:s0+$0x400]  }
0x3fa: {  	[tilespmem:s1+$0x20] =	vst v3;
	v3 =	vsel vm0, $0x3F800000, v0;
	vm0 =	veq.f32 v7, v1;
	v7 =	vld [tilespmem:s0+$0x410]  }
0x3fb: {  	v8 =	vld [tilespmem:s0+$0x420];
	[tilespmem:s1+$0x30] =	vst v3;
	v3 =	vsel vm0, $0x3F800000, v0;
	vm0 =	veq.f32 v2, v1  }
0x3fc: {  	v2 =	vld [tilespmem:s0+$0x430];
	[tilespmem:s1+$0x40] =	vst v3;
	v3 =	vsel vm0, $0x3F800000, v0;
	vm0 =	veq.f32 v4, v1  }
0x3fd: {  	[tilespmem:s1+$0x50] =	vst v3;
	v4 =	vsel vm0, $0x3F800000, v0;
	vm0 =	veq.f32 v5, v1;
	v3 =	vld [tilespmem:s0+$0x440]  }
0x3fe: {  	[tilespmem:s1+$0x60] =	vst v4;
	v5 =	vsel vm0, $0x3F800000, v0;
	vm0 =	veq.f32 v6, v1;
	v4 =	vld [tilespmem:s0+$0x450]  }
0x3ff: {  	[tilespmem:s1+$0x70] =	vst v5;
	v9 =	vsel vm0, $0x3F800000, v0;
	vm0 =	veq.f32 v7, v1;
	v5 =	vld [tilespmem:s0+$0x460]  }
0x400: {  	s3 =	simm.s32 $0x0;
	s4 =	sadd.s32 $0x1000, s0;
	s2 =	smov.u32 s1;
	v6 =	vld [tilespmem:s0+$0xFFFFF800];
	[tilespmem:s1+$0x400] =	vst v9;
	v7 =	vsel vm0, $0x3F800000, v0;
	vm0 =	veq.f32 v8, v1  }
.LBB2_41:
0x401: {  	v8 =	vld [tilespmem:s4+$0x470];
	s3 =	sadd.s32 $0x4, s3;
	[tilespmem:s2+$0x410] =	vst v7;
	v7 =	vsel vm0, $0x3F800000, v0;
	vm0 =	veq.f32 v2, v1  }
0x402: {  	v2 =	vld [tilespmem:s4+$0xFFFFF810];
	p0 =	slt.u32 s3, $0x1C;
	[tilespmem:s2+$0x420] =	vst v7;
	v7 =	vsel vm0, $0x3F800000, v0;
	vm0 =	veq.f32 v3, v1  }
0x403: {  	v3 =	vld [tilespmem:s4+$0xFFFFF820];
	[tilespmem:s2+$0x430] =	vst v7;
	v7 =	vsel vm0, $0x3F800000, v0;
	vm0 =	veq.f32 v4, v1  }
0x404: {  	v4 =	vld [tilespmem:s4+$0xFFFFF830];
	[tilespmem:s2+$0x440] =	vst v7;
	v7 =	vsel vm0, $0x3F800000, v0;
	vm0 =	veq.f32 v5, v1  }
0x405: {  	v5 =	vld [tilespmem:s4+$0xFFFFF840];
	vm1 =	veq.f32 v6, v1;
	[tilespmem:s2+$0x450] =	vst v7;
	v6 =	vsel vm0, $0x3F800000, v0  }
0x406: {  	v7 =	vld [tilespmem:s4+$0xFFFFF850];
	vm0 =	veq.f32 v8, v1;
	v8 =	vsel vm1, $0x3F800000, v0;
	[tilespmem:s2+$0x460] =	vst v6  }
0x407: {  	vm1 =	veq.f32 v2, v1;
	v2 =	vld [tilespmem:s4+$0xFFFFF860];
	v6 =	vsel vm0, $0x3F800000, v0;
	[tilespmem:s2+$0xFFFFF800] =	vst v8;
	s2 =	sadd.s32 $0x1000, s2  }
0x408: {  	v8 =	vsel vm1, $0x3F800000, v0;
	vm0 =	veq.f32 v3, v1;
	v3 =	vld [tilespmem:s4+$0xFFFFF870];
	[tilespmem:s2+$0x470] =	vst v6  }
0x409: {  	[tilespmem:s2+$0xFFFFF810] =	vst v8;
	v6 =	vsel vm0, $0x3F800000, v0;
	vm0 =	veq.f32 v4, v1;
	v4 =	vld [tilespmem:s4+$0xFFFFFC00]  }
0x40a: {  	[tilespmem:s2+$0xFFFFF820] =	vst v6;
	v6 =	vsel vm0, $0x3F800000, v0;
	vm0 =	veq.f32 v5, v1;
	v5 =	vld [tilespmem:s4+$0xFFFFFC10]  }
0x40b: {  	[tilespmem:s2+$0xFFFFF830] =	vst v6;
	v6 =	vsel vm0, $0x3F800000, v0;
	vm0 =	veq.f32 v7, v1;
	v7 =	vld [tilespmem:s4+$0xFFFFFC20]  }
0x40c: {  	[tilespmem:s2+$0xFFFFF840] =	vst v6;
	v6 =	vsel vm0, $0x3F800000, v0;
	vm0 =	veq.f32 v2, v1;
	v2 =	vld [tilespmem:s4+$0xFFFFFC30]  }
0x40d: {  	[tilespmem:s2+$0xFFFFF850] =	vst v6;
	v6 =	vsel vm0, $0x3F800000, v0;
	vm0 =	veq.f32 v3, v1;
	v3 =	vld [tilespmem:s4+$0xFFFFFC40]  }
0x40e: {  	[tilespmem:s2+$0xFFFFF860] =	vst v6;
	v6 =	vsel vm0, $0x3F800000, v0;
	vm0 =	veq.f32 v4, v1;
	v4 =	vld [tilespmem:s4+$0xFFFFFC50]  }
0x40f: {  	[tilespmem:s2+$0xFFFFF870] =	vst v6;
	v6 =	vsel vm0, $0x3F800000, v0;
	vm0 =	veq.f32 v5, v1;
	v5 =	vld [tilespmem:s4+$0xFFFFFC60]  }
0x410: {  	[tilespmem:s2+$0xFFFFFC00] =	vst v6;
	v6 =	vsel vm0, $0x3F800000, v0;
	vm0 =	veq.f32 v7, v1;
	v7 =	vld [tilespmem:s4+$0xFFFFFC70]  }
0x411: {  	[tilespmem:s2+$0xFFFFFC10] =	vst v6;
	v6 =	vsel vm0, $0x3F800000, v0;
	vm0 =	veq.f32 v2, v1;
	v2 =	vld [tilespmem:s4+$0x0]  }
0x412: {  	[tilespmem:s2+$0xFFFFFC20] =	vst v6;
	v6 =	vsel vm0, $0x3F800000, v0;
	vm0 =	veq.f32 v3, v1;
	v3 =	vld [tilespmem:s4+$0x10]  }
0x413: {  	[tilespmem:s2+$0xFFFFFC30] =	vst v6;
	v6 =	vsel vm0, $0x3F800000, v0;
	vm0 =	veq.f32 v4, v1;
	v4 =	vld [tilespmem:s4+$0x20]  }
0x414: {  	[tilespmem:s2+$0xFFFFFC40] =	vst v6;
	v6 =	vsel vm0, $0x3F800000, v0;
	vm0 =	veq.f32 v5, v1;
	v5 =	vld [tilespmem:s4+$0x30]  }
0x415: {  	[tilespmem:s2+$0xFFFFFC50] =	vst v6;
	v6 =	vsel vm0, $0x3F800000, v0;
	vm0 =	veq.f32 v7, v1;
	v7 =	vld [tilespmem:s4+$0x40]  }
0x416: {  	[tilespmem:s2+$0xFFFFFC60] =	vst v6;
	v6 =	vsel vm0, $0x3F800000, v0;
	vm0 =	veq.f32 v2, v1;
	v2 =	vld [tilespmem:s4+$0x50]  }
0x417: {  	[tilespmem:s2+$0xFFFFFC70] =	vst v6;
	v6 =	vsel vm0, $0x3F800000, v0;
	vm0 =	veq.f32 v3, v1;
	v3 =	vld [tilespmem:s4+$0x60]  }
0x418: {  	[tilespmem:s2+$0x0] =	vst v6;
	v6 =	vsel vm0, $0x3F800000, v0;
	vm0 =	veq.f32 v4, v1;
	v4 =	vld [tilespmem:s4+$0x70]  }
0x419: {  	[tilespmem:s2+$0x10] =	vst v6;
	v6 =	vsel vm0, $0x3F800000, v0;
	vm0 =	veq.f32 v5, v1;
	v5 =	vld [tilespmem:s4+$0x400]  }
0x41a: {  	[tilespmem:s2+$0x20] =	vst v6;
	v6 =	vsel vm0, $0x3F800000, v0;
	vm0 =	veq.f32 v7, v1;
	v7 =	vld [tilespmem:s4+$0x410]  }
0x41b: {  	[tilespmem:s2+$0x30] =	vst v6;
	v6 =	vsel vm0, $0x3F800000, v0;
	vm0 =	veq.f32 v2, v1;
	v8 =	vld [tilespmem:s4+$0x420]  }
.Ltmp19:
0x41c: {  	[tilespmem:s2+$0x40] =	vst v6;
	v6 =	vsel vm0, $0x3F800000, v0;
	vm0 =	veq.f32 v3, v1;
	v2 =	vld [tilespmem:s4+$0x430];
	(pc) =	sbr.rel @p0 .LBB2_41-.Ltmp19, $4  }
0x41d: {  	[tilespmem:s2+$0x50] =	vst v6;
	v6 =	vsel vm0, $0x3F800000, v0;
	vm0 =	veq.f32 v4, v1;
	v3 =	vld [tilespmem:s4+$0x440]  }
0x41e: {  	[tilespmem:s2+$0x60] =	vst v6;
	v6 =	vsel vm0, $0x3F800000, v0;
	vm0 =	veq.f32 v5, v1;
	v4 =	vld [tilespmem:s4+$0x450]  }
0x41f: {  	[tilespmem:s2+$0x70] =	vst v6;
	v9 =	vsel vm0, $0x3F800000, v0;
	vm0 =	veq.f32 v7, v1;
	v5 =	vld [tilespmem:s4+$0x460]  }
0x420: {  	v6 =	vld [tilespmem:s4+$0xFFFFF800];
	[tilespmem:s2+$0x400] =	vst v9;
	v7 =	vsel vm0, $0x3F800000, v0;
	vm0 =	veq.f32 v8, v1;
	s4 =	sadd.s32 $0x1000, s4  }
0x421: {  	[tilespmem:s2+$0x410] =	vst v7;
	v62 =	vsel vm0, $0x3F800000, v0;
	vm12 =	veq.f32 v2, v1;
	s31 =	sadd.s32 $0x1, s31  }
0x422: {  	[tilespmem:s2+$0x420] =	vst v62;
	v2 =	vsel vm12, $0x3F800000, v0;
	vm13 =	veq.f32 v3, v1;
	p0 =	sne.s32 s31, $0x8  }
.Ltmp20:
0x423: {  	[tilespmem:s2+$0x430] =	vst v2;
	v2 =	vsel vm13, $0x3F800000, v0;
	vm14 =	veq.f32 v4, v1;
	(pc) =	sbr.rel @p0 .LBB2_38-.Ltmp20, $4  }
0x424: {  	[tilespmem:s2+$0x440] =	vst v2;
	v2 =	vsel vm14, $0x3F800000, v0;
	vm15 =	veq.f32 v5, v1  }
0x425: {  	vm1 =	veq.f32 v6, v1;
	[tilespmem:s2+$0x450] =	vst v2;
	v1 =	vsel vm15, $0x3F800000, v0  }
0x426: {  	v2 =	vsel vm1, $0x3F800000, v0;
	[tilespmem:s2+$0x460] =	vst v1  }
0x427: {  	s0 =	sadd.s32 $0x80, s0;
	s1 =	sadd.s32 $0x80, s1;
	[tilespmem:s2+$0xFFFFF800] =	vst v2  }
0x428: {  	[hbm4b:s17+s20] =	stream.strided.scatter [tilespmem:s24], [sflag:$0x3], $0x8000, s21, s20, $0x38;
	v63 =	vld [tilespmem:$0x0]  }
0x429: {  	_ =	swait.ge [sflag:s25], $0x8000  }
0x42a: {  	[sflag:s25] =	ssyncset.done $0x0  }
0x42b: {  	[sflag:s25] =	ssyncadd.s32 $0xFFFF8000  }
0x42c: {  	_ =	swait.ge [sflag:s29], $0x8000  }
0x42d: {  	s31 =	simm.s32 $0x0;
	[sflag:s29] =	ssyncset.done $0x0  }
0x42e: {  	s0 =	simm.s32 $0x8800;
	s1 =	simm.s32 $0x18800;
	[sflag:s29] =	ssyncadd.s32 $0xFFFF8000  }
.LBB2_44:
0x42f: {  	v1 =	vld [tilespmem:s0+$0xFFFFF800]  }
0x430: {  	v2 =	vld [tilespmem:s0+$0xFFFFF810]  }
0x431: {  	v3 =	vld [tilespmem:s0+$0xFFFFF820]  }
0x432: {  	v4 =	vld [tilespmem:s0+$0xFFFFF830]  }
0x433: {  	v5 =	vimm.f32 $-Inf;
	v6 =	vld [tilespmem:s0+$0xFFFFF840]  }
0x434: {  	v1 =	vmax.f32 v5, v1;
	v5 =	vld [tilespmem:s0+$0xFFFFF850]  }
0x435: {  	v1 =	vmax.f32 v1, v2;
	v2 =	vld [tilespmem:s0+$0xFFFFF860]  }
0x436: {  	v1 =	vmax.f32 v1, v3;
	v3 =	vld [tilespmem:s0+$0xFFFFF870]  }
0x437: {  	v1 =	vmax.f32 v1, v4;
	v4 =	vld [tilespmem:s0+$0xFFFFFC00]  }
0x438: {  	v1 =	vmax.f32 v1, v6;
	v6 =	vld [tilespmem:s0+$0xFFFFFC10]  }
0x439: {  	v1 =	vmax.f32 v1, v5;
	v5 =	vld [tilespmem:s0+$0xFFFFFC20]  }
0x43a: {  	v1 =	vmax.f32 v1, v2;
	v2 =	vld [tilespmem:s0+$0xFFFFFC30]  }
0x43b: {  	v1 =	vmax.f32 v1, v3;
	v3 =	vld [tilespmem:s0+$0xFFFFFC40]  }
0x43c: {  	v1 =	vmax.f32 v1, v4;
	v4 =	vld [tilespmem:s0+$0xFFFFFC50]  }
0x43d: {  	v1 =	vmax.f32 v1, v6;
	v6 =	vld [tilespmem:s0+$0xFFFFFC60]  }
0x43e: {  	v1 =	vmax.f32 v1, v5;
	v5 =	vld [tilespmem:s0+$0xFFFFFC70]  }
0x43f: {  	v1 =	vmax.f32 v1, v2;
	v2 =	vld [tilespmem:s0+$0x0]  }
0x440: {  	v1 =	vmax.f32 v1, v3;
	v3 =	vld [tilespmem:s0+$0x10]  }
0x441: {  	v1 =	vmax.f32 v1, v4;
	v4 =	vld [tilespmem:s0+$0x20]  }
0x442: {  	v1 =	vmax.f32 v1, v6;
	v6 =	vld [tilespmem:s0+$0x30]  }
0x443: {  	v1 =	vmax.f32 v1, v5;
	v5 =	vld [tilespmem:s0+$0x40]  }
0x444: {  	v1 =	vmax.f32 v1, v2;
	v2 =	vld [tilespmem:s0+$0x50]  }
0x445: {  	v1 =	vmax.f32 v1, v3;
	v3 =	vld [tilespmem:s0+$0x60]  }
0x446: {  	v1 =	vmax.f32 v1, v4;
	v4 =	vld [tilespmem:s0+$0x70]  }
0x447: {  	v1 =	vmax.f32 v1, v6;
	v6 =	vld [tilespmem:s0+$0x400]  }
0x448: {  	v1 =	vmax.f32 v1, v5;
	v5 =	vld [tilespmem:s0+$0x410]  }
0x449: {  	v7 =	vld [tilespmem:s0+$0x420];
	v1 =	vmax.f32 v1, v2  }
0x44a: {  	v2 =	vmax.f32 v1, v3;
	v1 =	vld [tilespmem:s0+$0x430]  }
0x44b: {  	v3 =	vmax.f32 v2, v4;
	v2 =	vld [tilespmem:s0+$0x440]  }
0x44c: {  	v4 =	vmax.f32 v3, v6;
	v3 =	vld [tilespmem:s0+$0x450]  }
0x44d: {  	v5 =	vmax.f32 v4, v5;
	v4 =	vld [tilespmem:s0+$0x460]  }
0x44e: {  	s2 =	simm.s32 $0x0;
	s3 =	sadd.s32 $0x1000, s0;
	v6 =	vmax.f32 v5, v7;
	v5 =	vld [tilespmem:s0+$0x470]  }
.LBB2_45:
0x44f: {  	v7 =	vld [tilespmem:s3+$0xFFFFF800];
	s2 =	sadd.s32 $0x4, s2;
	v1 =	vmax.f32 v6, v1  }
0x450: {  	v6 =	vld [tilespmem:s3+$0xFFFFF810];
	p0 =	slt.u32 s2, $0x1C;
	v1 =	vmax.f32 v1, v2  }
0x451: {  	v2 =	vld [tilespmem:s3+$0xFFFFF820];
	v1 =	vmax.f32 v1, v3  }
0x452: {  	v3 =	vld [tilespmem:s3+$0xFFFFF830];
	v1 =	vmax.f32 v1, v4  }
0x453: {  	v4 =	vld [tilespmem:s3+$0xFFFFF840];
	v1 =	vmax.f32 v1, v5  }
0x454: {  	v1 =	vmax.f32 v1, v7;
	v5 =	vld [tilespmem:s3+$0xFFFFF850]  }
0x455: {  	v1 =	vmax.f32 v1, v6;
	v6 =	vld [tilespmem:s3+$0xFFFFF860]  }
0x456: {  	v1 =	vmax.f32 v1, v2;
	v2 =	vld [tilespmem:s3+$0xFFFFF870]  }
0x457: {  	v1 =	vmax.f32 v1, v3;
	v3 =	vld [tilespmem:s3+$0xFFFFFC00]  }
0x458: {  	v1 =	vmax.f32 v1, v4;
	v4 =	vld [tilespmem:s3+$0xFFFFFC10]  }
0x459: {  	v1 =	vmax.f32 v1, v5;
	v5 =	vld [tilespmem:s3+$0xFFFFFC20]  }
0x45a: {  	v1 =	vmax.f32 v1, v6;
	v6 =	vld [tilespmem:s3+$0xFFFFFC30]  }
0x45b: {  	v1 =	vmax.f32 v1, v2;
	v2 =	vld [tilespmem:s3+$0xFFFFFC40]  }
0x45c: {  	v1 =	vmax.f32 v1, v3;
	v3 =	vld [tilespmem:s3+$0xFFFFFC50]  }
0x45d: {  	v1 =	vmax.f32 v1, v4;
	v4 =	vld [tilespmem:s3+$0xFFFFFC60]  }
0x45e: {  	v1 =	vmax.f32 v1, v5;
	v5 =	vld [tilespmem:s3+$0xFFFFFC70]  }
0x45f: {  	v1 =	vmax.f32 v1, v6;
	v6 =	vld [tilespmem:s3+$0x0]  }
0x460: {  	v1 =	vmax.f32 v1, v2;
	v2 =	vld [tilespmem:s3+$0x10]  }
0x461: {  	v1 =	vmax.f32 v1, v3;
	v3 =	vld [tilespmem:s3+$0x20]  }
0x462: {  	v1 =	vmax.f32 v1, v4;
	v4 =	vld [tilespmem:s3+$0x30]  }
0x463: {  	v1 =	vmax.f32 v1, v5;
	v5 =	vld [tilespmem:s3+$0x40]  }
0x464: {  	v1 =	vmax.f32 v1, v6;
	v6 =	vld [tilespmem:s3+$0x50]  }
0x465: {  	v1 =	vmax.f32 v1, v2;
	v2 =	vld [tilespmem:s3+$0x60]  }
0x466: {  	v1 =	vmax.f32 v1, v3;
	v3 =	vld [tilespmem:s3+$0x70]  }
0x467: {  	v1 =	vmax.f32 v1, v4;
	v4 =	vld [tilespmem:s3+$0x400]  }
0x468: {  	v1 =	vmax.f32 v1, v5;
	v5 =	vld [tilespmem:s3+$0x410]  }
0x469: {  	v1 =	vmax.f32 v1, v6;
	v6 =	vld [tilespmem:s3+$0x420]  }
.Ltmp21:
0x46a: {  	v2 =	vmax.f32 v1, v2;
	v1 =	vld [tilespmem:s3+$0x430];
	(pc) =	sbr.rel @p0 .LBB2_45-.Ltmp21, $4  }
0x46b: {  	v3 =	vmax.f32 v2, v3;
	v2 =	vld [tilespmem:s3+$0x440]  }
0x46c: {  	v4 =	vmax.f32 v3, v4;
	v3 =	vld [tilespmem:s3+$0x450]  }
0x46d: {  	v5 =	vmax.f32 v4, v5;
	v4 =	vld [tilespmem:s3+$0x460]  }
0x46e: {  	v6 =	vmax.f32 v5, v6;
	v5 =	vld [tilespmem:s3+$0x470];
	s3 =	sadd.s32 $0x1000, s3  }
0x46f: {  	v1 =	vmax.f32 v6, v1  }
0x470: {  	v1 =	vmax.f32 v1, v2  }
0x471: {  	v1 =	vmax.f32 v1, v3  }
0x472: {  	v1 =	vmax.f32 v1, v4  }
0x473: {  	v1 =	vmax.f32 v1, v5  }
0x474: {  	(xrf0) =	vmax.scan.msk.f32 $0xffff, v1;
	_ =	sdelay $0x3  }
0x475: {  	v2 =	vld [tilespmem:s0+$0x470]  }
0x476: {  	v3 =	vld [tilespmem:s0+$0xFFFFF810]  }
0x477: {  	v4 =	vld [tilespmem:s0+$0xFFFFF820];
	v1, _, _ =	vpop (xrf0)  }
0x478: {  	v5 =	vld [tilespmem:s0+$0xFFFFF830];
	v1 =	vbroadcast v1, $0xF  }
0x479: {  	v6 =	vld [tilespmem:s0+$0xFFFFF840]  }
0x47a: {  	v7 =	vld [tilespmem:s0+$0xFFFFF850];
	vm0 =	veq.f32 v2, v1  }
0x47b: {  	vm1 =	veq.f32 v3, v1;
	v2 =	vld [tilespmem:s0+$0xFFFFF860];
	v3 =	vsel vm0, $0x3F800000, v0  }
0x47c: {  	v8 =	vsel vm1, $0x3F800000, v0;
	vm0 =	veq.f32 v4, v1;
	v4 =	vld [tilespmem:s0+$0xFFFFF870];
	[tilespmem:s1+$0x470] =	vst v3  }
0x47d: {  	[tilespmem:s1+$0xFFFFF810] =	vst v8;
	v3 =	vsel vm0, $0x3F800000, v0;
	vm0 =	veq.f32 v5, v1;
	v5 =	vld [tilespmem:s0+$0xFFFFFC00]  }
0x47e: {  	[tilespmem:s1+$0xFFFFF820] =	vst v3;
	v3 =	vsel vm0, $0x3F800000, v0;
	vm0 =	veq.f32 v6, v1;
	v6 =	vld [tilespmem:s0+$0xFFFFFC10]  }
0x47f: {  	[tilespmem:s1+$0xFFFFF830] =	vst v3;
	v3 =	vsel vm0, $0x3F800000, v0;
	vm0 =	veq.f32 v7, v1;
	v7 =	vld [tilespmem:s0+$0xFFFFFC20]  }
0x480: {  	[tilespmem:s1+$0xFFFFF840] =	vst v3;
	v3 =	vsel vm0, $0x3F800000, v0;
	vm0 =	veq.f32 v2, v1;
	v2 =	vld [tilespmem:s0+$0xFFFFFC30]  }
0x481: {  	[tilespmem:s1+$0xFFFFF850] =	vst v3;
	v3 =	vsel vm0, $0x3F800000, v0;
	vm0 =	veq.f32 v4, v1;
	v4 =	vld [tilespmem:s0+$0xFFFFFC40]  }
0x482: {  	[tilespmem:s1+$0xFFFFF860] =	vst v3;
	v3 =	vsel vm0, $0x3F800000, v0;
	vm0 =	veq.f32 v5, v1;
	v5 =	vld [tilespmem:s0+$0xFFFFFC50]  }
0x483: {  	[tilespmem:s1+$0xFFFFF870] =	vst v3;
	v3 =	vsel vm0, $0x3F800000, v0;
	vm0 =	veq.f32 v6, v1;
	v6 =	vld [tilespmem:s0+$0xFFFFFC60]  }
0x484: {  	[tilespmem:s1+$0xFFFFFC00] =	vst v3;
	v3 =	vsel vm0, $0x3F800000, v0;
	vm0 =	veq.f32 v7, v1;
	v7 =	vld [tilespmem:s0+$0xFFFFFC70]  }
0x485: {  	[tilespmem:s1+$0xFFFFFC10] =	vst v3;
	v3 =	vsel vm0, $0x3F800000, v0;
	vm0 =	veq.f32 v2, v1;
	v2 =	vld [tilespmem:s0+$0x0]  }
0x486: {  	[tilespmem:s1+$0xFFFFFC20] =	vst v3;
	v3 =	vsel vm0, $0x3F800000, v0;
	vm0 =	veq.f32 v4, v1;
	v4 =	vld [tilespmem:s0+$0x10]  }
0x487: {  	[tilespmem:s1+$0xFFFFFC30] =	vst v3;
	v3 =	vsel vm0, $0x3F800000, v0;
	vm0 =	veq.f32 v5, v1;
	v5 =	vld [tilespmem:s0+$0x20]  }
0x488: {  	[tilespmem:s1+$0xFFFFFC40] =	vst v3;
	v3 =	vsel vm0, $0x3F800000, v0;
	vm0 =	veq.f32 v6, v1;
	v6 =	vld [tilespmem:s0+$0x30]  }
0x489: {  	[tilespmem:s1+$0xFFFFFC50] =	vst v3;
	v3 =	vsel vm0, $0x3F800000, v0;
	vm0 =	veq.f32 v7, v1;
	v7 =	vld [tilespmem:s0+$0x40]  }
0x48a: {  	[tilespmem:s1+$0xFFFFFC60] =	vst v3;
	v3 =	vsel vm0, $0x3F800000, v0;
	vm0 =	veq.f32 v2, v1;
	v2 =	vld [tilespmem:s0+$0x50]  }
0x48b: {  	[tilespmem:s1+$0xFFFFFC70] =	vst v3;
	v3 =	vsel vm0, $0x3F800000, v0;
	vm0 =	veq.f32 v4, v1;
	v4 =	vld [tilespmem:s0+$0x60]  }
0x48c: {  	[tilespmem:s1+$0x0] =	vst v3;
	v3 =	vsel vm0, $0x3F800000, v0;
	vm0 =	veq.f32 v5, v1;
	v5 =	vld [tilespmem:s0+$0x70]  }
0x48d: {  	[tilespmem:s1+$0x10] =	vst v3;
	v3 =	vsel vm0, $0x3F800000, v0;
	vm0 =	veq.f32 v6, v1;
	v6 =	vld [tilespmem:s0+$0x400]  }
0x48e: {  	[tilespmem:s1+$0x20] =	vst v3;
	v3 =	vsel vm0, $0x3F800000, v0;
	vm0 =	veq.f32 v7, v1;
	v7 =	vld [tilespmem:s0+$0x410]  }
0x48f: {  	v8 =	vld [tilespmem:s0+$0x420];
	[tilespmem:s1+$0x30] =	vst v3;
	v3 =	vsel vm0, $0x3F800000, v0;
	vm0 =	veq.f32 v2, v1  }
0x490: {  	v2 =	vld [tilespmem:s0+$0x430];
	[tilespmem:s1+$0x40] =	vst v3;
	v3 =	vsel vm0, $0x3F800000, v0;
	vm0 =	veq.f32 v4, v1  }
0x491: {  	[tilespmem:s1+$0x50] =	vst v3;
	v4 =	vsel vm0, $0x3F800000, v0;
	vm0 =	veq.f32 v5, v1;
	v3 =	vld [tilespmem:s0+$0x440]  }
0x492: {  	[tilespmem:s1+$0x60] =	vst v4;
	v5 =	vsel vm0, $0x3F800000, v0;
	vm0 =	veq.f32 v6, v1;
	v4 =	vld [tilespmem:s0+$0x450]  }
0x493: {  	[tilespmem:s1+$0x70] =	vst v5;
	v9 =	vsel vm0, $0x3F800000, v0;
	vm0 =	veq.f32 v7, v1;
	v5 =	vld [tilespmem:s0+$0x460]  }
0x494: {  	s3 =	simm.s32 $0x0;
	s4 =	sadd.s32 $0x1000, s0;
	s2 =	smov.u32 s1;
	v6 =	vld [tilespmem:s0+$0xFFFFF800];
	[tilespmem:s1+$0x400] =	vst v9;
	v7 =	vsel vm0, $0x3F800000, v0;
	vm0 =	veq.f32 v8, v1  }
.LBB2_47:
0x495: {  	v8 =	vld [tilespmem:s4+$0x470];
	s3 =	sadd.s32 $0x4, s3;
	[tilespmem:s2+$0x410] =	vst v7;
	v7 =	vsel vm0, $0x3F800000, v0;
	vm0 =	veq.f32 v2, v1  }
0x496: {  	v2 =	vld [tilespmem:s4+$0xFFFFF810];
	p0 =	slt.u32 s3, $0x1C;
	[tilespmem:s2+$0x420] =	vst v7;
	v7 =	vsel vm0, $0x3F800000, v0;
	vm0 =	veq.f32 v3, v1  }
0x497: {  	v3 =	vld [tilespmem:s4+$0xFFFFF820];
	[tilespmem:s2+$0x430] =	vst v7;
	v7 =	vsel vm0, $0x3F800000, v0;
	vm0 =	veq.f32 v4, v1  }
0x498: {  	v4 =	vld [tilespmem:s4+$0xFFFFF830];
	[tilespmem:s2+$0x440] =	vst v7;
	v7 =	vsel vm0, $0x3F800000, v0;
	vm0 =	veq.f32 v5, v1  }
0x499: {  	v5 =	vld [tilespmem:s4+$0xFFFFF840];
	vm1 =	veq.f32 v6, v1;
	[tilespmem:s2+$0x450] =	vst v7;
	v6 =	vsel vm0, $0x3F800000, v0  }
0x49a: {  	v7 =	vld [tilespmem:s4+$0xFFFFF850];
	vm0 =	veq.f32 v8, v1;
	v8 =	vsel vm1, $0x3F800000, v0;
	[tilespmem:s2+$0x460] =	vst v6  }
0x49b: {  	vm1 =	veq.f32 v2, v1;
	v2 =	vld [tilespmem:s4+$0xFFFFF860];
	v6 =	vsel vm0, $0x3F800000, v0;
	[tilespmem:s2+$0xFFFFF800] =	vst v8;
	s2 =	sadd.s32 $0x1000, s2  }
0x49c: {  	v8 =	vsel vm1, $0x3F800000, v0;
	vm0 =	veq.f32 v3, v1;
	v3 =	vld [tilespmem:s4+$0xFFFFF870];
	[tilespmem:s2+$0x470] =	vst v6  }
0x49d: {  	[tilespmem:s2+$0xFFFFF810] =	vst v8;
	v6 =	vsel vm0, $0x3F800000, v0;
	vm0 =	veq.f32 v4, v1;
	v4 =	vld [tilespmem:s4+$0xFFFFFC00]  }
0x49e: {  	[tilespmem:s2+$0xFFFFF820] =	vst v6;
	v6 =	vsel vm0, $0x3F800000, v0;
	vm0 =	veq.f32 v5, v1;
	v5 =	vld [tilespmem:s4+$0xFFFFFC10]  }
0x49f: {  	[tilespmem:s2+$0xFFFFF830] =	vst v6;
	v6 =	vsel vm0, $0x3F800000, v0;
	vm0 =	veq.f32 v7, v1;
	v7 =	vld [tilespmem:s4+$0xFFFFFC20]  }
0x4a0: {  	[tilespmem:s2+$0xFFFFF840] =	vst v6;
	v6 =	vsel vm0, $0x3F800000, v0;
	vm0 =	veq.f32 v2, v1;
	v2 =	vld [tilespmem:s4+$0xFFFFFC30]  }
0x4a1: {  	[tilespmem:s2+$0xFFFFF850] =	vst v6;
	v6 =	vsel vm0, $0x3F800000, v0;
	vm0 =	veq.f32 v3, v1;
	v3 =	vld [tilespmem:s4+$0xFFFFFC40]  }
0x4a2: {  	[tilespmem:s2+$0xFFFFF860] =	vst v6;
	v6 =	vsel vm0, $0x3F800000, v0;
	vm0 =	veq.f32 v4, v1;
	v4 =	vld [tilespmem:s4+$0xFFFFFC50]  }
0x4a3: {  	[tilespmem:s2+$0xFFFFF870] =	vst v6;
	v6 =	vsel vm0, $0x3F800000, v0;
	vm0 =	veq.f32 v5, v1;
	v5 =	vld [tilespmem:s4+$0xFFFFFC60]  }
0x4a4: {  	[tilespmem:s2+$0xFFFFFC00] =	vst v6;
	v6 =	vsel vm0, $0x3F800000, v0;
	vm0 =	veq.f32 v7, v1;
	v7 =	vld [tilespmem:s4+$0xFFFFFC70]  }
0x4a5: {  	[tilespmem:s2+$0xFFFFFC10] =	vst v6;
	v6 =	vsel vm0, $0x3F800000, v0;
	vm0 =	veq.f32 v2, v1;
	v2 =	vld [tilespmem:s4+$0x0]  }
0x4a6: {  	[tilespmem:s2+$0xFFFFFC20] =	vst v6;
	v6 =	vsel vm0, $0x3F800000, v0;
	vm0 =	veq.f32 v3, v1;
	v3 =	vld [tilespmem:s4+$0x10]  }
0x4a7: {  	[tilespmem:s2+$0xFFFFFC30] =	vst v6;
	v6 =	vsel vm0, $0x3F800000, v0;
	vm0 =	veq.f32 v4, v1;
	v4 =	vld [tilespmem:s4+$0x20]  }
0x4a8: {  	[tilespmem:s2+$0xFFFFFC40] =	vst v6;
	v6 =	vsel vm0, $0x3F800000, v0;
	vm0 =	veq.f32 v5, v1;
	v5 =	vld [tilespmem:s4+$0x30]  }
0x4a9: {  	[tilespmem:s2+$0xFFFFFC50] =	vst v6;
	v6 =	vsel vm0, $0x3F800000, v0;
	vm0 =	veq.f32 v7, v1;
	v7 =	vld [tilespmem:s4+$0x40]  }
0x4aa: {  	[tilespmem:s2+$0xFFFFFC60] =	vst v6;
	v6 =	vsel vm0, $0x3F800000, v0;
	vm0 =	veq.f32 v2, v1;
	v2 =	vld [tilespmem:s4+$0x50]  }
0x4ab: {  	[tilespmem:s2+$0xFFFFFC70] =	vst v6;
	v6 =	vsel vm0, $0x3F800000, v0;
	vm0 =	veq.f32 v3, v1;
	v3 =	vld [tilespmem:s4+$0x60]  }
0x4ac: {  	[tilespmem:s2+$0x0] =	vst v6;
	v6 =	vsel vm0, $0x3F800000, v0;
	vm0 =	veq.f32 v4, v1;
	v4 =	vld [tilespmem:s4+$0x70]  }
0x4ad: {  	[tilespmem:s2+$0x10] =	vst v6;
	v6 =	vsel vm0, $0x3F800000, v0;
	vm0 =	veq.f32 v5, v1;
	v5 =	vld [tilespmem:s4+$0x400]  }
0x4ae: {  	[tilespmem:s2+$0x20] =	vst v6;
	v6 =	vsel vm0, $0x3F800000, v0;
	vm0 =	veq.f32 v7, v1;
	v7 =	vld [tilespmem:s4+$0x410]  }
0x4af: {  	[tilespmem:s2+$0x30] =	vst v6;
	v6 =	vsel vm0, $0x3F800000, v0;
	vm0 =	veq.f32 v2, v1;
	v8 =	vld [tilespmem:s4+$0x420]  }
.Ltmp22:
0x4b0: {  	[tilespmem:s2+$0x40] =	vst v6;
	v6 =	vsel vm0, $0x3F800000, v0;
	vm0 =	veq.f32 v3, v1;
	v2 =	vld [tilespmem:s4+$0x430];
	(pc) =	sbr.rel @p0 .LBB2_47-.Ltmp22, $4  }
0x4b1: {  	[tilespmem:s2+$0x50] =	vst v6;
	v6 =	vsel vm0, $0x3F800000, v0;
	vm0 =	veq.f32 v4, v1;
	v3 =	vld [tilespmem:s4+$0x440]  }
0x4b2: {  	[tilespmem:s2+$0x60] =	vst v6;
	v6 =	vsel vm0, $0x3F800000, v0;
	vm0 =	veq.f32 v5, v1;
	v4 =	vld [tilespmem:s4+$0x450]  }
0x4b3: {  	[tilespmem:s2+$0x70] =	vst v6;
	v9 =	vsel vm0, $0x3F800000, v0;
	vm0 =	veq.f32 v7, v1;
	v5 =	vld [tilespmem:s4+$0x460]  }
0x4b4: {  	v6 =	vld [tilespmem:s4+$0xFFFFF800];
	[tilespmem:s2+$0x400] =	vst v9;
	v7 =	vsel vm0, $0x3F800000, v0;
	vm0 =	veq.f32 v8, v1;
	s4 =	sadd.s32 $0x1000, s4  }
0x4b5: {  	[tilespmem:s2+$0x410] =	vst v7;
	v62 =	vsel vm0, $0x3F800000, v0;
	vm12 =	veq.f32 v2, v1;
	s31 =	sadd.s32 $0x1, s31  }
0x4b6: {  	[tilespmem:s2+$0x420] =	vst v62;
	v2 =	vsel vm12, $0x3F800000, v0;
	vm13 =	veq.f32 v3, v1;
	p0 =	sne.s32 s31, $0x8  }
.Ltmp23:
0x4b7: {  	[tilespmem:s2+$0x430] =	vst v2;
	v2 =	vsel vm13, $0x3F800000, v0;
	vm14 =	veq.f32 v4, v1;
	(pc) =	sbr.rel @p0 .LBB2_44-.Ltmp23, $4  }
0x4b8: {  	[tilespmem:s2+$0x440] =	vst v2;
	v2 =	vsel vm14, $0x3F800000, v0;
	vm15 =	veq.f32 v5, v1  }
0x4b9: {  	vm1 =	veq.f32 v6, v1;
	[tilespmem:s2+$0x450] =	vst v2;
	v1 =	vsel vm15, $0x3F800000, v0  }
0x4ba: {  	v2 =	vsel vm1, $0x3F800000, v0;
	[tilespmem:s2+$0x460] =	vst v1  }
0x4bb: {  	s0 =	sadd.s32 $0x80, s0;
	s1 =	sadd.s32 $0x80, s1;
	[tilespmem:s2+$0xFFFFF800] =	vst v2  }
0x4bc: {  	[hbm4b:s18+s20] =	stream.strided.scatter [tilespmem:s26], [sflag:$0x4], $0x8000, s21, s20, $0x38;
	v63 =	vld [tilespmem:$0x0]  }
0x4bd: {  	s30 =	sadd.s32 $0x1, s30  }
0x4be: {  	_ =	swait.ge [sflag:s28], $0x8000;
	p0 =	sne.s32 s30, s19  }
.Ltmp24:
0x4bf: {  	[sflag:s28] =	ssyncset.done $0x0;
	(pc) =	sbr.rel @p0 .LBB2_1-.Ltmp24, $4  }
0x4c0: {  	[sflag:s28] =	ssyncadd.s32 $0xFFFF8000  }
0x4c1: {  	_ =	swait.ge [sflag:s29], $0x8000  }
0x4c2: {  	[sflag:s29] =	ssyncset.done $0x0  }
0x4c3: {  	[sflag:s29] =	ssyncadd.s32 $0xFFFF8000  }
0x4c4: {  	_ =	sfence.sel $0x180000  }
0x4c5: {  	[bflag:$0x0] =	sbarrier.arrive $0xFFFF  }
0x4c6: {  	_ =	strace $0x90000047  }
0x4c7: {  	s0 =	stileid.u32;
	[bflag:$0x2] =	sbarrier.arrive $0xFFFF  }
0x4c8: {  	p0 =	sne.s32 s0, $0x0;
	s0 =	rddreg [dreg:$0x2]  }
0x4c9: {  	s0 =	sadd.s32 @!p0 $0x100000, s0  }
0x4ca: {  	[sflag:s0] =	ssyncadd.tile.s32 @!p0 $0x1;
	_ =	shalt  }
.Lfunc_end2:
_tile_overlayer_lowered:
.L_overlay_start_2:
0x4cb: {  	(tag) =	ssettag $0x2  }
0x4cc: {  	s0 =	rddreg [dreg:$0x0];
	s2 =	stileid.u32  }
0x4cd: {  	s1 =	rddreg [dreg:$0x1];
	p0 =	sne.s32 s2, $0x0  }
0x4ce: {  	s3 =	rddreg [dreg:$0x2];
	[bflag:$0x3] =	sbarrier.arrive $0xFFFF;
	s2 =	simm.s32 @!p0 $0x1C01  }
0x4cf: {  	[timem:s3], [sflag:s2] =	dma.local @!p0 [hbm:s0], s1  }
0x4d0: {  	s0 =	simm.s32 @!p0 $0x1  }
0x4d1: {  	_ =	swait.ge @!p0 [sflag:s0], s1  }
0x4d2: {  	s1 =	ssub.s32 @!p0 $0x0, s1;
	[sflag:s0] =	ssyncset.done @!p0 $0x0  }
0x4d3: {  	[sflag:s0] =	ssyncadd.s32 @!p0 s1  }
0x4d4: {  	[bflag:$0x3] =	sbarrier.arrive $0xFFFF  }
0x4d5: {  	_ =	shalt  }

</sc_bundles>
